<compile_context>
chip_gen: v7x
topology: tpu7x:2x2x1
jax: 0.10.2.dev20260603
libtpu: 0.0.44.dev20260713+nightly
codegen_flags: <defaults>
</compile_context>

<pallas_src>
import functools

import jax
import jax.numpy as jnp
from jax import lax
from jax.experimental import pallas as pl
from jax.experimental.pallas import tpu as pltpu
from jax.experimental.pallas import tpu_sc as plsc

N_NODES = 10000
N_PAD = 10240
F_IN = 128
F_HID = 128
FH = F_HID // 2
F_OUT = 64
N_EDGES = 320000
CB = 128
CHS = 160
E_PAD = 16 * CHS * CB
CHD = 80
RPT = N_PAD // 16
BM = 1024



def _deg_body(dst_hbm, out_hbm, dst_v, ones_v, zero_v, acc_sh):
    c = lax.axis_index("c")
    s = lax.axis_index("s")
    wid = s * 2 + c

    pltpu.sync_copy(dst_hbm.at[wid], dst_v)

    def fill_ones(i, carry):
        ones_v[i, :] = jnp.full((16,), 1.0, jnp.float32)
        return carry

    lax.fori_loop(0, CB, fill_ones, 0)

    def fill_zero(i, carry):
        zero_v[i, :] = jnp.zeros((16,), jnp.float32)
        return carry

    lax.fori_loop(0, RPT, fill_zero, 0)
    pltpu.sync_copy(zero_v, acc_sh.at[pl.ds(s * RPT, RPT)])
    plsc.subcore_barrier()

    def body(j, carry):
        pltpu.sync_copy(ones_v, acc_sh.at[dst_v.at[j]], add=True)
        return carry

    lax.fori_loop(0, CHD, body, 0)
    plsc.subcore_barrier()
    pltpu.sync_copy(acc_sh.at[pl.ds(s * RPT, RPT)],
                    out_hbm.at[c].at[pl.ds(s * RPT, RPT)])


NBUF = 4
NPH = 4
CHW = CHS // NPH


def _scatter_body(hs_hbm, src_hbm, dst_hbm, out_hbm,
                  src_v, dst_v, buf0, buf1, buf2, buf3, hs_sh, acc_sh,
                  sg0, sg1, sg2, sg3, ss0, ss1, ss2, ss3):
    bufs = (buf0, buf1, buf2, buf3)
    sgs = (sg0, sg1, sg2, sg3)
    sss = (ss0, ss1, ss2, ss3)
    c = lax.axis_index("c")
    s = lax.axis_index("s")

    pltpu.sync_copy(hs_hbm.at[c].at[pl.ds(s * RPT, RPT)],
                    hs_sh.at[pl.ds(s * RPT, RPT)])

    for k0 in range(FH // 16):
        def fill_zero(i, carry, k0=k0):
            buf0[i, pl.ds(k0 * 16, 16)] = jnp.zeros((16,), jnp.float32)
            return carry

        lax.fori_loop(0, CB, fill_zero, 0)
    for t in range(RPT // CB):
        pltpu.sync_copy(buf0, acc_sh.at[pl.ds(s * RPT + t * CB, CB)])
    plsc.subcore_barrier()

    for p in range(NPH):
        pltpu.sync_copy(src_hbm.at[s].at[pl.ds(p * CHW, CHW)], src_v)
        pltpu.sync_copy(dst_hbm.at[s].at[pl.ds(p * CHW, CHW)], dst_v)
        for k in range(NBUF):
            pltpu.async_copy(hs_sh.at[src_v.at[k]], bufs[k], sgs[k])

        def cycle(g, carry):
            j0 = g * NBUF
            for k in range(NBUF):
                pltpu.make_async_copy(hs_sh.at[src_v.at[0]], bufs[k],
                                      sgs[k]).wait()
                pltpu.async_copy(bufs[k], acc_sh.at[dst_v.at[j0 + k]],
                                 sss[k], add=True)
            for k in range(NBUF):
                pltpu.make_async_copy(bufs[k], acc_sh.at[dst_v.at[0]],
                                      sss[k]).wait()
                jn = jnp.minimum(j0 + NBUF + k, CHW - 1)
                pltpu.async_copy(hs_sh.at[src_v.at[jn]], bufs[k], sgs[k])
            return carry

        lax.fori_loop(0, CHW // NBUF, cycle, 0)
        for k in range(NBUF):
            pltpu.make_async_copy(hs_sh.at[src_v.at[0]], bufs[k],
                                  sgs[k]).wait()
    plsc.subcore_barrier()
    pltpu.sync_copy(acc_sh.at[pl.ds(s * RPT, RPT)],
                    out_hbm.at[c].at[pl.ds(s * RPT, RPT)])


@functools.lru_cache(maxsize=None)
def _sc_kernels():
    mesh = plsc.VectorSubcoreMesh(core_axis_name="c", subcore_axis_name="s")
    deg = pl.kernel(
        _deg_body,
        out_type=jax.ShapeDtypeStruct((2, N_PAD, 16), jnp.float32),
        mesh=mesh,
        compiler_params=pltpu.CompilerParams(use_tc_tiling_on_sc=False),
        scratch_types=[
            pltpu.VMEM((CHD, CB), jnp.int32),
            pltpu.VMEM((CB, 16), jnp.float32),
            pltpu.VMEM((RPT, 16), jnp.float32),
            pltpu.VMEM_SHARED((N_PAD, 16), jnp.float32),
        ],
    )
    scat = pl.kernel(
        _scatter_body,
        out_type=jax.ShapeDtypeStruct((2, N_PAD, FH), jnp.float32),
        mesh=mesh,
        compiler_params=pltpu.CompilerParams(use_tc_tiling_on_sc=False),
        scratch_types=(
            [pltpu.VMEM((CHS // 4, CB), jnp.int32),
             pltpu.VMEM((CHS // 4, CB), jnp.int32)]
            + [pltpu.VMEM((CB, FH), jnp.float32) for _ in range(4)]
            + [pltpu.VMEM_SHARED((N_PAD, FH), jnp.float32),
               pltpu.VMEM_SHARED((N_PAD, FH), jnp.float32)]
            + [pltpu.SemaphoreType.DMA for _ in range(8)]
        ),
    )
    return deg, scat



def _mm_body(x_ref, w_ref, o_ref):
    o_ref[...] = jnp.dot(x_ref[...], w_ref[...],
                         preferred_element_type=jnp.float32)


def _scale_body(degp_ref, h1_ref, dinv_ref, h1s_ref):
    deg = degp_ref[0, :, 0:1] + degp_ref[1, :, 0:1] + 1.0
    dinv = lax.rsqrt(deg)
    dinv_ref[...] = dinv
    h1s = h1_ref[...] * dinv
    h1s_ref[0] = h1s[:, :FH]
    h1s_ref[1] = h1s[:, FH:]


def _layer2_body(acc_ref, h1s_ref, dinv_ref, b1_ref, w2_ref, h2s_ref):
    dinv = dinv_ref[...]
    agg = jnp.concatenate([acc_ref[0], acc_ref[1]], axis=1)
    h1s = jnp.concatenate([h1s_ref[0], h1s_ref[1]], axis=1)
    pre = (agg + h1s) * dinv + b1_ref[...]
    x2 = jnp.maximum(pre, 0.0)
    h2s = jnp.dot(x2, w2_ref[...],
                  preferred_element_type=jnp.float32) * dinv
    h2s_ref[0] = h2s[:, :FH]
    h2s_ref[1] = h2s[:, FH:]


def _final_body(acc_ref, h2s_ref, dinv_ref, b2_ref, wc_ref, bc_ref,
                emb_ref, log_ref, soft_ref, hard_ref):
    dinv = dinv_ref[...]
    agg = jnp.concatenate([acc_ref[0], acc_ref[1]], axis=1)
    h2s = jnp.concatenate([h2s_ref[0], h2s_ref[1]], axis=1)
    emb = (agg + h2s) * dinv + b2_ref[...]
    emb_ref[...] = emb
    logits = jnp.dot(emb, wc_ref[...],
                     preferred_element_type=jnp.float32) + bc_ref[...]
    log_ref[...] = logits
    m = jnp.max(logits, axis=1, keepdims=True)
    e = jnp.exp(logits - m)
    soft_ref[...] = e / jnp.sum(e, axis=1, keepdims=True)
    ii = lax.broadcasted_iota(jnp.int32, logits.shape, 1)
    hard_ref[...] = jnp.min(jnp.where(logits == m, ii, jnp.int32(1 << 20)),
                            axis=1, keepdims=True)


def kernel(x, edge_index, W1, b1, W2, b2, Wc, bc):
    ei = edge_index.astype(jnp.int32)
    pad = jnp.full((E_PAD - N_EDGES,), N_PAD - 1, jnp.int32)
    src_d = jnp.concatenate([ei[0], pad])
    dst_d = jnp.concatenate([ei[1], pad])
    src3 = src_d.reshape(16, CHS, CB)
    dst3 = dst_d.reshape(16, CHS, CB)
    dst3d = dst_d.reshape(32, CHD, CB)
    x_p = jnp.pad(x, ((0, N_PAD - N_NODES), (0, 0)))

    nb = N_PAD // BM
    row = lambda i: (i, 0)
    rep2 = lambda i: (0, 0)

    _deg_sc, _scatter_sc = _sc_kernels()
    deg_parts = _deg_sc(dst3d)

    h1 = pl.pallas_call(
        _mm_body,
        grid=(nb,),
        in_specs=[pl.BlockSpec((BM, F_IN), row),
                  pl.BlockSpec((F_IN, F_HID), rep2)],
        out_specs=pl.BlockSpec((BM, F_HID), row),
        out_shape=jax.ShapeDtypeStruct((N_PAD, F_HID), jnp.float32),
    )(x_p, W1)

    dinv, h1s = pl.pallas_call(
        _scale_body,
        grid=(nb,),
        in_specs=[pl.BlockSpec((2, BM, 16), lambda j: (0, j, 0)),
                  pl.BlockSpec((BM, F_HID), row)],
        out_specs=[pl.BlockSpec((BM, 1), row),
                   pl.BlockSpec((2, BM, FH), lambda j: (0, j, 0))],
        out_shape=[jax.ShapeDtypeStruct((N_PAD, 1), jnp.float32),
                   jax.ShapeDtypeStruct((2, N_PAD, FH), jnp.float32)],
    )(deg_parts, h1)

    acc1 = _scatter_sc(h1s, src3, dst3)

    h2s = pl.pallas_call(
        _layer2_body,
        grid=(nb,),
        in_specs=[pl.BlockSpec((2, BM, FH), lambda j: (0, j, 0)),
                  pl.BlockSpec((2, BM, FH), lambda j: (0, j, 0)),
                  pl.BlockSpec((BM, 1), row),
                  pl.BlockSpec((1, F_HID), rep2),
                  pl.BlockSpec((F_HID, F_HID), rep2)],
        out_specs=pl.BlockSpec((2, BM, FH), lambda j: (0, j, 0)),
        out_shape=jax.ShapeDtypeStruct((2, N_PAD, FH), jnp.float32),
    )(acc1, h1s, dinv, b1.reshape(1, F_HID), W2)

    acc2 = _scatter_sc(h2s, src3, dst3)

    emb, logits, soft, hard = pl.pallas_call(
        _final_body,
        grid=(nb,),
        in_specs=[pl.BlockSpec((2, BM, FH), lambda j: (0, j, 0)),
                  pl.BlockSpec((2, BM, FH), lambda j: (0, j, 0)),
                  pl.BlockSpec((BM, 1), row),
                  pl.BlockSpec((1, F_HID), rep2),
                  pl.BlockSpec((F_HID, F_OUT), rep2),
                  pl.BlockSpec((1, F_OUT), rep2)],
        out_specs=[pl.BlockSpec((BM, F_HID), row),
                   pl.BlockSpec((BM, F_OUT), row),
                   pl.BlockSpec((BM, F_OUT), row),
                   pl.BlockSpec((BM, 1), row)],
        out_shape=[jax.ShapeDtypeStruct((N_PAD, F_HID), jnp.float32),
                   jax.ShapeDtypeStruct((N_PAD, F_OUT), jnp.float32),
                   jax.ShapeDtypeStruct((N_PAD, F_OUT), jnp.float32),
                   jax.ShapeDtypeStruct((N_PAD, 1), jnp.int32)],
    )(acc2, h2s, dinv, b2.reshape(1, F_HID), Wc, bc.reshape(1, F_OUT))

    return (logits[:N_NODES], emb[:N_NODES], soft[:N_NODES],
            hard[:N_NODES, 0])

# --- scband reference (transcript-rebuilt; emitter-appended) ---
"""Pipeline reference for scband-gcn-29231547416619 (READ-ONLY COPY).

The authoritative reference and input builder live on the scoring server;
editing this copy changes nothing except your own understanding.
"""

import jax, jax.numpy as jnp
import numpy as np

N_NODES = 10000
N_EDGES = 320000
IN_FEATS = 128
HIDDEN = 128
OUT_FEATS = 64


def gcn_conv(x, edge_index, W, b, num_nodes):
    # PyG-style GCNConv: add self-loops, symmetric normalization, scatter-add aggregation
    src = edge_index[0]
    dst = edge_index[1]
    loop = jnp.arange(num_nodes, dtype=edge_index.dtype)
    src = jnp.concatenate([src, loop])
    dst = jnp.concatenate([dst, loop])
    deg = jnp.zeros((num_nodes,), dtype=x.dtype).at[dst].add(1.0)
    dinv = jnp.where(deg > 0, deg ** -0.5, 0.0)
    norm = dinv[src] * dinv[dst]
    h = x @ W
    msg = h[src] * norm[:, None]
    out = jnp.zeros((num_nodes, h.shape[1]), dtype=x.dtype).at[dst].add(msg)
    return out + b


def setup_inputs(seed: int = 0) -> dict:
    key = jax.random.key(seed)
    k = jax.random.split(key, 8)
    x = jax.random.normal(k[0], (N_NODES, IN_FEATS), dtype=jnp.float32)
    edge_index = jax.random.randint(k[1], (2, N_EDGES), 0, N_NODES, dtype=jnp.int64 if jax.config.jax_enable_x64 else jnp.int32)
    s1 = 1.0 / np.sqrt(IN_FEATS)
    s2 = 1.0 / np.sqrt(HIDDEN)
    W1 = jax.random.uniform(k[2], (IN_FEATS, HIDDEN), jnp.float32, -s1, s1)
    b1 = jnp.zeros((HIDDEN,), jnp.float32)
    W2 = jax.random.uniform(k[3], (HIDDEN, HIDDEN), jnp.float32, -s2, s2)
    b2 = jnp.zeros((HIDDEN,), jnp.float32)
    Wc = jax.random.uniform(k[4], (HIDDEN, OUT_FEATS), jnp.float32, -s2, s2)
    bc = jax.random.uniform(k[5], (OUT_FEATS,), jnp.float32, -s2, s2)
    return {"x": x, "edge_index": edge_index, "W1": W1, "b1": b1, "W2": W2, "b2": b2, "Wc": Wc, "bc": bc}


def reference(x, edge_index, W1, b1, W2, b2, Wc, bc):
    # dropout is identity in eval mode
    h = gcn_conv(x, edge_index, W1, b1, N_NODES)
    h = jax.nn.relu(h)
    h = gcn_conv(h, edge_index, W2, b2, N_NODES)
    embedding = h
    logits = embedding @ Wc + bc
    soft_label = jax.nn.softmax(logits, axis=1)
    hard_label = jnp.argmax(soft_label, axis=1)
    return (logits, embedding, soft_label, hard_label)

if __name__ == "__main__":
    import jax
    _d = setup_inputs()
    print(jax.jit(kernel)(*tuple(_d.values())))

</pallas_src>

<mosaic_0001>
#map = affine_map<(d0, d1) -> (0, 0, 0)>
module attributes {stable_mosaic.version = 14 : i64} {
  func.func @_deg_body(%arg0: i32, %arg1: i32, %arg2: memref<32x80x128xi32, #tpu.memory_space<hbm>>, %arg3: memref<2x10240x16xf32, #tpu.memory_space<hbm>>, %arg4: memref<80x128xi32, #tpu.memory_space<vmem>>, %arg5: memref<128x16xf32, #tpu.memory_space<vmem>>, %arg6: memref<640x16xf32, #tpu.memory_space<vmem>>, %arg7: memref<10240x16xf32, #tpu.memory_space<vmem_shared>>) attributes {dimension_semantics = [#tpu.dimension_semantics<core_parallel>, #tpu.dimension_semantics<subcore_parallel>], iteration_bounds = array<i64: 2, 16>, scalar_prefetch = 0 : i64, scratch_operands = 4 : i64, tpu.core_type = #tpu.core_type<sc_vector_subcore>, window_params = [{transform_indices = #map}, {transform_indices = #map}]} {
    %mul3A = arith.constant 2 : i32
    %mul3A_0 = arith.muli %arg1, %mul3A : i32
    %add3A = arith.addi %mul3A_0, %arg0 : i32
    "tpu.region"() ({
      %run_scoped3A = tpu.sem_alloc : memref<!tpu.dma_semaphore, #tpu.memory_space<semaphore_mem>>
      %dma_start3A = arith.constant 0 : i32
      %dma_start3A_25 = arith.constant 0 : i32
      %dma_start3A_26 = tpu.memref_slice %arg2[%add3A, %dma_start3A, %dma_start3A_25] : memref<32x80x128xi32, #tpu.memory_space<hbm>> -> memref<1x80x128xi32, #tpu.memory_space<hbm>>
      %dma_start3A_27 = tpu.memref_squeeze %dma_start3A_26 : memref<1x80x128xi32, #tpu.memory_space<hbm>> -> memref<80x128xi32, #tpu.memory_space<hbm>>
      %dma_start3A_28 = arith.constant 0 : i32
      %dma_start3A_29 = arith.constant 0 : i32
      %dma_start3A_30 = tpu.memref_slice %arg2[%add3A, %dma_start3A_28, %dma_start3A_29] : memref<32x80x128xi32, #tpu.memory_space<hbm>> -> memref<1x80x128xi32, #tpu.memory_space<hbm>>
      %dma_start3A_31 = tpu.memref_squeeze %dma_start3A_30 : memref<1x80x128xi32, #tpu.memory_space<hbm>> -> memref<80x128xi32, #tpu.memory_space<hbm>>
      tpu.enqueue_dma source(%dma_start3A_31 : memref<80x128xi32, #tpu.memory_space<hbm>>) target(%arg4 : memref<80x128xi32, #tpu.memory_space<vmem>>) target_semaphore(%run_scoped3A : memref<!tpu.dma_semaphore, #tpu.memory_space<semaphore_mem>>)
      %dma_wait3A = arith.constant 0 : i32
      %dma_wait3A_32 = arith.constant 0 : i32
      %dma_wait3A_33 = tpu.memref_slice %arg2[%add3A, %dma_wait3A, %dma_wait3A_32] : memref<32x80x128xi32, #tpu.memory_space<hbm>> -> memref<1x80x128xi32, #tpu.memory_space<hbm>>
      %dma_wait3A_34 = tpu.memref_squeeze %dma_wait3A_33 : memref<1x80x128xi32, #tpu.memory_space<hbm>> -> memref<80x128xi32, #tpu.memory_space<hbm>>
      %dma_wait3A_35 = arith.constant 0 : i32
      %dma_wait3A_36 = arith.constant 0 : i32
      %dma_wait3A_37 = tpu.memref_slice %arg2[%add3A, %dma_wait3A_35, %dma_wait3A_36] : memref<32x80x128xi32, #tpu.memory_space<hbm>> -> memref<1x80x128xi32, #tpu.memory_space<hbm>>
      %dma_wait3A_38 = tpu.memref_squeeze %dma_wait3A_37 : memref<1x80x128xi32, #tpu.memory_space<hbm>> -> memref<80x128xi32, #tpu.memory_space<hbm>>
      tpu.wait_dma2 semaphore(%run_scoped3A : memref<!tpu.dma_semaphore, #tpu.memory_space<semaphore_mem>>) src(%dma_wait3A_38 : memref<80x128xi32, #tpu.memory_space<hbm>>) dst(%arg4 : memref<80x128xi32, #tpu.memory_space<vmem>>)
      tpu.yield
    }) : () -> ()
    %scan3A = arith.constant 0 : i32
    %scan3A_1 = arith.constant 0 : i32
    %scan3A_2 = arith.constant 128 : i32
    %scan3A_3 = arith.addi %scan3A_1, %scan3A_2 : i32
    %scan3A_4 = arith.constant 1 : i32
    scf.for %scan3A_25 = %scan3A_1 to %scan3A_3 step %scan3A_4  : i32 {
      %broadcast_in_dim3A = arith.constant 1.000000e+00 : f32
      %broadcast_in_dim3A_26 = vector.broadcast %broadcast_in_dim3A : f32 to vector<16xf32>
      %swap3A = arith.index_cast %scan3A_25 : i32 to index
      %swap3A_27 = arith.constant 0 : index
      %swap3A_28 = tpu.vector_load %arg5[%swap3A, %swap3A_27] {strides = array<i32>} : memref<128x16xf32, #tpu.memory_space<vmem>>, vector<1x16xf32>,
      %swap3A_29 = vector.shape_cast %swap3A_28 : vector<1x16xf32> to vector<16xf32>
      %swap3A_30 = vector.shape_cast %broadcast_in_dim3A_26 : vector<16xf32> to vector<1x16xf32>
      tpu.vector_store %arg5[%swap3A, %swap3A_27], %swap3A_30 {strides = array<i32>} : memref<128x16xf32, #tpu.memory_space<vmem>>, vector<1x16xf32>,
    }
    %scan3A_5 = arith.constant 128 : i32
    %scan3A_6 = arith.constant 0 : i32
    %scan3A_7 = arith.constant 0 : i32
    %scan3A_8 = arith.constant 640 : i32
    %scan3A_9 = arith.addi %scan3A_7, %scan3A_8 : i32
    %scan3A_10 = arith.constant 1 : i32
    scf.for %scan3A_25 = %scan3A_7 to %scan3A_9 step %scan3A_10  : i32 {
      %broadcast_in_dim3A = arith.constant 0.000000e+00 : f32
      %broadcast_in_dim3A_26 = vector.broadcast %broadcast_in_dim3A : f32 to vector<16xf32>
      %swap3A = arith.index_cast %scan3A_25 : i32 to index
      %swap3A_27 = arith.constant 0 : index
      %swap3A_28 = tpu.vector_load %arg6[%swap3A, %swap3A_27] {strides = array<i32>} : memref<640x16xf32, #tpu.memory_space<vmem>>, vector<1x16xf32>,
      %swap3A_29 = vector.shape_cast %swap3A_28 : vector<1x16xf32> to vector<16xf32>
      %swap3A_30 = vector.shape_cast %broadcast_in_dim3A_26 : vector<16xf32> to vector<1x16xf32>
      tpu.vector_store %arg6[%swap3A, %swap3A_27], %swap3A_30 {strides = array<i32>} : memref<640x16xf32, #tpu.memory_space<vmem>>, vector<1x16xf32>,
    }
    %scan3A_11 = arith.constant 640 : i32
    %mul3A_12 = arith.constant 640 : i32
    %mul3A_13 = arith.muli %arg1, %mul3A_12 : i32
    "tpu.region"() ({
      %run_scoped3A = tpu.sem_alloc : memref<!tpu.dma_semaphore, #tpu.memory_space<semaphore_mem>>
      %dma_start3A = arith.constant 0 : i32
      %dma_start3A_25 = tpu.memref_slice %arg7[%mul3A_13, %dma_start3A] : memref<10240x16xf32, #tpu.memory_space<vmem_shared>> -> memref<640x16xf32, #tpu.memory_space<vmem_shared>>
      %dma_start3A_26 = arith.constant 0 : i32
      %dma_start3A_27 = tpu.memref_slice %arg7[%mul3A_13, %dma_start3A_26] : memref<10240x16xf32, #tpu.memory_space<vmem_shared>> -> memref<640x16xf32, #tpu.memory_space<vmem_shared>>
      tpu.enqueue_dma source(%arg6 : memref<640x16xf32, #tpu.memory_space<vmem>>) target(%dma_start3A_27 : memref<640x16xf32, #tpu.memory_space<vmem_shared>>) target_semaphore(%run_scoped3A : memref<!tpu.dma_semaphore, #tpu.memory_space<semaphore_mem>>)
      %dma_wait3A = arith.constant 0 : i32
      %dma_wait3A_28 = tpu.memref_slice %arg7[%mul3A_13, %dma_wait3A] : memref<10240x16xf32, #tpu.memory_space<vmem_shared>> -> memref<640x16xf32, #tpu.memory_space<vmem_shared>>
      %dma_wait3A_29 = arith.constant 0 : i32
      %dma_wait3A_30 = tpu.memref_slice %arg7[%mul3A_13, %dma_wait3A_29] : memref<10240x16xf32, #tpu.memory_space<vmem_shared>> -> memref<640x16xf32, #tpu.memory_space<vmem_shared>>
      tpu.wait_dma2 semaphore(%run_scoped3A : memref<!tpu.dma_semaphore, #tpu.memory_space<semaphore_mem>>) src(%arg6 : memref<640x16xf32, #tpu.memory_space<vmem>>) dst(%dma_wait3A_30 : memref<640x16xf32, #tpu.memory_space<vmem_shared>>)
      tpu.yield
    }) : () -> ()
    %barrier3A = arith.constant 0 : index
    tpu.barrier barrier_id(%barrier3A)
    %scan3A_14 = arith.constant 0 : i32
    %scan3A_15 = arith.constant 0 : i32
    %scan3A_16 = arith.constant 80 : i32
    %scan3A_17 = arith.addi %scan3A_15, %scan3A_16 : i32
    %scan3A_18 = arith.constant 1 : i32
    scf.for %scan3A_25 = %scan3A_15 to %scan3A_17 step %scan3A_18  : i32 {
      "tpu.region"() ({
        %run_scoped3A = tpu.sem_alloc : memref<!tpu.dma_semaphore, #tpu.memory_space<semaphore_mem>>
        %dma_start3A = arith.constant 0 : i32
        %dma_start3A_26 = tpu.memref_slice %arg4[%scan3A_25, %dma_start3A] : memref<80x128xi32, #tpu.memory_space<vmem>> -> memref<1x128xi32, #tpu.memory_space<vmem>>
        %dma_start3A_27 = tpu.memref_squeeze %dma_start3A_26 : memref<1x128xi32, #tpu.memory_space<vmem>> -> memref<128xi32, #tpu.memory_space<vmem>>
        %dma_start3A_28 = arith.constant 0 : i32
        %dma_start3A_29 = arith.constant 0 : i32
        %dma_start3A_30 = tpu.memref_slice %arg7[%dma_start3A_28, %dma_start3A_29] : memref<10240x16xf32, #tpu.memory_space<vmem_shared>> -> memref<10240x16xf32, #tpu.memory_space<vmem_shared>>
        tpu.enqueue_indirect_dma source(%arg5 : memref<128x16xf32, #tpu.memory_space<vmem>>) target(%dma_start3A_30 : memref<10240x16xf32, #tpu.memory_space<vmem_shared>>) offsets(%dma_start3A_27 : memref<128xi32, #tpu.memory_space<vmem>>) semaphore(%run_scoped3A : memref<!tpu.dma_semaphore, #tpu.memory_space<semaphore_mem>>) {add = true}
        %dma_wait3A = arith.constant 0 : i32
        %dma_wait3A_31 = tpu.memref_slice %arg4[%scan3A_25, %dma_wait3A] : memref<80x128xi32, #tpu.memory_space<vmem>> -> memref<1x128xi32, #tpu.memory_space<vmem>>
        %dma_wait3A_32 = tpu.memref_squeeze %dma_wait3A_31 : memref<1x128xi32, #tpu.memory_space<vmem>> -> memref<128xi32, #tpu.memory_space<vmem>>
        %dma_wait3A_33 = arith.constant 0 : i32
        %dma_wait3A_34 = arith.constant 0 : i32
        %dma_wait3A_35 = tpu.memref_slice %arg7[%dma_wait3A_33, %dma_wait3A_34] : memref<10240x16xf32, #tpu.memory_space<vmem_shared>> -> memref<10240x16xf32, #tpu.memory_space<vmem_shared>>
        tpu.wait_indirect_dma semaphore(%run_scoped3A : memref<!tpu.dma_semaphore, #tpu.memory_space<semaphore_mem>>) src(%arg5 : memref<128x16xf32, #tpu.memory_space<vmem>>) dst(%dma_wait3A_35 : memref<10240x16xf32, #tpu.memory_space<vmem_shared>>)
        tpu.yield
      }) : () -> ()
    }
    %scan3A_19 = arith.constant 80 : i32
    %barrier3A_20 = arith.constant 0 : index
    tpu.barrier barrier_id(%barrier3A_20)
    %mul3A_21 = arith.constant 640 : i32
    %mul3A_22 = arith.muli %arg1, %mul3A_21 : i32
    %mul3A_23 = arith.constant 640 : i32
    %mul3A_24 = arith.muli %arg1, %mul3A_23 : i32
    "tpu.region"() ({
      %run_scoped3A = tpu.sem_alloc : memref<!tpu.dma_semaphore, #tpu.memory_space<semaphore_mem>>
      %dma_start3A = arith.constant 0 : i32
      %dma_start3A_25 = arith.constant 0 : i32
      %dma_start3A_26 = tpu.memref_slice %arg3[%arg0, %dma_start3A, %dma_start3A_25] : memref<2x10240x16xf32, #tpu.memory_space<hbm>> -> memref<1x10240x16xf32, #tpu.memory_space<hbm>>
      %dma_start3A_27 = tpu.memref_squeeze %dma_start3A_26 : memref<1x10240x16xf32, #tpu.memory_space<hbm>> -> memref<10240x16xf32, #tpu.memory_space<hbm>>
      %dma_start3A_28 = arith.constant 0 : i32
      %dma_start3A_29 = tpu.memref_slice %dma_start3A_27[%mul3A_24, %dma_start3A_28] : memref<10240x16xf32, #tpu.memory_space<hbm>> -> memref<640x16xf32, #tpu.memory_space<hbm>>
      %dma_start3A_30 = arith.constant 0 : i32
      %dma_start3A_31 = tpu.memref_slice %arg7[%mul3A_22, %dma_start3A_30] : memref<10240x16xf32, #tpu.memory_space<vmem_shared>> -> memref<640x16xf32, #tpu.memory_space<vmem_shared>>
      tpu.enqueue_dma source(%dma_start3A_31 : memref<640x16xf32, #tpu.memory_space<vmem_shared>>) target(%dma_start3A_29 : memref<640x16xf32, #tpu.memory_space<hbm>>) target_semaphore(%run_scoped3A : memref<!tpu.dma_semaphore, #tpu.memory_space<semaphore_mem>>)
      %dma_wait3A = arith.constant 0 : i32
      %dma_wait3A_32 = arith.constant 0 : i32
      %dma_wait3A_33 = tpu.memref_slice %arg3[%arg0, %dma_wait3A, %dma_wait3A_32] : memref<2x10240x16xf32, #tpu.memory_space<hbm>> -> memref<1x10240x16xf32, #tpu.memory_space<hbm>>
      %dma_wait3A_34 = tpu.memref_squeeze %dma_wait3A_33 : memref<1x10240x16xf32, #tpu.memory_space<hbm>> -> memref<10240x16xf32, #tpu.memory_space<hbm>>
      %dma_wait3A_35 = arith.constant 0 : i32
      %dma_wait3A_36 = tpu.memref_slice %dma_wait3A_34[%mul3A_24, %dma_wait3A_35] : memref<10240x16xf32, #tpu.memory_space<hbm>> -> memref<640x16xf32, #tpu.memory_space<hbm>>
      %dma_wait3A_37 = arith.constant 0 : i32
      %dma_wait3A_38 = tpu.memref_slice %arg7[%mul3A_22, %dma_wait3A_37] : memref<10240x16xf32, #tpu.memory_space<vmem_shared>> -> memref<640x16xf32, #tpu.memory_space<vmem_shared>>
      tpu.wait_dma2 semaphore(%run_scoped3A : memref<!tpu.dma_semaphore, #tpu.memory_space<semaphore_mem>>) src(%dma_wait3A_38 : memref<640x16xf32, #tpu.memory_space<vmem_shared>>) dst(%dma_wait3A_36 : memref<640x16xf32, #tpu.memory_space<hbm>>)
      tpu.yield
    }) : () -> ()
    return
  }
}

#map = affine_map<(d0, d1) -> (0, 0, 0)>
module attributes {stable_mosaic.version = 14 : i64} {
  func.func @_scatter_body(%arg0: i32, %arg1: i32, %arg2: memref<2x10240x64xf32, #tpu.memory_space<hbm>>, %arg3: memref<16x160x128xi32, #tpu.memory_space<hbm>>, %arg4: memref<16x160x128xi32, #tpu.memory_space<hbm>>, %arg5: memref<2x10240x64xf32, #tpu.memory_space<hbm>>, %arg6: memref<40x128xi32, #tpu.memory_space<vmem>>, %arg7: memref<40x128xi32, #tpu.memory_space<vmem>>, %arg8: memref<128x64xf32, #tpu.memory_space<vmem>>, %arg9: memref<128x64xf32, #tpu.memory_space<vmem>>, %arg10: memref<128x64xf32, #tpu.memory_space<vmem>>, %arg11: memref<128x64xf32, #tpu.memory_space<vmem>>, %arg12: memref<10240x64xf32, #tpu.memory_space<vmem_shared>>, %arg13: memref<10240x64xf32, #tpu.memory_space<vmem_shared>>, %arg14: memref<!tpu.dma_semaphore, #tpu.memory_space<semaphore_mem>>, %arg15: memref<!tpu.dma_semaphore, #tpu.memory_space<semaphore_mem>>, %arg16: memref<!tpu.dma_semaphore, #tpu.memory_space<semaphore_mem>>, %arg17: memref<!tpu.dma_semaphore, #tpu.memory_space<semaphore_mem>>, %arg18: memref<!tpu.dma_semaphore, #tpu.memory_space<semaphore_mem>>, %arg19: memref<!tpu.dma_semaphore, #tpu.memory_space<semaphore_mem>>, %arg20: memref<!tpu.dma_semaphore, #tpu.memory_space<semaphore_mem>>, %arg21: memref<!tpu.dma_semaphore, #tpu.memory_space<semaphore_mem>>) attributes {dimension_semantics = [#tpu.dimension_semantics<core_parallel>, #tpu.dimension_semantics<subcore_parallel>], iteration_bounds = array<i64: 2, 16>, scalar_prefetch = 0 : i64, scratch_operands = 16 : i64, tpu.core_type = #tpu.core_type<sc_vector_subcore>, window_params = [{transform_indices = #map}, {transform_indices = #map}, {transform_indices = #map}, {transform_indices = #map}]} {
    %mul3A = arith.constant 640 : i32
    %mul3A_0 = arith.muli %arg1, %mul3A : i32
    %mul3A_1 = arith.constant 640 : i32
    %mul3A_2 = arith.muli %arg1, %mul3A_1 : i32
    "tpu.region"() ({
      %run_scoped3A = tpu.sem_alloc : memref<!tpu.dma_semaphore, #tpu.memory_space<semaphore_mem>>
      %dma_start3A_296 = arith.constant 0 : i32
      %dma_start3A_297 = tpu.memref_slice %arg12[%mul3A_2, %dma_start3A_296] : memref<10240x64xf32, #tpu.memory_space<vmem_shared>> -> memref<640x64xf32, #tpu.memory_space<vmem_shared>>
      %dma_start3A_298 = arith.constant 0 : i32
      %dma_start3A_299 = arith.constant 0 : i32
      %dma_start3A_300 = tpu.memref_slice %arg2[%arg0, %dma_start3A_298, %dma_start3A_299] : memref<2x10240x64xf32, #tpu.memory_space<hbm>> -> memref<1x10240x64xf32, #tpu.memory_space<hbm>>
      %dma_start3A_301 = tpu.memref_squeeze %dma_start3A_300 : memref<1x10240x64xf32, #tpu.memory_space<hbm>> -> memref<10240x64xf32, #tpu.memory_space<hbm>>
      %dma_start3A_302 = arith.constant 0 : i32
      %dma_start3A_303 = tpu.memref_slice %dma_start3A_301[%mul3A_0, %dma_start3A_302] : memref<10240x64xf32, #tpu.memory_space<hbm>> -> memref<640x64xf32, #tpu.memory_space<hbm>>
      tpu.enqueue_dma source(%dma_start3A_303 : memref<640x64xf32, #tpu.memory_space<hbm>>) target(%dma_start3A_297 : memref<640x64xf32, #tpu.memory_space<vmem_shared>>) target_semaphore(%run_scoped3A : memref<!tpu.dma_semaphore, #tpu.memory_space<semaphore_mem>>)
      %dma_wait3A_304 = arith.constant 0 : i32
      %dma_wait3A_305 = tpu.memref_slice %arg12[%mul3A_2, %dma_wait3A_304] : memref<10240x64xf32, #tpu.memory_space<vmem_shared>> -> memref<640x64xf32, #tpu.memory_space<vmem_shared>>
      %dma_wait3A_306 = arith.constant 0 : i32
      %dma_wait3A_307 = arith.constant 0 : i32
      %dma_wait3A_308 = tpu.memref_slice %arg2[%arg0, %dma_wait3A_306, %dma_wait3A_307] : memref<2x10240x64xf32, #tpu.memory_space<hbm>> -> memref<1x10240x64xf32, #tpu.memory_space<hbm>>
      %dma_wait3A_309 = tpu.memref_squeeze %dma_wait3A_308 : memref<1x10240x64xf32, #tpu.memory_space<hbm>> -> memref<10240x64xf32, #tpu.memory_space<hbm>>
      %dma_wait3A_310 = arith.constant 0 : i32
      %dma_wait3A_311 = tpu.memref_slice %dma_wait3A_309[%mul3A_0, %dma_wait3A_310] : memref<10240x64xf32, #tpu.memory_space<hbm>> -> memref<640x64xf32, #tpu.memory_space<hbm>>
      tpu.wait_dma2 semaphore(%run_scoped3A : memref<!tpu.dma_semaphore, #tpu.memory_space<semaphore_mem>>) src(%dma_wait3A_311 : memref<640x64xf32, #tpu.memory_space<hbm>>) dst(%dma_wait3A_305 : memref<640x64xf32, #tpu.memory_space<vmem_shared>>)
      tpu.yield
    }) : () -> ()
    %scan3A = arith.constant 0 : i32
    %scan3A_3 = arith.constant 0 : i32
    %scan3A_4 = arith.constant 128 : i32
    %scan3A_5 = arith.addi %scan3A_3, %scan3A_4 : i32
    %scan3A_6 = arith.constant 1 : i32
    scf.for %scan3A_296 = %scan3A_3 to %scan3A_5 step %scan3A_6  : i32 {
      %broadcast_in_dim3A = arith.constant 0.000000e+00 : f32
      %broadcast_in_dim3A_297 = vector.broadcast %broadcast_in_dim3A : f32 to vector<16xf32>
      %swap3A = arith.index_cast %scan3A_296 : i32 to index
      %swap3A_298 = arith.constant 0 : index
      %swap3A_299 = tpu.vector_load %arg8[%swap3A, %swap3A_298] {strides = array<i32>} : memref<128x64xf32, #tpu.memory_space<vmem>>, vector<1x16xf32>,
      %swap3A_300 = vector.shape_cast %swap3A_299 : vector<1x16xf32> to vector<16xf32>
      %swap3A_301 = vector.shape_cast %broadcast_in_dim3A_297 : vector<16xf32> to vector<1x16xf32>
      tpu.vector_store %arg8[%swap3A, %swap3A_298], %swap3A_301 {strides = array<i32>} : memref<128x64xf32, #tpu.memory_space<vmem>>, vector<1x16xf32>,
    }
    %scan3A_7 = arith.constant 128 : i32
    %scan3A_8 = arith.constant 0 : i32
    %scan3A_9 = arith.constant 0 : i32
    %scan3A_10 = arith.constant 128 : i32
    %scan3A_11 = arith.addi %scan3A_9, %scan3A_10 : i32
    %scan3A_12 = arith.constant 1 : i32
    scf.for %scan3A_296 = %scan3A_9 to %scan3A_11 step %scan3A_12  : i32 {
      %broadcast_in_dim3A = arith.constant 0.000000e+00 : f32
      %broadcast_in_dim3A_297 = vector.broadcast %broadcast_in_dim3A : f32 to vector<16xf32>
      %swap3A = arith.index_cast %scan3A_296 : i32 to index
      %swap3A_298 = arith.constant 16 : index
      %swap3A_299 = tpu.vector_load %arg8[%swap3A, %swap3A_298] {strides = array<i32>} : memref<128x64xf32, #tpu.memory_space<vmem>>, vector<1x16xf32>,
      %swap3A_300 = vector.shape_cast %swap3A_299 : vector<1x16xf32> to vector<16xf32>
      %swap3A_301 = vector.shape_cast %broadcast_in_dim3A_297 : vector<16xf32> to vector<1x16xf32>
      tpu.vector_store %arg8[%swap3A, %swap3A_298], %swap3A_301 {strides = array<i32>} : memref<128x64xf32, #tpu.memory_space<vmem>>, vector<1x16xf32>,
    }
    %scan3A_13 = arith.constant 128 : i32
    %scan3A_14 = arith.constant 0 : i32
    %scan3A_15 = arith.constant 0 : i32
    %scan3A_16 = arith.constant 128 : i32
    %scan3A_17 = arith.addi %scan3A_15, %scan3A_16 : i32
    %scan3A_18 = arith.constant 1 : i32
    scf.for %scan3A_296 = %scan3A_15 to %scan3A_17 step %scan3A_18  : i32 {
      %broadcast_in_dim3A = arith.constant 0.000000e+00 : f32
      %broadcast_in_dim3A_297 = vector.broadcast %broadcast_in_dim3A : f32 to vector<16xf32>
      %swap3A = arith.index_cast %scan3A_296 : i32 to index
      %swap3A_298 = arith.constant 32 : index
      %swap3A_299 = tpu.vector_load %arg8[%swap3A, %swap3A_298] {strides = array<i32>} : memref<128x64xf32, #tpu.memory_space<vmem>>, vector<1x16xf32>,
      %swap3A_300 = vector.shape_cast %swap3A_299 : vector<1x16xf32> to vector<16xf32>
      %swap3A_301 = vector.shape_cast %broadcast_in_dim3A_297 : vector<16xf32> to vector<1x16xf32>
      tpu.vector_store %arg8[%swap3A, %swap3A_298], %swap3A_301 {strides = array<i32>} : memref<128x64xf32, #tpu.memory_space<vmem>>, vector<1x16xf32>,
    }
    %scan3A_19 = arith.constant 128 : i32
    %scan3A_20 = arith.constant 0 : i32
    %scan3A_21 = arith.constant 0 : i32
    %scan3A_22 = arith.constant 128 : i32
    %scan3A_23 = arith.addi %scan3A_21, %scan3A_22 : i32
    %scan3A_24 = arith.constant 1 : i32
    scf.for %scan3A_296 = %scan3A_21 to %scan3A_23 step %scan3A_24  : i32 {
      %broadcast_in_dim3A = arith.constant 0.000000e+00 : f32
      %broadcast_in_dim3A_297 = vector.broadcast %broadcast_in_dim3A : f32 to vector<16xf32>
      %swap3A = arith.index_cast %scan3A_296 : i32 to index
      %swap3A_298 = arith.constant 48 : index
      %swap3A_299 = tpu.vector_load %arg8[%swap3A, %swap3A_298] {strides = array<i32>} : memref<128x64xf32, #tpu.memory_space<vmem>>, vector<1x16xf32>,
      %swap3A_300 = vector.shape_cast %swap3A_299 : vector<1x16xf32> to vector<16xf32>
      %swap3A_301 = vector.shape_cast %broadcast_in_dim3A_297 : vector<16xf32> to vector<1x16xf32>
      tpu.vector_store %arg8[%swap3A, %swap3A_298], %swap3A_301 {strides = array<i32>} : memref<128x64xf32, #tpu.memory_space<vmem>>, vector<1x16xf32>,
    }
    %scan3A_25 = arith.constant 128 : i32
    %mul3A_26 = arith.constant 640 : i32
    %mul3A_27 = arith.muli %arg1, %mul3A_26 : i32
    %add3A = arith.constant 0 : i32
    %add3A_28 = arith.addi %mul3A_27, %add3A : i32
    "tpu.region"() ({
      %run_scoped3A = tpu.sem_alloc : memref<!tpu.dma_semaphore, #tpu.memory_space<semaphore_mem>>
      %dma_start3A_296 = arith.constant 0 : i32
      %dma_start3A_297 = tpu.memref_slice %arg13[%add3A_28, %dma_start3A_296] : memref<10240x64xf32, #tpu.memory_space<vmem_shared>> -> memref<128x64xf32, #tpu.memory_space<vmem_shared>>
      %dma_start3A_298 = arith.constant 0 : i32
      %dma_start3A_299 = tpu.memref_slice %arg13[%add3A_28, %dma_start3A_298] : memref<10240x64xf32, #tpu.memory_space<vmem_shared>> -> memref<128x64xf32, #tpu.memory_space<vmem_shared>>
      tpu.enqueue_dma source(%arg8 : memref<128x64xf32, #tpu.memory_space<vmem>>) target(%dma_start3A_299 : memref<128x64xf32, #tpu.memory_space<vmem_shared>>) target_semaphore(%run_scoped3A : memref<!tpu.dma_semaphore, #tpu.memory_space<semaphore_mem>>)
      %dma_wait3A_300 = arith.constant 0 : i32
      %dma_wait3A_301 = tpu.memref_slice %arg13[%add3A_28, %dma_wait3A_300] : memref<10240x64xf32, #tpu.memory_space<vmem_shared>> -> memref<128x64xf32, #tpu.memory_space<vmem_shared>>
      %dma_wait3A_302 = arith.constant 0 : i32
      %dma_wait3A_303 = tpu.memref_slice %arg13[%add3A_28, %dma_wait3A_302] : memref<10240x64xf32, #tpu.memory_space<vmem_shared>> -> memref<128x64xf32, #tpu.memory_space<vmem_shared>>
      tpu.wait_dma2 semaphore(%run_scoped3A : memref<!tpu.dma_semaphore, #tpu.memory_space<semaphore_mem>>) src(%arg8 : memref<128x64xf32, #tpu.memory_space<vmem>>) dst(%dma_wait3A_303 : memref<128x64xf32, #tpu.memory_space<vmem_shared>>)
      tpu.yield
    }) : () -> ()
    %mul3A_29 = arith.constant 640 : i32
    %mul3A_30 = arith.muli %arg1, %mul3A_29 : i32
    %add3A_31 = arith.constant 128 : i32
    %add3A_32 = arith.addi %mul3A_30, %add3A_31 : i32
    "tpu.region"() ({
      %run_scoped3A = tpu.sem_alloc : memref<!tpu.dma_semaphore, #tpu.memory_space<semaphore_mem>>
      %dma_start3A_296 = arith.constant 0 : i32
      %dma_start3A_297 = tpu.memref_slice %arg13[%add3A_32, %dma_start3A_296] : memref<10240x64xf32, #tpu.memory_space<vmem_shared>> -> memref<128x64xf32, #tpu.memory_space<vmem_shared>>
      %dma_start3A_298 = arith.constant 0 : i32
      %dma_start3A_299 = tpu.memref_slice %arg13[%add3A_32, %dma_start3A_298] : memref<10240x64xf32, #tpu.memory_space<vmem_shared>> -> memref<128x64xf32, #tpu.memory_space<vmem_shared>>
      tpu.enqueue_dma source(%arg8 : memref<128x64xf32, #tpu.memory_space<vmem>>) target(%dma_start3A_299 : memref<128x64xf32, #tpu.memory_space<vmem_shared>>) target_semaphore(%run_scoped3A : memref<!tpu.dma_semaphore, #tpu.memory_space<semaphore_mem>>)
      %dma_wait3A_300 = arith.constant 0 : i32
      %dma_wait3A_301 = tpu.memref_slice %arg13[%add3A_32, %dma_wait3A_300] : memref<10240x64xf32, #tpu.memory_space<vmem_shared>> -> memref<128x64xf32, #tpu.memory_space<vmem_shared>>
      %dma_wait3A_302 = arith.constant 0 : i32
      %dma_wait3A_303 = tpu.memref_slice %arg13[%add3A_32, %dma_wait3A_302] : memref<10240x64xf32, #tpu.memory_space<vmem_shared>> -> memref<128x64xf32, #tpu.memory_space<vmem_shared>>
      tpu.wait_dma2 semaphore(%run_scoped3A : memref<!tpu.dma_semaphore, #tpu.memory_space<semaphore_mem>>) src(%arg8 : memref<128x64xf32, #tpu.memory_space<vmem>>) dst(%dma_wait3A_303 : memref<128x64xf32, #tpu.memory_space<vmem_shared>>)
      tpu.yield
    }) : () -> ()
    %mul3A_33 = arith.constant 640 : i32
    %mul3A_34 = arith.muli %arg1, %mul3A_33 : i32
    %add3A_35 = arith.constant 256 : i32
    %add3A_36 = arith.addi %mul3A_34, %add3A_35 : i32
    "tpu.region"() ({
      %run_scoped3A = tpu.sem_alloc : memref<!tpu.dma_semaphore, #tpu.memory_space<semaphore_mem>>
      %dma_start3A_296 = arith.constant 0 : i32
      %dma_start3A_297 = tpu.memref_slice %arg13[%add3A_36, %dma_start3A_296] : memref<10240x64xf32, #tpu.memory_space<vmem_shared>> -> memref<128x64xf32, #tpu.memory_space<vmem_shared>>
      %dma_start3A_298 = arith.constant 0 : i32
      %dma_start3A_299 = tpu.memref_slice %arg13[%add3A_36, %dma_start3A_298] : memref<10240x64xf32, #tpu.memory_space<vmem_shared>> -> memref<128x64xf32, #tpu.memory_space<vmem_shared>>
      tpu.enqueue_dma source(%arg8 : memref<128x64xf32, #tpu.memory_space<vmem>>) target(%dma_start3A_299 : memref<128x64xf32, #tpu.memory_space<vmem_shared>>) target_semaphore(%run_scoped3A : memref<!tpu.dma_semaphore, #tpu.memory_space<semaphore_mem>>)
      %dma_wait3A_300 = arith.constant 0 : i32
      %dma_wait3A_301 = tpu.memref_slice %arg13[%add3A_36, %dma_wait3A_300] : memref<10240x64xf32, #tpu.memory_space<vmem_shared>> -> memref<128x64xf32, #tpu.memory_space<vmem_shared>>
      %dma_wait3A_302 = arith.constant 0 : i32
      %dma_wait3A_303 = tpu.memref_slice %arg13[%add3A_36, %dma_wait3A_302] : memref<10240x64xf32, #tpu.memory_space<vmem_shared>> -> memref<128x64xf32, #tpu.memory_space<vmem_shared>>
      tpu.wait_dma2 semaphore(%run_scoped3A : memref<!tpu.dma_semaphore, #tpu.memory_space<semaphore_mem>>) src(%arg8 : memref<128x64xf32, #tpu.memory_space<vmem>>) dst(%dma_wait3A_303 : memref<128x64xf32, #tpu.memory_space<vmem_shared>>)
      tpu.yield
    }) : () -> ()
    %mul3A_37 = arith.constant 640 : i32
    %mul3A_38 = arith.muli %arg1, %mul3A_37 : i32
    %add3A_39 = arith.constant 384 : i32
    %add3A_40 = arith.addi %mul3A_38, %add3A_39 : i32
    "tpu.region"() ({
      %run_scoped3A = tpu.sem_alloc : memref<!tpu.dma_semaphore, #tpu.memory_space<semaphore_mem>>
      %dma_start3A_296 = arith.constant 0 : i32
      %dma_start3A_297 = tpu.memref_slice %arg13[%add3A_40, %dma_start3A_296] : memref<10240x64xf32, #tpu.memory_space<vmem_shared>> -> memref<128x64xf32, #tpu.memory_space<vmem_shared>>
      %dma_start3A_298 = arith.constant 0 : i32
      %dma_start3A_299 = tpu.memref_slice %arg13[%add3A_40, %dma_start3A_298] : memref<10240x64xf32, #tpu.memory_space<vmem_shared>> -> memref<128x64xf32, #tpu.memory_space<vmem_shared>>
      tpu.enqueue_dma source(%arg8 : memref<128x64xf32, #tpu.memory_space<vmem>>) target(%dma_start3A_299 : memref<128x64xf32, #tpu.memory_space<vmem_shared>>) target_semaphore(%run_scoped3A : memref<!tpu.dma_semaphore, #tpu.memory_space<semaphore_mem>>)
      %dma_wait3A_300 = arith.constant 0 : i32
      %dma_wait3A_301 = tpu.memref_slice %arg13[%add3A_40, %dma_wait3A_300] : memref<10240x64xf32, #tpu.memory_space<vmem_shared>> -> memref<128x64xf32, #tpu.memory_space<vmem_shared>>
      %dma_wait3A_302 = arith.constant 0 : i32
      %dma_wait3A_303 = tpu.memref_slice %arg13[%add3A_40, %dma_wait3A_302] : memref<10240x64xf32, #tpu.memory_space<vmem_shared>> -> memref<128x64xf32, #tpu.memory_space<vmem_shared>>
      tpu.wait_dma2 semaphore(%run_scoped3A : memref<!tpu.dma_semaphore, #tpu.memory_space<semaphore_mem>>) src(%arg8 : memref<128x64xf32, #tpu.memory_space<vmem>>) dst(%dma_wait3A_303 : memref<128x64xf32, #tpu.memory_space<vmem_shared>>)
      tpu.yield
    }) : () -> ()
    %mul3A_41 = arith.constant 640 : i32
    %mul3A_42 = arith.muli %arg1, %mul3A_41 : i32
    %add3A_43 = arith.constant 512 : i32
    %add3A_44 = arith.addi %mul3A_42, %add3A_43 : i32
    "tpu.region"() ({
      %run_scoped3A = tpu.sem_alloc : memref<!tpu.dma_semaphore, #tpu.memory_space<semaphore_mem>>
      %dma_start3A_296 = arith.constant 0 : i32
      %dma_start3A_297 = tpu.memref_slice %arg13[%add3A_44, %dma_start3A_296] : memref<10240x64xf32, #tpu.memory_space<vmem_shared>> -> memref<128x64xf32, #tpu.memory_space<vmem_shared>>
      %dma_start3A_298 = arith.constant 0 : i32
      %dma_start3A_299 = tpu.memref_slice %arg13[%add3A_44, %dma_start3A_298] : memref<10240x64xf32, #tpu.memory_space<vmem_shared>> -> memref<128x64xf32, #tpu.memory_space<vmem_shared>>
      tpu.enqueue_dma source(%arg8 : memref<128x64xf32, #tpu.memory_space<vmem>>) target(%dma_start3A_299 : memref<128x64xf32, #tpu.memory_space<vmem_shared>>) target_semaphore(%run_scoped3A : memref<!tpu.dma_semaphore, #tpu.memory_space<semaphore_mem>>)
      %dma_wait3A_300 = arith.constant 0 : i32
      %dma_wait3A_301 = tpu.memref_slice %arg13[%add3A_44, %dma_wait3A_300] : memref<10240x64xf32, #tpu.memory_space<vmem_shared>> -> memref<128x64xf32, #tpu.memory_space<vmem_shared>>
      %dma_wait3A_302 = arith.constant 0 : i32
      %dma_wait3A_303 = tpu.memref_slice %arg13[%add3A_44, %dma_wait3A_302] : memref<10240x64xf32, #tpu.memory_space<vmem_shared>> -> memref<128x64xf32, #tpu.memory_space<vmem_shared>>
      tpu.wait_dma2 semaphore(%run_scoped3A : memref<!tpu.dma_semaphore, #tpu.memory_space<semaphore_mem>>) src(%arg8 : memref<128x64xf32, #tpu.memory_space<vmem>>) dst(%dma_wait3A_303 : memref<128x64xf32, #tpu.memory_space<vmem_shared>>)
      tpu.yield
    }) : () -> ()
    %barrier3A = arith.constant 0 : index
    tpu.barrier barrier_id(%barrier3A)
    "tpu.region"() ({
      %run_scoped3A = tpu.sem_alloc : memref<!tpu.dma_semaphore, #tpu.memory_space<semaphore_mem>>
      %dma_start3A_296 = arith.constant 0 : i32
      %dma_start3A_297 = arith.constant 0 : i32
      %dma_start3A_298 = tpu.memref_slice %arg3[%arg1, %dma_start3A_296, %dma_start3A_297] : memref<16x160x128xi32, #tpu.memory_space<hbm>> -> memref<1x160x128xi32, #tpu.memory_space<hbm>>
      %dma_start3A_299 = tpu.memref_squeeze %dma_start3A_298 : memref<1x160x128xi32, #tpu.memory_space<hbm>> -> memref<160x128xi32, #tpu.memory_space<hbm>>
      %dma_start3A_300 = arith.constant 0 : i32
      %dma_start3A_301 = arith.constant 0 : i32
      %dma_start3A_302 = tpu.memref_slice %dma_start3A_299[%dma_start3A_300, %dma_start3A_301] : memref<160x128xi32, #tpu.memory_space<hbm>> -> memref<40x128xi32, #tpu.memory_space<hbm>>
      %dma_start3A_303 = arith.constant 0 : i32
      %dma_start3A_304 = arith.constant 0 : i32
      %dma_start3A_305 = tpu.memref_slice %arg3[%arg1, %dma_start3A_303, %dma_start3A_304] : memref<16x160x128xi32, #tpu.memory_space<hbm>> -> memref<1x160x128xi32, #tpu.memory_space<hbm>>
      %dma_start3A_306 = tpu.memref_squeeze %dma_start3A_305 : memref<1x160x128xi32, #tpu.memory_space<hbm>> -> memref<160x128xi32, #tpu.memory_space<hbm>>
      %dma_start3A_307 = arith.constant 0 : i32
      %dma_start3A_308 = arith.constant 0 : i32
      %dma_start3A_309 = tpu.memref_slice %dma_start3A_306[%dma_start3A_307, %dma_start3A_308] : memref<160x128xi32, #tpu.memory_space<hbm>> -> memref<40x128xi32, #tpu.memory_space<hbm>>
      tpu.enqueue_dma source(%dma_start3A_309 : memref<40x128xi32, #tpu.memory_space<hbm>>) target(%arg6 : memref<40x128xi32, #tpu.memory_space<vmem>>) target_semaphore(%run_scoped3A : memref<!tpu.dma_semaphore, #tpu.memory_space<semaphore_mem>>)
      %dma_wait3A_310 = arith.constant 0 : i32
      %dma_wait3A_311 = arith.constant 0 : i32
      %dma_wait3A_312 = tpu.memref_slice %arg3[%arg1, %dma_wait3A_310, %dma_wait3A_311] : memref<16x160x128xi32, #tpu.memory_space<hbm>> -> memref<1x160x128xi32, #tpu.memory_space<hbm>>
      %dma_wait3A_313 = tpu.memref_squeeze %dma_wait3A_312 : memref<1x160x128xi32, #tpu.memory_space<hbm>> -> memref<160x128xi32, #tpu.memory_space<hbm>>
      %dma_wait3A_314 = arith.constant 0 : i32
      %dma_wait3A_315 = arith.constant 0 : i32
      %dma_wait3A_316 = tpu.memref_slice %dma_wait3A_313[%dma_wait3A_314, %dma_wait3A_315] : memref<160x128xi32, #tpu.memory_space<hbm>> -> memref<40x128xi32, #tpu.memory_space<hbm>>
      %dma_wait3A_317 = arith.constant 0 : i32
      %dma_wait3A_318 = arith.constant 0 : i32
      %dma_wait3A_319 = tpu.memref_slice %arg3[%arg1, %dma_wait3A_317, %dma_wait3A_318] : memref<16x160x128xi32, #tpu.memory_space<hbm>> -> memref<1x160x128xi32, #tpu.memory_space<hbm>>
      %dma_wait3A_320 = tpu.memref_squeeze %dma_wait3A_319 : memref<1x160x128xi32, #tpu.memory_space<hbm>> -> memref<160x128xi32, #tpu.memory_space<hbm>>
      %dma_wait3A_321 = arith.constant 0 : i32
      %dma_wait3A_322 = arith.constant 0 : i32
      %dma_wait3A_323 = tpu.memref_slice %dma_wait3A_320[%dma_wait3A_321, %dma_wait3A_322] : memref<160x128xi32, #tpu.memory_space<hbm>> -> memref<40x128xi32, #tpu.memory_space<hbm>>
      tpu.wait_dma2 semaphore(%run_scoped3A : memref<!tpu.dma_semaphore, #tpu.memory_space<semaphore_mem>>) src(%dma_wait3A_323 : memref<40x128xi32, #tpu.memory_space<hbm>>) dst(%arg6 : memref<40x128xi32, #tpu.memory_space<vmem>>)
      tpu.yield
    }) : () -> ()
    "tpu.region"() ({
      %run_scoped3A = tpu.sem_alloc : memref<!tpu.dma_semaphore, #tpu.memory_space<semaphore_mem>>
      %dma_start3A_296 = arith.constant 0 : i32
      %dma_start3A_297 = arith.constant 0 : i32
      %dma_start3A_298 = tpu.memref_slice %arg4[%arg1, %dma_start3A_296, %dma_start3A_297] : memref<16x160x128xi32, #tpu.memory_space<hbm>> -> memref<1x160x128xi32, #tpu.memory_space<hbm>>
      %dma_start3A_299 = tpu.memref_squeeze %dma_start3A_298 : memref<1x160x128xi32, #tpu.memory_space<hbm>> -> memref<160x128xi32, #tpu.memory_space<hbm>>
      %dma_start3A_300 = arith.constant 0 : i32
      %dma_start3A_301 = arith.constant 0 : i32
      %dma_start3A_302 = tpu.memref_slice %dma_start3A_299[%dma_start3A_300, %dma_start3A_301] : memref<160x128xi32, #tpu.memory_space<hbm>> -> memref<40x128xi32, #tpu.memory_space<hbm>>
      %dma_start3A_303 = arith.constant 0 : i32
      %dma_start3A_304 = arith.constant 0 : i32
      %dma_start3A_305 = tpu.memref_slice %arg4[%arg1, %dma_start3A_303, %dma_start3A_304] : memref<16x160x128xi32, #tpu.memory_space<hbm>> -> memref<1x160x128xi32, #tpu.memory_space<hbm>>
      %dma_start3A_306 = tpu.memref_squeeze %dma_start3A_305 : memref<1x160x128xi32, #tpu.memory_space<hbm>> -> memref<160x128xi32, #tpu.memory_space<hbm>>
      %dma_start3A_307 = arith.constant 0 : i32
      %dma_start3A_308 = arith.constant 0 : i32
      %dma_start3A_309 = tpu.memref_slice %dma_start3A_306[%dma_start3A_307, %dma_start3A_308] : memref<160x128xi32, #tpu.memory_space<hbm>> -> memref<40x128xi32, #tpu.memory_space<hbm>>
      tpu.enqueue_dma source(%dma_start3A_309 : memref<40x128xi32, #tpu.memory_space<hbm>>) target(%arg7 : memref<40x128xi32, #tpu.memory_space<vmem>>) target_semaphore(%run_scoped3A : memref<!tpu.dma_semaphore, #tpu.memory_space<semaphore_mem>>)
      %dma_wait3A_310 = arith.constant 0 : i32
      %dma_wait3A_311 = arith.constant 0 : i32
      %dma_wait3A_312 = tpu.memref_slice %arg4[%arg1, %dma_wait3A_310, %dma_wait3A_311] : memref<16x160x128xi32, #tpu.memory_space<hbm>> -> memref<1x160x128xi32, #tpu.memory_space<hbm>>
      %dma_wait3A_313 = tpu.memref_squeeze %dma_wait3A_312 : memref<1x160x128xi32, #tpu.memory_space<hbm>> -> memref<160x128xi32, #tpu.memory_space<hbm>>
      %dma_wait3A_314 = arith.constant 0 : i32
      %dma_wait3A_315 = arith.constant 0 : i32
      %dma_wait3A_316 = tpu.memref_slice %dma_wait3A_313[%dma_wait3A_314, %dma_wait3A_315] : memref<160x128xi32, #tpu.memory_space<hbm>> -> memref<40x128xi32, #tpu.memory_space<hbm>>
      %dma_wait3A_317 = arith.constant 0 : i32
      %dma_wait3A_318 = arith.constant 0 : i32
      %dma_wait3A_319 = tpu.memref_slice %arg4[%arg1, %dma_wait3A_317, %dma_wait3A_318] : memref<16x160x128xi32, #tpu.memory_space<hbm>> -> memref<1x160x128xi32, #tpu.memory_space<hbm>>
      %dma_wait3A_320 = tpu.memref_squeeze %dma_wait3A_319 : memref<1x160x128xi32, #tpu.memory_space<hbm>> -> memref<160x128xi32, #tpu.memory_space<hbm>>
      %dma_wait3A_321 = arith.constant 0 : i32
      %dma_wait3A_322 = arith.constant 0 : i32
      %dma_wait3A_323 = tpu.memref_slice %dma_wait3A_320[%dma_wait3A_321, %dma_wait3A_322] : memref<160x128xi32, #tpu.memory_space<hbm>> -> memref<40x128xi32, #tpu.memory_space<hbm>>
      tpu.wait_dma2 semaphore(%run_scoped3A : memref<!tpu.dma_semaphore, #tpu.memory_space<semaphore_mem>>) src(%dma_wait3A_323 : memref<40x128xi32, #tpu.memory_space<hbm>>) dst(%arg7 : memref<40x128xi32, #tpu.memory_space<vmem>>)
      tpu.yield
    }) : () -> ()
    %dma_start3A = arith.constant 0 : i32
    %dma_start3A_45 = arith.constant 0 : i32
    %dma_start3A_46 = tpu.memref_slice %arg6[%dma_start3A, %dma_start3A_45] : memref<40x128xi32, #tpu.memory_space<vmem>> -> memref<1x128xi32, #tpu.memory_space<vmem>>
    %dma_start3A_47 = tpu.memref_squeeze %dma_start3A_46 : memref<1x128xi32, #tpu.memory_space<vmem>> -> memref<128xi32, #tpu.memory_space<vmem>>
    %dma_start3A_48 = arith.constant 0 : i32
    %dma_start3A_49 = arith.constant 0 : i32
    %dma_start3A_50 = tpu.memref_slice %arg12[%dma_start3A_48, %dma_start3A_49] : memref<10240x64xf32, #tpu.memory_space<vmem_shared>> -> memref<10240x64xf32, #tpu.memory_space<vmem_shared>>
    tpu.enqueue_indirect_dma source(%dma_start3A_50 : memref<10240x64xf32, #tpu.memory_space<vmem_shared>>) target(%arg8 : memref<128x64xf32, #tpu.memory_space<vmem>>) offsets(%dma_start3A_47 : memref<128xi32, #tpu.memory_space<vmem>>) semaphore(%arg14 : memref<!tpu.dma_semaphore, #tpu.memory_space<semaphore_mem>>)
    %dma_start3A_51 = arith.constant 1 : i32
    %dma_start3A_52 = arith.constant 0 : i32
    %dma_start3A_53 = tpu.memref_slice %arg6[%dma_start3A_51, %dma_start3A_52] : memref<40x128xi32, #tpu.memory_space<vmem>> -> memref<1x128xi32, #tpu.memory_space<vmem>>
    %dma_start3A_54 = tpu.memref_squeeze %dma_start3A_53 : memref<1x128xi32, #tpu.memory_space<vmem>> -> memref<128xi32, #tpu.memory_space<vmem>>
    %dma_start3A_55 = arith.constant 0 : i32
    %dma_start3A_56 = arith.constant 0 : i32
    %dma_start3A_57 = tpu.memref_slice %arg12[%dma_start3A_55, %dma_start3A_56] : memref<10240x64xf32, #tpu.memory_space<vmem_shared>> -> memref<10240x64xf32, #tpu.memory_space<vmem_shared>>
    tpu.enqueue_indirect_dma source(%dma_start3A_57 : memref<10240x64xf32, #tpu.memory_space<vmem_shared>>) target(%arg9 : memref<128x64xf32, #tpu.memory_space<vmem>>) offsets(%dma_start3A_54 : memref<128xi32, #tpu.memory_space<vmem>>) semaphore(%arg15 : memref<!tpu.dma_semaphore, #tpu.memory_space<semaphore_mem>>)
    %dma_start3A_58 = arith.constant 2 : i32
    %dma_start3A_59 = arith.constant 0 : i32
    %dma_start3A_60 = tpu.memref_slice %arg6[%dma_start3A_58, %dma_start3A_59] : memref<40x128xi32, #tpu.memory_space<vmem>> -> memref<1x128xi32, #tpu.memory_space<vmem>>
    %dma_start3A_61 = tpu.memref_squeeze %dma_start3A_60 : memref<1x128xi32, #tpu.memory_space<vmem>> -> memref<128xi32, #tpu.memory_space<vmem>>
    %dma_start3A_62 = arith.constant 0 : i32
    %dma_start3A_63 = arith.constant 0 : i32
    %dma_start3A_64 = tpu.memref_slice %arg12[%dma_start3A_62, %dma_start3A_63] : memref<10240x64xf32, #tpu.memory_space<vmem_shared>> -> memref<10240x64xf32, #tpu.memory_space<vmem_shared>>
    tpu.enqueue_indirect_dma source(%dma_start3A_64 : memref<10240x64xf32, #tpu.memory_space<vmem_shared>>) target(%arg10 : memref<128x64xf32, #tpu.memory_space<vmem>>) offsets(%dma_start3A_61 : memref<128xi32, #tpu.memory_space<vmem>>) semaphore(%arg16 : memref<!tpu.dma_semaphore, #tpu.memory_space<semaphore_mem>>)
    %dma_start3A_65 = arith.constant 3 : i32
    %dma_start3A_66 = arith.constant 0 : i32
    %dma_start3A_67 = tpu.memref_slice %arg6[%dma_start3A_65, %dma_start3A_66] : memref<40x128xi32, #tpu.memory_space<vmem>> -> memref<1x128xi32, #tpu.memory_space<vmem>>
    %dma_start3A_68 = tpu.memref_squeeze %dma_start3A_67 : memref<1x128xi32, #tpu.memory_space<vmem>> -> memref<128xi32, #tpu.memory_space<vmem>>
    %dma_start3A_69 = arith.constant 0 : i32
    %dma_start3A_70 = arith.constant 0 : i32
    %dma_start3A_71 = tpu.memref_slice %arg12[%dma_start3A_69, %dma_start3A_70] : memref<10240x64xf32, #tpu.memory_space<vmem_shared>> -> memref<10240x64xf32, #tpu.memory_space<vmem_shared>>
    tpu.enqueue_indirect_dma source(%dma_start3A_71 : memref<10240x64xf32, #tpu.memory_space<vmem_shared>>) target(%arg11 : memref<128x64xf32, #tpu.memory_space<vmem>>) offsets(%dma_start3A_68 : memref<128xi32, #tpu.memory_space<vmem>>) semaphore(%arg17 : memref<!tpu.dma_semaphore, #tpu.memory_space<semaphore_mem>>)
    %scan3A_72 = arith.constant 0 : i32
    %scan3A_73 = arith.constant 0 : i32
    %scan3A_74 = arith.constant 10 : i32
    %scan3A_75 = arith.addi %scan3A_73, %scan3A_74 : i32
    %scan3A_76 = arith.constant 1 : i32
    scf.for %scan3A_296 = %scan3A_73 to %scan3A_75 step %scan3A_76  : i32 {
      %mul3A_297 = arith.constant 4 : i32
      %mul3A_298 = arith.muli %scan3A_296, %mul3A_297 : i32
      %dma_wait3A_299 = arith.constant 0 : i32
      %dma_wait3A_300 = arith.constant 0 : i32
      %dma_wait3A_301 = tpu.memref_slice %arg6[%dma_wait3A_299, %dma_wait3A_300] : memref<40x128xi32, #tpu.memory_space<vmem>> -> memref<1x128xi32, #tpu.memory_space<vmem>>
      %dma_wait3A_302 = tpu.memref_squeeze %dma_wait3A_301 : memref<1x128xi32, #tpu.memory_space<vmem>> -> memref<128xi32, #tpu.memory_space<vmem>>
      %dma_wait3A_303 = arith.constant 0 : i32
      %dma_wait3A_304 = arith.constant 0 : i32
      %dma_wait3A_305 = tpu.memref_slice %arg12[%dma_wait3A_303, %dma_wait3A_304] : memref<10240x64xf32, #tpu.memory_space<vmem_shared>> -> memref<10240x64xf32, #tpu.memory_space<vmem_shared>>
      tpu.wait_indirect_dma semaphore(%arg14 : memref<!tpu.dma_semaphore, #tpu.memory_space<semaphore_mem>>) src(%dma_wait3A_305 : memref<10240x64xf32, #tpu.memory_space<vmem_shared>>) dst(%arg8 : memref<128x64xf32, #tpu.memory_space<vmem>>)
      %add3A_306 = arith.constant 0 : i32
      %add3A_307 = arith.addi %mul3A_298, %add3A_306 : i32
      %dma_start3A_308 = arith.constant 0 : i32
      %dma_start3A_309 = tpu.memref_slice %arg7[%add3A_307, %dma_start3A_308] : memref<40x128xi32, #tpu.memory_space<vmem>> -> memref<1x128xi32, #tpu.memory_space<vmem>>
      %dma_start3A_310 = tpu.memref_squeeze %dma_start3A_309 : memref<1x128xi32, #tpu.memory_space<vmem>> -> memref<128xi32, #tpu.memory_space<vmem>>
      %dma_start3A_311 = arith.constant 0 : i32
      %dma_start3A_312 = arith.constant 0 : i32
      %dma_start3A_313 = tpu.memref_slice %arg13[%dma_start3A_311, %dma_start3A_312] : memref<10240x64xf32, #tpu.memory_space<vmem_shared>> -> memref<10240x64xf32, #tpu.memory_space<vmem_shared>>
      tpu.enqueue_indirect_dma source(%arg8 : memref<128x64xf32, #tpu.memory_space<vmem>>) target(%dma_start3A_313 : memref<10240x64xf32, #tpu.memory_space<vmem_shared>>) offsets(%dma_start3A_310 : memref<128xi32, #tpu.memory_space<vmem>>) semaphore(%arg18 : memref<!tpu.dma_semaphore, #tpu.memory_space<semaphore_mem>>) {add = true}
      %dma_wait3A_314 = arith.constant 0 : i32
      %dma_wait3A_315 = arith.constant 0 : i32
      %dma_wait3A_316 = tpu.memref_slice %arg6[%dma_wait3A_314, %dma_wait3A_315] : memref<40x128xi32, #tpu.memory_space<vmem>> -> memref<1x128xi32, #tpu.memory_space<vmem>>
      %dma_wait3A_317 = tpu.memref_squeeze %dma_wait3A_316 : memref<1x128xi32, #tpu.memory_space<vmem>> -> memref<128xi32, #tpu.memory_space<vmem>>
      %dma_wait3A_318 = arith.constant 0 : i32
      %dma_wait3A_319 = arith.constant 0 : i32
      %dma_wait3A_320 = tpu.memref_slice %arg12[%dma_wait3A_318, %dma_wait3A_319] : memref<10240x64xf32, #tpu.memory_space<vmem_shared>> -> memref<10240x64xf32, #tpu.memory_space<vmem_shared>>
      tpu.wait_indirect_dma semaphore(%arg15 : memref<!tpu.dma_semaphore, #tpu.memory_space<semaphore_mem>>) src(%dma_wait3A_320 : memref<10240x64xf32, #tpu.memory_space<vmem_shared>>) dst(%arg9 : memref<128x64xf32, #tpu.memory_space<vmem>>)
      %add3A_321 = arith.constant 1 : i32
      %add3A_322 = arith.addi %mul3A_298, %add3A_321 : i32
      %dma_start3A_323 = arith.constant 0 : i32
      %dma_start3A_324 = tpu.memref_slice %arg7[%add3A_322, %dma_start3A_323] : memref<40x128xi32, #tpu.memory_space<vmem>> -> memref<1x128xi32, #tpu.memory_space<vmem>>
      %dma_start3A_325 = tpu.memref_squeeze %dma_start3A_324 : memref<1x128xi32, #tpu.memory_space<vmem>> -> memref<128xi32, #tpu.memory_space<vmem>>
      %dma_start3A_326 = arith.constant 0 : i32
      %dma_start3A_327 = arith.constant 0 : i32
      %dma_start3A_328 = tpu.memref_slice %arg13[%dma_start3A_326, %dma_start3A_327] : memref<10240x64xf32, #tpu.memory_space<vmem_shared>> -> memref<10240x64xf32, #tpu.memory_space<vmem_shared>>
      tpu.enqueue_indirect_dma source(%arg9 : memref<128x64xf32, #tpu.memory_space<vmem>>) target(%dma_start3A_328 : memref<10240x64xf32, #tpu.memory_space<vmem_shared>>) offsets(%dma_start3A_325 : memref<128xi32, #tpu.memory_space<vmem>>) semaphore(%arg19 : memref<!tpu.dma_semaphore, #tpu.memory_space<semaphore_mem>>) {add = true}
      %dma_wait3A_329 = arith.constant 0 : i32
      %dma_wait3A_330 = arith.constant 0 : i32
      %dma_wait3A_331 = tpu.memref_slice %arg6[%dma_wait3A_329, %dma_wait3A_330] : memref<40x128xi32, #tpu.memory_space<vmem>> -> memref<1x128xi32, #tpu.memory_space<vmem>>
      %dma_wait3A_332 = tpu.memref_squeeze %dma_wait3A_331 : memref<1x128xi32, #tpu.memory_space<vmem>> -> memref<128xi32, #tpu.memory_space<vmem>>
      %dma_wait3A_333 = arith.constant 0 : i32
      %dma_wait3A_334 = arith.constant 0 : i32
      %dma_wait3A_335 = tpu.memref_slice %arg12[%dma_wait3A_333, %dma_wait3A_334] : memref<10240x64xf32, #tpu.memory_space<vmem_shared>> -> memref<10240x64xf32, #tpu.memory_space<vmem_shared>>
      tpu.wait_indirect_dma semaphore(%arg16 : memref<!tpu.dma_semaphore, #tpu.memory_space<semaphore_mem>>) src(%dma_wait3A_335 : memref<10240x64xf32, #tpu.memory_space<vmem_shared>>) dst(%arg10 : memref<128x64xf32, #tpu.memory_space<vmem>>)
      %add3A_336 = arith.constant 2 : i32
      %add3A_337 = arith.addi %mul3A_298, %add3A_336 : i32
      %dma_start3A_338 = arith.constant 0 : i32
      %dma_start3A_339 = tpu.memref_slice %arg7[%add3A_337, %dma_start3A_338] : memref<40x128xi32, #tpu.memory_space<vmem>> -> memref<1x128xi32, #tpu.memory_space<vmem>>
      %dma_start3A_340 = tpu.memref_squeeze %dma_start3A_339 : memref<1x128xi32, #tpu.memory_space<vmem>> -> memref<128xi32, #tpu.memory_space<vmem>>
      %dma_start3A_341 = arith.constant 0 : i32
      %dma_start3A_342 = arith.constant 0 : i32
      %dma_start3A_343 = tpu.memref_slice %arg13[%dma_start3A_341, %dma_start3A_342] : memref<10240x64xf32, #tpu.memory_space<vmem_shared>> -> memref<10240x64xf32, #tpu.memory_space<vmem_shared>>
      tpu.enqueue_indirect_dma source(%arg10 : memref<128x64xf32, #tpu.memory_space<vmem>>) target(%dma_start3A_343 : memref<10240x64xf32, #tpu.memory_space<vmem_shared>>) offsets(%dma_start3A_340 : memref<128xi32, #tpu.memory_space<vmem>>) semaphore(%arg20 : memref<!tpu.dma_semaphore, #tpu.memory_space<semaphore_mem>>) {add = true}
      %dma_wait3A_344 = arith.constant 0 : i32
      %dma_wait3A_345 = arith.constant 0 : i32
      %dma_wait3A_346 = tpu.memref_slice %arg6[%dma_wait3A_344, %dma_wait3A_345] : memref<40x128xi32, #tpu.memory_space<vmem>> -> memref<1x128xi32, #tpu.memory_space<vmem>>
      %dma_wait3A_347 = tpu.memref_squeeze %dma_wait3A_346 : memref<1x128xi32, #tpu.memory_space<vmem>> -> memref<128xi32, #tpu.memory_space<vmem>>
      %dma_wait3A_348 = arith.constant 0 : i32
      %dma_wait3A_349 = arith.constant 0 : i32
      %dma_wait3A_350 = tpu.memref_slice %arg12[%dma_wait3A_348, %dma_wait3A_349] : memref<10240x64xf32, #tpu.memory_space<vmem_shared>> -> memref<10240x64xf32, #tpu.memory_space<vmem_shared>>
      tpu.wait_indirect_dma semaphore(%arg17 : memref<!tpu.dma_semaphore, #tpu.memory_space<semaphore_mem>>) src(%dma_wait3A_350 : memref<10240x64xf32, #tpu.memory_space<vmem_shared>>) dst(%arg11 : memref<128x64xf32, #tpu.memory_space<vmem>>)
      %add3A_351 = arith.constant 3 : i32
      %add3A_352 = arith.addi %mul3A_298, %add3A_351 : i32
      %dma_start3A_353 = arith.constant 0 : i32
      %dma_start3A_354 = tpu.memref_slice %arg7[%add3A_352, %dma_start3A_353] : memref<40x128xi32, #tpu.memory_space<vmem>> -> memref<1x128xi32, #tpu.memory_space<vmem>>
      %dma_start3A_355 = tpu.memref_squeeze %dma_start3A_354 : memref<1x128xi32, #tpu.memory_space<vmem>> -> memref<128xi32, #tpu.memory_space<vmem>>
      %dma_start3A_356 = arith.constant 0 : i32
      %dma_start3A_357 = arith.constant 0 : i32
      %dma_start3A_358 = tpu.memref_slice %arg13[%dma_start3A_356, %dma_start3A_357] : memref<10240x64xf32, #tpu.memory_space<vmem_shared>> -> memref<10240x64xf32, #tpu.memory_space<vmem_shared>>
      tpu.enqueue_indirect_dma source(%arg11 : memref<128x64xf32, #tpu.memory_space<vmem>>) target(%dma_start3A_358 : memref<10240x64xf32, #tpu.memory_space<vmem_shared>>) offsets(%dma_start3A_355 : memref<128xi32, #tpu.memory_space<vmem>>) semaphore(%arg21 : memref<!tpu.dma_semaphore, #tpu.memory_space<semaphore_mem>>) {add = true}
      %dma_wait3A_359 = arith.constant 0 : i32
      %dma_wait3A_360 = arith.constant 0 : i32
      %dma_wait3A_361 = tpu.memref_slice %arg7[%dma_wait3A_359, %dma_wait3A_360] : memref<40x128xi32, #tpu.memory_space<vmem>> -> memref<1x128xi32, #tpu.memory_space<vmem>>
      %dma_wait3A_362 = tpu.memref_squeeze %dma_wait3A_361 : memref<1x128xi32, #tpu.memory_space<vmem>> -> memref<128xi32, #tpu.memory_space<vmem>>
      %dma_wait3A_363 = arith.constant 0 : i32
      %dma_wait3A_364 = arith.constant 0 : i32
      %dma_wait3A_365 = tpu.memref_slice %arg13[%dma_wait3A_363, %dma_wait3A_364] : memref<10240x64xf32, #tpu.memory_space<vmem_shared>> -> memref<10240x64xf32, #tpu.memory_space<vmem_shared>>
      tpu.wait_indirect_dma semaphore(%arg18 : memref<!tpu.dma_semaphore, #tpu.memory_space<semaphore_mem>>) src(%arg8 : memref<128x64xf32, #tpu.memory_space<vmem>>) dst(%dma_wait3A_365 : memref<10240x64xf32, #tpu.memory_space<vmem_shared>>)
      %add3A_366 = arith.constant 4 : i32
      %add3A_367 = arith.addi %mul3A_298, %add3A_366 : i32
      %add3A_368 = arith.constant 0 : i32
      %add3A_369 = arith.addi %add3A_367, %add3A_368 : i32
      %min3A = arith.constant 39 : i32
      %min3A_370 = arith.minsi %add3A_369, %min3A : i32
      %dma_start3A_371 = arith.constant 0 : i32
      %dma_start3A_372 = tpu.memref_slice %arg6[%min3A_370, %dma_start3A_371] : memref<40x128xi32, #tpu.memory_space<vmem>> -> memref<1x128xi32, #tpu.memory_space<vmem>>
      %dma_start3A_373 = tpu.memref_squeeze %dma_start3A_372 : memref<1x128xi32, #tpu.memory_space<vmem>> -> memref<128xi32, #tpu.memory_space<vmem>>
      %dma_start3A_374 = arith.constant 0 : i32
      %dma_start3A_375 = arith.constant 0 : i32
      %dma_start3A_376 = tpu.memref_slice %arg12[%dma_start3A_374, %dma_start3A_375] : memref<10240x64xf32, #tpu.memory_space<vmem_shared>> -> memref<10240x64xf32, #tpu.memory_space<vmem_shared>>
      tpu.enqueue_indirect_dma source(%dma_start3A_376 : memref<10240x64xf32, #tpu.memory_space<vmem_shared>>) target(%arg8 : memref<128x64xf32, #tpu.memory_space<vmem>>) offsets(%dma_start3A_373 : memref<128xi32, #tpu.memory_space<vmem>>) semaphore(%arg14 : memref<!tpu.dma_semaphore, #tpu.memory_space<semaphore_mem>>)
      %dma_wait3A_377 = arith.constant 0 : i32
      %dma_wait3A_378 = arith.constant 0 : i32
      %dma_wait3A_379 = tpu.memref_slice %arg7[%dma_wait3A_377, %dma_wait3A_378] : memref<40x128xi32, #tpu.memory_space<vmem>> -> memref<1x128xi32, #tpu.memory_space<vmem>>
      %dma_wait3A_380 = tpu.memref_squeeze %dma_wait3A_379 : memref<1x128xi32, #tpu.memory_space<vmem>> -> memref<128xi32, #tpu.memory_space<vmem>>
      %dma_wait3A_381 = arith.constant 0 : i32
      %dma_wait3A_382 = arith.constant 0 : i32
      %dma_wait3A_383 = tpu.memref_slice %arg13[%dma_wait3A_381, %dma_wait3A_382] : memref<10240x64xf32, #tpu.memory_space<vmem_shared>> -> memref<10240x64xf32, #tpu.memory_space<vmem_shared>>
      tpu.wait_indirect_dma semaphore(%arg19 : memref<!tpu.dma_semaphore, #tpu.memory_space<semaphore_mem>>) src(%arg9 : memref<128x64xf32, #tpu.memory_space<vmem>>) dst(%dma_wait3A_383 : memref<10240x64xf32, #tpu.memory_space<vmem_shared>>)
      %add3A_384 = arith.constant 4 : i32
      %add3A_385 = arith.addi %mul3A_298, %add3A_384 : i32
      %add3A_386 = arith.constant 1 : i32
      %add3A_387 = arith.addi %add3A_385, %add3A_386 : i32
      %min3A_388 = arith.constant 39 : i32
      %min3A_389 = arith.minsi %add3A_387, %min3A_388 : i32
      %dma_start3A_390 = arith.constant 0 : i32
      %dma_start3A_391 = tpu.memref_slice %arg6[%min3A_389, %dma_start3A_390] : memref<40x128xi32, #tpu.memory_space<vmem>> -> memref<1x128xi32, #tpu.memory_space<vmem>>
      %dma_start3A_392 = tpu.memref_squeeze %dma_start3A_391 : memref<1x128xi32, #tpu.memory_space<vmem>> -> memref<128xi32, #tpu.memory_space<vmem>>
      %dma_start3A_393 = arith.constant 0 : i32
      %dma_start3A_394 = arith.constant 0 : i32
      %dma_start3A_395 = tpu.memref_slice %arg12[%dma_start3A_393, %dma_start3A_394] : memref<10240x64xf32, #tpu.memory_space<vmem_shared>> -> memref<10240x64xf32, #tpu.memory_space<vmem_shared>>
      tpu.enqueue_indirect_dma source(%dma_start3A_395 : memref<10240x64xf32, #tpu.memory_space<vmem_shared>>) target(%arg9 : memref<128x64xf32, #tpu.memory_space<vmem>>) offsets(%dma_start3A_392 : memref<128xi32, #tpu.memory_space<vmem>>) semaphore(%arg15 : memref<!tpu.dma_semaphore, #tpu.memory_space<semaphore_mem>>)
      %dma_wait3A_396 = arith.constant 0 : i32
      %dma_wait3A_397 = arith.constant 0 : i32
      %dma_wait3A_398 = tpu.memref_slice %arg7[%dma_wait3A_396, %dma_wait3A_397] : memref<40x128xi32, #tpu.memory_space<vmem>> -> memref<1x128xi32, #tpu.memory_space<vmem>>
      %dma_wait3A_399 = tpu.memref_squeeze %dma_wait3A_398 : memref<1x128xi32, #tpu.memory_space<vmem>> -> memref<128xi32, #tpu.memory_space<vmem>>
      %dma_wait3A_400 = arith.constant 0 : i32
      %dma_wait3A_401 = arith.constant 0 : i32
      %dma_wait3A_402 = tpu.memref_slice %arg13[%dma_wait3A_400, %dma_wait3A_401] : memref<10240x64xf32, #tpu.memory_space<vmem_shared>> -> memref<10240x64xf32, #tpu.memory_space<vmem_shared>>
      tpu.wait_indirect_dma semaphore(%arg20 : memref<!tpu.dma_semaphore, #tpu.memory_space<semaphore_mem>>) src(%arg10 : memref<128x64xf32, #tpu.memory_space<vmem>>) dst(%dma_wait3A_402 : memref<10240x64xf32, #tpu.memory_space<vmem_shared>>)
      %add3A_403 = arith.constant 4 : i32
      %add3A_404 = arith.addi %mul3A_298, %add3A_403 : i32
      %add3A_405 = arith.constant 2 : i32
      %add3A_406 = arith.addi %add3A_404, %add3A_405 : i32
      %min3A_407 = arith.constant 39 : i32
      %min3A_408 = arith.minsi %add3A_406, %min3A_407 : i32
      %dma_start3A_409 = arith.constant 0 : i32
      %dma_start3A_410 = tpu.memref_slice %arg6[%min3A_408, %dma_start3A_409] : memref<40x128xi32, #tpu.memory_space<vmem>> -> memref<1x128xi32, #tpu.memory_space<vmem>>
      %dma_start3A_411 = tpu.memref_squeeze %dma_start3A_410 : memref<1x128xi32, #tpu.memory_space<vmem>> -> memref<128xi32, #tpu.memory_space<vmem>>
      %dma_start3A_412 = arith.constant 0 : i32
      %dma_start3A_413 = arith.constant 0 : i32
      %dma_start3A_414 = tpu.memref_slice %arg12[%dma_start3A_412, %dma_start3A_413] : memref<10240x64xf32, #tpu.memory_space<vmem_shared>> -> memref<10240x64xf32, #tpu.memory_space<vmem_shared>>
      tpu.enqueue_indirect_dma source(%dma_start3A_414 : memref<10240x64xf32, #tpu.memory_space<vmem_shared>>) target(%arg10 : memref<128x64xf32, #tpu.memory_space<vmem>>) offsets(%dma_start3A_411 : memref<128xi32, #tpu.memory_space<vmem>>) semaphore(%arg16 : memref<!tpu.dma_semaphore, #tpu.memory_space<semaphore_mem>>)
      %dma_wait3A_415 = arith.constant 0 : i32
      %dma_wait3A_416 = arith.constant 0 : i32
      %dma_wait3A_417 = tpu.memref_slice %arg7[%dma_wait3A_415, %dma_wait3A_416] : memref<40x128xi32, #tpu.memory_space<vmem>> -> memref<1x128xi32, #tpu.memory_space<vmem>>
      %dma_wait3A_418 = tpu.memref_squeeze %dma_wait3A_417 : memref<1x128xi32, #tpu.memory_space<vmem>> -> memref<128xi32, #tpu.memory_space<vmem>>
      %dma_wait3A_419 = arith.constant 0 : i32
      %dma_wait3A_420 = arith.constant 0 : i32
      %dma_wait3A_421 = tpu.memref_slice %arg13[%dma_wait3A_419, %dma_wait3A_420] : memref<10240x64xf32, #tpu.memory_space<vmem_shared>> -> memref<10240x64xf32, #tpu.memory_space<vmem_shared>>
      tpu.wait_indirect_dma semaphore(%arg21 : memref<!tpu.dma_semaphore, #tpu.memory_space<semaphore_mem>>) src(%arg11 : memref<128x64xf32, #tpu.memory_space<vmem>>) dst(%dma_wait3A_421 : memref<10240x64xf32, #tpu.memory_space<vmem_shared>>)
      %add3A_422 = arith.constant 4 : i32
      %add3A_423 = arith.addi %mul3A_298, %add3A_422 : i32
      %add3A_424 = arith.constant 3 : i32
      %add3A_425 = arith.addi %add3A_423, %add3A_424 : i32
      %min3A_426 = arith.constant 39 : i32
      %min3A_427 = arith.minsi %add3A_425, %min3A_426 : i32
      %dma_start3A_428 = arith.constant 0 : i32
      %dma_start3A_429 = tpu.memref_slice %arg6[%min3A_427, %dma_start3A_428] : memref<40x128xi32, #tpu.memory_space<vmem>> -> memref<1x128xi32, #tpu.memory_space<vmem>>
      %dma_start3A_430 = tpu.memref_squeeze %dma_start3A_429 : memref<1x128xi32, #tpu.memory_space<vmem>> -> memref<128xi32, #tpu.memory_space<vmem>>
      %dma_start3A_431 = arith.constant 0 : i32
      %dma_start3A_432 = arith.constant 0 : i32
      %dma_start3A_433 = tpu.memref_slice %arg12[%dma_start3A_431, %dma_start3A_432] : memref<10240x64xf32, #tpu.memory_space<vmem_shared>> -> memref<10240x64xf32, #tpu.memory_space<vmem_shared>>
      tpu.enqueue_indirect_dma source(%dma_start3A_433 : memref<10240x64xf32, #tpu.memory_space<vmem_shared>>) target(%arg11 : memref<128x64xf32, #tpu.memory_space<vmem>>) offsets(%dma_start3A_430 : memref<128xi32, #tpu.memory_space<vmem>>) semaphore(%arg17 : memref<!tpu.dma_semaphore, #tpu.memory_space<semaphore_mem>>)
    }
    %scan3A_77 = arith.constant 10 : i32
    %dma_wait3A = arith.constant 0 : i32
    %dma_wait3A_78 = arith.constant 0 : i32
    %dma_wait3A_79 = tpu.memref_slice %arg6[%dma_wait3A, %dma_wait3A_78] : memref<40x128xi32, #tpu.memory_space<vmem>> -> memref<1x128xi32, #tpu.memory_space<vmem>>
    %dma_wait3A_80 = tpu.memref_squeeze %dma_wait3A_79 : memref<1x128xi32, #tpu.memory_space<vmem>> -> memref<128xi32, #tpu.memory_space<vmem>>
    %dma_wait3A_81 = arith.constant 0 : i32
    %dma_wait3A_82 = arith.constant 0 : i32
    %dma_wait3A_83 = tpu.memref_slice %arg12[%dma_wait3A_81, %dma_wait3A_82] : memref<10240x64xf32, #tpu.memory_space<vmem_shared>> -> memref<10240x64xf32, #tpu.memory_space<vmem_shared>>
    tpu.wait_indirect_dma semaphore(%arg14 : memref<!tpu.dma_semaphore, #tpu.memory_space<semaphore_mem>>) src(%dma_wait3A_83 : memref<10240x64xf32, #tpu.memory_space<vmem_shared>>) dst(%arg8 : memref<128x64xf32, #tpu.memory_space<vmem>>)
    %dma_wait3A_84 = arith.constant 0 : i32
    %dma_wait3A_85 = arith.constant 0 : i32
    %dma_wait3A_86 = tpu.memref_slice %arg6[%dma_wait3A_84, %dma_wait3A_85] : memref<40x128xi32, #tpu.memory_space<vmem>> -> memref<1x128xi32, #tpu.memory_space<vmem>>
    %dma_wait3A_87 = tpu.memref_squeeze %dma_wait3A_86 : memref<1x128xi32, #tpu.memory_space<vmem>> -> memref<128xi32, #tpu.memory_space<vmem>>
    %dma_wait3A_88 = arith.constant 0 : i32
    %dma_wait3A_89 = arith.constant 0 : i32
    %dma_wait3A_90 = tpu.memref_slice %arg12[%dma_wait3A_88, %dma_wait3A_89] : memref<10240x64xf32, #tpu.memory_space<vmem_shared>> -> memref<10240x64xf32, #tpu.memory_space<vmem_shared>>
    tpu.wait_indirect_dma semaphore(%arg15 : memref<!tpu.dma_semaphore, #tpu.memory_space<semaphore_mem>>) src(%dma_wait3A_90 : memref<10240x64xf32, #tpu.memory_space<vmem_shared>>) dst(%arg9 : memref<128x64xf32, #tpu.memory_space<vmem>>)
    %dma_wait3A_91 = arith.constant 0 : i32
    %dma_wait3A_92 = arith.constant 0 : i32
    %dma_wait3A_93 = tpu.memref_slice %arg6[%dma_wait3A_91, %dma_wait3A_92] : memref<40x128xi32, #tpu.memory_space<vmem>> -> memref<1x128xi32, #tpu.memory_space<vmem>>
    %dma_wait3A_94 = tpu.memref_squeeze %dma_wait3A_93 : memref<1x128xi32, #tpu.memory_space<vmem>> -> memref<128xi32, #tpu.memory_space<vmem>>
    %dma_wait3A_95 = arith.constant 0 : i32
    %dma_wait3A_96 = arith.constant 0 : i32
    %dma_wait3A_97 = tpu.memref_slice %arg12[%dma_wait3A_95, %dma_wait3A_96] : memref<10240x64xf32, #tpu.memory_space<vmem_shared>> -> memref<10240x64xf32, #tpu.memory_space<vmem_shared>>
    tpu.wait_indirect_dma semaphore(%arg16 : memref<!tpu.dma_semaphore, #tpu.memory_space<semaphore_mem>>) src(%dma_wait3A_97 : memref<10240x64xf32, #tpu.memory_space<vmem_shared>>) dst(%arg10 : memref<128x64xf32, #tpu.memory_space<vmem>>)
    %dma_wait3A_98 = arith.constant 0 : i32
    %dma_wait3A_99 = arith.constant 0 : i32
    %dma_wait3A_100 = tpu.memref_slice %arg6[%dma_wait3A_98, %dma_wait3A_99] : memref<40x128xi32, #tpu.memory_space<vmem>> -> memref<1x128xi32, #tpu.memory_space<vmem>>
    %dma_wait3A_101 = tpu.memref_squeeze %dma_wait3A_100 : memref<1x128xi32, #tpu.memory_space<vmem>> -> memref<128xi32, #tpu.memory_space<vmem>>
    %dma_wait3A_102 = arith.constant 0 : i32
    %dma_wait3A_103 = arith.constant 0 : i32
    %dma_wait3A_104 = tpu.memref_slice %arg12[%dma_wait3A_102, %dma_wait3A_103] : memref<10240x64xf32, #tpu.memory_space<vmem_shared>> -> memref<10240x64xf32, #tpu.memory_space<vmem_shared>>
    tpu.wait_indirect_dma semaphore(%arg17 : memref<!tpu.dma_semaphore, #tpu.memory_space<semaphore_mem>>) src(%dma_wait3A_104 : memref<10240x64xf32, #tpu.memory_space<vmem_shared>>) dst(%arg11 : memref<128x64xf32, #tpu.memory_space<vmem>>)
    "tpu.region"() ({
      %run_scoped3A = tpu.sem_alloc : memref<!tpu.dma_semaphore, #tpu.memory_space<semaphore_mem>>
      %dma_start3A_296 = arith.constant 0 : i32
      %dma_start3A_297 = arith.constant 0 : i32
      %dma_start3A_298 = tpu.memref_slice %arg3[%arg1, %dma_start3A_296, %dma_start3A_297] : memref<16x160x128xi32, #tpu.memory_space<hbm>> -> memref<1x160x128xi32, #tpu.memory_space<hbm>>
      %dma_start3A_299 = tpu.memref_squeeze %dma_start3A_298 : memref<1x160x128xi32, #tpu.memory_space<hbm>> -> memref<160x128xi32, #tpu.memory_space<hbm>>
      %dma_start3A_300 = arith.constant 40 : i32
      %dma_start3A_301 = arith.constant 0 : i32
      %dma_start3A_302 = tpu.memref_slice %dma_start3A_299[%dma_start3A_300, %dma_start3A_301] : memref<160x128xi32, #tpu.memory_space<hbm>> -> memref<40x128xi32, #tpu.memory_space<hbm>>
      %dma_start3A_303 = arith.constant 0 : i32
      %dma_start3A_304 = arith.constant 0 : i32
      %dma_start3A_305 = tpu.memref_slice %arg3[%arg1, %dma_start3A_303, %dma_start3A_304] : memref<16x160x128xi32, #tpu.memory_space<hbm>> -> memref<1x160x128xi32, #tpu.memory_space<hbm>>
      %dma_start3A_306 = tpu.memref_squeeze %dma_start3A_305 : memref<1x160x128xi32, #tpu.memory_space<hbm>> -> memref<160x128xi32, #tpu.memory_space<hbm>>
      %dma_start3A_307 = arith.constant 40 : i32
      %dma_start3A_308 = arith.constant 0 : i32
      %dma_start3A_309 = tpu.memref_slice %dma_start3A_306[%dma_start3A_307, %dma_start3A_308] : memref<160x128xi32, #tpu.memory_space<hbm>> -> memref<40x128xi32, #tpu.memory_space<hbm>>
      tpu.enqueue_dma source(%dma_start3A_309 : memref<40x128xi32, #tpu.memory_space<hbm>>) target(%arg6 : memref<40x128xi32, #tpu.memory_space<vmem>>) target_semaphore(%run_scoped3A : memref<!tpu.dma_semaphore, #tpu.memory_space<semaphore_mem>>)
      %dma_wait3A_310 = arith.constant 0 : i32
      %dma_wait3A_311 = arith.constant 0 : i32
      %dma_wait3A_312 = tpu.memref_slice %arg3[%arg1, %dma_wait3A_310, %dma_wait3A_311] : memref<16x160x128xi32, #tpu.memory_space<hbm>> -> memref<1x160x128xi32, #tpu.memory_space<hbm>>
      %dma_wait3A_313 = tpu.memref_squeeze %dma_wait3A_312 : memref<1x160x128xi32, #tpu.memory_space<hbm>> -> memref<160x128xi32, #tpu.memory_space<hbm>>
      %dma_wait3A_314 = arith.constant 40 : i32
      %dma_wait3A_315 = arith.constant 0 : i32
      %dma_wait3A_316 = tpu.memref_slice %dma_wait3A_313[%dma_wait3A_314, %dma_wait3A_315] : memref<160x128xi32, #tpu.memory_space<hbm>> -> memref<40x128xi32, #tpu.memory_space<hbm>>
      %dma_wait3A_317 = arith.constant 0 : i32
      %dma_wait3A_318 = arith.constant 0 : i32
      %dma_wait3A_319 = tpu.memref_slice %arg3[%arg1, %dma_wait3A_317, %dma_wait3A_318] : memref<16x160x128xi32, #tpu.memory_space<hbm>> -> memref<1x160x128xi32, #tpu.memory_space<hbm>>
      %dma_wait3A_320 = tpu.memref_squeeze %dma_wait3A_319 : memref<1x160x128xi32, #tpu.memory_space<hbm>> -> memref<160x128xi32, #tpu.memory_space<hbm>>
      %dma_wait3A_321 = arith.constant 40 : i32
      %dma_wait3A_322 = arith.constant 0 : i32
      %dma_wait3A_323 = tpu.memref_slice %dma_wait3A_320[%dma_wait3A_321, %dma_wait3A_322] : memref<160x128xi32, #tpu.memory_space<hbm>> -> memref<40x128xi32, #tpu.memory_space<hbm>>
      tpu.wait_dma2 semaphore(%run_scoped3A : memref<!tpu.dma_semaphore, #tpu.memory_space<semaphore_mem>>) src(%dma_wait3A_323 : memref<40x128xi32, #tpu.memory_space<hbm>>) dst(%arg6 : memref<40x128xi32, #tpu.memory_space<vmem>>)
      tpu.yield
    }) : () -> ()
    "tpu.region"() ({
      %run_scoped3A = tpu.sem_alloc : memref<!tpu.dma_semaphore, #tpu.memory_space<semaphore_mem>>
      %dma_start3A_296 = arith.constant 0 : i32
      %dma_start3A_297 = arith.constant 0 : i32
      %dma_start3A_298 = tpu.memref_slice %arg4[%arg1, %dma_start3A_296, %dma_start3A_297] : memref<16x160x128xi32, #tpu.memory_space<hbm>> -> memref<1x160x128xi32, #tpu.memory_space<hbm>>
      %dma_start3A_299 = tpu.memref_squeeze %dma_start3A_298 : memref<1x160x128xi32, #tpu.memory_space<hbm>> -> memref<160x128xi32, #tpu.memory_space<hbm>>
      %dma_start3A_300 = arith.constant 40 : i32
      %dma_start3A_301 = arith.constant 0 : i32
      %dma_start3A_302 = tpu.memref_slice %dma_start3A_299[%dma_start3A_300, %dma_start3A_301] : memref<160x128xi32, #tpu.memory_space<hbm>> -> memref<40x128xi32, #tpu.memory_space<hbm>>
      %dma_start3A_303 = arith.constant 0 : i32
      %dma_start3A_304 = arith.constant 0 : i32
      %dma_start3A_305 = tpu.memref_slice %arg4[%arg1, %dma_start3A_303, %dma_start3A_304] : memref<16x160x128xi32, #tpu.memory_space<hbm>> -> memref<1x160x128xi32, #tpu.memory_space<hbm>>
      %dma_start3A_306 = tpu.memref_squeeze %dma_start3A_305 : memref<1x160x128xi32, #tpu.memory_space<hbm>> -> memref<160x128xi32, #tpu.memory_space<hbm>>
      %dma_start3A_307 = arith.constant 40 : i32
      %dma_start3A_308 = arith.constant 0 : i32
      %dma_start3A_309 = tpu.memref_slice %dma_start3A_306[%dma_start3A_307, %dma_start3A_308] : memref<160x128xi32, #tpu.memory_space<hbm>> -> memref<40x128xi32, #tpu.memory_space<hbm>>
      tpu.enqueue_dma source(%dma_start3A_309 : memref<40x128xi32, #tpu.memory_space<hbm>>) target(%arg7 : memref<40x128xi32, #tpu.memory_space<vmem>>) target_semaphore(%run_scoped3A : memref<!tpu.dma_semaphore, #tpu.memory_space<semaphore_mem>>)
      %dma_wait3A_310 = arith.constant 0 : i32
      %dma_wait3A_311 = arith.constant 0 : i32
      %dma_wait3A_312 = tpu.memref_slice %arg4[%arg1, %dma_wait3A_310, %dma_wait3A_311] : memref<16x160x128xi32, #tpu.memory_space<hbm>> -> memref<1x160x128xi32, #tpu.memory_space<hbm>>
      %dma_wait3A_313 = tpu.memref_squeeze %dma_wait3A_312 : memref<1x160x128xi32, #tpu.memory_space<hbm>> -> memref<160x128xi32, #tpu.memory_space<hbm>>
      %dma_wait3A_314 = arith.constant 40 : i32
      %dma_wait3A_315 = arith.constant 0 : i32
      %dma_wait3A_316 = tpu.memref_slice %dma_wait3A_313[%dma_wait3A_314, %dma_wait3A_315] : memref<160x128xi32, #tpu.memory_space<hbm>> -> memref<40x128xi32, #tpu.memory_space<hbm>>
      %dma_wait3A_317 = arith.constant 0 : i32
      %dma_wait3A_318 = arith.constant 0 : i32
      %dma_wait3A_319 = tpu.memref_slice %arg4[%arg1, %dma_wait3A_317, %dma_wait3A_318] : memref<16x160x128xi32, #tpu.memory_space<hbm>> -> memref<1x160x128xi32, #tpu.memory_space<hbm>>
      %dma_wait3A_320 = tpu.memref_squeeze %dma_wait3A_319 : memref<1x160x128xi32, #tpu.memory_space<hbm>> -> memref<160x128xi32, #tpu.memory_space<hbm>>
      %dma_wait3A_321 = arith.constant 40 : i32
      %dma_wait3A_322 = arith.constant 0 : i32
      %dma_wait3A_323 = tpu.memref_slice %dma_wait3A_320[%dma_wait3A_321, %dma_wait3A_322] : memref<160x128xi32, #tpu.memory_space<hbm>> -> memref<40x128xi32, #tpu.memory_space<hbm>>
      tpu.wait_dma2 semaphore(%run_scoped3A : memref<!tpu.dma_semaphore, #tpu.memory_space<semaphore_mem>>) src(%dma_wait3A_323 : memref<40x128xi32, #tpu.memory_space<hbm>>) dst(%arg7 : memref<40x128xi32, #tpu.memory_space<vmem>>)
      tpu.yield
    }) : () -> ()
    %dma_start3A_105 = arith.constant 0 : i32
    %dma_start3A_106 = arith.constant 0 : i32
    %dma_start3A_107 = tpu.memref_slice %arg6[%dma_start3A_105, %dma_start3A_106] : memref<40x128xi32, #tpu.memory_space<vmem>> -> memref<1x128xi32, #tpu.memory_space<vmem>>
    %dma_start3A_108 = tpu.memref_squeeze %dma_start3A_107 : memref<1x128xi32, #tpu.memory_space<vmem>> -> memref<128xi32, #tpu.memory_space<vmem>>
    %dma_start3A_109 = arith.constant 0 : i32
    %dma_start3A_110 = arith.constant 0 : i32
    %dma_start3A_111 = tpu.memref_slice %arg12[%dma_start3A_109, %dma_start3A_110] : memref<10240x64xf32, #tpu.memory_space<vmem_shared>> -> memref<10240x64xf32, #tpu.memory_space<vmem_shared>>
    tpu.enqueue_indirect_dma source(%dma_start3A_111 : memref<10240x64xf32, #tpu.memory_space<vmem_shared>>) target(%arg8 : memref<128x64xf32, #tpu.memory_space<vmem>>) offsets(%dma_start3A_108 : memref<128xi32, #tpu.memory_space<vmem>>) semaphore(%arg14 : memref<!tpu.dma_semaphore, #tpu.memory_space<semaphore_mem>>)
    %dma_start3A_112 = arith.constant 1 : i32
    %dma_start3A_113 = arith.constant 0 : i32
    %dma_start3A_114 = tpu.memref_slice %arg6[%dma_start3A_112, %dma_start3A_113] : memref<40x128xi32, #tpu.memory_space<vmem>> -> memref<1x128xi32, #tpu.memory_space<vmem>>
    %dma_start3A_115 = tpu.memref_squeeze %dma_start3A_114 : memref<1x128xi32, #tpu.memory_space<vmem>> -> memref<128xi32, #tpu.memory_space<vmem>>
    %dma_start3A_116 = arith.constant 0 : i32
    %dma_start3A_117 = arith.constant 0 : i32
    %dma_start3A_118 = tpu.memref_slice %arg12[%dma_start3A_116, %dma_start3A_117] : memref<10240x64xf32, #tpu.memory_space<vmem_shared>> -> memref<10240x64xf32, #tpu.memory_space<vmem_shared>>
    tpu.enqueue_indirect_dma source(%dma_start3A_118 : memref<10240x64xf32, #tpu.memory_space<vmem_shared>>) target(%arg9 : memref<128x64xf32, #tpu.memory_space<vmem>>) offsets(%dma_start3A_115 : memref<128xi32, #tpu.memory_space<vmem>>) semaphore(%arg15 : memref<!tpu.dma_semaphore, #tpu.memory_space<semaphore_mem>>)
    %dma_start3A_119 = arith.constant 2 : i32
    %dma_start3A_120 = arith.constant 0 : i32
    %dma_start3A_121 = tpu.memref_slice %arg6[%dma_start3A_119, %dma_start3A_120] : memref<40x128xi32, #tpu.memory_space<vmem>> -> memref<1x128xi32, #tpu.memory_space<vmem>>
    %dma_start3A_122 = tpu.memref_squeeze %dma_start3A_121 : memref<1x128xi32, #tpu.memory_space<vmem>> -> memref<128xi32, #tpu.memory_space<vmem>>
    %dma_start3A_123 = arith.constant 0 : i32
    %dma_start3A_124 = arith.constant 0 : i32
    %dma_start3A_125 = tpu.memref_slice %arg12[%dma_start3A_123, %dma_start3A_124] : memref<10240x64xf32, #tpu.memory_space<vmem_shared>> -> memref<10240x64xf32, #tpu.memory_space<vmem_shared>>
    tpu.enqueue_indirect_dma source(%dma_start3A_125 : memref<10240x64xf32, #tpu.memory_space<vmem_shared>>) target(%arg10 : memref<128x64xf32, #tpu.memory_space<vmem>>) offsets(%dma_start3A_122 : memref<128xi32, #tpu.memory_space<vmem>>) semaphore(%arg16 : memref<!tpu.dma_semaphore, #tpu.memory_space<semaphore_mem>>)
    %dma_start3A_126 = arith.constant 3 : i32
    %dma_start3A_127 = arith.constant 0 : i32
    %dma_start3A_128 = tpu.memref_slice %arg6[%dma_start3A_126, %dma_start3A_127] : memref<40x128xi32, #tpu.memory_space<vmem>> -> memref<1x128xi32, #tpu.memory_space<vmem>>
    %dma_start3A_129 = tpu.memref_squeeze %dma_start3A_128 : memref<1x128xi32, #tpu.memory_space<vmem>> -> memref<128xi32, #tpu.memory_space<vmem>>
    %dma_start3A_130 = arith.constant 0 : i32
    %dma_start3A_131 = arith.constant 0 : i32
    %dma_start3A_132 = tpu.memref_slice %arg12[%dma_start3A_130, %dma_start3A_131] : memref<10240x64xf32, #tpu.memory_space<vmem_shared>> -> memref<10240x64xf32, #tpu.memory_space<vmem_shared>>
    tpu.enqueue_indirect_dma source(%dma_start3A_132 : memref<10240x64xf32, #tpu.memory_space<vmem_shared>>) target(%arg11 : memref<128x64xf32, #tpu.memory_space<vmem>>) offsets(%dma_start3A_129 : memref<128xi32, #tpu.memory_space<vmem>>) semaphore(%arg17 : memref<!tpu.dma_semaphore, #tpu.memory_space<semaphore_mem>>)
    %scan3A_133 = arith.constant 0 : i32
    %scan3A_134 = arith.constant 0 : i32
    %scan3A_135 = arith.constant 10 : i32
    %scan3A_136 = arith.addi %scan3A_134, %scan3A_135 : i32
    %scan3A_137 = arith.constant 1 : i32
    scf.for %scan3A_296 = %scan3A_134 to %scan3A_136 step %scan3A_137  : i32 {
      %mul3A_297 = arith.constant 4 : i32
      %mul3A_298 = arith.muli %scan3A_296, %mul3A_297 : i32
      %dma_wait3A_299 = arith.constant 0 : i32
      %dma_wait3A_300 = arith.constant 0 : i32
      %dma_wait3A_301 = tpu.memref_slice %arg6[%dma_wait3A_299, %dma_wait3A_300] : memref<40x128xi32, #tpu.memory_space<vmem>> -> memref<1x128xi32, #tpu.memory_space<vmem>>
      %dma_wait3A_302 = tpu.memref_squeeze %dma_wait3A_301 : memref<1x128xi32, #tpu.memory_space<vmem>> -> memref<128xi32, #tpu.memory_space<vmem>>
      %dma_wait3A_303 = arith.constant 0 : i32
      %dma_wait3A_304 = arith.constant 0 : i32
      %dma_wait3A_305 = tpu.memref_slice %arg12[%dma_wait3A_303, %dma_wait3A_304] : memref<10240x64xf32, #tpu.memory_space<vmem_shared>> -> memref<10240x64xf32, #tpu.memory_space<vmem_shared>>
      tpu.wait_indirect_dma semaphore(%arg14 : memref<!tpu.dma_semaphore, #tpu.memory_space<semaphore_mem>>) src(%dma_wait3A_305 : memref<10240x64xf32, #tpu.memory_space<vmem_shared>>) dst(%arg8 : memref<128x64xf32, #tpu.memory_space<vmem>>)
      %add3A_306 = arith.constant 0 : i32
      %add3A_307 = arith.addi %mul3A_298, %add3A_306 : i32
      %dma_start3A_308 = arith.constant 0 : i32
      %dma_start3A_309 = tpu.memref_slice %arg7[%add3A_307, %dma_start3A_308] : memref<40x128xi32, #tpu.memory_space<vmem>> -> memref<1x128xi32, #tpu.memory_space<vmem>>
      %dma_start3A_310 = tpu.memref_squeeze %dma_start3A_309 : memref<1x128xi32, #tpu.memory_space<vmem>> -> memref<128xi32, #tpu.memory_space<vmem>>
      %dma_start3A_311 = arith.constant 0 : i32
      %dma_start3A_312 = arith.constant 0 : i32
      %dma_start3A_313 = tpu.memref_slice %arg13[%dma_start3A_311, %dma_start3A_312] : memref<10240x64xf32, #tpu.memory_space<vmem_shared>> -> memref<10240x64xf32, #tpu.memory_space<vmem_shared>>
      tpu.enqueue_indirect_dma source(%arg8 : memref<128x64xf32, #tpu.memory_space<vmem>>) target(%dma_start3A_313 : memref<10240x64xf32, #tpu.memory_space<vmem_shared>>) offsets(%dma_start3A_310 : memref<128xi32, #tpu.memory_space<vmem>>) semaphore(%arg18 : memref<!tpu.dma_semaphore, #tpu.memory_space<semaphore_mem>>) {add = true}
      %dma_wait3A_314 = arith.constant 0 : i32
      %dma_wait3A_315 = arith.constant 0 : i32
      %dma_wait3A_316 = tpu.memref_slice %arg6[%dma_wait3A_314, %dma_wait3A_315] : memref<40x128xi32, #tpu.memory_space<vmem>> -> memref<1x128xi32, #tpu.memory_space<vmem>>
      %dma_wait3A_317 = tpu.memref_squeeze %dma_wait3A_316 : memref<1x128xi32, #tpu.memory_space<vmem>> -> memref<128xi32, #tpu.memory_space<vmem>>
      %dma_wait3A_318 = arith.constant 0 : i32
      %dma_wait3A_319 = arith.constant 0 : i32
      %dma_wait3A_320 = tpu.memref_slice %arg12[%dma_wait3A_318, %dma_wait3A_319] : memref<10240x64xf32, #tpu.memory_space<vmem_shared>> -> memref<10240x64xf32, #tpu.memory_space<vmem_shared>>
      tpu.wait_indirect_dma semaphore(%arg15 : memref<!tpu.dma_semaphore, #tpu.memory_space<semaphore_mem>>) src(%dma_wait3A_320 : memref<10240x64xf32, #tpu.memory_space<vmem_shared>>) dst(%arg9 : memref<128x64xf32, #tpu.memory_space<vmem>>)
      %add3A_321 = arith.constant 1 : i32
      %add3A_322 = arith.addi %mul3A_298, %add3A_321 : i32
      %dma_start3A_323 = arith.constant 0 : i32
      %dma_start3A_324 = tpu.memref_slice %arg7[%add3A_322, %dma_start3A_323] : memref<40x128xi32, #tpu.memory_space<vmem>> -> memref<1x128xi32, #tpu.memory_space<vmem>>
      %dma_start3A_325 = tpu.memref_squeeze %dma_start3A_324 : memref<1x128xi32, #tpu.memory_space<vmem>> -> memref<128xi32, #tpu.memory_space<vmem>>
      %dma_start3A_326 = arith.constant 0 : i32
      %dma_start3A_327 = arith.constant 0 : i32
      %dma_start3A_328 = tpu.memref_slice %arg13[%dma_start3A_326, %dma_start3A_327] : memref<10240x64xf32, #tpu.memory_space<vmem_shared>> -> memref<10240x64xf32, #tpu.memory_space<vmem_shared>>
      tpu.enqueue_indirect_dma source(%arg9 : memref<128x64xf32, #tpu.memory_space<vmem>>) target(%dma_start3A_328 : memref<10240x64xf32, #tpu.memory_space<vmem_shared>>) offsets(%dma_start3A_325 : memref<128xi32, #tpu.memory_space<vmem>>) semaphore(%arg19 : memref<!tpu.dma_semaphore, #tpu.memory_space<semaphore_mem>>) {add = true}
      %dma_wait3A_329 = arith.constant 0 : i32
      %dma_wait3A_330 = arith.constant 0 : i32
      %dma_wait3A_331 = tpu.memref_slice %arg6[%dma_wait3A_329, %dma_wait3A_330] : memref<40x128xi32, #tpu.memory_space<vmem>> -> memref<1x128xi32, #tpu.memory_space<vmem>>
      %dma_wait3A_332 = tpu.memref_squeeze %dma_wait3A_331 : memref<1x128xi32, #tpu.memory_space<vmem>> -> memref<128xi32, #tpu.memory_space<vmem>>
      %dma_wait3A_333 = arith.constant 0 : i32
      %dma_wait3A_334 = arith.constant 0 : i32
      %dma_wait3A_335 = tpu.memref_slice %arg12[%dma_wait3A_333, %dma_wait3A_334] : memref<10240x64xf32, #tpu.memory_space<vmem_shared>> -> memref<10240x64xf32, #tpu.memory_space<vmem_shared>>
      tpu.wait_indirect_dma semaphore(%arg16 : memref<!tpu.dma_semaphore, #tpu.memory_space<semaphore_mem>>) src(%dma_wait3A_335 : memref<10240x64xf32, #tpu.memory_space<vmem_shared>>) dst(%arg10 : memref<128x64xf32, #tpu.memory_space<vmem>>)
      %add3A_336 = arith.constant 2 : i32
      %add3A_337 = arith.addi %mul3A_298, %add3A_336 : i32
      %dma_start3A_338 = arith.constant 0 : i32
      %dma_start3A_339 = tpu.memref_slice %arg7[%add3A_337, %dma_start3A_338] : memref<40x128xi32, #tpu.memory_space<vmem>> -> memref<1x128xi32, #tpu.memory_space<vmem>>
      %dma_start3A_340 = tpu.memref_squeeze %dma_start3A_339 : memref<1x128xi32, #tpu.memory_space<vmem>> -> memref<128xi32, #tpu.memory_space<vmem>>
      %dma_start3A_341 = arith.constant 0 : i32
      %dma_start3A_342 = arith.constant 0 : i32
      %dma_start3A_343 = tpu.memref_slice %arg13[%dma_start3A_341, %dma_start3A_342] : memref<10240x64xf32, #tpu.memory_space<vmem_shared>> -> memref<10240x64xf32, #tpu.memory_space<vmem_shared>>
      tpu.enqueue_indirect_dma source(%arg10 : memref<128x64xf32, #tpu.memory_space<vmem>>) target(%dma_start3A_343 : memref<10240x64xf32, #tpu.memory_space<vmem_shared>>) offsets(%dma_start3A_340 : memref<128xi32, #tpu.memory_space<vmem>>) semaphore(%arg20 : memref<!tpu.dma_semaphore, #tpu.memory_space<semaphore_mem>>) {add = true}
      %dma_wait3A_344 = arith.constant 0 : i32
      %dma_wait3A_345 = arith.constant 0 : i32
      %dma_wait3A_346 = tpu.memref_slice %arg6[%dma_wait3A_344, %dma_wait3A_345] : memref<40x128xi32, #tpu.memory_space<vmem>> -> memref<1x128xi32, #tpu.memory_space<vmem>>
      %dma_wait3A_347 = tpu.memref_squeeze %dma_wait3A_346 : memref<1x128xi32, #tpu.memory_space<vmem>> -> memref<128xi32, #tpu.memory_space<vmem>>
      %dma_wait3A_348 = arith.constant 0 : i32
      %dma_wait3A_349 = arith.constant 0 : i32
      %dma_wait3A_350 = tpu.memref_slice %arg12[%dma_wait3A_348, %dma_wait3A_349] : memref<10240x64xf32, #tpu.memory_space<vmem_shared>> -> memref<10240x64xf32, #tpu.memory_space<vmem_shared>>
      tpu.wait_indirect_dma semaphore(%arg17 : memref<!tpu.dma_semaphore, #tpu.memory_space<semaphore_mem>>) src(%dma_wait3A_350 : memref<10240x64xf32, #tpu.memory_space<vmem_shared>>) dst(%arg11 : memref<128x64xf32, #tpu.memory_space<vmem>>)
      %add3A_351 = arith.constant 3 : i32
      %add3A_352 = arith.addi %mul3A_298, %add3A_351 : i32
      %dma_start3A_353 = arith.constant 0 : i32
      %dma_start3A_354 = tpu.memref_slice %arg7[%add3A_352, %dma_start3A_353] : memref<40x128xi32, #tpu.memory_space<vmem>> -> memref<1x128xi32, #tpu.memory_space<vmem>>
      %dma_start3A_355 = tpu.memref_squeeze %dma_start3A_354 : memref<1x128xi32, #tpu.memory_space<vmem>> -> memref<128xi32, #tpu.memory_space<vmem>>
      %dma_start3A_356 = arith.constant 0 : i32
      %dma_start3A_357 = arith.constant 0 : i32
      %dma_start3A_358 = tpu.memref_slice %arg13[%dma_start3A_356, %dma_start3A_357] : memref<10240x64xf32, #tpu.memory_space<vmem_shared>> -> memref<10240x64xf32, #tpu.memory_space<vmem_shared>>
      tpu.enqueue_indirect_dma source(%arg11 : memref<128x64xf32, #tpu.memory_space<vmem>>) target(%dma_start3A_358 : memref<10240x64xf32, #tpu.memory_space<vmem_shared>>) offsets(%dma_start3A_355 : memref<128xi32, #tpu.memory_space<vmem>>) semaphore(%arg21 : memref<!tpu.dma_semaphore, #tpu.memory_space<semaphore_mem>>) {add = true}
      %dma_wait3A_359 = arith.constant 0 : i32
      %dma_wait3A_360 = arith.constant 0 : i32
      %dma_wait3A_361 = tpu.memref_slice %arg7[%dma_wait3A_359, %dma_wait3A_360] : memref<40x128xi32, #tpu.memory_space<vmem>> -> memref<1x128xi32, #tpu.memory_space<vmem>>
      %dma_wait3A_362 = tpu.memref_squeeze %dma_wait3A_361 : memref<1x128xi32, #tpu.memory_space<vmem>> -> memref<128xi32, #tpu.memory_space<vmem>>
      %dma_wait3A_363 = arith.constant 0 : i32
      %dma_wait3A_364 = arith.constant 0 : i32
      %dma_wait3A_365 = tpu.memref_slice %arg13[%dma_wait3A_363, %dma_wait3A_364] : memref<10240x64xf32, #tpu.memory_space<vmem_shared>> -> memref<10240x64xf32, #tpu.memory_space<vmem_shared>>
      tpu.wait_indirect_dma semaphore(%arg18 : memref<!tpu.dma_semaphore, #tpu.memory_space<semaphore_mem>>) src(%arg8 : memref<128x64xf32, #tpu.memory_space<vmem>>) dst(%dma_wait3A_365 : memref<10240x64xf32, #tpu.memory_space<vmem_shared>>)
      %add3A_366 = arith.constant 4 : i32
      %add3A_367 = arith.addi %mul3A_298, %add3A_366 : i32
      %add3A_368 = arith.constant 0 : i32
      %add3A_369 = arith.addi %add3A_367, %add3A_368 : i32
      %min3A = arith.constant 39 : i32
      %min3A_370 = arith.minsi %add3A_369, %min3A : i32
      %dma_start3A_371 = arith.constant 0 : i32
      %dma_start3A_372 = tpu.memref_slice %arg6[%min3A_370, %dma_start3A_371] : memref<40x128xi32, #tpu.memory_space<vmem>> -> memref<1x128xi32, #tpu.memory_space<vmem>>
      %dma_start3A_373 = tpu.memref_squeeze %dma_start3A_372 : memref<1x128xi32, #tpu.memory_space<vmem>> -> memref<128xi32, #tpu.memory_space<vmem>>
      %dma_start3A_374 = arith.constant 0 : i32
      %dma_start3A_375 = arith.constant 0 : i32
      %dma_start3A_376 = tpu.memref_slice %arg12[%dma_start3A_374, %dma_start3A_375] : memref<10240x64xf32, #tpu.memory_space<vmem_shared>> -> memref<10240x64xf32, #tpu.memory_space<vmem_shared>>
      tpu.enqueue_indirect_dma source(%dma_start3A_376 : memref<10240x64xf32, #tpu.memory_space<vmem_shared>>) target(%arg8 : memref<128x64xf32, #tpu.memory_space<vmem>>) offsets(%dma_start3A_373 : memref<128xi32, #tpu.memory_space<vmem>>) semaphore(%arg14 : memref<!tpu.dma_semaphore, #tpu.memory_space<semaphore_mem>>)
      %dma_wait3A_377 = arith.constant 0 : i32
      %dma_wait3A_378 = arith.constant 0 : i32
      %dma_wait3A_379 = tpu.memref_slice %arg7[%dma_wait3A_377, %dma_wait3A_378] : memref<40x128xi32, #tpu.memory_space<vmem>> -> memref<1x128xi32, #tpu.memory_space<vmem>>
      %dma_wait3A_380 = tpu.memref_squeeze %dma_wait3A_379 : memref<1x128xi32, #tpu.memory_space<vmem>> -> memref<128xi32, #tpu.memory_space<vmem>>
      %dma_wait3A_381 = arith.constant 0 : i32
      %dma_wait3A_382 = arith.constant 0 : i32
      %dma_wait3A_383 = tpu.memref_slice %arg13[%dma_wait3A_381, %dma_wait3A_382] : memref<10240x64xf32, #tpu.memory_space<vmem_shared>> -> memref<10240x64xf32, #tpu.memory_space<vmem_shared>>
      tpu.wait_indirect_dma semaphore(%arg19 : memref<!tpu.dma_semaphore, #tpu.memory_space<semaphore_mem>>) src(%arg9 : memref<128x64xf32, #tpu.memory_space<vmem>>) dst(%dma_wait3A_383 : memref<10240x64xf32, #tpu.memory_space<vmem_shared>>)
      %add3A_384 = arith.constant 4 : i32
      %add3A_385 = arith.addi %mul3A_298, %add3A_384 : i32
      %add3A_386 = arith.constant 1 : i32
      %add3A_387 = arith.addi %add3A_385, %add3A_386 : i32
      %min3A_388 = arith.constant 39 : i32
      %min3A_389 = arith.minsi %add3A_387, %min3A_388 : i32
      %dma_start3A_390 = arith.constant 0 : i32
      %dma_start3A_391 = tpu.memref_slice %arg6[%min3A_389, %dma_start3A_390] : memref<40x128xi32, #tpu.memory_space<vmem>> -> memref<1x128xi32, #tpu.memory_space<vmem>>
      %dma_start3A_392 = tpu.memref_squeeze %dma_start3A_391 : memref<1x128xi32, #tpu.memory_space<vmem>> -> memref<128xi32, #tpu.memory_space<vmem>>
      %dma_start3A_393 = arith.constant 0 : i32
      %dma_start3A_394 = arith.constant 0 : i32
      %dma_start3A_395 = tpu.memref_slice %arg12[%dma_start3A_393, %dma_start3A_394] : memref<10240x64xf32, #tpu.memory_space<vmem_shared>> -> memref<10240x64xf32, #tpu.memory_space<vmem_shared>>
      tpu.enqueue_indirect_dma source(%dma_start3A_395 : memref<10240x64xf32, #tpu.memory_space<vmem_shared>>) target(%arg9 : memref<128x64xf32, #tpu.memory_space<vmem>>) offsets(%dma_start3A_392 : memref<128xi32, #tpu.memory_space<vmem>>) semaphore(%arg15 : memref<!tpu.dma_semaphore, #tpu.memory_space<semaphore_mem>>)
      %dma_wait3A_396 = arith.constant 0 : i32
      %dma_wait3A_397 = arith.constant 0 : i32
      %dma_wait3A_398 = tpu.memref_slice %arg7[%dma_wait3A_396, %dma_wait3A_397] : memref<40x128xi32, #tpu.memory_space<vmem>> -> memref<1x128xi32, #tpu.memory_space<vmem>>
      %dma_wait3A_399 = tpu.memref_squeeze %dma_wait3A_398 : memref<1x128xi32, #tpu.memory_space<vmem>> -> memref<128xi32, #tpu.memory_space<vmem>>
      %dma_wait3A_400 = arith.constant 0 : i32
      %dma_wait3A_401 = arith.constant 0 : i32
      %dma_wait3A_402 = tpu.memref_slice %arg13[%dma_wait3A_400, %dma_wait3A_401] : memref<10240x64xf32, #tpu.memory_space<vmem_shared>> -> memref<10240x64xf32, #tpu.memory_space<vmem_shared>>
      tpu.wait_indirect_dma semaphore(%arg20 : memref<!tpu.dma_semaphore, #tpu.memory_space<semaphore_mem>>) src(%arg10 : memref<128x64xf32, #tpu.memory_space<vmem>>) dst(%dma_wait3A_402 : memref<10240x64xf32, #tpu.memory_space<vmem_shared>>)
      %add3A_403 = arith.constant 4 : i32
      %add3A_404 = arith.addi %mul3A_298, %add3A_403 : i32
      %add3A_405 = arith.constant 2 : i32
      %add3A_406 = arith.addi %add3A_404, %add3A_405 : i32
      %min3A_407 = arith.constant 39 : i32
      %min3A_408 = arith.minsi %add3A_406, %min3A_407 : i32
      %dma_start3A_409 = arith.constant 0 : i32
      %dma_start3A_410 = tpu.memref_slice %arg6[%min3A_408, %dma_start3A_409] : memref<40x128xi32, #tpu.memory_space<vmem>> -> memref<1x128xi32, #tpu.memory_space<vmem>>
      %dma_start3A_411 = tpu.memref_squeeze %dma_start3A_410 : memref<1x128xi32, #tpu.memory_space<vmem>> -> memref<128xi32, #tpu.memory_space<vmem>>
      %dma_start3A_412 = arith.constant 0 : i32
      %dma_start3A_413 = arith.constant 0 : i32
      %dma_start3A_414 = tpu.memref_slice %arg12[%dma_start3A_412, %dma_start3A_413] : memref<10240x64xf32, #tpu.memory_space<vmem_shared>> -> memref<10240x64xf32, #tpu.memory_space<vmem_shared>>
      tpu.enqueue_indirect_dma source(%dma_start3A_414 : memref<10240x64xf32, #tpu.memory_space<vmem_shared>>) target(%arg10 : memref<128x64xf32, #tpu.memory_space<vmem>>) offsets(%dma_start3A_411 : memref<128xi32, #tpu.memory_space<vmem>>) semaphore(%arg16 : memref<!tpu.dma_semaphore, #tpu.memory_space<semaphore_mem>>)
      %dma_wait3A_415 = arith.constant 0 : i32
      %dma_wait3A_416 = arith.constant 0 : i32
      %dma_wait3A_417 = tpu.memref_slice %arg7[%dma_wait3A_415, %dma_wait3A_416] : memref<40x128xi32, #tpu.memory_space<vmem>> -> memref<1x128xi32, #tpu.memory_space<vmem>>
      %dma_wait3A_418 = tpu.memref_squeeze %dma_wait3A_417 : memref<1x128xi32, #tpu.memory_space<vmem>> -> memref<128xi32, #tpu.memory_space<vmem>>
      %dma_wait3A_419 = arith.constant 0 : i32
      %dma_wait3A_420 = arith.constant 0 : i32
      %dma_wait3A_421 = tpu.memref_slice %arg13[%dma_wait3A_419, %dma_wait3A_420] : memref<10240x64xf32, #tpu.memory_space<vmem_shared>> -> memref<10240x64xf32, #tpu.memory_space<vmem_shared>>
      tpu.wait_indirect_dma semaphore(%arg21 : memref<!tpu.dma_semaphore, #tpu.memory_space<semaphore_mem>>) src(%arg11 : memref<128x64xf32, #tpu.memory_space<vmem>>) dst(%dma_wait3A_421 : memref<10240x64xf32, #tpu.memory_space<vmem_shared>>)
      %add3A_422 = arith.constant 4 : i32
      %add3A_423 = arith.addi %mul3A_298, %add3A_422 : i32
      %add3A_424 = arith.constant 3 : i32
      %add3A_425 = arith.addi %add3A_423, %add3A_424 : i32
      %min3A_426 = arith.constant 39 : i32
      %min3A_427 = arith.minsi %add3A_425, %min3A_426 : i32
      %dma_start3A_428 = arith.constant 0 : i32
      %dma_start3A_429 = tpu.memref_slice %arg6[%min3A_427, %dma_start3A_428] : memref<40x128xi32, #tpu.memory_space<vmem>> -> memref<1x128xi32, #tpu.memory_space<vmem>>
      %dma_start3A_430 = tpu.memref_squeeze %dma_start3A_429 : memref<1x128xi32, #tpu.memory_space<vmem>> -> memref<128xi32, #tpu.memory_space<vmem>>
      %dma_start3A_431 = arith.constant 0 : i32
      %dma_start3A_432 = arith.constant 0 : i32
      %dma_start3A_433 = tpu.memref_slice %arg12[%dma_start3A_431, %dma_start3A_432] : memref<10240x64xf32, #tpu.memory_space<vmem_shared>> -> memref<10240x64xf32, #tpu.memory_space<vmem_shared>>
      tpu.enqueue_indirect_dma source(%dma_start3A_433 : memref<10240x64xf32, #tpu.memory_space<vmem_shared>>) target(%arg11 : memref<128x64xf32, #tpu.memory_space<vmem>>) offsets(%dma_start3A_430 : memref<128xi32, #tpu.memory_space<vmem>>) semaphore(%arg17 : memref<!tpu.dma_semaphore, #tpu.memory_space<semaphore_mem>>)
    }
    %scan3A_138 = arith.constant 10 : i32
    %dma_wait3A_139 = arith.constant 0 : i32
    %dma_wait3A_140 = arith.constant 0 : i32
    %dma_wait3A_141 = tpu.memref_slice %arg6[%dma_wait3A_139, %dma_wait3A_140] : memref<40x128xi32, #tpu.memory_space<vmem>> -> memref<1x128xi32, #tpu.memory_space<vmem>>
    %dma_wait3A_142 = tpu.memref_squeeze %dma_wait3A_141 : memref<1x128xi32, #tpu.memory_space<vmem>> -> memref<128xi32, #tpu.memory_space<vmem>>
    %dma_wait3A_143 = arith.constant 0 : i32
    %dma_wait3A_144 = arith.constant 0 : i32
    %dma_wait3A_145 = tpu.memref_slice %arg12[%dma_wait3A_143, %dma_wait3A_144] : memref<10240x64xf32, #tpu.memory_space<vmem_shared>> -> memref<10240x64xf32, #tpu.memory_space<vmem_shared>>
    tpu.wait_indirect_dma semaphore(%arg14 : memref<!tpu.dma_semaphore, #tpu.memory_space<semaphore_mem>>) src(%dma_wait3A_145 : memref<10240x64xf32, #tpu.memory_space<vmem_shared>>) dst(%arg8 : memref<128x64xf32, #tpu.memory_space<vmem>>)
    %dma_wait3A_146 = arith.constant 0 : i32
    %dma_wait3A_147 = arith.constant 0 : i32
    %dma_wait3A_148 = tpu.memref_slice %arg6[%dma_wait3A_146, %dma_wait3A_147] : memref<40x128xi32, #tpu.memory_space<vmem>> -> memref<1x128xi32, #tpu.memory_space<vmem>>
    %dma_wait3A_149 = tpu.memref_squeeze %dma_wait3A_148 : memref<1x128xi32, #tpu.memory_space<vmem>> -> memref<128xi32, #tpu.memory_space<vmem>>
    %dma_wait3A_150 = arith.constant 0 : i32
    %dma_wait3A_151 = arith.constant 0 : i32
    %dma_wait3A_152 = tpu.memref_slice %arg12[%dma_wait3A_150, %dma_wait3A_151] : memref<10240x64xf32, #tpu.memory_space<vmem_shared>> -> memref<10240x64xf32, #tpu.memory_space<vmem_shared>>
    tpu.wait_indirect_dma semaphore(%arg15 : memref<!tpu.dma_semaphore, #tpu.memory_space<semaphore_mem>>) src(%dma_wait3A_152 : memref<10240x64xf32, #tpu.memory_space<vmem_shared>>) dst(%arg9 : memref<128x64xf32, #tpu.memory_space<vmem>>)
    %dma_wait3A_153 = arith.constant 0 : i32
    %dma_wait3A_154 = arith.constant 0 : i32
    %dma_wait3A_155 = tpu.memref_slice %arg6[%dma_wait3A_153, %dma_wait3A_154] : memref<40x128xi32, #tpu.memory_space<vmem>> -> memref<1x128xi32, #tpu.memory_space<vmem>>
    %dma_wait3A_156 = tpu.memref_squeeze %dma_wait3A_155 : memref<1x128xi32, #tpu.memory_space<vmem>> -> memref<128xi32, #tpu.memory_space<vmem>>
    %dma_wait3A_157 = arith.constant 0 : i32
    %dma_wait3A_158 = arith.constant 0 : i32
    %dma_wait3A_159 = tpu.memref_slice %arg12[%dma_wait3A_157, %dma_wait3A_158] : memref<10240x64xf32, #tpu.memory_space<vmem_shared>> -> memref<10240x64xf32, #tpu.memory_space<vmem_shared>>
    tpu.wait_indirect_dma semaphore(%arg16 : memref<!tpu.dma_semaphore, #tpu.memory_space<semaphore_mem>>) src(%dma_wait3A_159 : memref<10240x64xf32, #tpu.memory_space<vmem_shared>>) dst(%arg10 : memref<128x64xf32, #tpu.memory_space<vmem>>)
    %dma_wait3A_160 = arith.constant 0 : i32
    %dma_wait3A_161 = arith.constant 0 : i32
    %dma_wait3A_162 = tpu.memref_slice %arg6[%dma_wait3A_160, %dma_wait3A_161] : memref<40x128xi32, #tpu.memory_space<vmem>> -> memref<1x128xi32, #tpu.memory_space<vmem>>
    %dma_wait3A_163 = tpu.memref_squeeze %dma_wait3A_162 : memref<1x128xi32, #tpu.memory_space<vmem>> -> memref<128xi32, #tpu.memory_space<vmem>>
    %dma_wait3A_164 = arith.constant 0 : i32
    %dma_wait3A_165 = arith.constant 0 : i32
    %dma_wait3A_166 = tpu.memref_slice %arg12[%dma_wait3A_164, %dma_wait3A_165] : memref<10240x64xf32, #tpu.memory_space<vmem_shared>> -> memref<10240x64xf32, #tpu.memory_space<vmem_shared>>
    tpu.wait_indirect_dma semaphore(%arg17 : memref<!tpu.dma_semaphore, #tpu.memory_space<semaphore_mem>>) src(%dma_wait3A_166 : memref<10240x64xf32, #tpu.memory_space<vmem_shared>>) dst(%arg11 : memref<128x64xf32, #tpu.memory_space<vmem>>)
    "tpu.region"() ({
      %run_scoped3A = tpu.sem_alloc : memref<!tpu.dma_semaphore, #tpu.memory_space<semaphore_mem>>
      %dma_start3A_296 = arith.constant 0 : i32
      %dma_start3A_297 = arith.constant 0 : i32
      %dma_start3A_298 = tpu.memref_slice %arg3[%arg1, %dma_start3A_296, %dma_start3A_297] : memref<16x160x128xi32, #tpu.memory_space<hbm>> -> memref<1x160x128xi32, #tpu.memory_space<hbm>>
      %dma_start3A_299 = tpu.memref_squeeze %dma_start3A_298 : memref<1x160x128xi32, #tpu.memory_space<hbm>> -> memref<160x128xi32, #tpu.memory_space<hbm>>
      %dma_start3A_300 = arith.constant 80 : i32
      %dma_start3A_301 = arith.constant 0 : i32
      %dma_start3A_302 = tpu.memref_slice %dma_start3A_299[%dma_start3A_300, %dma_start3A_301] : memref<160x128xi32, #tpu.memory_space<hbm>> -> memref<40x128xi32, #tpu.memory_space<hbm>>
      %dma_start3A_303 = arith.constant 0 : i32
      %dma_start3A_304 = arith.constant 0 : i32
      %dma_start3A_305 = tpu.memref_slice %arg3[%arg1, %dma_start3A_303, %dma_start3A_304] : memref<16x160x128xi32, #tpu.memory_space<hbm>> -> memref<1x160x128xi32, #tpu.memory_space<hbm>>
      %dma_start3A_306 = tpu.memref_squeeze %dma_start3A_305 : memref<1x160x128xi32, #tpu.memory_space<hbm>> -> memref<160x128xi32, #tpu.memory_space<hbm>>
      %dma_start3A_307 = arith.constant 80 : i32
      %dma_start3A_308 = arith.constant 0 : i32
      %dma_start3A_309 = tpu.memref_slice %dma_start3A_306[%dma_start3A_307, %dma_start3A_308] : memref<160x128xi32, #tpu.memory_space<hbm>> -> memref<40x128xi32, #tpu.memory_space<hbm>>
      tpu.enqueue_dma source(%dma_start3A_309 : memref<40x128xi32, #tpu.memory_space<hbm>>) target(%arg6 : memref<40x128xi32, #tpu.memory_space<vmem>>) target_semaphore(%run_scoped3A : memref<!tpu.dma_semaphore, #tpu.memory_space<semaphore_mem>>)
      %dma_wait3A_310 = arith.constant 0 : i32
      %dma_wait3A_311 = arith.constant 0 : i32
      %dma_wait3A_312 = tpu.memref_slice %arg3[%arg1, %dma_wait3A_310, %dma_wait3A_311] : memref<16x160x128xi32, #tpu.memory_space<hbm>> -> memref<1x160x128xi32, #tpu.memory_space<hbm>>
      %dma_wait3A_313 = tpu.memref_squeeze %dma_wait3A_312 : memref<1x160x128xi32, #tpu.memory_space<hbm>> -> memref<160x128xi32, #tpu.memory_space<hbm>>
      %dma_wait3A_314 = arith.constant 80 : i32
      %dma_wait3A_315 = arith.constant 0 : i32
      %dma_wait3A_316 = tpu.memref_slice %dma_wait3A_313[%dma_wait3A_314, %dma_wait3A_315] : memref<160x128xi32, #tpu.memory_space<hbm>> -> memref<40x128xi32, #tpu.memory_space<hbm>>
      %dma_wait3A_317 = arith.constant 0 : i32
      %dma_wait3A_318 = arith.constant 0 : i32
      %dma_wait3A_319 = tpu.memref_slice %arg3[%arg1, %dma_wait3A_317, %dma_wait3A_318] : memref<16x160x128xi32, #tpu.memory_space<hbm>> -> memref<1x160x128xi32, #tpu.memory_space<hbm>>
      %dma_wait3A_320 = tpu.memref_squeeze %dma_wait3A_319 : memref<1x160x128xi32, #tpu.memory_space<hbm>> -> memref<160x128xi32, #tpu.memory_space<hbm>>
      %dma_wait3A_321 = arith.constant 80 : i32
      %dma_wait3A_322 = arith.constant 0 : i32
      %dma_wait3A_323 = tpu.memref_slice %dma_wait3A_320[%dma_wait3A_321, %dma_wait3A_322] : memref<160x128xi32, #tpu.memory_space<hbm>> -> memref<40x128xi32, #tpu.memory_space<hbm>>
      tpu.wait_dma2 semaphore(%run_scoped3A : memref<!tpu.dma_semaphore, #tpu.memory_space<semaphore_mem>>) src(%dma_wait3A_323 : memref<40x128xi32, #tpu.memory_space<hbm>>) dst(%arg6 : memref<40x128xi32, #tpu.memory_space<vmem>>)
      tpu.yield
    }) : () -> ()
    "tpu.region"() ({
      %run_scoped3A = tpu.sem_alloc : memref<!tpu.dma_semaphore, #tpu.memory_space<semaphore_mem>>
      %dma_start3A_296 = arith.constant 0 : i32
      %dma_start3A_297 = arith.constant 0 : i32
      %dma_start3A_298 = tpu.memref_slice %arg4[%arg1, %dma_start3A_296, %dma_start3A_297] : memref<16x160x128xi32, #tpu.memory_space<hbm>> -> memref<1x160x128xi32, #tpu.memory_space<hbm>>
      %dma_start3A_299 = tpu.memref_squeeze %dma_start3A_298 : memref<1x160x128xi32, #tpu.memory_space<hbm>> -> memref<160x128xi32, #tpu.memory_space<hbm>>
      %dma_start3A_300 = arith.constant 80 : i32
      %dma_start3A_301 = arith.constant 0 : i32
      %dma_start3A_302 = tpu.memref_slice %dma_start3A_299[%dma_start3A_300, %dma_start3A_301] : memref<160x128xi32, #tpu.memory_space<hbm>> -> memref<40x128xi32, #tpu.memory_space<hbm>>
      %dma_start3A_303 = arith.constant 0 : i32
      %dma_start3A_304 = arith.constant 0 : i32
      %dma_start3A_305 = tpu.memref_slice %arg4[%arg1, %dma_start3A_303, %dma_start3A_304] : memref<16x160x128xi32, #tpu.memory_space<hbm>> -> memref<1x160x128xi32, #tpu.memory_space<hbm>>
      %dma_start3A_306 = tpu.memref_squeeze %dma_start3A_305 : memref<1x160x128xi32, #tpu.memory_space<hbm>> -> memref<160x128xi32, #tpu.memory_space<hbm>>
      %dma_start3A_307 = arith.constant 80 : i32
      %dma_start3A_308 = arith.constant 0 : i32
      %dma_start3A_309 = tpu.memref_slice %dma_start3A_306[%dma_start3A_307, %dma_start3A_308] : memref<160x128xi32, #tpu.memory_space<hbm>> -> memref<40x128xi32, #tpu.memory_space<hbm>>
      tpu.enqueue_dma source(%dma_start3A_309 : memref<40x128xi32, #tpu.memory_space<hbm>>) target(%arg7 : memref<40x128xi32, #tpu.memory_space<vmem>>) target_semaphore(%run_scoped3A : memref<!tpu.dma_semaphore, #tpu.memory_space<semaphore_mem>>)
      %dma_wait3A_310 = arith.constant 0 : i32
      %dma_wait3A_311 = arith.constant 0 : i32
      %dma_wait3A_312 = tpu.memref_slice %arg4[%arg1, %dma_wait3A_310, %dma_wait3A_311] : memref<16x160x128xi32, #tpu.memory_space<hbm>> -> memref<1x160x128xi32, #tpu.memory_space<hbm>>
      %dma_wait3A_313 = tpu.memref_squeeze %dma_wait3A_312 : memref<1x160x128xi32, #tpu.memory_space<hbm>> -> memref<160x128xi32, #tpu.memory_space<hbm>>
      %dma_wait3A_314 = arith.constant 80 : i32
      %dma_wait3A_315 = arith.constant 0 : i32
      %dma_wait3A_316 = tpu.memref_slice %dma_wait3A_313[%dma_wait3A_314, %dma_wait3A_315] : memref<160x128xi32, #tpu.memory_space<hbm>> -> memref<40x128xi32, #tpu.memory_space<hbm>>
      %dma_wait3A_317 = arith.constant 0 : i32
      %dma_wait3A_318 = arith.constant 0 : i32
      %dma_wait3A_319 = tpu.memref_slice %arg4[%arg1, %dma_wait3A_317, %dma_wait3A_318] : memref<16x160x128xi32, #tpu.memory_space<hbm>> -> memref<1x160x128xi32, #tpu.memory_space<hbm>>
      %dma_wait3A_320 = tpu.memref_squeeze %dma_wait3A_319 : memref<1x160x128xi32, #tpu.memory_space<hbm>> -> memref<160x128xi32, #tpu.memory_space<hbm>>
      %dma_wait3A_321 = arith.constant 80 : i32
      %dma_wait3A_322 = arith.constant 0 : i32
      %dma_wait3A_323 = tpu.memref_slice %dma_wait3A_320[%dma_wait3A_321, %dma_wait3A_322] : memref<160x128xi32, #tpu.memory_space<hbm>> -> memref<40x128xi32, #tpu.memory_space<hbm>>
      tpu.wait_dma2 semaphore(%run_scoped3A : memref<!tpu.dma_semaphore, #tpu.memory_space<semaphore_mem>>) src(%dma_wait3A_323 : memref<40x128xi32, #tpu.memory_space<hbm>>) dst(%arg7 : memref<40x128xi32, #tpu.memory_space<vmem>>)
      tpu.yield
    }) : () -> ()
    %dma_start3A_167 = arith.constant 0 : i32
    %dma_start3A_168 = arith.constant 0 : i32
    %dma_start3A_169 = tpu.memref_slice %arg6[%dma_start3A_167, %dma_start3A_168] : memref<40x128xi32, #tpu.memory_space<vmem>> -> memref<1x128xi32, #tpu.memory_space<vmem>>
    %dma_start3A_170 = tpu.memref_squeeze %dma_start3A_169 : memref<1x128xi32, #tpu.memory_space<vmem>> -> memref<128xi32, #tpu.memory_space<vmem>>
    %dma_start3A_171 = arith.constant 0 : i32
    %dma_start3A_172 = arith.constant 0 : i32
    %dma_start3A_173 = tpu.memref_slice %arg12[%dma_start3A_171, %dma_start3A_172] : memref<10240x64xf32, #tpu.memory_space<vmem_shared>> -> memref<10240x64xf32, #tpu.memory_space<vmem_shared>>
    tpu.enqueue_indirect_dma source(%dma_start3A_173 : memref<10240x64xf32, #tpu.memory_space<vmem_shared>>) target(%arg8 : memref<128x64xf32, #tpu.memory_space<vmem>>) offsets(%dma_start3A_170 : memref<128xi32, #tpu.memory_space<vmem>>) semaphore(%arg14 : memref<!tpu.dma_semaphore, #tpu.memory_space<semaphore_mem>>)
    %dma_start3A_174 = arith.constant 1 : i32
    %dma_start3A_175 = arith.constant 0 : i32
    %dma_start3A_176 = tpu.memref_slice %arg6[%dma_start3A_174, %dma_start3A_175] : memref<40x128xi32, #tpu.memory_space<vmem>> -> memref<1x128xi32, #tpu.memory_space<vmem>>
    %dma_start3A_177 = tpu.memref_squeeze %dma_start3A_176 : memref<1x128xi32, #tpu.memory_space<vmem>> -> memref<128xi32, #tpu.memory_space<vmem>>
    %dma_start3A_178 = arith.constant 0 : i32
    %dma_start3A_179 = arith.constant 0 : i32
    %dma_start3A_180 = tpu.memref_slice %arg12[%dma_start3A_178, %dma_start3A_179] : memref<10240x64xf32, #tpu.memory_space<vmem_shared>> -> memref<10240x64xf32, #tpu.memory_space<vmem_shared>>
    tpu.enqueue_indirect_dma source(%dma_start3A_180 : memref<10240x64xf32, #tpu.memory_space<vmem_shared>>) target(%arg9 : memref<128x64xf32, #tpu.memory_space<vmem>>) offsets(%dma_start3A_177 : memref<128xi32, #tpu.memory_space<vmem>>) semaphore(%arg15 : memref<!tpu.dma_semaphore, #tpu.memory_space<semaphore_mem>>)
    %dma_start3A_181 = arith.constant 2 : i32
    %dma_start3A_182 = arith.constant 0 : i32
    %dma_start3A_183 = tpu.memref_slice %arg6[%dma_start3A_181, %dma_start3A_182] : memref<40x128xi32, #tpu.memory_space<vmem>> -> memref<1x128xi32, #tpu.memory_space<vmem>>
    %dma_start3A_184 = tpu.memref_squeeze %dma_start3A_183 : memref<1x128xi32, #tpu.memory_space<vmem>> -> memref<128xi32, #tpu.memory_space<vmem>>
    %dma_start3A_185 = arith.constant 0 : i32
    %dma_start3A_186 = arith.constant 0 : i32
    %dma_start3A_187 = tpu.memref_slice %arg12[%dma_start3A_185, %dma_start3A_186] : memref<10240x64xf32, #tpu.memory_space<vmem_shared>> -> memref<10240x64xf32, #tpu.memory_space<vmem_shared>>
    tpu.enqueue_indirect_dma source(%dma_start3A_187 : memref<10240x64xf32, #tpu.memory_space<vmem_shared>>) target(%arg10 : memref<128x64xf32, #tpu.memory_space<vmem>>) offsets(%dma_start3A_184 : memref<128xi32, #tpu.memory_space<vmem>>) semaphore(%arg16 : memref<!tpu.dma_semaphore, #tpu.memory_space<semaphore_mem>>)
    %dma_start3A_188 = arith.constant 3 : i32
    %dma_start3A_189 = arith.constant 0 : i32
    %dma_start3A_190 = tpu.memref_slice %arg6[%dma_start3A_188, %dma_start3A_189] : memref<40x128xi32, #tpu.memory_space<vmem>> -> memref<1x128xi32, #tpu.memory_space<vmem>>
    %dma_start3A_191 = tpu.memref_squeeze %dma_start3A_190 : memref<1x128xi32, #tpu.memory_space<vmem>> -> memref<128xi32, #tpu.memory_space<vmem>>
    %dma_start3A_192 = arith.constant 0 : i32
    %dma_start3A_193 = arith.constant 0 : i32
    %dma_start3A_194 = tpu.memref_slice %arg12[%dma_start3A_192, %dma_start3A_193] : memref<10240x64xf32, #tpu.memory_space<vmem_shared>> -> memref<10240x64xf32, #tpu.memory_space<vmem_shared>>
    tpu.enqueue_indirect_dma source(%dma_start3A_194 : memref<10240x64xf32, #tpu.memory_space<vmem_shared>>) target(%arg11 : memref<128x64xf32, #tpu.memory_space<vmem>>) offsets(%dma_start3A_191 : memref<128xi32, #tpu.memory_space<vmem>>) semaphore(%arg17 : memref<!tpu.dma_semaphore, #tpu.memory_space<semaphore_mem>>)
    %scan3A_195 = arith.constant 0 : i32
    %scan3A_196 = arith.constant 0 : i32
    %scan3A_197 = arith.constant 10 : i32
    %scan3A_198 = arith.addi %scan3A_196, %scan3A_197 : i32
    %scan3A_199 = arith.constant 1 : i32
    scf.for %scan3A_296 = %scan3A_196 to %scan3A_198 step %scan3A_199  : i32 {
      %mul3A_297 = arith.constant 4 : i32
      %mul3A_298 = arith.muli %scan3A_296, %mul3A_297 : i32
      %dma_wait3A_299 = arith.constant 0 : i32
      %dma_wait3A_300 = arith.constant 0 : i32
      %dma_wait3A_301 = tpu.memref_slice %arg6[%dma_wait3A_299, %dma_wait3A_300] : memref<40x128xi32, #tpu.memory_space<vmem>> -> memref<1x128xi32, #tpu.memory_space<vmem>>
      %dma_wait3A_302 = tpu.memref_squeeze %dma_wait3A_301 : memref<1x128xi32, #tpu.memory_space<vmem>> -> memref<128xi32, #tpu.memory_space<vmem>>
      %dma_wait3A_303 = arith.constant 0 : i32
      %dma_wait3A_304 = arith.constant 0 : i32
      %dma_wait3A_305 = tpu.memref_slice %arg12[%dma_wait3A_303, %dma_wait3A_304] : memref<10240x64xf32, #tpu.memory_space<vmem_shared>> -> memref<10240x64xf32, #tpu.memory_space<vmem_shared>>
      tpu.wait_indirect_dma semaphore(%arg14 : memref<!tpu.dma_semaphore, #tpu.memory_space<semaphore_mem>>) src(%dma_wait3A_305 : memref<10240x64xf32, #tpu.memory_space<vmem_shared>>) dst(%arg8 : memref<128x64xf32, #tpu.memory_space<vmem>>)
      %add3A_306 = arith.constant 0 : i32
      %add3A_307 = arith.addi %mul3A_298, %add3A_306 : i32
      %dma_start3A_308 = arith.constant 0 : i32
      %dma_start3A_309 = tpu.memref_slice %arg7[%add3A_307, %dma_start3A_308] : memref<40x128xi32, #tpu.memory_space<vmem>> -> memref<1x128xi32, #tpu.memory_space<vmem>>
      %dma_start3A_310 = tpu.memref_squeeze %dma_start3A_309 : memref<1x128xi32, #tpu.memory_space<vmem>> -> memref<128xi32, #tpu.memory_space<vmem>>
      %dma_start3A_311 = arith.constant 0 : i32
      %dma_start3A_312 = arith.constant 0 : i32
      %dma_start3A_313 = tpu.memref_slice %arg13[%dma_start3A_311, %dma_start3A_312] : memref<10240x64xf32, #tpu.memory_space<vmem_shared>> -> memref<10240x64xf32, #tpu.memory_space<vmem_shared>>
      tpu.enqueue_indirect_dma source(%arg8 : memref<128x64xf32, #tpu.memory_space<vmem>>) target(%dma_start3A_313 : memref<10240x64xf32, #tpu.memory_space<vmem_shared>>) offsets(%dma_start3A_310 : memref<128xi32, #tpu.memory_space<vmem>>) semaphore(%arg18 : memref<!tpu.dma_semaphore, #tpu.memory_space<semaphore_mem>>) {add = true}
      %dma_wait3A_314 = arith.constant 0 : i32
      %dma_wait3A_315 = arith.constant 0 : i32
      %dma_wait3A_316 = tpu.memref_slice %arg6[%dma_wait3A_314, %dma_wait3A_315] : memref<40x128xi32, #tpu.memory_space<vmem>> -> memref<1x128xi32, #tpu.memory_space<vmem>>
      %dma_wait3A_317 = tpu.memref_squeeze %dma_wait3A_316 : memref<1x128xi32, #tpu.memory_space<vmem>> -> memref<128xi32, #tpu.memory_space<vmem>>
      %dma_wait3A_318 = arith.constant 0 : i32
      %dma_wait3A_319 = arith.constant 0 : i32
      %dma_wait3A_320 = tpu.memref_slice %arg12[%dma_wait3A_318, %dma_wait3A_319] : memref<10240x64xf32, #tpu.memory_space<vmem_shared>> -> memref<10240x64xf32, #tpu.memory_space<vmem_shared>>
      tpu.wait_indirect_dma semaphore(%arg15 : memref<!tpu.dma_semaphore, #tpu.memory_space<semaphore_mem>>) src(%dma_wait3A_320 : memref<10240x64xf32, #tpu.memory_space<vmem_shared>>) dst(%arg9 : memref<128x64xf32, #tpu.memory_space<vmem>>)
      %add3A_321 = arith.constant 1 : i32
      %add3A_322 = arith.addi %mul3A_298, %add3A_321 : i32
      %dma_start3A_323 = arith.constant 0 : i32
      %dma_start3A_324 = tpu.memref_slice %arg7[%add3A_322, %dma_start3A_323] : memref<40x128xi32, #tpu.memory_space<vmem>> -> memref<1x128xi32, #tpu.memory_space<vmem>>
      %dma_start3A_325 = tpu.memref_squeeze %dma_start3A_324 : memref<1x128xi32, #tpu.memory_space<vmem>> -> memref<128xi32, #tpu.memory_space<vmem>>
      %dma_start3A_326 = arith.constant 0 : i32
      %dma_start3A_327 = arith.constant 0 : i32
      %dma_start3A_328 = tpu.memref_slice %arg13[%dma_start3A_326, %dma_start3A_327] : memref<10240x64xf32, #tpu.memory_space<vmem_shared>> -> memref<10240x64xf32, #tpu.memory_space<vmem_shared>>
      tpu.enqueue_indirect_dma source(%arg9 : memref<128x64xf32, #tpu.memory_space<vmem>>) target(%dma_start3A_328 : memref<10240x64xf32, #tpu.memory_space<vmem_shared>>) offsets(%dma_start3A_325 : memref<128xi32, #tpu.memory_space<vmem>>) semaphore(%arg19 : memref<!tpu.dma_semaphore, #tpu.memory_space<semaphore_mem>>) {add = true}
      %dma_wait3A_329 = arith.constant 0 : i32
      %dma_wait3A_330 = arith.constant 0 : i32
      %dma_wait3A_331 = tpu.memref_slice %arg6[%dma_wait3A_329, %dma_wait3A_330] : memref<40x128xi32, #tpu.memory_space<vmem>> -> memref<1x128xi32, #tpu.memory_space<vmem>>
      %dma_wait3A_332 = tpu.memref_squeeze %dma_wait3A_331 : memref<1x128xi32, #tpu.memory_space<vmem>> -> memref<128xi32, #tpu.memory_space<vmem>>
      %dma_wait3A_333 = arith.constant 0 : i32
      %dma_wait3A_334 = arith.constant 0 : i32
      %dma_wait3A_335 = tpu.memref_slice %arg12[%dma_wait3A_333, %dma_wait3A_334] : memref<10240x64xf32, #tpu.memory_space<vmem_shared>> -> memref<10240x64xf32, #tpu.memory_space<vmem_shared>>
      tpu.wait_indirect_dma semaphore(%arg16 : memref<!tpu.dma_semaphore, #tpu.memory_space<semaphore_mem>>) src(%dma_wait3A_335 : memref<10240x64xf32, #tpu.memory_space<vmem_shared>>) dst(%arg10 : memref<128x64xf32, #tpu.memory_space<vmem>>)
      %add3A_336 = arith.constant 2 : i32
      %add3A_337 = arith.addi %mul3A_298, %add3A_336 : i32
      %dma_start3A_338 = arith.constant 0 : i32
      %dma_start3A_339 = tpu.memref_slice %arg7[%add3A_337, %dma_start3A_338] : memref<40x128xi32, #tpu.memory_space<vmem>> -> memref<1x128xi32, #tpu.memory_space<vmem>>
      %dma_start3A_340 = tpu.memref_squeeze %dma_start3A_339 : memref<1x128xi32, #tpu.memory_space<vmem>> -> memref<128xi32, #tpu.memory_space<vmem>>
      %dma_start3A_341 = arith.constant 0 : i32
      %dma_start3A_342 = arith.constant 0 : i32
      %dma_start3A_343 = tpu.memref_slice %arg13[%dma_start3A_341, %dma_start3A_342] : memref<10240x64xf32, #tpu.memory_space<vmem_shared>> -> memref<10240x64xf32, #tpu.memory_space<vmem_shared>>
      tpu.enqueue_indirect_dma source(%arg10 : memref<128x64xf32, #tpu.memory_space<vmem>>) target(%dma_start3A_343 : memref<10240x64xf32, #tpu.memory_space<vmem_shared>>) offsets(%dma_start3A_340 : memref<128xi32, #tpu.memory_space<vmem>>) semaphore(%arg20 : memref<!tpu.dma_semaphore, #tpu.memory_space<semaphore_mem>>) {add = true}
      %dma_wait3A_344 = arith.constant 0 : i32
      %dma_wait3A_345 = arith.constant 0 : i32
      %dma_wait3A_346 = tpu.memref_slice %arg6[%dma_wait3A_344, %dma_wait3A_345] : memref<40x128xi32, #tpu.memory_space<vmem>> -> memref<1x128xi32, #tpu.memory_space<vmem>>
      %dma_wait3A_347 = tpu.memref_squeeze %dma_wait3A_346 : memref<1x128xi32, #tpu.memory_space<vmem>> -> memref<128xi32, #tpu.memory_space<vmem>>
      %dma_wait3A_348 = arith.constant 0 : i32
      %dma_wait3A_349 = arith.constant 0 : i32
      %dma_wait3A_350 = tpu.memref_slice %arg12[%dma_wait3A_348, %dma_wait3A_349] : memref<10240x64xf32, #tpu.memory_space<vmem_shared>> -> memref<10240x64xf32, #tpu.memory_space<vmem_shared>>
      tpu.wait_indirect_dma semaphore(%arg17 : memref<!tpu.dma_semaphore, #tpu.memory_space<semaphore_mem>>) src(%dma_wait3A_350 : memref<10240x64xf32, #tpu.memory_space<vmem_shared>>) dst(%arg11 : memref<128x64xf32, #tpu.memory_space<vmem>>)
      %add3A_351 = arith.constant 3 : i32
      %add3A_352 = arith.addi %mul3A_298, %add3A_351 : i32
      %dma_start3A_353 = arith.constant 0 : i32
      %dma_start3A_354 = tpu.memref_slice %arg7[%add3A_352, %dma_start3A_353] : memref<40x128xi32, #tpu.memory_space<vmem>> -> memref<1x128xi32, #tpu.memory_space<vmem>>
      %dma_start3A_355 = tpu.memref_squeeze %dma_start3A_354 : memref<1x128xi32, #tpu.memory_space<vmem>> -> memref<128xi32, #tpu.memory_space<vmem>>
      %dma_start3A_356 = arith.constant 0 : i32
      %dma_start3A_357 = arith.constant 0 : i32
      %dma_start3A_358 = tpu.memref_slice %arg13[%dma_start3A_356, %dma_start3A_357] : memref<10240x64xf32, #tpu.memory_space<vmem_shared>> -> memref<10240x64xf32, #tpu.memory_space<vmem_shared>>
      tpu.enqueue_indirect_dma source(%arg11 : memref<128x64xf32, #tpu.memory_space<vmem>>) target(%dma_start3A_358 : memref<10240x64xf32, #tpu.memory_space<vmem_shared>>) offsets(%dma_start3A_355 : memref<128xi32, #tpu.memory_space<vmem>>) semaphore(%arg21 : memref<!tpu.dma_semaphore, #tpu.memory_space<semaphore_mem>>) {add = true}
      %dma_wait3A_359 = arith.constant 0 : i32
      %dma_wait3A_360 = arith.constant 0 : i32
      %dma_wait3A_361 = tpu.memref_slice %arg7[%dma_wait3A_359, %dma_wait3A_360] : memref<40x128xi32, #tpu.memory_space<vmem>> -> memref<1x128xi32, #tpu.memory_space<vmem>>
      %dma_wait3A_362 = tpu.memref_squeeze %dma_wait3A_361 : memref<1x128xi32, #tpu.memory_space<vmem>> -> memref<128xi32, #tpu.memory_space<vmem>>
      %dma_wait3A_363 = arith.constant 0 : i32
      %dma_wait3A_364 = arith.constant 0 : i32
      %dma_wait3A_365 = tpu.memref_slice %arg13[%dma_wait3A_363, %dma_wait3A_364] : memref<10240x64xf32, #tpu.memory_space<vmem_shared>> -> memref<10240x64xf32, #tpu.memory_space<vmem_shared>>
      tpu.wait_indirect_dma semaphore(%arg18 : memref<!tpu.dma_semaphore, #tpu.memory_space<semaphore_mem>>) src(%arg8 : memref<128x64xf32, #tpu.memory_space<vmem>>) dst(%dma_wait3A_365 : memref<10240x64xf32, #tpu.memory_space<vmem_shared>>)
      %add3A_366 = arith.constant 4 : i32
      %add3A_367 = arith.addi %mul3A_298, %add3A_366 : i32
      %add3A_368 = arith.constant 0 : i32
      %add3A_369 = arith.addi %add3A_367, %add3A_368 : i32
      %min3A = arith.constant 39 : i32
      %min3A_370 = arith.minsi %add3A_369, %min3A : i32
      %dma_start3A_371 = arith.constant 0 : i32
      %dma_start3A_372 = tpu.memref_slice %arg6[%min3A_370, %dma_start3A_371] : memref<40x128xi32, #tpu.memory_space<vmem>> -> memref<1x128xi32, #tpu.memory_space<vmem>>
      %dma_start3A_373 = tpu.memref_squeeze %dma_start3A_372 : memref<1x128xi32, #tpu.memory_space<vmem>> -> memref<128xi32, #tpu.memory_space<vmem>>
      %dma_start3A_374 = arith.constant 0 : i32
      %dma_start3A_375 = arith.constant 0 : i32
      %dma_start3A_376 = tpu.memref_slice %arg12[%dma_start3A_374, %dma_start3A_375] : memref<10240x64xf32, #tpu.memory_space<vmem_shared>> -> memref<10240x64xf32, #tpu.memory_space<vmem_shared>>
      tpu.enqueue_indirect_dma source(%dma_start3A_376 : memref<10240x64xf32, #tpu.memory_space<vmem_shared>>) target(%arg8 : memref<128x64xf32, #tpu.memory_space<vmem>>) offsets(%dma_start3A_373 : memref<128xi32, #tpu.memory_space<vmem>>) semaphore(%arg14 : memref<!tpu.dma_semaphore, #tpu.memory_space<semaphore_mem>>)
      %dma_wait3A_377 = arith.constant 0 : i32
      %dma_wait3A_378 = arith.constant 0 : i32
      %dma_wait3A_379 = tpu.memref_slice %arg7[%dma_wait3A_377, %dma_wait3A_378] : memref<40x128xi32, #tpu.memory_space<vmem>> -> memref<1x128xi32, #tpu.memory_space<vmem>>
      %dma_wait3A_380 = tpu.memref_squeeze %dma_wait3A_379 : memref<1x128xi32, #tpu.memory_space<vmem>> -> memref<128xi32, #tpu.memory_space<vmem>>
      %dma_wait3A_381 = arith.constant 0 : i32
      %dma_wait3A_382 = arith.constant 0 : i32
      %dma_wait3A_383 = tpu.memref_slice %arg13[%dma_wait3A_381, %dma_wait3A_382] : memref<10240x64xf32, #tpu.memory_space<vmem_shared>> -> memref<10240x64xf32, #tpu.memory_space<vmem_shared>>
      tpu.wait_indirect_dma semaphore(%arg19 : memref<!tpu.dma_semaphore, #tpu.memory_space<semaphore_mem>>) src(%arg9 : memref<128x64xf32, #tpu.memory_space<vmem>>) dst(%dma_wait3A_383 : memref<10240x64xf32, #tpu.memory_space<vmem_shared>>)
      %add3A_384 = arith.constant 4 : i32
      %add3A_385 = arith.addi %mul3A_298, %add3A_384 : i32
      %add3A_386 = arith.constant 1 : i32
      %add3A_387 = arith.addi %add3A_385, %add3A_386 : i32
      %min3A_388 = arith.constant 39 : i32
      %min3A_389 = arith.minsi %add3A_387, %min3A_388 : i32
      %dma_start3A_390 = arith.constant 0 : i32
      %dma_start3A_391 = tpu.memref_slice %arg6[%min3A_389, %dma_start3A_390] : memref<40x128xi32, #tpu.memory_space<vmem>> -> memref<1x128xi32, #tpu.memory_space<vmem>>
      %dma_start3A_392 = tpu.memref_squeeze %dma_start3A_391 : memref<1x128xi32, #tpu.memory_space<vmem>> -> memref<128xi32, #tpu.memory_space<vmem>>
      %dma_start3A_393 = arith.constant 0 : i32
      %dma_start3A_394 = arith.constant 0 : i32
      %dma_start3A_395 = tpu.memref_slice %arg12[%dma_start3A_393, %dma_start3A_394] : memref<10240x64xf32, #tpu.memory_space<vmem_shared>> -> memref<10240x64xf32, #tpu.memory_space<vmem_shared>>
      tpu.enqueue_indirect_dma source(%dma_start3A_395 : memref<10240x64xf32, #tpu.memory_space<vmem_shared>>) target(%arg9 : memref<128x64xf32, #tpu.memory_space<vmem>>) offsets(%dma_start3A_392 : memref<128xi32, #tpu.memory_space<vmem>>) semaphore(%arg15 : memref<!tpu.dma_semaphore, #tpu.memory_space<semaphore_mem>>)
      %dma_wait3A_396 = arith.constant 0 : i32
      %dma_wait3A_397 = arith.constant 0 : i32
      %dma_wait3A_398 = tpu.memref_slice %arg7[%dma_wait3A_396, %dma_wait3A_397] : memref<40x128xi32, #tpu.memory_space<vmem>> -> memref<1x128xi32, #tpu.memory_space<vmem>>
      %dma_wait3A_399 = tpu.memref_squeeze %dma_wait3A_398 : memref<1x128xi32, #tpu.memory_space<vmem>> -> memref<128xi32, #tpu.memory_space<vmem>>
      %dma_wait3A_400 = arith.constant 0 : i32
      %dma_wait3A_401 = arith.constant 0 : i32
      %dma_wait3A_402 = tpu.memref_slice %arg13[%dma_wait3A_400, %dma_wait3A_401] : memref<10240x64xf32, #tpu.memory_space<vmem_shared>> -> memref<10240x64xf32, #tpu.memory_space<vmem_shared>>
      tpu.wait_indirect_dma semaphore(%arg20 : memref<!tpu.dma_semaphore, #tpu.memory_space<semaphore_mem>>) src(%arg10 : memref<128x64xf32, #tpu.memory_space<vmem>>) dst(%dma_wait3A_402 : memref<10240x64xf32, #tpu.memory_space<vmem_shared>>)
      %add3A_403 = arith.constant 4 : i32
      %add3A_404 = arith.addi %mul3A_298, %add3A_403 : i32
      %add3A_405 = arith.constant 2 : i32
      %add3A_406 = arith.addi %add3A_404, %add3A_405 : i32
      %min3A_407 = arith.constant 39 : i32
      %min3A_408 = arith.minsi %add3A_406, %min3A_407 : i32
      %dma_start3A_409 = arith.constant 0 : i32
      %dma_start3A_410 = tpu.memref_slice %arg6[%min3A_408, %dma_start3A_409] : memref<40x128xi32, #tpu.memory_space<vmem>> -> memref<1x128xi32, #tpu.memory_space<vmem>>
      %dma_start3A_411 = tpu.memref_squeeze %dma_start3A_410 : memref<1x128xi32, #tpu.memory_space<vmem>> -> memref<128xi32, #tpu.memory_space<vmem>>
      %dma_start3A_412 = arith.constant 0 : i32
      %dma_start3A_413 = arith.constant 0 : i32
      %dma_start3A_414 = tpu.memref_slice %arg12[%dma_start3A_412, %dma_start3A_413] : memref<10240x64xf32, #tpu.memory_space<vmem_shared>> -> memref<10240x64xf32, #tpu.memory_space<vmem_shared>>
      tpu.enqueue_indirect_dma source(%dma_start3A_414 : memref<10240x64xf32, #tpu.memory_space<vmem_shared>>) target(%arg10 : memref<128x64xf32, #tpu.memory_space<vmem>>) offsets(%dma_start3A_411 : memref<128xi32, #tpu.memory_space<vmem>>) semaphore(%arg16 : memref<!tpu.dma_semaphore, #tpu.memory_space<semaphore_mem>>)
      %dma_wait3A_415 = arith.constant 0 : i32
      %dma_wait3A_416 = arith.constant 0 : i32
      %dma_wait3A_417 = tpu.memref_slice %arg7[%dma_wait3A_415, %dma_wait3A_416] : memref<40x128xi32, #tpu.memory_space<vmem>> -> memref<1x128xi32, #tpu.memory_space<vmem>>
      %dma_wait3A_418 = tpu.memref_squeeze %dma_wait3A_417 : memref<1x128xi32, #tpu.memory_space<vmem>> -> memref<128xi32, #tpu.memory_space<vmem>>
      %dma_wait3A_419 = arith.constant 0 : i32
      %dma_wait3A_420 = arith.constant 0 : i32
      %dma_wait3A_421 = tpu.memref_slice %arg13[%dma_wait3A_419, %dma_wait3A_420] : memref<10240x64xf32, #tpu.memory_space<vmem_shared>> -> memref<10240x64xf32, #tpu.memory_space<vmem_shared>>
      tpu.wait_indirect_dma semaphore(%arg21 : memref<!tpu.dma_semaphore, #tpu.memory_space<semaphore_mem>>) src(%arg11 : memref<128x64xf32, #tpu.memory_space<vmem>>) dst(%dma_wait3A_421 : memref<10240x64xf32, #tpu.memory_space<vmem_shared>>)
      %add3A_422 = arith.constant 4 : i32
      %add3A_423 = arith.addi %mul3A_298, %add3A_422 : i32
      %add3A_424 = arith.constant 3 : i32
      %add3A_425 = arith.addi %add3A_423, %add3A_424 : i32
      %min3A_426 = arith.constant 39 : i32
      %min3A_427 = arith.minsi %add3A_425, %min3A_426 : i32
      %dma_start3A_428 = arith.constant 0 : i32
      %dma_start3A_429 = tpu.memref_slice %arg6[%min3A_427, %dma_start3A_428] : memref<40x128xi32, #tpu.memory_space<vmem>> -> memref<1x128xi32, #tpu.memory_space<vmem>>
      %dma_start3A_430 = tpu.memref_squeeze %dma_start3A_429 : memref<1x128xi32, #tpu.memory_space<vmem>> -> memref<128xi32, #tpu.memory_space<vmem>>
      %dma_start3A_431 = arith.constant 0 : i32
      %dma_start3A_432 = arith.constant 0 : i32
      %dma_start3A_433 = tpu.memref_slice %arg12[%dma_start3A_431, %dma_start3A_432] : memref<10240x64xf32, #tpu.memory_space<vmem_shared>> -> memref<10240x64xf32, #tpu.memory_space<vmem_shared>>
      tpu.enqueue_indirect_dma source(%dma_start3A_433 : memref<10240x64xf32, #tpu.memory_space<vmem_shared>>) target(%arg11 : memref<128x64xf32, #tpu.memory_space<vmem>>) offsets(%dma_start3A_430 : memref<128xi32, #tpu.memory_space<vmem>>) semaphore(%arg17 : memref<!tpu.dma_semaphore, #tpu.memory_space<semaphore_mem>>)
    }
    %scan3A_200 = arith.constant 10 : i32
    %dma_wait3A_201 = arith.constant 0 : i32
    %dma_wait3A_202 = arith.constant 0 : i32
    %dma_wait3A_203 = tpu.memref_slice %arg6[%dma_wait3A_201, %dma_wait3A_202] : memref<40x128xi32, #tpu.memory_space<vmem>> -> memref<1x128xi32, #tpu.memory_space<vmem>>
    %dma_wait3A_204 = tpu.memref_squeeze %dma_wait3A_203 : memref<1x128xi32, #tpu.memory_space<vmem>> -> memref<128xi32, #tpu.memory_space<vmem>>
    %dma_wait3A_205 = arith.constant 0 : i32
    %dma_wait3A_206 = arith.constant 0 : i32
    %dma_wait3A_207 = tpu.memref_slice %arg12[%dma_wait3A_205, %dma_wait3A_206] : memref<10240x64xf32, #tpu.memory_space<vmem_shared>> -> memref<10240x64xf32, #tpu.memory_space<vmem_shared>>
    tpu.wait_indirect_dma semaphore(%arg14 : memref<!tpu.dma_semaphore, #tpu.memory_space<semaphore_mem>>) src(%dma_wait3A_207 : memref<10240x64xf32, #tpu.memory_space<vmem_shared>>) dst(%arg8 : memref<128x64xf32, #tpu.memory_space<vmem>>)
    %dma_wait3A_208 = arith.constant 0 : i32
    %dma_wait3A_209 = arith.constant 0 : i32
    %dma_wait3A_210 = tpu.memref_slice %arg6[%dma_wait3A_208, %dma_wait3A_209] : memref<40x128xi32, #tpu.memory_space<vmem>> -> memref<1x128xi32, #tpu.memory_space<vmem>>
    %dma_wait3A_211 = tpu.memref_squeeze %dma_wait3A_210 : memref<1x128xi32, #tpu.memory_space<vmem>> -> memref<128xi32, #tpu.memory_space<vmem>>
    %dma_wait3A_212 = arith.constant 0 : i32
    %dma_wait3A_213 = arith.constant 0 : i32
    %dma_wait3A_214 = tpu.memref_slice %arg12[%dma_wait3A_212, %dma_wait3A_213] : memref<10240x64xf32, #tpu.memory_space<vmem_shared>> -> memref<10240x64xf32, #tpu.memory_space<vmem_shared>>
    tpu.wait_indirect_dma semaphore(%arg15 : memref<!tpu.dma_semaphore, #tpu.memory_space<semaphore_mem>>) src(%dma_wait3A_214 : memref<10240x64xf32, #tpu.memory_space<vmem_shared>>) dst(%arg9 : memref<128x64xf32, #tpu.memory_space<vmem>>)
    %dma_wait3A_215 = arith.constant 0 : i32
    %dma_wait3A_216 = arith.constant 0 : i32
    %dma_wait3A_217 = tpu.memref_slice %arg6[%dma_wait3A_215, %dma_wait3A_216] : memref<40x128xi32, #tpu.memory_space<vmem>> -> memref<1x128xi32, #tpu.memory_space<vmem>>
    %dma_wait3A_218 = tpu.memref_squeeze %dma_wait3A_217 : memref<1x128xi32, #tpu.memory_space<vmem>> -> memref<128xi32, #tpu.memory_space<vmem>>
    %dma_wait3A_219 = arith.constant 0 : i32
    %dma_wait3A_220 = arith.constant 0 : i32
    %dma_wait3A_221 = tpu.memref_slice %arg12[%dma_wait3A_219, %dma_wait3A_220] : memref<10240x64xf32, #tpu.memory_space<vmem_shared>> -> memref<10240x64xf32, #tpu.memory_space<vmem_shared>>
    tpu.wait_indirect_dma semaphore(%arg16 : memref<!tpu.dma_semaphore, #tpu.memory_space<semaphore_mem>>) src(%dma_wait3A_221 : memref<10240x64xf32, #tpu.memory_space<vmem_shared>>) dst(%arg10 : memref<128x64xf32, #tpu.memory_space<vmem>>)
    %dma_wait3A_222 = arith.constant 0 : i32
    %dma_wait3A_223 = arith.constant 0 : i32
    %dma_wait3A_224 = tpu.memref_slice %arg6[%dma_wait3A_222, %dma_wait3A_223] : memref<40x128xi32, #tpu.memory_space<vmem>> -> memref<1x128xi32, #tpu.memory_space<vmem>>
    %dma_wait3A_225 = tpu.memref_squeeze %dma_wait3A_224 : memref<1x128xi32, #tpu.memory_space<vmem>> -> memref<128xi32, #tpu.memory_space<vmem>>
    %dma_wait3A_226 = arith.constant 0 : i32
    %dma_wait3A_227 = arith.constant 0 : i32
    %dma_wait3A_228 = tpu.memref_slice %arg12[%dma_wait3A_226, %dma_wait3A_227] : memref<10240x64xf32, #tpu.memory_space<vmem_shared>> -> memref<10240x64xf32, #tpu.memory_space<vmem_shared>>
    tpu.wait_indirect_dma semaphore(%arg17 : memref<!tpu.dma_semaphore, #tpu.memory_space<semaphore_mem>>) src(%dma_wait3A_228 : memref<10240x64xf32, #tpu.memory_space<vmem_shared>>) dst(%arg11 : memref<128x64xf32, #tpu.memory_space<vmem>>)
    "tpu.region"() ({
      %run_scoped3A = tpu.sem_alloc : memref<!tpu.dma_semaphore, #tpu.memory_space<semaphore_mem>>
      %dma_start3A_296 = arith.constant 0 : i32
      %dma_start3A_297 = arith.constant 0 : i32
      %dma_start3A_298 = tpu.memref_slice %arg3[%arg1, %dma_start3A_296, %dma_start3A_297] : memref<16x160x128xi32, #tpu.memory_space<hbm>> -> memref<1x160x128xi32, #tpu.memory_space<hbm>>
      %dma_start3A_299 = tpu.memref_squeeze %dma_start3A_298 : memref<1x160x128xi32, #tpu.memory_space<hbm>> -> memref<160x128xi32, #tpu.memory_space<hbm>>
      %dma_start3A_300 = arith.constant 120 : i32
      %dma_start3A_301 = arith.constant 0 : i32
      %dma_start3A_302 = tpu.memref_slice %dma_start3A_299[%dma_start3A_300, %dma_start3A_301] : memref<160x128xi32, #tpu.memory_space<hbm>> -> memref<40x128xi32, #tpu.memory_space<hbm>>
      %dma_start3A_303 = arith.constant 0 : i32
      %dma_start3A_304 = arith.constant 0 : i32
      %dma_start3A_305 = tpu.memref_slice %arg3[%arg1, %dma_start3A_303, %dma_start3A_304] : memref<16x160x128xi32, #tpu.memory_space<hbm>> -> memref<1x160x128xi32, #tpu.memory_space<hbm>>
      %dma_start3A_306 = tpu.memref_squeeze %dma_start3A_305 : memref<1x160x128xi32, #tpu.memory_space<hbm>> -> memref<160x128xi32, #tpu.memory_space<hbm>>
      %dma_start3A_307 = arith.constant 120 : i32
      %dma_start3A_308 = arith.constant 0 : i32
      %dma_start3A_309 = tpu.memref_slice %dma_start3A_306[%dma_start3A_307, %dma_start3A_308] : memref<160x128xi32, #tpu.memory_space<hbm>> -> memref<40x128xi32, #tpu.memory_space<hbm>>
      tpu.enqueue_dma source(%dma_start3A_309 : memref<40x128xi32, #tpu.memory_space<hbm>>) target(%arg6 : memref<40x128xi32, #tpu.memory_space<vmem>>) target_semaphore(%run_scoped3A : memref<!tpu.dma_semaphore, #tpu.memory_space<semaphore_mem>>)
      %dma_wait3A_310 = arith.constant 0 : i32
      %dma_wait3A_311 = arith.constant 0 : i32
      %dma_wait3A_312 = tpu.memref_slice %arg3[%arg1, %dma_wait3A_310, %dma_wait3A_311] : memref<16x160x128xi32, #tpu.memory_space<hbm>> -> memref<1x160x128xi32, #tpu.memory_space<hbm>>
      %dma_wait3A_313 = tpu.memref_squeeze %dma_wait3A_312 : memref<1x160x128xi32, #tpu.memory_space<hbm>> -> memref<160x128xi32, #tpu.memory_space<hbm>>
      %dma_wait3A_314 = arith.constant 120 : i32
      %dma_wait3A_315 = arith.constant 0 : i32
      %dma_wait3A_316 = tpu.memref_slice %dma_wait3A_313[%dma_wait3A_314, %dma_wait3A_315] : memref<160x128xi32, #tpu.memory_space<hbm>> -> memref<40x128xi32, #tpu.memory_space<hbm>>
      %dma_wait3A_317 = arith.constant 0 : i32
      %dma_wait3A_318 = arith.constant 0 : i32
      %dma_wait3A_319 = tpu.memref_slice %arg3[%arg1, %dma_wait3A_317, %dma_wait3A_318] : memref<16x160x128xi32, #tpu.memory_space<hbm>> -> memref<1x160x128xi32, #tpu.memory_space<hbm>>
      %dma_wait3A_320 = tpu.memref_squeeze %dma_wait3A_319 : memref<1x160x128xi32, #tpu.memory_space<hbm>> -> memref<160x128xi32, #tpu.memory_space<hbm>>
      %dma_wait3A_321 = arith.constant 120 : i32
      %dma_wait3A_322 = arith.constant 0 : i32
      %dma_wait3A_323 = tpu.memref_slice %dma_wait3A_320[%dma_wait3A_321, %dma_wait3A_322] : memref<160x128xi32, #tpu.memory_space<hbm>> -> memref<40x128xi32, #tpu.memory_space<hbm>>
      tpu.wait_dma2 semaphore(%run_scoped3A : memref<!tpu.dma_semaphore, #tpu.memory_space<semaphore_mem>>) src(%dma_wait3A_323 : memref<40x128xi32, #tpu.memory_space<hbm>>) dst(%arg6 : memref<40x128xi32, #tpu.memory_space<vmem>>)
      tpu.yield
    }) : () -> ()
    "tpu.region"() ({
      %run_scoped3A = tpu.sem_alloc : memref<!tpu.dma_semaphore, #tpu.memory_space<semaphore_mem>>
      %dma_start3A_296 = arith.constant 0 : i32
      %dma_start3A_297 = arith.constant 0 : i32
      %dma_start3A_298 = tpu.memref_slice %arg4[%arg1, %dma_start3A_296, %dma_start3A_297] : memref<16x160x128xi32, #tpu.memory_space<hbm>> -> memref<1x160x128xi32, #tpu.memory_space<hbm>>
      %dma_start3A_299 = tpu.memref_squeeze %dma_start3A_298 : memref<1x160x128xi32, #tpu.memory_space<hbm>> -> memref<160x128xi32, #tpu.memory_space<hbm>>
      %dma_start3A_300 = arith.constant 120 : i32
      %dma_start3A_301 = arith.constant 0 : i32
      %dma_start3A_302 = tpu.memref_slice %dma_start3A_299[%dma_start3A_300, %dma_start3A_301] : memref<160x128xi32, #tpu.memory_space<hbm>> -> memref<40x128xi32, #tpu.memory_space<hbm>>
      %dma_start3A_303 = arith.constant 0 : i32
      %dma_start3A_304 = arith.constant 0 : i32
      %dma_start3A_305 = tpu.memref_slice %arg4[%arg1, %dma_start3A_303, %dma_start3A_304] : memref<16x160x128xi32, #tpu.memory_space<hbm>> -> memref<1x160x128xi32, #tpu.memory_space<hbm>>
      %dma_start3A_306 = tpu.memref_squeeze %dma_start3A_305 : memref<1x160x128xi32, #tpu.memory_space<hbm>> -> memref<160x128xi32, #tpu.memory_space<hbm>>
      %dma_start3A_307 = arith.constant 120 : i32
      %dma_start3A_308 = arith.constant 0 : i32
      %dma_start3A_309 = tpu.memref_slice %dma_start3A_306[%dma_start3A_307, %dma_start3A_308] : memref<160x128xi32, #tpu.memory_space<hbm>> -> memref<40x128xi32, #tpu.memory_space<hbm>>
      tpu.enqueue_dma source(%dma_start3A_309 : memref<40x128xi32, #tpu.memory_space<hbm>>) target(%arg7 : memref<40x128xi32, #tpu.memory_space<vmem>>) target_semaphore(%run_scoped3A : memref<!tpu.dma_semaphore, #tpu.memory_space<semaphore_mem>>)
      %dma_wait3A_310 = arith.constant 0 : i32
      %dma_wait3A_311 = arith.constant 0 : i32
      %dma_wait3A_312 = tpu.memref_slice %arg4[%arg1, %dma_wait3A_310, %dma_wait3A_311] : memref<16x160x128xi32, #tpu.memory_space<hbm>> -> memref<1x160x128xi32, #tpu.memory_space<hbm>>
      %dma_wait3A_313 = tpu.memref_squeeze %dma_wait3A_312 : memref<1x160x128xi32, #tpu.memory_space<hbm>> -> memref<160x128xi32, #tpu.memory_space<hbm>>
      %dma_wait3A_314 = arith.constant 120 : i32
      %dma_wait3A_315 = arith.constant 0 : i32
      %dma_wait3A_316 = tpu.memref_slice %dma_wait3A_313[%dma_wait3A_314, %dma_wait3A_315] : memref<160x128xi32, #tpu.memory_space<hbm>> -> memref<40x128xi32, #tpu.memory_space<hbm>>
      %dma_wait3A_317 = arith.constant 0 : i32
      %dma_wait3A_318 = arith.constant 0 : i32
      %dma_wait3A_319 = tpu.memref_slice %arg4[%arg1, %dma_wait3A_317, %dma_wait3A_318] : memref<16x160x128xi32, #tpu.memory_space<hbm>> -> memref<1x160x128xi32, #tpu.memory_space<hbm>>
      %dma_wait3A_320 = tpu.memref_squeeze %dma_wait3A_319 : memref<1x160x128xi32, #tpu.memory_space<hbm>> -> memref<160x128xi32, #tpu.memory_space<hbm>>
      %dma_wait3A_321 = arith.constant 120 : i32
      %dma_wait3A_322 = arith.constant 0 : i32
      %dma_wait3A_323 = tpu.memref_slice %dma_wait3A_320[%dma_wait3A_321, %dma_wait3A_322] : memref<160x128xi32, #tpu.memory_space<hbm>> -> memref<40x128xi32, #tpu.memory_space<hbm>>
      tpu.wait_dma2 semaphore(%run_scoped3A : memref<!tpu.dma_semaphore, #tpu.memory_space<semaphore_mem>>) src(%dma_wait3A_323 : memref<40x128xi32, #tpu.memory_space<hbm>>) dst(%arg7 : memref<40x128xi32, #tpu.memory_space<vmem>>)
      tpu.yield
    }) : () -> ()
    %dma_start3A_229 = arith.constant 0 : i32
    %dma_start3A_230 = arith.constant 0 : i32
    %dma_start3A_231 = tpu.memref_slice %arg6[%dma_start3A_229, %dma_start3A_230] : memref<40x128xi32, #tpu.memory_space<vmem>> -> memref<1x128xi32, #tpu.memory_space<vmem>>
    %dma_start3A_232 = tpu.memref_squeeze %dma_start3A_231 : memref<1x128xi32, #tpu.memory_space<vmem>> -> memref<128xi32, #tpu.memory_space<vmem>>
    %dma_start3A_233 = arith.constant 0 : i32
    %dma_start3A_234 = arith.constant 0 : i32
    %dma_start3A_235 = tpu.memref_slice %arg12[%dma_start3A_233, %dma_start3A_234] : memref<10240x64xf32, #tpu.memory_space<vmem_shared>> -> memref<10240x64xf32, #tpu.memory_space<vmem_shared>>
    tpu.enqueue_indirect_dma source(%dma_start3A_235 : memref<10240x64xf32, #tpu.memory_space<vmem_shared>>) target(%arg8 : memref<128x64xf32, #tpu.memory_space<vmem>>) offsets(%dma_start3A_232 : memref<128xi32, #tpu.memory_space<vmem>>) semaphore(%arg14 : memref<!tpu.dma_semaphore, #tpu.memory_space<semaphore_mem>>)
    %dma_start3A_236 = arith.constant 1 : i32
    %dma_start3A_237 = arith.constant 0 : i32
    %dma_start3A_238 = tpu.memref_slice %arg6[%dma_start3A_236, %dma_start3A_237] : memref<40x128xi32, #tpu.memory_space<vmem>> -> memref<1x128xi32, #tpu.memory_space<vmem>>
    %dma_start3A_239 = tpu.memref_squeeze %dma_start3A_238 : memref<1x128xi32, #tpu.memory_space<vmem>> -> memref<128xi32, #tpu.memory_space<vmem>>
    %dma_start3A_240 = arith.constant 0 : i32
    %dma_start3A_241 = arith.constant 0 : i32
    %dma_start3A_242 = tpu.memref_slice %arg12[%dma_start3A_240, %dma_start3A_241] : memref<10240x64xf32, #tpu.memory_space<vmem_shared>> -> memref<10240x64xf32, #tpu.memory_space<vmem_shared>>
    tpu.enqueue_indirect_dma source(%dma_start3A_242 : memref<10240x64xf32, #tpu.memory_space<vmem_shared>>) target(%arg9 : memref<128x64xf32, #tpu.memory_space<vmem>>) offsets(%dma_start3A_239 : memref<128xi32, #tpu.memory_space<vmem>>) semaphore(%arg15 : memref<!tpu.dma_semaphore, #tpu.memory_space<semaphore_mem>>)
    %dma_start3A_243 = arith.constant 2 : i32
    %dma_start3A_244 = arith.constant 0 : i32
    %dma_start3A_245 = tpu.memref_slice %arg6[%dma_start3A_243, %dma_start3A_244] : memref<40x128xi32, #tpu.memory_space<vmem>> -> memref<1x128xi32, #tpu.memory_space<vmem>>
    %dma_start3A_246 = tpu.memref_squeeze %dma_start3A_245 : memref<1x128xi32, #tpu.memory_space<vmem>> -> memref<128xi32, #tpu.memory_space<vmem>>
    %dma_start3A_247 = arith.constant 0 : i32
    %dma_start3A_248 = arith.constant 0 : i32
    %dma_start3A_249 = tpu.memref_slice %arg12[%dma_start3A_247, %dma_start3A_248] : memref<10240x64xf32, #tpu.memory_space<vmem_shared>> -> memref<10240x64xf32, #tpu.memory_space<vmem_shared>>
    tpu.enqueue_indirect_dma source(%dma_start3A_249 : memref<10240x64xf32, #tpu.memory_space<vmem_shared>>) target(%arg10 : memref<128x64xf32, #tpu.memory_space<vmem>>) offsets(%dma_start3A_246 : memref<128xi32, #tpu.memory_space<vmem>>) semaphore(%arg16 : memref<!tpu.dma_semaphore, #tpu.memory_space<semaphore_mem>>)
    %dma_start3A_250 = arith.constant 3 : i32
    %dma_start3A_251 = arith.constant 0 : i32
    %dma_start3A_252 = tpu.memref_slice %arg6[%dma_start3A_250, %dma_start3A_251] : memref<40x128xi32, #tpu.memory_space<vmem>> -> memref<1x128xi32, #tpu.memory_space<vmem>>
    %dma_start3A_253 = tpu.memref_squeeze %dma_start3A_252 : memref<1x128xi32, #tpu.memory_space<vmem>> -> memref<128xi32, #tpu.memory_space<vmem>>
    %dma_start3A_254 = arith.constant 0 : i32
    %dma_start3A_255 = arith.constant 0 : i32
    %dma_start3A_256 = tpu.memref_slice %arg12[%dma_start3A_254, %dma_start3A_255] : memref<10240x64xf32, #tpu.memory_space<vmem_shared>> -> memref<10240x64xf32, #tpu.memory_space<vmem_shared>>
    tpu.enqueue_indirect_dma source(%dma_start3A_256 : memref<10240x64xf32, #tpu.memory_space<vmem_shared>>) target(%arg11 : memref<128x64xf32, #tpu.memory_space<vmem>>) offsets(%dma_start3A_253 : memref<128xi32, #tpu.memory_space<vmem>>) semaphore(%arg17 : memref<!tpu.dma_semaphore, #tpu.memory_space<semaphore_mem>>)
    %scan3A_257 = arith.constant 0 : i32
    %scan3A_258 = arith.constant 0 : i32
    %scan3A_259 = arith.constant 10 : i32
    %scan3A_260 = arith.addi %scan3A_258, %scan3A_259 : i32
    %scan3A_261 = arith.constant 1 : i32
    scf.for %scan3A_296 = %scan3A_258 to %scan3A_260 step %scan3A_261  : i32 {
      %mul3A_297 = arith.constant 4 : i32
      %mul3A_298 = arith.muli %scan3A_296, %mul3A_297 : i32
      %dma_wait3A_299 = arith.constant 0 : i32
      %dma_wait3A_300 = arith.constant 0 : i32
      %dma_wait3A_301 = tpu.memref_slice %arg6[%dma_wait3A_299, %dma_wait3A_300] : memref<40x128xi32, #tpu.memory_space<vmem>> -> memref<1x128xi32, #tpu.memory_space<vmem>>
      %dma_wait3A_302 = tpu.memref_squeeze %dma_wait3A_301 : memref<1x128xi32, #tpu.memory_space<vmem>> -> memref<128xi32, #tpu.memory_space<vmem>>
      %dma_wait3A_303 = arith.constant 0 : i32
      %dma_wait3A_304 = arith.constant 0 : i32
      %dma_wait3A_305 = tpu.memref_slice %arg12[%dma_wait3A_303, %dma_wait3A_304] : memref<10240x64xf32, #tpu.memory_space<vmem_shared>> -> memref<10240x64xf32, #tpu.memory_space<vmem_shared>>
      tpu.wait_indirect_dma semaphore(%arg14 : memref<!tpu.dma_semaphore, #tpu.memory_space<semaphore_mem>>) src(%dma_wait3A_305 : memref<10240x64xf32, #tpu.memory_space<vmem_shared>>) dst(%arg8 : memref<128x64xf32, #tpu.memory_space<vmem>>)
      %add3A_306 = arith.constant 0 : i32
      %add3A_307 = arith.addi %mul3A_298, %add3A_306 : i32
      %dma_start3A_308 = arith.constant 0 : i32
      %dma_start3A_309 = tpu.memref_slice %arg7[%add3A_307, %dma_start3A_308] : memref<40x128xi32, #tpu.memory_space<vmem>> -> memref<1x128xi32, #tpu.memory_space<vmem>>
      %dma_start3A_310 = tpu.memref_squeeze %dma_start3A_309 : memref<1x128xi32, #tpu.memory_space<vmem>> -> memref<128xi32, #tpu.memory_space<vmem>>
      %dma_start3A_311 = arith.constant 0 : i32
      %dma_start3A_312 = arith.constant 0 : i32
      %dma_start3A_313 = tpu.memref_slice %arg13[%dma_start3A_311, %dma_start3A_312] : memref<10240x64xf32, #tpu.memory_space<vmem_shared>> -> memref<10240x64xf32, #tpu.memory_space<vmem_shared>>
      tpu.enqueue_indirect_dma source(%arg8 : memref<128x64xf32, #tpu.memory_space<vmem>>) target(%dma_start3A_313 : memref<10240x64xf32, #tpu.memory_space<vmem_shared>>) offsets(%dma_start3A_310 : memref<128xi32, #tpu.memory_space<vmem>>) semaphore(%arg18 : memref<!tpu.dma_semaphore, #tpu.memory_space<semaphore_mem>>) {add = true}
      %dma_wait3A_314 = arith.constant 0 : i32
      %dma_wait3A_315 = arith.constant 0 : i32
      %dma_wait3A_316 = tpu.memref_slice %arg6[%dma_wait3A_314, %dma_wait3A_315] : memref<40x128xi32, #tpu.memory_space<vmem>> -> memref<1x128xi32, #tpu.memory_space<vmem>>
      %dma_wait3A_317 = tpu.memref_squeeze %dma_wait3A_316 : memref<1x128xi32, #tpu.memory_space<vmem>> -> memref<128xi32, #tpu.memory_space<vmem>>
      %dma_wait3A_318 = arith.constant 0 : i32
      %dma_wait3A_319 = arith.constant 0 : i32
      %dma_wait3A_320 = tpu.memref_slice %arg12[%dma_wait3A_318, %dma_wait3A_319] : memref<10240x64xf32, #tpu.memory_space<vmem_shared>> -> memref<10240x64xf32, #tpu.memory_space<vmem_shared>>
      tpu.wait_indirect_dma semaphore(%arg15 : memref<!tpu.dma_semaphore, #tpu.memory_space<semaphore_mem>>) src(%dma_wait3A_320 : memref<10240x64xf32, #tpu.memory_space<vmem_shared>>) dst(%arg9 : memref<128x64xf32, #tpu.memory_space<vmem>>)
      %add3A_321 = arith.constant 1 : i32
      %add3A_322 = arith.addi %mul3A_298, %add3A_321 : i32
      %dma_start3A_323 = arith.constant 0 : i32
      %dma_start3A_324 = tpu.memref_slice %arg7[%add3A_322, %dma_start3A_323] : memref<40x128xi32, #tpu.memory_space<vmem>> -> memref<1x128xi32, #tpu.memory_space<vmem>>
      %dma_start3A_325 = tpu.memref_squeeze %dma_start3A_324 : memref<1x128xi32, #tpu.memory_space<vmem>> -> memref<128xi32, #tpu.memory_space<vmem>>
      %dma_start3A_326 = arith.constant 0 : i32
      %dma_start3A_327 = arith.constant 0 : i32
      %dma_start3A_328 = tpu.memref_slice %arg13[%dma_start3A_326, %dma_start3A_327] : memref<10240x64xf32, #tpu.memory_space<vmem_shared>> -> memref<10240x64xf32, #tpu.memory_space<vmem_shared>>
      tpu.enqueue_indirect_dma source(%arg9 : memref<128x64xf32, #tpu.memory_space<vmem>>) target(%dma_start3A_328 : memref<10240x64xf32, #tpu.memory_space<vmem_shared>>) offsets(%dma_start3A_325 : memref<128xi32, #tpu.memory_space<vmem>>) semaphore(%arg19 : memref<!tpu.dma_semaphore, #tpu.memory_space<semaphore_mem>>) {add = true}
      %dma_wait3A_329 = arith.constant 0 : i32
      %dma_wait3A_330 = arith.constant 0 : i32
      %dma_wait3A_331 = tpu.memref_slice %arg6[%dma_wait3A_329, %dma_wait3A_330] : memref<40x128xi32, #tpu.memory_space<vmem>> -> memref<1x128xi32, #tpu.memory_space<vmem>>
      %dma_wait3A_332 = tpu.memref_squeeze %dma_wait3A_331 : memref<1x128xi32, #tpu.memory_space<vmem>> -> memref<128xi32, #tpu.memory_space<vmem>>
      %dma_wait3A_333 = arith.constant 0 : i32
      %dma_wait3A_334 = arith.constant 0 : i32
      %dma_wait3A_335 = tpu.memref_slice %arg12[%dma_wait3A_333, %dma_wait3A_334] : memref<10240x64xf32, #tpu.memory_space<vmem_shared>> -> memref<10240x64xf32, #tpu.memory_space<vmem_shared>>
      tpu.wait_indirect_dma semaphore(%arg16 : memref<!tpu.dma_semaphore, #tpu.memory_space<semaphore_mem>>) src(%dma_wait3A_335 : memref<10240x64xf32, #tpu.memory_space<vmem_shared>>) dst(%arg10 : memref<128x64xf32, #tpu.memory_space<vmem>>)
      %add3A_336 = arith.constant 2 : i32
      %add3A_337 = arith.addi %mul3A_298, %add3A_336 : i32
      %dma_start3A_338 = arith.constant 0 : i32
      %dma_start3A_339 = tpu.memref_slice %arg7[%add3A_337, %dma_start3A_338] : memref<40x128xi32, #tpu.memory_space<vmem>> -> memref<1x128xi32, #tpu.memory_space<vmem>>
      %dma_start3A_340 = tpu.memref_squeeze %dma_start3A_339 : memref<1x128xi32, #tpu.memory_space<vmem>> -> memref<128xi32, #tpu.memory_space<vmem>>
      %dma_start3A_341 = arith.constant 0 : i32
      %dma_start3A_342 = arith.constant 0 : i32
      %dma_start3A_343 = tpu.memref_slice %arg13[%dma_start3A_341, %dma_start3A_342] : memref<10240x64xf32, #tpu.memory_space<vmem_shared>> -> memref<10240x64xf32, #tpu.memory_space<vmem_shared>>
      tpu.enqueue_indirect_dma source(%arg10 : memref<128x64xf32, #tpu.memory_space<vmem>>) target(%dma_start3A_343 : memref<10240x64xf32, #tpu.memory_space<vmem_shared>>) offsets(%dma_start3A_340 : memref<128xi32, #tpu.memory_space<vmem>>) semaphore(%arg20 : memref<!tpu.dma_semaphore, #tpu.memory_space<semaphore_mem>>) {add = true}
      %dma_wait3A_344 = arith.constant 0 : i32
      %dma_wait3A_345 = arith.constant 0 : i32
      %dma_wait3A_346 = tpu.memref_slice %arg6[%dma_wait3A_344, %dma_wait3A_345] : memref<40x128xi32, #tpu.memory_space<vmem>> -> memref<1x128xi32, #tpu.memory_space<vmem>>
      %dma_wait3A_347 = tpu.memref_squeeze %dma_wait3A_346 : memref<1x128xi32, #tpu.memory_space<vmem>> -> memref<128xi32, #tpu.memory_space<vmem>>
      %dma_wait3A_348 = arith.constant 0 : i32
      %dma_wait3A_349 = arith.constant 0 : i32
      %dma_wait3A_350 = tpu.memref_slice %arg12[%dma_wait3A_348, %dma_wait3A_349] : memref<10240x64xf32, #tpu.memory_space<vmem_shared>> -> memref<10240x64xf32, #tpu.memory_space<vmem_shared>>
      tpu.wait_indirect_dma semaphore(%arg17 : memref<!tpu.dma_semaphore, #tpu.memory_space<semaphore_mem>>) src(%dma_wait3A_350 : memref<10240x64xf32, #tpu.memory_space<vmem_shared>>) dst(%arg11 : memref<128x64xf32, #tpu.memory_space<vmem>>)
      %add3A_351 = arith.constant 3 : i32
      %add3A_352 = arith.addi %mul3A_298, %add3A_351 : i32
      %dma_start3A_353 = arith.constant 0 : i32
      %dma_start3A_354 = tpu.memref_slice %arg7[%add3A_352, %dma_start3A_353] : memref<40x128xi32, #tpu.memory_space<vmem>> -> memref<1x128xi32, #tpu.memory_space<vmem>>
      %dma_start3A_355 = tpu.memref_squeeze %dma_start3A_354 : memref<1x128xi32, #tpu.memory_space<vmem>> -> memref<128xi32, #tpu.memory_space<vmem>>
      %dma_start3A_356 = arith.constant 0 : i32
      %dma_start3A_357 = arith.constant 0 : i32
      %dma_start3A_358 = tpu.memref_slice %arg13[%dma_start3A_356, %dma_start3A_357] : memref<10240x64xf32, #tpu.memory_space<vmem_shared>> -> memref<10240x64xf32, #tpu.memory_space<vmem_shared>>
      tpu.enqueue_indirect_dma source(%arg11 : memref<128x64xf32, #tpu.memory_space<vmem>>) target(%dma_start3A_358 : memref<10240x64xf32, #tpu.memory_space<vmem_shared>>) offsets(%dma_start3A_355 : memref<128xi32, #tpu.memory_space<vmem>>) semaphore(%arg21 : memref<!tpu.dma_semaphore, #tpu.memory_space<semaphore_mem>>) {add = true}
      %dma_wait3A_359 = arith.constant 0 : i32
      %dma_wait3A_360 = arith.constant 0 : i32
      %dma_wait3A_361 = tpu.memref_slice %arg7[%dma_wait3A_359, %dma_wait3A_360] : memref<40x128xi32, #tpu.memory_space<vmem>> -> memref<1x128xi32, #tpu.memory_space<vmem>>
      %dma_wait3A_362 = tpu.memref_squeeze %dma_wait3A_361 : memref<1x128xi32, #tpu.memory_space<vmem>> -> memref<128xi32, #tpu.memory_space<vmem>>
      %dma_wait3A_363 = arith.constant 0 : i32
      %dma_wait3A_364 = arith.constant 0 : i32
      %dma_wait3A_365 = tpu.memref_slice %arg13[%dma_wait3A_363, %dma_wait3A_364] : memref<10240x64xf32, #tpu.memory_space<vmem_shared>> -> memref<10240x64xf32, #tpu.memory_space<vmem_shared>>
      tpu.wait_indirect_dma semaphore(%arg18 : memref<!tpu.dma_semaphore, #tpu.memory_space<semaphore_mem>>) src(%arg8 : memref<128x64xf32, #tpu.memory_space<vmem>>) dst(%dma_wait3A_365 : memref<10240x64xf32, #tpu.memory_space<vmem_shared>>)
      %add3A_366 = arith.constant 4 : i32
      %add3A_367 = arith.addi %mul3A_298, %add3A_366 : i32
      %add3A_368 = arith.constant 0 : i32
      %add3A_369 = arith.addi %add3A_367, %add3A_368 : i32
      %min3A = arith.constant 39 : i32
      %min3A_370 = arith.minsi %add3A_369, %min3A : i32
      %dma_start3A_371 = arith.constant 0 : i32
      %dma_start3A_372 = tpu.memref_slice %arg6[%min3A_370, %dma_start3A_371] : memref<40x128xi32, #tpu.memory_space<vmem>> -> memref<1x128xi32, #tpu.memory_space<vmem>>
      %dma_start3A_373 = tpu.memref_squeeze %dma_start3A_372 : memref<1x128xi32, #tpu.memory_space<vmem>> -> memref<128xi32, #tpu.memory_space<vmem>>
      %dma_start3A_374 = arith.constant 0 : i32
      %dma_start3A_375 = arith.constant 0 : i32
      %dma_start3A_376 = tpu.memref_slice %arg12[%dma_start3A_374, %dma_start3A_375] : memref<10240x64xf32, #tpu.memory_space<vmem_shared>> -> memref<10240x64xf32, #tpu.memory_space<vmem_shared>>
      tpu.enqueue_indirect_dma source(%dma_start3A_376 : memref<10240x64xf32, #tpu.memory_space<vmem_shared>>) target(%arg8 : memref<128x64xf32, #tpu.memory_space<vmem>>) offsets(%dma_start3A_373 : memref<128xi32, #tpu.memory_space<vmem>>) semaphore(%arg14 : memref<!tpu.dma_semaphore, #tpu.memory_space<semaphore_mem>>)
      %dma_wait3A_377 = arith.constant 0 : i32
      %dma_wait3A_378 = arith.constant 0 : i32
      %dma_wait3A_379 = tpu.memref_slice %arg7[%dma_wait3A_377, %dma_wait3A_378] : memref<40x128xi32, #tpu.memory_space<vmem>> -> memref<1x128xi32, #tpu.memory_space<vmem>>
      %dma_wait3A_380 = tpu.memref_squeeze %dma_wait3A_379 : memref<1x128xi32, #tpu.memory_space<vmem>> -> memref<128xi32, #tpu.memory_space<vmem>>
      %dma_wait3A_381 = arith.constant 0 : i32
      %dma_wait3A_382 = arith.constant 0 : i32
      %dma_wait3A_383 = tpu.memref_slice %arg13[%dma_wait3A_381, %dma_wait3A_382] : memref<10240x64xf32, #tpu.memory_space<vmem_shared>> -> memref<10240x64xf32, #tpu.memory_space<vmem_shared>>
      tpu.wait_indirect_dma semaphore(%arg19 : memref<!tpu.dma_semaphore, #tpu.memory_space<semaphore_mem>>) src(%arg9 : memref<128x64xf32, #tpu.memory_space<vmem>>) dst(%dma_wait3A_383 : memref<10240x64xf32, #tpu.memory_space<vmem_shared>>)
      %add3A_384 = arith.constant 4 : i32
      %add3A_385 = arith.addi %mul3A_298, %add3A_384 : i32
      %add3A_386 = arith.constant 1 : i32
      %add3A_387 = arith.addi %add3A_385, %add3A_386 : i32
      %min3A_388 = arith.constant 39 : i32
      %min3A_389 = arith.minsi %add3A_387, %min3A_388 : i32
      %dma_start3A_390 = arith.constant 0 : i32
      %dma_start3A_391 = tpu.memref_slice %arg6[%min3A_389, %dma_start3A_390] : memref<40x128xi32, #tpu.memory_space<vmem>> -> memref<1x128xi32, #tpu.memory_space<vmem>>
      %dma_start3A_392 = tpu.memref_squeeze %dma_start3A_391 : memref<1x128xi32, #tpu.memory_space<vmem>> -> memref<128xi32, #tpu.memory_space<vmem>>
      %dma_start3A_393 = arith.constant 0 : i32
      %dma_start3A_394 = arith.constant 0 : i32
      %dma_start3A_395 = tpu.memref_slice %arg12[%dma_start3A_393, %dma_start3A_394] : memref<10240x64xf32, #tpu.memory_space<vmem_shared>> -> memref<10240x64xf32, #tpu.memory_space<vmem_shared>>
      tpu.enqueue_indirect_dma source(%dma_start3A_395 : memref<10240x64xf32, #tpu.memory_space<vmem_shared>>) target(%arg9 : memref<128x64xf32, #tpu.memory_space<vmem>>) offsets(%dma_start3A_392 : memref<128xi32, #tpu.memory_space<vmem>>) semaphore(%arg15 : memref<!tpu.dma_semaphore, #tpu.memory_space<semaphore_mem>>)
      %dma_wait3A_396 = arith.constant 0 : i32
      %dma_wait3A_397 = arith.constant 0 : i32
      %dma_wait3A_398 = tpu.memref_slice %arg7[%dma_wait3A_396, %dma_wait3A_397] : memref<40x128xi32, #tpu.memory_space<vmem>> -> memref<1x128xi32, #tpu.memory_space<vmem>>
      %dma_wait3A_399 = tpu.memref_squeeze %dma_wait3A_398 : memref<1x128xi32, #tpu.memory_space<vmem>> -> memref<128xi32, #tpu.memory_space<vmem>>
      %dma_wait3A_400 = arith.constant 0 : i32
      %dma_wait3A_401 = arith.constant 0 : i32
      %dma_wait3A_402 = tpu.memref_slice %arg13[%dma_wait3A_400, %dma_wait3A_401] : memref<10240x64xf32, #tpu.memory_space<vmem_shared>> -> memref<10240x64xf32, #tpu.memory_space<vmem_shared>>
      tpu.wait_indirect_dma semaphore(%arg20 : memref<!tpu.dma_semaphore, #tpu.memory_space<semaphore_mem>>) src(%arg10 : memref<128x64xf32, #tpu.memory_space<vmem>>) dst(%dma_wait3A_402 : memref<10240x64xf32, #tpu.memory_space<vmem_shared>>)
      %add3A_403 = arith.constant 4 : i32
      %add3A_404 = arith.addi %mul3A_298, %add3A_403 : i32
      %add3A_405 = arith.constant 2 : i32
      %add3A_406 = arith.addi %add3A_404, %add3A_405 : i32
      %min3A_407 = arith.constant 39 : i32
      %min3A_408 = arith.minsi %add3A_406, %min3A_407 : i32
      %dma_start3A_409 = arith.constant 0 : i32
      %dma_start3A_410 = tpu.memref_slice %arg6[%min3A_408, %dma_start3A_409] : memref<40x128xi32, #tpu.memory_space<vmem>> -> memref<1x128xi32, #tpu.memory_space<vmem>>
      %dma_start3A_411 = tpu.memref_squeeze %dma_start3A_410 : memref<1x128xi32, #tpu.memory_space<vmem>> -> memref<128xi32, #tpu.memory_space<vmem>>
      %dma_start3A_412 = arith.constant 0 : i32
      %dma_start3A_413 = arith.constant 0 : i32
      %dma_start3A_414 = tpu.memref_slice %arg12[%dma_start3A_412, %dma_start3A_413] : memref<10240x64xf32, #tpu.memory_space<vmem_shared>> -> memref<10240x64xf32, #tpu.memory_space<vmem_shared>>
      tpu.enqueue_indirect_dma source(%dma_start3A_414 : memref<10240x64xf32, #tpu.memory_space<vmem_shared>>) target(%arg10 : memref<128x64xf32, #tpu.memory_space<vmem>>) offsets(%dma_start3A_411 : memref<128xi32, #tpu.memory_space<vmem>>) semaphore(%arg16 : memref<!tpu.dma_semaphore, #tpu.memory_space<semaphore_mem>>)
      %dma_wait3A_415 = arith.constant 0 : i32
      %dma_wait3A_416 = arith.constant 0 : i32
      %dma_wait3A_417 = tpu.memref_slice %arg7[%dma_wait3A_415, %dma_wait3A_416] : memref<40x128xi32, #tpu.memory_space<vmem>> -> memref<1x128xi32, #tpu.memory_space<vmem>>
      %dma_wait3A_418 = tpu.memref_squeeze %dma_wait3A_417 : memref<1x128xi32, #tpu.memory_space<vmem>> -> memref<128xi32, #tpu.memory_space<vmem>>
      %dma_wait3A_419 = arith.constant 0 : i32
      %dma_wait3A_420 = arith.constant 0 : i32
      %dma_wait3A_421 = tpu.memref_slice %arg13[%dma_wait3A_419, %dma_wait3A_420] : memref<10240x64xf32, #tpu.memory_space<vmem_shared>> -> memref<10240x64xf32, #tpu.memory_space<vmem_shared>>
      tpu.wait_indirect_dma semaphore(%arg21 : memref<!tpu.dma_semaphore, #tpu.memory_space<semaphore_mem>>) src(%arg11 : memref<128x64xf32, #tpu.memory_space<vmem>>) dst(%dma_wait3A_421 : memref<10240x64xf32, #tpu.memory_space<vmem_shared>>)
      %add3A_422 = arith.constant 4 : i32
      %add3A_423 = arith.addi %mul3A_298, %add3A_422 : i32
      %add3A_424 = arith.constant 3 : i32
      %add3A_425 = arith.addi %add3A_423, %add3A_424 : i32
      %min3A_426 = arith.constant 39 : i32
      %min3A_427 = arith.minsi %add3A_425, %min3A_426 : i32
      %dma_start3A_428 = arith.constant 0 : i32
      %dma_start3A_429 = tpu.memref_slice %arg6[%min3A_427, %dma_start3A_428] : memref<40x128xi32, #tpu.memory_space<vmem>> -> memref<1x128xi32, #tpu.memory_space<vmem>>
      %dma_start3A_430 = tpu.memref_squeeze %dma_start3A_429 : memref<1x128xi32, #tpu.memory_space<vmem>> -> memref<128xi32, #tpu.memory_space<vmem>>
      %dma_start3A_431 = arith.constant 0 : i32
      %dma_start3A_432 = arith.constant 0 : i32
      %dma_start3A_433 = tpu.memref_slice %arg12[%dma_start3A_431, %dma_start3A_432] : memref<10240x64xf32, #tpu.memory_space<vmem_shared>> -> memref<10240x64xf32, #tpu.memory_space<vmem_shared>>
      tpu.enqueue_indirect_dma source(%dma_start3A_433 : memref<10240x64xf32, #tpu.memory_space<vmem_shared>>) target(%arg11 : memref<128x64xf32, #tpu.memory_space<vmem>>) offsets(%dma_start3A_430 : memref<128xi32, #tpu.memory_space<vmem>>) semaphore(%arg17 : memref<!tpu.dma_semaphore, #tpu.memory_space<semaphore_mem>>)
    }
    %scan3A_262 = arith.constant 10 : i32
    %dma_wait3A_263 = arith.constant 0 : i32
    %dma_wait3A_264 = arith.constant 0 : i32
    %dma_wait3A_265 = tpu.memref_slice %arg6[%dma_wait3A_263, %dma_wait3A_264] : memref<40x128xi32, #tpu.memory_space<vmem>> -> memref<1x128xi32, #tpu.memory_space<vmem>>
    %dma_wait3A_266 = tpu.memref_squeeze %dma_wait3A_265 : memref<1x128xi32, #tpu.memory_space<vmem>> -> memref<128xi32, #tpu.memory_space<vmem>>
    %dma_wait3A_267 = arith.constant 0 : i32
    %dma_wait3A_268 = arith.constant 0 : i32
    %dma_wait3A_269 = tpu.memref_slice %arg12[%dma_wait3A_267, %dma_wait3A_268] : memref<10240x64xf32, #tpu.memory_space<vmem_shared>> -> memref<10240x64xf32, #tpu.memory_space<vmem_shared>>
    tpu.wait_indirect_dma semaphore(%arg14 : memref<!tpu.dma_semaphore, #tpu.memory_space<semaphore_mem>>) src(%dma_wait3A_269 : memref<10240x64xf32, #tpu.memory_space<vmem_shared>>) dst(%arg8 : memref<128x64xf32, #tpu.memory_space<vmem>>)
    %dma_wait3A_270 = arith.constant 0 : i32
    %dma_wait3A_271 = arith.constant 0 : i32
    %dma_wait3A_272 = tpu.memref_slice %arg6[%dma_wait3A_270, %dma_wait3A_271] : memref<40x128xi32, #tpu.memory_space<vmem>> -> memref<1x128xi32, #tpu.memory_space<vmem>>
    %dma_wait3A_273 = tpu.memref_squeeze %dma_wait3A_272 : memref<1x128xi32, #tpu.memory_space<vmem>> -> memref<128xi32, #tpu.memory_space<vmem>>
    %dma_wait3A_274 = arith.constant 0 : i32
    %dma_wait3A_275 = arith.constant 0 : i32
    %dma_wait3A_276 = tpu.memref_slice %arg12[%dma_wait3A_274, %dma_wait3A_275] : memref<10240x64xf32, #tpu.memory_space<vmem_shared>> -> memref<10240x64xf32, #tpu.memory_space<vmem_shared>>
    tpu.wait_indirect_dma semaphore(%arg15 : memref<!tpu.dma_semaphore, #tpu.memory_space<semaphore_mem>>) src(%dma_wait3A_276 : memref<10240x64xf32, #tpu.memory_space<vmem_shared>>) dst(%arg9 : memref<128x64xf32, #tpu.memory_space<vmem>>)
    %dma_wait3A_277 = arith.constant 0 : i32
    %dma_wait3A_278 = arith.constant 0 : i32
    %dma_wait3A_279 = tpu.memref_slice %arg6[%dma_wait3A_277, %dma_wait3A_278] : memref<40x128xi32, #tpu.memory_space<vmem>> -> memref<1x128xi32, #tpu.memory_space<vmem>>
    %dma_wait3A_280 = tpu.memref_squeeze %dma_wait3A_279 : memref<1x128xi32, #tpu.memory_space<vmem>> -> memref<128xi32, #tpu.memory_space<vmem>>
    %dma_wait3A_281 = arith.constant 0 : i32
    %dma_wait3A_282 = arith.constant 0 : i32
    %dma_wait3A_283 = tpu.memref_slice %arg12[%dma_wait3A_281, %dma_wait3A_282] : memref<10240x64xf32, #tpu.memory_space<vmem_shared>> -> memref<10240x64xf32, #tpu.memory_space<vmem_shared>>
    tpu.wait_indirect_dma semaphore(%arg16 : memref<!tpu.dma_semaphore, #tpu.memory_space<semaphore_mem>>) src(%dma_wait3A_283 : memref<10240x64xf32, #tpu.memory_space<vmem_shared>>) dst(%arg10 : memref<128x64xf32, #tpu.memory_space<vmem>>)
    %dma_wait3A_284 = arith.constant 0 : i32
    %dma_wait3A_285 = arith.constant 0 : i32
    %dma_wait3A_286 = tpu.memref_slice %arg6[%dma_wait3A_284, %dma_wait3A_285] : memref<40x128xi32, #tpu.memory_space<vmem>> -> memref<1x128xi32, #tpu.memory_space<vmem>>
    %dma_wait3A_287 = tpu.memref_squeeze %dma_wait3A_286 : memref<1x128xi32, #tpu.memory_space<vmem>> -> memref<128xi32, #tpu.memory_space<vmem>>
    %dma_wait3A_288 = arith.constant 0 : i32
    %dma_wait3A_289 = arith.constant 0 : i32
    %dma_wait3A_290 = tpu.memref_slice %arg12[%dma_wait3A_288, %dma_wait3A_289] : memref<10240x64xf32, #tpu.memory_space<vmem_shared>> -> memref<10240x64xf32, #tpu.memory_space<vmem_shared>>
    tpu.wait_indirect_dma semaphore(%arg17 : memref<!tpu.dma_semaphore, #tpu.memory_space<semaphore_mem>>) src(%dma_wait3A_290 : memref<10240x64xf32, #tpu.memory_space<vmem_shared>>) dst(%arg11 : memref<128x64xf32, #tpu.memory_space<vmem>>)
    %barrier3A_291 = arith.constant 0 : index
    tpu.barrier barrier_id(%barrier3A_291)
    %mul3A_292 = arith.constant 640 : i32
    %mul3A_293 = arith.muli %arg1, %mul3A_292 : i32
    %mul3A_294 = arith.constant 640 : i32
    %mul3A_295 = arith.muli %arg1, %mul3A_294 : i32
    "tpu.region"() ({
      %run_scoped3A = tpu.sem_alloc : memref<!tpu.dma_semaphore, #tpu.memory_space<semaphore_mem>>
      %dma_start3A_296 = arith.constant 0 : i32
      %dma_start3A_297 = arith.constant 0 : i32
      %dma_start3A_298 = tpu.memref_slice %arg5[%arg0, %dma_start3A_296, %dma_start3A_297] : memref<2x10240x64xf32, #tpu.memory_space<hbm>> -> memref<1x10240x64xf32, #tpu.memory_space<hbm>>
      %dma_start3A_299 = tpu.memref_squeeze %dma_start3A_298 : memref<1x10240x64xf32, #tpu.memory_space<hbm>> -> memref<10240x64xf32, #tpu.memory_space<hbm>>
      %dma_start3A_300 = arith.constant 0 : i32
      %dma_start3A_301 = tpu.memref_slice %dma_start3A_299[%mul3A_295, %dma_start3A_300] : memref<10240x64xf32, #tpu.memory_space<hbm>> -> memref<640x64xf32, #tpu.memory_space<hbm>>
      %dma_start3A_302 = arith.constant 0 : i32
      %dma_start3A_303 = tpu.memref_slice %arg13[%mul3A_293, %dma_start3A_302] : memref<10240x64xf32, #tpu.memory_space<vmem_shared>> -> memref<640x64xf32, #tpu.memory_space<vmem_shared>>
      tpu.enqueue_dma source(%dma_start3A_303 : memref<640x64xf32, #tpu.memory_space<vmem_shared>>) target(%dma_start3A_301 : memref<640x64xf32, #tpu.memory_space<hbm>>) target_semaphore(%run_scoped3A : memref<!tpu.dma_semaphore, #tpu.memory_space<semaphore_mem>>)
      %dma_wait3A_304 = arith.constant 0 : i32
      %dma_wait3A_305 = arith.constant 0 : i32
      %dma_wait3A_306 = tpu.memref_slice %arg5[%arg0, %dma_wait3A_304, %dma_wait3A_305] : memref<2x10240x64xf32, #tpu.memory_space<hbm>> -> memref<1x10240x64xf32, #tpu.memory_space<hbm>>
      %dma_wait3A_307 = tpu.memref_squeeze %dma_wait3A_306 : memref<1x10240x64xf32, #tpu.memory_space<hbm>> -> memref<10240x64xf32, #tpu.memory_space<hbm>>
      %dma_wait3A_308 = arith.constant 0 : i32
      %dma_wait3A_309 = tpu.memref_slice %dma_wait3A_307[%mul3A_295, %dma_wait3A_308] : memref<10240x64xf32, #tpu.memory_space<hbm>> -> memref<640x64xf32, #tpu.memory_space<hbm>>
      %dma_wait3A_310 = arith.constant 0 : i32
      %dma_wait3A_311 = tpu.memref_slice %arg13[%mul3A_293, %dma_wait3A_310] : memref<10240x64xf32, #tpu.memory_space<vmem_shared>> -> memref<640x64xf32, #tpu.memory_space<vmem_shared>>
      tpu.wait_dma2 semaphore(%run_scoped3A : memref<!tpu.dma_semaphore, #tpu.memory_space<semaphore_mem>>) src(%dma_wait3A_311 : memref<640x64xf32, #tpu.memory_space<vmem_shared>>) dst(%dma_wait3A_309 : memref<640x64xf32, #tpu.memory_space<hbm>>)
      tpu.yield
    }) : () -> ()
    return
  }
}

#map = affine_map<(d0, d1) -> (0, 0, 0)>
module attributes {stable_mosaic.version = 14 : i64} {
  func.func @_scatter_body(%arg0: i32, %arg1: i32, %arg2: memref<2x10240x64xf32, #tpu.memory_space<hbm>>, %arg3: memref<16x160x128xi32, #tpu.memory_space<hbm>>, %arg4: memref<16x160x128xi32, #tpu.memory_space<hbm>>, %arg5: memref<2x10240x64xf32, #tpu.memory_space<hbm>>, %arg6: memref<40x128xi32, #tpu.memory_space<vmem>>, %arg7: memref<40x128xi32, #tpu.memory_space<vmem>>, %arg8: memref<128x64xf32, #tpu.memory_space<vmem>>, %arg9: memref<128x64xf32, #tpu.memory_space<vmem>>, %arg10: memref<128x64xf32, #tpu.memory_space<vmem>>, %arg11: memref<128x64xf32, #tpu.memory_space<vmem>>, %arg12: memref<10240x64xf32, #tpu.memory_space<vmem_shared>>, %arg13: memref<10240x64xf32, #tpu.memory_space<vmem_shared>>, %arg14: memref<!tpu.dma_semaphore, #tpu.memory_space<semaphore_mem>>, %arg15: memref<!tpu.dma_semaphore, #tpu.memory_space<semaphore_mem>>, %arg16: memref<!tpu.dma_semaphore, #tpu.memory_space<semaphore_mem>>, %arg17: memref<!tpu.dma_semaphore, #tpu.memory_space<semaphore_mem>>, %arg18: memref<!tpu.dma_semaphore, #tpu.memory_space<semaphore_mem>>, %arg19: memref<!tpu.dma_semaphore, #tpu.memory_space<semaphore_mem>>, %arg20: memref<!tpu.dma_semaphore, #tpu.memory_space<semaphore_mem>>, %arg21: memref<!tpu.dma_semaphore, #tpu.memory_space<semaphore_mem>>) attributes {dimension_semantics = [#tpu.dimension_semantics<core_parallel>, #tpu.dimension_semantics<subcore_parallel>], iteration_bounds = array<i64: 2, 16>, scalar_prefetch = 0 : i64, scratch_operands = 16 : i64, tpu.core_type = #tpu.core_type<sc_vector_subcore>, window_params = [{transform_indices = #map}, {transform_indices = #map}, {transform_indices = #map}, {transform_indices = #map}]} {
    %mul3A = arith.constant 640 : i32
    %mul3A_0 = arith.muli %arg1, %mul3A : i32
    %mul3A_1 = arith.constant 640 : i32
    %mul3A_2 = arith.muli %arg1, %mul3A_1 : i32
    "tpu.region"() ({
      %run_scoped3A = tpu.sem_alloc : memref<!tpu.dma_semaphore, #tpu.memory_space<semaphore_mem>>
      %dma_start3A_296 = arith.constant 0 : i32
      %dma_start3A_297 = tpu.memref_slice %arg12[%mul3A_2, %dma_start3A_296] : memref<10240x64xf32, #tpu.memory_space<vmem_shared>> -> memref<640x64xf32, #tpu.memory_space<vmem_shared>>
      %dma_start3A_298 = arith.constant 0 : i32
      %dma_start3A_299 = arith.constant 0 : i32
      %dma_start3A_300 = tpu.memref_slice %arg2[%arg0, %dma_start3A_298, %dma_start3A_299] : memref<2x10240x64xf32, #tpu.memory_space<hbm>> -> memref<1x10240x64xf32, #tpu.memory_space<hbm>>
      %dma_start3A_301 = tpu.memref_squeeze %dma_start3A_300 : memref<1x10240x64xf32, #tpu.memory_space<hbm>> -> memref<10240x64xf32, #tpu.memory_space<hbm>>
      %dma_start3A_302 = arith.constant 0 : i32
      %dma_start3A_303 = tpu.memref_slice %dma_start3A_301[%mul3A_0, %dma_start3A_302] : memref<10240x64xf32, #tpu.memory_space<hbm>> -> memref<640x64xf32, #tpu.memory_space<hbm>>
      tpu.enqueue_dma source(%dma_start3A_303 : memref<640x64xf32, #tpu.memory_space<hbm>>) target(%dma_start3A_297 : memref<640x64xf32, #tpu.memory_space<vmem_shared>>) target_semaphore(%run_scoped3A : memref<!tpu.dma_semaphore, #tpu.memory_space<semaphore_mem>>)
      %dma_wait3A_304 = arith.constant 0 : i32
      %dma_wait3A_305 = tpu.memref_slice %arg12[%mul3A_2, %dma_wait3A_304] : memref<10240x64xf32, #tpu.memory_space<vmem_shared>> -> memref<640x64xf32, #tpu.memory_space<vmem_shared>>
      %dma_wait3A_306 = arith.constant 0 : i32
      %dma_wait3A_307 = arith.constant 0 : i32
      %dma_wait3A_308 = tpu.memref_slice %arg2[%arg0, %dma_wait3A_306, %dma_wait3A_307] : memref<2x10240x64xf32, #tpu.memory_space<hbm>> -> memref<1x10240x64xf32, #tpu.memory_space<hbm>>
      %dma_wait3A_309 = tpu.memref_squeeze %dma_wait3A_308 : memref<1x10240x64xf32, #tpu.memory_space<hbm>> -> memref<10240x64xf32, #tpu.memory_space<hbm>>
      %dma_wait3A_310 = arith.constant 0 : i32
      %dma_wait3A_311 = tpu.memref_slice %dma_wait3A_309[%mul3A_0, %dma_wait3A_310] : memref<10240x64xf32, #tpu.memory_space<hbm>> -> memref<640x64xf32, #tpu.memory_space<hbm>>
      tpu.wait_dma2 semaphore(%run_scoped3A : memref<!tpu.dma_semaphore, #tpu.memory_space<semaphore_mem>>) src(%dma_wait3A_311 : memref<640x64xf32, #tpu.memory_space<hbm>>) dst(%dma_wait3A_305 : memref<640x64xf32, #tpu.memory_space<vmem_shared>>)
      tpu.yield
    }) : () -> ()
    %scan3A = arith.constant 0 : i32
    %scan3A_3 = arith.constant 0 : i32
    %scan3A_4 = arith.constant 128 : i32
    %scan3A_5 = arith.addi %scan3A_3, %scan3A_4 : i32
    %scan3A_6 = arith.constant 1 : i32
    scf.for %scan3A_296 = %scan3A_3 to %scan3A_5 step %scan3A_6  : i32 {
      %broadcast_in_dim3A = arith.constant 0.000000e+00 : f32
      %broadcast_in_dim3A_297 = vector.broadcast %broadcast_in_dim3A : f32 to vector<16xf32>
      %swap3A = arith.index_cast %scan3A_296 : i32 to index
      %swap3A_298 = arith.constant 0 : index
      %swap3A_299 = tpu.vector_load %arg8[%swap3A, %swap3A_298] {strides = array<i32>} : memref<128x64xf32, #tpu.memory_space<vmem>>, vector<1x16xf32>,
      %swap3A_300 = vector.shape_cast %swap3A_299 : vector<1x16xf32> to vector<16xf32>
      %swap3A_301 = vector.shape_cast %broadcast_in_dim3A_297 : vector<16xf32> to vector<1x16xf32>
      tpu.vector_store %arg8[%swap3A, %swap3A_298], %swap3A_301 {strides = array<i32>} : memref<128x64xf32, #tpu.memory_space<vmem>>, vector<1x16xf32>,
    }
    %scan3A_7 = arith.constant 128 : i32
    %scan3A_8 = arith.constant 0 : i32
    %scan3A_9 = arith.constant 0 : i32
    %scan3A_10 = arith.constant 128 : i32
    %scan3A_11 = arith.addi %scan3A_9, %scan3A_10 : i32
    %scan3A_12 = arith.constant 1 : i32
    scf.for %scan3A_296 = %scan3A_9 to %scan3A_11 step %scan3A_12  : i32 {
      %broadcast_in_dim3A = arith.constant 0.000000e+00 : f32
      %broadcast_in_dim3A_297 = vector.broadcast %broadcast_in_dim3A : f32 to vector<16xf32>
      %swap3A = arith.index_cast %scan3A_296 : i32 to index
      %swap3A_298 = arith.constant 16 : index
      %swap3A_299 = tpu.vector_load %arg8[%swap3A, %swap3A_298] {strides = array<i32>} : memref<128x64xf32, #tpu.memory_space<vmem>>, vector<1x16xf32>,
      %swap3A_300 = vector.shape_cast %swap3A_299 : vector<1x16xf32> to vector<16xf32>
      %swap3A_301 = vector.shape_cast %broadcast_in_dim3A_297 : vector<16xf32> to vector<1x16xf32>
      tpu.vector_store %arg8[%swap3A, %swap3A_298], %swap3A_301 {strides = array<i32>} : memref<128x64xf32, #tpu.memory_space<vmem>>, vector<1x16xf32>,
    }
    %scan3A_13 = arith.constant 128 : i32
    %scan3A_14 = arith.constant 0 : i32
    %scan3A_15 = arith.constant 0 : i32
    %scan3A_16 = arith.constant 128 : i32
    %scan3A_17 = arith.addi %scan3A_15, %scan3A_16 : i32
    %scan3A_18 = arith.constant 1 : i32
    scf.for %scan3A_296 = %scan3A_15 to %scan3A_17 step %scan3A_18  : i32 {
      %broadcast_in_dim3A = arith.constant 0.000000e+00 : f32
      %broadcast_in_dim3A_297 = vector.broadcast %broadcast_in_dim3A : f32 to vector<16xf32>
      %swap3A = arith.index_cast %scan3A_296 : i32 to index
      %swap3A_298 = arith.constant 32 : index
      %swap3A_299 = tpu.vector_load %arg8[%swap3A, %swap3A_298] {strides = array<i32>} : memref<128x64xf32, #tpu.memory_space<vmem>>, vector<1x16xf32>,
      %swap3A_300 = vector.shape_cast %swap3A_299 : vector<1x16xf32> to vector<16xf32>
      %swap3A_301 = vector.shape_cast %broadcast_in_dim3A_297 : vector<16xf32> to vector<1x16xf32>
      tpu.vector_store %arg8[%swap3A, %swap3A_298], %swap3A_301 {strides = array<i32>} : memref<128x64xf32, #tpu.memory_space<vmem>>, vector<1x16xf32>,
    }
    %scan3A_19 = arith.constant 128 : i32
    %scan3A_20 = arith.constant 0 : i32
    %scan3A_21 = arith.constant 0 : i32
    %scan3A_22 = arith.constant 128 : i32
    %scan3A_23 = arith.addi %scan3A_21, %scan3A_22 : i32
    %scan3A_24 = arith.constant 1 : i32
    scf.for %scan3A_296 = %scan3A_21 to %scan3A_23 step %scan3A_24  : i32 {
      %broadcast_in_dim3A = arith.constant 0.000000e+00 : f32
      %broadcast_in_dim3A_297 = vector.broadcast %broadcast_in_dim3A : f32 to vector<16xf32>
      %swap3A = arith.index_cast %scan3A_296 : i32 to index
      %swap3A_298 = arith.constant 48 : index
      %swap3A_299 = tpu.vector_load %arg8[%swap3A, %swap3A_298] {strides = array<i32>} : memref<128x64xf32, #tpu.memory_space<vmem>>, vector<1x16xf32>,
      %swap3A_300 = vector.shape_cast %swap3A_299 : vector<1x16xf32> to vector<16xf32>
      %swap3A_301 = vector.shape_cast %broadcast_in_dim3A_297 : vector<16xf32> to vector<1x16xf32>
      tpu.vector_store %arg8[%swap3A, %swap3A_298], %swap3A_301 {strides = array<i32>} : memref<128x64xf32, #tpu.memory_space<vmem>>, vector<1x16xf32>,
    }
    %scan3A_25 = arith.constant 128 : i32
    %mul3A_26 = arith.constant 640 : i32
    %mul3A_27 = arith.muli %arg1, %mul3A_26 : i32
    %add3A = arith.constant 0 : i32
    %add3A_28 = arith.addi %mul3A_27, %add3A : i32
    "tpu.region"() ({
      %run_scoped3A = tpu.sem_alloc : memref<!tpu.dma_semaphore, #tpu.memory_space<semaphore_mem>>
      %dma_start3A_296 = arith.constant 0 : i32
      %dma_start3A_297 = tpu.memref_slice %arg13[%add3A_28, %dma_start3A_296] : memref<10240x64xf32, #tpu.memory_space<vmem_shared>> -> memref<128x64xf32, #tpu.memory_space<vmem_shared>>
      %dma_start3A_298 = arith.constant 0 : i32
      %dma_start3A_299 = tpu.memref_slice %arg13[%add3A_28, %dma_start3A_298] : memref<10240x64xf32, #tpu.memory_space<vmem_shared>> -> memref<128x64xf32, #tpu.memory_space<vmem_shared>>
      tpu.enqueue_dma source(%arg8 : memref<128x64xf32, #tpu.memory_space<vmem>>) target(%dma_start3A_299 : memref<128x64xf32, #tpu.memory_space<vmem_shared>>) target_semaphore(%run_scoped3A : memref<!tpu.dma_semaphore, #tpu.memory_space<semaphore_mem>>)
      %dma_wait3A_300 = arith.constant 0 : i32
      %dma_wait3A_301 = tpu.memref_slice %arg13[%add3A_28, %dma_wait3A_300] : memref<10240x64xf32, #tpu.memory_space<vmem_shared>> -> memref<128x64xf32, #tpu.memory_space<vmem_shared>>
      %dma_wait3A_302 = arith.constant 0 : i32
      %dma_wait3A_303 = tpu.memref_slice %arg13[%add3A_28, %dma_wait3A_302] : memref<10240x64xf32, #tpu.memory_space<vmem_shared>> -> memref<128x64xf32, #tpu.memory_space<vmem_shared>>
      tpu.wait_dma2 semaphore(%run_scoped3A : memref<!tpu.dma_semaphore, #tpu.memory_space<semaphore_mem>>) src(%arg8 : memref<128x64xf32, #tpu.memory_space<vmem>>) dst(%dma_wait3A_303 : memref<128x64xf32, #tpu.memory_space<vmem_shared>>)
      tpu.yield
    }) : () -> ()
    %mul3A_29 = arith.constant 640 : i32
    %mul3A_30 = arith.muli %arg1, %mul3A_29 : i32
    %add3A_31 = arith.constant 128 : i32
    %add3A_32 = arith.addi %mul3A_30, %add3A_31 : i32
    "tpu.region"() ({
      %run_scoped3A = tpu.sem_alloc : memref<!tpu.dma_semaphore, #tpu.memory_space<semaphore_mem>>
      %dma_start3A_296 = arith.constant 0 : i32
      %dma_start3A_297 = tpu.memref_slice %arg13[%add3A_32, %dma_start3A_296] : memref<10240x64xf32, #tpu.memory_space<vmem_shared>> -> memref<128x64xf32, #tpu.memory_space<vmem_shared>>
      %dma_start3A_298 = arith.constant 0 : i32
      %dma_start3A_299 = tpu.memref_slice %arg13[%add3A_32, %dma_start3A_298] : memref<10240x64xf32, #tpu.memory_space<vmem_shared>> -> memref<128x64xf32, #tpu.memory_space<vmem_shared>>
      tpu.enqueue_dma source(%arg8 : memref<128x64xf32, #tpu.memory_space<vmem>>) target(%dma_start3A_299 : memref<128x64xf32, #tpu.memory_space<vmem_shared>>) target_semaphore(%run_scoped3A : memref<!tpu.dma_semaphore, #tpu.memory_space<semaphore_mem>>)
      %dma_wait3A_300 = arith.constant 0 : i32
      %dma_wait3A_301 = tpu.memref_slice %arg13[%add3A_32, %dma_wait3A_300] : memref<10240x64xf32, #tpu.memory_space<vmem_shared>> -> memref<128x64xf32, #tpu.memory_space<vmem_shared>>
      %dma_wait3A_302 = arith.constant 0 : i32
      %dma_wait3A_303 = tpu.memref_slice %arg13[%add3A_32, %dma_wait3A_302] : memref<10240x64xf32, #tpu.memory_space<vmem_shared>> -> memref<128x64xf32, #tpu.memory_space<vmem_shared>>
      tpu.wait_dma2 semaphore(%run_scoped3A : memref<!tpu.dma_semaphore, #tpu.memory_space<semaphore_mem>>) src(%arg8 : memref<128x64xf32, #tpu.memory_space<vmem>>) dst(%dma_wait3A_303 : memref<128x64xf32, #tpu.memory_space<vmem_shared>>)
      tpu.yield
    }) : () -> ()
    %mul3A_33 = arith.constant 640 : i32
    %mul3A_34 = arith.muli %arg1, %mul3A_33 : i32
    %add3A_35 = arith.constant 256 : i32
    %add3A_36 = arith.addi %mul3A_34, %add3A_35 : i32
    "tpu.region"() ({
      %run_scoped3A = tpu.sem_alloc : memref<!tpu.dma_semaphore, #tpu.memory_space<semaphore_mem>>
      %dma_start3A_296 = arith.constant 0 : i32
      %dma_start3A_297 = tpu.memref_slice %arg13[%add3A_36, %dma_start3A_296] : memref<10240x64xf32, #tpu.memory_space<vmem_shared>> -> memref<128x64xf32, #tpu.memory_space<vmem_shared>>
      %dma_start3A_298 = arith.constant 0 : i32
      %dma_start3A_299 = tpu.memref_slice %arg13[%add3A_36, %dma_start3A_298] : memref<10240x64xf32, #tpu.memory_space<vmem_shared>> -> memref<128x64xf32, #tpu.memory_space<vmem_shared>>
      tpu.enqueue_dma source(%arg8 : memref<128x64xf32, #tpu.memory_space<vmem>>) target(%dma_start3A_299 : memref<128x64xf32, #tpu.memory_space<vmem_shared>>) target_semaphore(%run_scoped3A : memref<!tpu.dma_semaphore, #tpu.memory_space<semaphore_mem>>)
      %dma_wait3A_300 = arith.constant 0 : i32
      %dma_wait3A_301 = tpu.memref_slice %arg13[%add3A_36, %dma_wait3A_300] : memref<10240x64xf32, #tpu.memory_space<vmem_shared>> -> memref<128x64xf32, #tpu.memory_space<vmem_shared>>
      %dma_wait3A_302 = arith.constant 0 : i32
      %dma_wait3A_303 = tpu.memref_slice %arg13[%add3A_36, %dma_wait3A_302] : memref<10240x64xf32, #tpu.memory_space<vmem_shared>> -> memref<128x64xf32, #tpu.memory_space<vmem_shared>>
      tpu.wait_dma2 semaphore(%run_scoped3A : memref<!tpu.dma_semaphore, #tpu.memory_space<semaphore_mem>>) src(%arg8 : memref<128x64xf32, #tpu.memory_space<vmem>>) dst(%dma_wait3A_303 : memref<128x64xf32, #tpu.memory_space<vmem_shared>>)
      tpu.yield
    }) : () -> ()
    %mul3A_37 = arith.constant 640 : i32
    %mul3A_38 = arith.muli %arg1, %mul3A_37 : i32
    %add3A_39 = arith.constant 384 : i32
    %add3A_40 = arith.addi %mul3A_38, %add3A_39 : i32
    "tpu.region"() ({
      %run_scoped3A = tpu.sem_alloc : memref<!tpu.dma_semaphore, #tpu.memory_space<semaphore_mem>>
      %dma_start3A_296 = arith.constant 0 : i32
      %dma_start3A_297 = tpu.memref_slice %arg13[%add3A_40, %dma_start3A_296] : memref<10240x64xf32, #tpu.memory_space<vmem_shared>> -> memref<128x64xf32, #tpu.memory_space<vmem_shared>>
      %dma_start3A_298 = arith.constant 0 : i32
      %dma_start3A_299 = tpu.memref_slice %arg13[%add3A_40, %dma_start3A_298] : memref<10240x64xf32, #tpu.memory_space<vmem_shared>> -> memref<128x64xf32, #tpu.memory_space<vmem_shared>>
      tpu.enqueue_dma source(%arg8 : memref<128x64xf32, #tpu.memory_space<vmem>>) target(%dma_start3A_299 : memref<128x64xf32, #tpu.memory_space<vmem_shared>>) target_semaphore(%run_scoped3A : memref<!tpu.dma_semaphore, #tpu.memory_space<semaphore_mem>>)
      %dma_wait3A_300 = arith.constant 0 : i32
      %dma_wait3A_301 = tpu.memref_slice %arg13[%add3A_40, %dma_wait3A_300] : memref<10240x64xf32, #tpu.memory_space<vmem_shared>> -> memref<128x64xf32, #tpu.memory_space<vmem_shared>>
      %dma_wait3A_302 = arith.constant 0 : i32
      %dma_wait3A_303 = tpu.memref_slice %arg13[%add3A_40, %dma_wait3A_302] : memref<10240x64xf32, #tpu.memory_space<vmem_shared>> -> memref<128x64xf32, #tpu.memory_space<vmem_shared>>
      tpu.wait_dma2 semaphore(%run_scoped3A : memref<!tpu.dma_semaphore, #tpu.memory_space<semaphore_mem>>) src(%arg8 : memref<128x64xf32, #tpu.memory_space<vmem>>) dst(%dma_wait3A_303 : memref<128x64xf32, #tpu.memory_space<vmem_shared>>)
      tpu.yield
    }) : () -> ()
    %mul3A_41 = arith.constant 640 : i32
    %mul3A_42 = arith.muli %arg1, %mul3A_41 : i32
    %add3A_43 = arith.constant 512 : i32
    %add3A_44 = arith.addi %mul3A_42, %add3A_43 : i32
    "tpu.region"() ({
      %run_scoped3A = tpu.sem_alloc : memref<!tpu.dma_semaphore, #tpu.memory_space<semaphore_mem>>
      %dma_start3A_296 = arith.constant 0 : i32
      %dma_start3A_297 = tpu.memref_slice %arg13[%add3A_44, %dma_start3A_296] : memref<10240x64xf32, #tpu.memory_space<vmem_shared>> -> memref<128x64xf32, #tpu.memory_space<vmem_shared>>
      %dma_start3A_298 = arith.constant 0 : i32
      %dma_start3A_299 = tpu.memref_slice %arg13[%add3A_44, %dma_start3A_298] : memref<10240x64xf32, #tpu.memory_space<vmem_shared>> -> memref<128x64xf32, #tpu.memory_space<vmem_shared>>
      tpu.enqueue_dma source(%arg8 : memref<128x64xf32, #tpu.memory_space<vmem>>) target(%dma_start3A_299 : memref<128x64xf32, #tpu.memory_space<vmem_shared>>) target_semaphore(%run_scoped3A : memref<!tpu.dma_semaphore, #tpu.memory_space<semaphore_mem>>)
      %dma_wait3A_300 = arith.constant 0 : i32
      %dma_wait3A_301 = tpu.memref_slice %arg13[%add3A_44, %dma_wait3A_300] : memref<10240x64xf32, #tpu.memory_space<vmem_shared>> -> memref<128x64xf32, #tpu.memory_space<vmem_shared>>
      %dma_wait3A_302 = arith.constant 0 : i32
      %dma_wait3A_303 = tpu.memref_slice %arg13[%add3A_44, %dma_wait3A_302] : memref<10240x64xf32, #tpu.memory_space<vmem_shared>> -> memref<128x64xf32, #tpu.memory_space<vmem_shared>>
      tpu.wait_dma2 semaphore(%run_scoped3A : memref<!tpu.dma_semaphore, #tpu.memory_space<semaphore_mem>>) src(%arg8 : memref<128x64xf32, #tpu.memory_space<vmem>>) dst(%dma_wait3A_303 : memref<128x64xf32, #tpu.memory_space<vmem_shared>>)
      tpu.yield
    }) : () -> ()
    %barrier3A = arith.constant 0 : index
    tpu.barrier barrier_id(%barrier3A)
    "tpu.region"() ({
      %run_scoped3A = tpu.sem_alloc : memref<!tpu.dma_semaphore, #tpu.memory_space<semaphore_mem>>
      %dma_start3A_296 = arith.constant 0 : i32
      %dma_start3A_297 = arith.constant 0 : i32
      %dma_start3A_298 = tpu.memref_slice %arg3[%arg1, %dma_start3A_296, %dma_start3A_297] : memref<16x160x128xi32, #tpu.memory_space<hbm>> -> memref<1x160x128xi32, #tpu.memory_space<hbm>>
      %dma_start3A_299 = tpu.memref_squeeze %dma_start3A_298 : memref<1x160x128xi32, #tpu.memory_space<hbm>> -> memref<160x128xi32, #tpu.memory_space<hbm>>
      %dma_start3A_300 = arith.constant 0 : i32
      %dma_start3A_301 = arith.constant 0 : i32
      %dma_start3A_302 = tpu.memref_slice %dma_start3A_299[%dma_start3A_300, %dma_start3A_301] : memref<160x128xi32, #tpu.memory_space<hbm>> -> memref<40x128xi32, #tpu.memory_space<hbm>>
      %dma_start3A_303 = arith.constant 0 : i32
      %dma_start3A_304 = arith.constant 0 : i32
      %dma_start3A_305 = tpu.memref_slice %arg3[%arg1, %dma_start3A_303, %dma_start3A_304] : memref<16x160x128xi32, #tpu.memory_space<hbm>> -> memref<1x160x128xi32, #tpu.memory_space<hbm>>
      %dma_start3A_306 = tpu.memref_squeeze %dma_start3A_305 : memref<1x160x128xi32, #tpu.memory_space<hbm>> -> memref<160x128xi32, #tpu.memory_space<hbm>>
      %dma_start3A_307 = arith.constant 0 : i32
      %dma_start3A_308 = arith.constant 0 : i32
      %dma_start3A_309 = tpu.memref_slice %dma_start3A_306[%dma_start3A_307, %dma_start3A_308] : memref<160x128xi32, #tpu.memory_space<hbm>> -> memref<40x128xi32, #tpu.memory_space<hbm>>
      tpu.enqueue_dma source(%dma_start3A_309 : memref<40x128xi32, #tpu.memory_space<hbm>>) target(%arg6 : memref<40x128xi32, #tpu.memory_space<vmem>>) target_semaphore(%run_scoped3A : memref<!tpu.dma_semaphore, #tpu.memory_space<semaphore_mem>>)
      %dma_wait3A_310 = arith.constant 0 : i32
      %dma_wait3A_311 = arith.constant 0 : i32
      %dma_wait3A_312 = tpu.memref_slice %arg3[%arg1, %dma_wait3A_310, %dma_wait3A_311] : memref<16x160x128xi32, #tpu.memory_space<hbm>> -> memref<1x160x128xi32, #tpu.memory_space<hbm>>
      %dma_wait3A_313 = tpu.memref_squeeze %dma_wait3A_312 : memref<1x160x128xi32, #tpu.memory_space<hbm>> -> memref<160x128xi32, #tpu.memory_space<hbm>>
      %dma_wait3A_314 = arith.constant 0 : i32
      %dma_wait3A_315 = arith.constant 0 : i32
      %dma_wait3A_316 = tpu.memref_slice %dma_wait3A_313[%dma_wait3A_314, %dma_wait3A_315] : memref<160x128xi32, #tpu.memory_space<hbm>> -> memref<40x128xi32, #tpu.memory_space<hbm>>
      %dma_wait3A_317 = arith.constant 0 : i32
      %dma_wait3A_318 = arith.constant 0 : i32
      %dma_wait3A_319 = tpu.memref_slice %arg3[%arg1, %dma_wait3A_317, %dma_wait3A_318] : memref<16x160x128xi32, #tpu.memory_space<hbm>> -> memref<1x160x128xi32, #tpu.memory_space<hbm>>
      %dma_wait3A_320 = tpu.memref_squeeze %dma_wait3A_319 : memref<1x160x128xi32, #tpu.memory_space<hbm>> -> memref<160x128xi32, #tpu.memory_space<hbm>>
      %dma_wait3A_321 = arith.constant 0 : i32
      %dma_wait3A_322 = arith.constant 0 : i32
      %dma_wait3A_323 = tpu.memref_slice %dma_wait3A_320[%dma_wait3A_321, %dma_wait3A_322] : memref<160x128xi32, #tpu.memory_space<hbm>> -> memref<40x128xi32, #tpu.memory_space<hbm>>
      tpu.wait_dma2 semaphore(%run_scoped3A : memref<!tpu.dma_semaphore, #tpu.memory_space<semaphore_mem>>) src(%dma_wait3A_323 : memref<40x128xi32, #tpu.memory_space<hbm>>) dst(%arg6 : memref<40x128xi32, #tpu.memory_space<vmem>>)
      tpu.yield
    }) : () -> ()
    "tpu.region"() ({
      %run_scoped3A = tpu.sem_alloc : memref<!tpu.dma_semaphore, #tpu.memory_space<semaphore_mem>>
      %dma_start3A_296 = arith.constant 0 : i32
      %dma_start3A_297 = arith.constant 0 : i32
      %dma_start3A_298 = tpu.memref_slice %arg4[%arg1, %dma_start3A_296, %dma_start3A_297] : memref<16x160x128xi32, #tpu.memory_space<hbm>> -> memref<1x160x128xi32, #tpu.memory_space<hbm>>
      %dma_start3A_299 = tpu.memref_squeeze %dma_start3A_298 : memref<1x160x128xi32, #tpu.memory_space<hbm>> -> memref<160x128xi32, #tpu.memory_space<hbm>>
      %dma_start3A_300 = arith.constant 0 : i32
      %dma_start3A_301 = arith.constant 0 : i32
      %dma_start3A_302 = tpu.memref_slice %dma_start3A_299[%dma_start3A_300, %dma_start3A_301] : memref<160x128xi32, #tpu.memory_space<hbm>> -> memref<40x128xi32, #tpu.memory_space<hbm>>
      %dma_start3A_303 = arith.constant 0 : i32
      %dma_start3A_304 = arith.constant 0 : i32
      %dma_start3A_305 = tpu.memref_slice %arg4[%arg1, %dma_start3A_303, %dma_start3A_304] : memref<16x160x128xi32, #tpu.memory_space<hbm>> -> memref<1x160x128xi32, #tpu.memory_space<hbm>>
      %dma_start3A_306 = tpu.memref_squeeze %dma_start3A_305 : memref<1x160x128xi32, #tpu.memory_space<hbm>> -> memref<160x128xi32, #tpu.memory_space<hbm>>
      %dma_start3A_307 = arith.constant 0 : i32
      %dma_start3A_308 = arith.constant 0 : i32
      %dma_start3A_309 = tpu.memref_slice %dma_start3A_306[%dma_start3A_307, %dma_start3A_308] : memref<160x128xi32, #tpu.memory_space<hbm>> -> memref<40x128xi32, #tpu.memory_space<hbm>>
      tpu.enqueue_dma source(%dma_start3A_309 : memref<40x128xi32, #tpu.memory_space<hbm>>) target(%arg7 : memref<40x128xi32, #tpu.memory_space<vmem>>) target_semaphore(%run_scoped3A : memref<!tpu.dma_semaphore, #tpu.memory_space<semaphore_mem>>)
      %dma_wait3A_310 = arith.constant 0 : i32
      %dma_wait3A_311 = arith.constant 0 : i32
      %dma_wait3A_312 = tpu.memref_slice %arg4[%arg1, %dma_wait3A_310, %dma_wait3A_311] : memref<16x160x128xi32, #tpu.memory_space<hbm>> -> memref<1x160x128xi32, #tpu.memory_space<hbm>>
      %dma_wait3A_313 = tpu.memref_squeeze %dma_wait3A_312 : memref<1x160x128xi32, #tpu.memory_space<hbm>> -> memref<160x128xi32, #tpu.memory_space<hbm>>
      %dma_wait3A_314 = arith.constant 0 : i32
      %dma_wait3A_315 = arith.constant 0 : i32
      %dma_wait3A_316 = tpu.memref_slice %dma_wait3A_313[%dma_wait3A_314, %dma_wait3A_315] : memref<160x128xi32, #tpu.memory_space<hbm>> -> memref<40x128xi32, #tpu.memory_space<hbm>>
      %dma_wait3A_317 = arith.constant 0 : i32
      %dma_wait3A_318 = arith.constant 0 : i32
      %dma_wait3A_319 = tpu.memref_slice %arg4[%arg1, %dma_wait3A_317, %dma_wait3A_318] : memref<16x160x128xi32, #tpu.memory_space<hbm>> -> memref<1x160x128xi32, #tpu.memory_space<hbm>>
      %dma_wait3A_320 = tpu.memref_squeeze %dma_wait3A_319 : memref<1x160x128xi32, #tpu.memory_space<hbm>> -> memref<160x128xi32, #tpu.memory_space<hbm>>
      %dma_wait3A_321 = arith.constant 0 : i32
      %dma_wait3A_322 = arith.constant 0 : i32
      %dma_wait3A_323 = tpu.memref_slice %dma_wait3A_320[%dma_wait3A_321, %dma_wait3A_322] : memref<160x128xi32, #tpu.memory_space<hbm>> -> memref<40x128xi32, #tpu.memory_space<hbm>>
      tpu.wait_dma2 semaphore(%run_scoped3A : memref<!tpu.dma_semaphore, #tpu.memory_space<semaphore_mem>>) src(%dma_wait3A_323 : memref<40x128xi32, #tpu.memory_space<hbm>>) dst(%arg7 : memref<40x128xi32, #tpu.memory_space<vmem>>)
      tpu.yield
    }) : () -> ()
    %dma_start3A = arith.constant 0 : i32
    %dma_start3A_45 = arith.constant 0 : i32
    %dma_start3A_46 = tpu.memref_slice %arg6[%dma_start3A, %dma_start3A_45] : memref<40x128xi32, #tpu.memory_space<vmem>> -> memref<1x128xi32, #tpu.memory_space<vmem>>
    %dma_start3A_47 = tpu.memref_squeeze %dma_start3A_46 : memref<1x128xi32, #tpu.memory_space<vmem>> -> memref<128xi32, #tpu.memory_space<vmem>>
    %dma_start3A_48 = arith.constant 0 : i32
    %dma_start3A_49 = arith.constant 0 : i32
    %dma_start3A_50 = tpu.memref_slice %arg12[%dma_start3A_48, %dma_start3A_49] : memref<10240x64xf32, #tpu.memory_space<vmem_shared>> -> memref<10240x64xf32, #tpu.memory_space<vmem_shared>>
    tpu.enqueue_indirect_dma source(%dma_start3A_50 : memref<10240x64xf32, #tpu.memory_space<vmem_shared>>) target(%arg8 : memref<128x64xf32, #tpu.memory_space<vmem>>) offsets(%dma_start3A_47 : memref<128xi32, #tpu.memory_space<vmem>>) semaphore(%arg14 : memref<!tpu.dma_semaphore, #tpu.memory_space<semaphore_mem>>)
    %dma_start3A_51 = arith.constant 1 : i32
    %dma_start3A_52 = arith.constant 0 : i32
    %dma_start3A_53 = tpu.memref_slice %arg6[%dma_start3A_51, %dma_start3A_52] : memref<40x128xi32, #tpu.memory_space<vmem>> -> memref<1x128xi32, #tpu.memory_space<vmem>>
    %dma_start3A_54 = tpu.memref_squeeze %dma_start3A_53 : memref<1x128xi32, #tpu.memory_space<vmem>> -> memref<128xi32, #tpu.memory_space<vmem>>
    %dma_start3A_55 = arith.constant 0 : i32
    %dma_start3A_56 = arith.constant 0 : i32
    %dma_start3A_57 = tpu.memref_slice %arg12[%dma_start3A_55, %dma_start3A_56] : memref<10240x64xf32, #tpu.memory_space<vmem_shared>> -> memref<10240x64xf32, #tpu.memory_space<vmem_shared>>
    tpu.enqueue_indirect_dma source(%dma_start3A_57 : memref<10240x64xf32, #tpu.memory_space<vmem_shared>>) target(%arg9 : memref<128x64xf32, #tpu.memory_space<vmem>>) offsets(%dma_start3A_54 : memref<128xi32, #tpu.memory_space<vmem>>) semaphore(%arg15 : memref<!tpu.dma_semaphore, #tpu.memory_space<semaphore_mem>>)
    %dma_start3A_58 = arith.constant 2 : i32
    %dma_start3A_59 = arith.constant 0 : i32
    %dma_start3A_60 = tpu.memref_slice %arg6[%dma_start3A_58, %dma_start3A_59] : memref<40x128xi32, #tpu.memory_space<vmem>> -> memref<1x128xi32, #tpu.memory_space<vmem>>
    %dma_start3A_61 = tpu.memref_squeeze %dma_start3A_60 : memref<1x128xi32, #tpu.memory_space<vmem>> -> memref<128xi32, #tpu.memory_space<vmem>>
    %dma_start3A_62 = arith.constant 0 : i32
    %dma_start3A_63 = arith.constant 0 : i32
    %dma_start3A_64 = tpu.memref_slice %arg12[%dma_start3A_62, %dma_start3A_63] : memref<10240x64xf32, #tpu.memory_space<vmem_shared>> -> memref<10240x64xf32, #tpu.memory_space<vmem_shared>>
    tpu.enqueue_indirect_dma source(%dma_start3A_64 : memref<10240x64xf32, #tpu.memory_space<vmem_shared>>) target(%arg10 : memref<128x64xf32, #tpu.memory_space<vmem>>) offsets(%dma_start3A_61 : memref<128xi32, #tpu.memory_space<vmem>>) semaphore(%arg16 : memref<!tpu.dma_semaphore, #tpu.memory_space<semaphore_mem>>)
    %dma_start3A_65 = arith.constant 3 : i32
    %dma_start3A_66 = arith.constant 0 : i32
    %dma_start3A_67 = tpu.memref_slice %arg6[%dma_start3A_65, %dma_start3A_66] : memref<40x128xi32, #tpu.memory_space<vmem>> -> memref<1x128xi32, #tpu.memory_space<vmem>>
    %dma_start3A_68 = tpu.memref_squeeze %dma_start3A_67 : memref<1x128xi32, #tpu.memory_space<vmem>> -> memref<128xi32, #tpu.memory_space<vmem>>
    %dma_start3A_69 = arith.constant 0 : i32
    %dma_start3A_70 = arith.constant 0 : i32
    %dma_start3A_71 = tpu.memref_slice %arg12[%dma_start3A_69, %dma_start3A_70] : memref<10240x64xf32, #tpu.memory_space<vmem_shared>> -> memref<10240x64xf32, #tpu.memory_space<vmem_shared>>
    tpu.enqueue_indirect_dma source(%dma_start3A_71 : memref<10240x64xf32, #tpu.memory_space<vmem_shared>>) target(%arg11 : memref<128x64xf32, #tpu.memory_space<vmem>>) offsets(%dma_start3A_68 : memref<128xi32, #tpu.memory_space<vmem>>) semaphore(%arg17 : memref<!tpu.dma_semaphore, #tpu.memory_space<semaphore_mem>>)
    %scan3A_72 = arith.constant 0 : i32
    %scan3A_73 = arith.constant 0 : i32
    %scan3A_74 = arith.constant 10 : i32
    %scan3A_75 = arith.addi %scan3A_73, %scan3A_74 : i32
    %scan3A_76 = arith.constant 1 : i32
    scf.for %scan3A_296 = %scan3A_73 to %scan3A_75 step %scan3A_76  : i32 {
      %mul3A_297 = arith.constant 4 : i32
      %mul3A_298 = arith.muli %scan3A_296, %mul3A_297 : i32
      %dma_wait3A_299 = arith.constant 0 : i32
      %dma_wait3A_300 = arith.constant 0 : i32
      %dma_wait3A_301 = tpu.memref_slice %arg6[%dma_wait3A_299, %dma_wait3A_300] : memref<40x128xi32, #tpu.memory_space<vmem>> -> memref<1x128xi32, #tpu.memory_space<vmem>>
      %dma_wait3A_302 = tpu.memref_squeeze %dma_wait3A_301 : memref<1x128xi32, #tpu.memory_space<vmem>> -> memref<128xi32, #tpu.memory_space<vmem>>
      %dma_wait3A_303 = arith.constant 0 : i32
      %dma_wait3A_304 = arith.constant 0 : i32
      %dma_wait3A_305 = tpu.memref_slice %arg12[%dma_wait3A_303, %dma_wait3A_304] : memref<10240x64xf32, #tpu.memory_space<vmem_shared>> -> memref<10240x64xf32, #tpu.memory_space<vmem_shared>>
      tpu.wait_indirect_dma semaphore(%arg14 : memref<!tpu.dma_semaphore, #tpu.memory_space<semaphore_mem>>) src(%dma_wait3A_305 : memref<10240x64xf32, #tpu.memory_space<vmem_shared>>) dst(%arg8 : memref<128x64xf32, #tpu.memory_space<vmem>>)
      %add3A_306 = arith.constant 0 : i32
      %add3A_307 = arith.addi %mul3A_298, %add3A_306 : i32
      %dma_start3A_308 = arith.constant 0 : i32
      %dma_start3A_309 = tpu.memref_slice %arg7[%add3A_307, %dma_start3A_308] : memref<40x128xi32, #tpu.memory_space<vmem>> -> memref<1x128xi32, #tpu.memory_space<vmem>>
      %dma_start3A_310 = tpu.memref_squeeze %dma_start3A_309 : memref<1x128xi32, #tpu.memory_space<vmem>> -> memref<128xi32, #tpu.memory_space<vmem>>
      %dma_start3A_311 = arith.constant 0 : i32
      %dma_start3A_312 = arith.constant 0 : i32
      %dma_start3A_313 = tpu.memref_slice %arg13[%dma_start3A_311, %dma_start3A_312] : memref<10240x64xf32, #tpu.memory_space<vmem_shared>> -> memref<10240x64xf32, #tpu.memory_space<vmem_shared>>
      tpu.enqueue_indirect_dma source(%arg8 : memref<128x64xf32, #tpu.memory_space<vmem>>) target(%dma_start3A_313 : memref<10240x64xf32, #tpu.memory_space<vmem_shared>>) offsets(%dma_start3A_310 : memref<128xi32, #tpu.memory_space<vmem>>) semaphore(%arg18 : memref<!tpu.dma_semaphore, #tpu.memory_space<semaphore_mem>>) {add = true}
      %dma_wait3A_314 = arith.constant 0 : i32
      %dma_wait3A_315 = arith.constant 0 : i32
      %dma_wait3A_316 = tpu.memref_slice %arg6[%dma_wait3A_314, %dma_wait3A_315] : memref<40x128xi32, #tpu.memory_space<vmem>> -> memref<1x128xi32, #tpu.memory_space<vmem>>
      %dma_wait3A_317 = tpu.memref_squeeze %dma_wait3A_316 : memref<1x128xi32, #tpu.memory_space<vmem>> -> memref<128xi32, #tpu.memory_space<vmem>>
      %dma_wait3A_318 = arith.constant 0 : i32
      %dma_wait3A_319 = arith.constant 0 : i32
      %dma_wait3A_320 = tpu.memref_slice %arg12[%dma_wait3A_318, %dma_wait3A_319] : memref<10240x64xf32, #tpu.memory_space<vmem_shared>> -> memref<10240x64xf32, #tpu.memory_space<vmem_shared>>
      tpu.wait_indirect_dma semaphore(%arg15 : memref<!tpu.dma_semaphore, #tpu.memory_space<semaphore_mem>>) src(%dma_wait3A_320 : memref<10240x64xf32, #tpu.memory_space<vmem_shared>>) dst(%arg9 : memref<128x64xf32, #tpu.memory_space<vmem>>)
      %add3A_321 = arith.constant 1 : i32
      %add3A_322 = arith.addi %mul3A_298, %add3A_321 : i32
      %dma_start3A_323 = arith.constant 0 : i32
      %dma_start3A_324 = tpu.memref_slice %arg7[%add3A_322, %dma_start3A_323] : memref<40x128xi32, #tpu.memory_space<vmem>> -> memref<1x128xi32, #tpu.memory_space<vmem>>
      %dma_start3A_325 = tpu.memref_squeeze %dma_start3A_324 : memref<1x128xi32, #tpu.memory_space<vmem>> -> memref<128xi32, #tpu.memory_space<vmem>>
      %dma_start3A_326 = arith.constant 0 : i32
      %dma_start3A_327 = arith.constant 0 : i32
      %dma_start3A_328 = tpu.memref_slice %arg13[%dma_start3A_326, %dma_start3A_327] : memref<10240x64xf32, #tpu.memory_space<vmem_shared>> -> memref<10240x64xf32, #tpu.memory_space<vmem_shared>>
      tpu.enqueue_indirect_dma source(%arg9 : memref<128x64xf32, #tpu.memory_space<vmem>>) target(%dma_start3A_328 : memref<10240x64xf32, #tpu.memory_space<vmem_shared>>) offsets(%dma_start3A_325 : memref<128xi32, #tpu.memory_space<vmem>>) semaphore(%arg19 : memref<!tpu.dma_semaphore, #tpu.memory_space<semaphore_mem>>) {add = true}
      %dma_wait3A_329 = arith.constant 0 : i32
      %dma_wait3A_330 = arith.constant 0 : i32
      %dma_wait3A_331 = tpu.memref_slice %arg6[%dma_wait3A_329, %dma_wait3A_330] : memref<40x128xi32, #tpu.memory_space<vmem>> -> memref<1x128xi32, #tpu.memory_space<vmem>>
      %dma_wait3A_332 = tpu.memref_squeeze %dma_wait3A_331 : memref<1x128xi32, #tpu.memory_space<vmem>> -> memref<128xi32, #tpu.memory_space<vmem>>
      %dma_wait3A_333 = arith.constant 0 : i32
      %dma_wait3A_334 = arith.constant 0 : i32
      %dma_wait3A_335 = tpu.memref_slice %arg12[%dma_wait3A_333, %dma_wait3A_334] : memref<10240x64xf32, #tpu.memory_space<vmem_shared>> -> memref<10240x64xf32, #tpu.memory_space<vmem_shared>>
      tpu.wait_indirect_dma semaphore(%arg16 : memref<!tpu.dma_semaphore, #tpu.memory_space<semaphore_mem>>) src(%dma_wait3A_335 : memref<10240x64xf32, #tpu.memory_space<vmem_shared>>) dst(%arg10 : memref<128x64xf32, #tpu.memory_space<vmem>>)
      %add3A_336 = arith.constant 2 : i32
      %add3A_337 = arith.addi %mul3A_298, %add3A_336 : i32
      %dma_start3A_338 = arith.constant 0 : i32
      %dma_start3A_339 = tpu.memref_slice %arg7[%add3A_337, %dma_start3A_338] : memref<40x128xi32, #tpu.memory_space<vmem>> -> memref<1x128xi32, #tpu.memory_space<vmem>>
      %dma_start3A_340 = tpu.memref_squeeze %dma_start3A_339 : memref<1x128xi32, #tpu.memory_space<vmem>> -> memref<128xi32, #tpu.memory_space<vmem>>
      %dma_start3A_341 = arith.constant 0 : i32
      %dma_start3A_342 = arith.constant 0 : i32
      %dma_start3A_343 = tpu.memref_slice %arg13[%dma_start3A_341, %dma_start3A_342] : memref<10240x64xf32, #tpu.memory_space<vmem_shared>> -> memref<10240x64xf32, #tpu.memory_space<vmem_shared>>
      tpu.enqueue_indirect_dma source(%arg10 : memref<128x64xf32, #tpu.memory_space<vmem>>) target(%dma_start3A_343 : memref<10240x64xf32, #tpu.memory_space<vmem_shared>>) offsets(%dma_start3A_340 : memref<128xi32, #tpu.memory_space<vmem>>) semaphore(%arg20 : memref<!tpu.dma_semaphore, #tpu.memory_space<semaphore_mem>>) {add = true}
      %dma_wait3A_344 = arith.constant 0 : i32
      %dma_wait3A_345 = arith.constant 0 : i32
      %dma_wait3A_346 = tpu.memref_slice %arg6[%dma_wait3A_344, %dma_wait3A_345] : memref<40x128xi32, #tpu.memory_space<vmem>> -> memref<1x128xi32, #tpu.memory_space<vmem>>
      %dma_wait3A_347 = tpu.memref_squeeze %dma_wait3A_346 : memref<1x128xi32, #tpu.memory_space<vmem>> -> memref<128xi32, #tpu.memory_space<vmem>>
      %dma_wait3A_348 = arith.constant 0 : i32
      %dma_wait3A_349 = arith.constant 0 : i32
      %dma_wait3A_350 = tpu.memref_slice %arg12[%dma_wait3A_348, %dma_wait3A_349] : memref<10240x64xf32, #tpu.memory_space<vmem_shared>> -> memref<10240x64xf32, #tpu.memory_space<vmem_shared>>
      tpu.wait_indirect_dma semaphore(%arg17 : memref<!tpu.dma_semaphore, #tpu.memory_space<semaphore_mem>>) src(%dma_wait3A_350 : memref<10240x64xf32, #tpu.memory_space<vmem_shared>>) dst(%arg11 : memref<128x64xf32, #tpu.memory_space<vmem>>)
      %add3A_351 = arith.constant 3 : i32
      %add3A_352 = arith.addi %mul3A_298, %add3A_351 : i32
      %dma_start3A_353 = arith.constant 0 : i32
      %dma_start3A_354 = tpu.memref_slice %arg7[%add3A_352, %dma_start3A_353] : memref<40x128xi32, #tpu.memory_space<vmem>> -> memref<1x128xi32, #tpu.memory_space<vmem>>
      %dma_start3A_355 = tpu.memref_squeeze %dma_start3A_354 : memref<1x128xi32, #tpu.memory_space<vmem>> -> memref<128xi32, #tpu.memory_space<vmem>>
      %dma_start3A_356 = arith.constant 0 : i32
      %dma_start3A_357 = arith.constant 0 : i32
      %dma_start3A_358 = tpu.memref_slice %arg13[%dma_start3A_356, %dma_start3A_357] : memref<10240x64xf32, #tpu.memory_space<vmem_shared>> -> memref<10240x64xf32, #tpu.memory_space<vmem_shared>>
      tpu.enqueue_indirect_dma source(%arg11 : memref<128x64xf32, #tpu.memory_space<vmem>>) target(%dma_start3A_358 : memref<10240x64xf32, #tpu.memory_space<vmem_shared>>) offsets(%dma_start3A_355 : memref<128xi32, #tpu.memory_space<vmem>>) semaphore(%arg21 : memref<!tpu.dma_semaphore, #tpu.memory_space<semaphore_mem>>) {add = true}
      %dma_wait3A_359 = arith.constant 0 : i32
      %dma_wait3A_360 = arith.constant 0 : i32
      %dma_wait3A_361 = tpu.memref_slice %arg7[%dma_wait3A_359, %dma_wait3A_360] : memref<40x128xi32, #tpu.memory_space<vmem>> -> memref<1x128xi32, #tpu.memory_space<vmem>>
      %dma_wait3A_362 = tpu.memref_squeeze %dma_wait3A_361 : memref<1x128xi32, #tpu.memory_space<vmem>> -> memref<128xi32, #tpu.memory_space<vmem>>
      %dma_wait3A_363 = arith.constant 0 : i32
      %dma_wait3A_364 = arith.constant 0 : i32
      %dma_wait3A_365 = tpu.memref_slice %arg13[%dma_wait3A_363, %dma_wait3A_364] : memref<10240x64xf32, #tpu.memory_space<vmem_shared>> -> memref<10240x64xf32, #tpu.memory_space<vmem_shared>>
      tpu.wait_indirect_dma semaphore(%arg18 : memref<!tpu.dma_semaphore, #tpu.memory_space<semaphore_mem>>) src(%arg8 : memref<128x64xf32, #tpu.memory_space<vmem>>) dst(%dma_wait3A_365 : memref<10240x64xf32, #tpu.memory_space<vmem_shared>>)
      %add3A_366 = arith.constant 4 : i32
      %add3A_367 = arith.addi %mul3A_298, %add3A_366 : i32
      %add3A_368 = arith.constant 0 : i32
      %add3A_369 = arith.addi %add3A_367, %add3A_368 : i32
      %min3A = arith.constant 39 : i32
      %min3A_370 = arith.minsi %add3A_369, %min3A : i32
      %dma_start3A_371 = arith.constant 0 : i32
      %dma_start3A_372 = tpu.memref_slice %arg6[%min3A_370, %dma_start3A_371] : memref<40x128xi32, #tpu.memory_space<vmem>> -> memref<1x128xi32, #tpu.memory_space<vmem>>
      %dma_start3A_373 = tpu.memref_squeeze %dma_start3A_372 : memref<1x128xi32, #tpu.memory_space<vmem>> -> memref<128xi32, #tpu.memory_space<vmem>>
      %dma_start3A_374 = arith.constant 0 : i32
      %dma_start3A_375 = arith.constant 0 : i32
      %dma_start3A_376 = tpu.memref_slice %arg12[%dma_start3A_374, %dma_start3A_375] : memref<10240x64xf32, #tpu.memory_space<vmem_shared>> -> memref<10240x64xf32, #tpu.memory_space<vmem_shared>>
      tpu.enqueue_indirect_dma source(%dma_start3A_376 : memref<10240x64xf32, #tpu.memory_space<vmem_shared>>) target(%arg8 : memref<128x64xf32, #tpu.memory_space<vmem>>) offsets(%dma_start3A_373 : memref<128xi32, #tpu.memory_space<vmem>>) semaphore(%arg14 : memref<!tpu.dma_semaphore, #tpu.memory_space<semaphore_mem>>)
      %dma_wait3A_377 = arith.constant 0 : i32
      %dma_wait3A_378 = arith.constant 0 : i32
      %dma_wait3A_379 = tpu.memref_slice %arg7[%dma_wait3A_377, %dma_wait3A_378] : memref<40x128xi32, #tpu.memory_space<vmem>> -> memref<1x128xi32, #tpu.memory_space<vmem>>
      %dma_wait3A_380 = tpu.memref_squeeze %dma_wait3A_379 : memref<1x128xi32, #tpu.memory_space<vmem>> -> memref<128xi32, #tpu.memory_space<vmem>>
      %dma_wait3A_381 = arith.constant 0 : i32
      %dma_wait3A_382 = arith.constant 0 : i32
      %dma_wait3A_383 = tpu.memref_slice %arg13[%dma_wait3A_381, %dma_wait3A_382] : memref<10240x64xf32, #tpu.memory_space<vmem_shared>> -> memref<10240x64xf32, #tpu.memory_space<vmem_shared>>
      tpu.wait_indirect_dma semaphore(%arg19 : memref<!tpu.dma_semaphore, #tpu.memory_space<semaphore_mem>>) src(%arg9 : memref<128x64xf32, #tpu.memory_space<vmem>>) dst(%dma_wait3A_383 : memref<10240x64xf32, #tpu.memory_space<vmem_shared>>)
      %add3A_384 = arith.constant 4 : i32
      %add3A_385 = arith.addi %mul3A_298, %add3A_384 : i32
      %add3A_386 = arith.constant 1 : i32
      %add3A_387 = arith.addi %add3A_385, %add3A_386 : i32
      %min3A_388 = arith.constant 39 : i32
      %min3A_389 = arith.minsi %add3A_387, %min3A_388 : i32
      %dma_start3A_390 = arith.constant 0 : i32
      %dma_start3A_391 = tpu.memref_slice %arg6[%min3A_389, %dma_start3A_390] : memref<40x128xi32, #tpu.memory_space<vmem>> -> memref<1x128xi32, #tpu.memory_space<vmem>>
      %dma_start3A_392 = tpu.memref_squeeze %dma_start3A_391 : memref<1x128xi32, #tpu.memory_space<vmem>> -> memref<128xi32, #tpu.memory_space<vmem>>
      %dma_start3A_393 = arith.constant 0 : i32
      %dma_start3A_394 = arith.constant 0 : i32
      %dma_start3A_395 = tpu.memref_slice %arg12[%dma_start3A_393, %dma_start3A_394] : memref<10240x64xf32, #tpu.memory_space<vmem_shared>> -> memref<10240x64xf32, #tpu.memory_space<vmem_shared>>
      tpu.enqueue_indirect_dma source(%dma_start3A_395 : memref<10240x64xf32, #tpu.memory_space<vmem_shared>>) target(%arg9 : memref<128x64xf32, #tpu.memory_space<vmem>>) offsets(%dma_start3A_392 : memref<128xi32, #tpu.memory_space<vmem>>) semaphore(%arg15 : memref<!tpu.dma_semaphore, #tpu.memory_space<semaphore_mem>>)
      %dma_wait3A_396 = arith.constant 0 : i32
      %dma_wait3A_397 = arith.constant 0 : i32
      %dma_wait3A_398 = tpu.memref_slice %arg7[%dma_wait3A_396, %dma_wait3A_397] : memref<40x128xi32, #tpu.memory_space<vmem>> -> memref<1x128xi32, #tpu.memory_space<vmem>>
      %dma_wait3A_399 = tpu.memref_squeeze %dma_wait3A_398 : memref<1x128xi32, #tpu.memory_space<vmem>> -> memref<128xi32, #tpu.memory_space<vmem>>
      %dma_wait3A_400 = arith.constant 0 : i32
      %dma_wait3A_401 = arith.constant 0 : i32
      %dma_wait3A_402 = tpu.memref_slice %arg13[%dma_wait3A_400, %dma_wait3A_401] : memref<10240x64xf32, #tpu.memory_space<vmem_shared>> -> memref<10240x64xf32, #tpu.memory_space<vmem_shared>>
      tpu.wait_indirect_dma semaphore(%arg20 : memref<!tpu.dma_semaphore, #tpu.memory_space<semaphore_mem>>) src(%arg10 : memref<128x64xf32, #tpu.memory_space<vmem>>) dst(%dma_wait3A_402 : memref<10240x64xf32, #tpu.memory_space<vmem_shared>>)
      %add3A_403 = arith.constant 4 : i32
      %add3A_404 = arith.addi %mul3A_298, %add3A_403 : i32
      %add3A_405 = arith.constant 2 : i32
      %add3A_406 = arith.addi %add3A_404, %add3A_405 : i32
      %min3A_407 = arith.constant 39 : i32
      %min3A_408 = arith.minsi %add3A_406, %min3A_407 : i32
      %dma_start3A_409 = arith.constant 0 : i32
      %dma_start3A_410 = tpu.memref_slice %arg6[%min3A_408, %dma_start3A_409] : memref<40x128xi32, #tpu.memory_space<vmem>> -> memref<1x128xi32, #tpu.memory_space<vmem>>
      %dma_start3A_411 = tpu.memref_squeeze %dma_start3A_410 : memref<1x128xi32, #tpu.memory_space<vmem>> -> memref<128xi32, #tpu.memory_space<vmem>>
      %dma_start3A_412 = arith.constant 0 : i32
      %dma_start3A_413 = arith.constant 0 : i32
      %dma_start3A_414 = tpu.memref_slice %arg12[%dma_start3A_412, %dma_start3A_413] : memref<10240x64xf32, #tpu.memory_space<vmem_shared>> -> memref<10240x64xf32, #tpu.memory_space<vmem_shared>>
      tpu.enqueue_indirect_dma source(%dma_start3A_414 : memref<10240x64xf32, #tpu.memory_space<vmem_shared>>) target(%arg10 : memref<128x64xf32, #tpu.memory_space<vmem>>) offsets(%dma_start3A_411 : memref<128xi32, #tpu.memory_space<vmem>>) semaphore(%arg16 : memref<!tpu.dma_semaphore, #tpu.memory_space<semaphore_mem>>)
      %dma_wait3A_415 = arith.constant 0 : i32
      %dma_wait3A_416 = arith.constant 0 : i32
      %dma_wait3A_417 = tpu.memref_slice %arg7[%dma_wait3A_415, %dma_wait3A_416] : memref<40x128xi32, #tpu.memory_space<vmem>> -> memref<1x128xi32, #tpu.memory_space<vmem>>
      %dma_wait3A_418 = tpu.memref_squeeze %dma_wait3A_417 : memref<1x128xi32, #tpu.memory_space<vmem>> -> memref<128xi32, #tpu.memory_space<vmem>>
      %dma_wait3A_419 = arith.constant 0 : i32
      %dma_wait3A_420 = arith.constant 0 : i32
      %dma_wait3A_421 = tpu.memref_slice %arg13[%dma_wait3A_419, %dma_wait3A_420] : memref<10240x64xf32, #tpu.memory_space<vmem_shared>> -> memref<10240x64xf32, #tpu.memory_space<vmem_shared>>
      tpu.wait_indirect_dma semaphore(%arg21 : memref<!tpu.dma_semaphore, #tpu.memory_space<semaphore_mem>>) src(%arg11 : memref<128x64xf32, #tpu.memory_space<vmem>>) dst(%dma_wait3A_421 : memref<10240x64xf32, #tpu.memory_space<vmem_shared>>)
      %add3A_422 = arith.constant 4 : i32
      %add3A_423 = arith.addi %mul3A_298, %add3A_422 : i32
      %add3A_424 = arith.constant 3 : i32
      %add3A_425 = arith.addi %add3A_423, %add3A_424 : i32
      %min3A_426 = arith.constant 39 : i32
      %min3A_427 = arith.minsi %add3A_425, %min3A_426 : i32
      %dma_start3A_428 = arith.constant 0 : i32
      %dma_start3A_429 = tpu.memref_slice %arg6[%min3A_427, %dma_start3A_428] : memref<40x128xi32, #tpu.memory_space<vmem>> -> memref<1x128xi32, #tpu.memory_space<vmem>>
      %dma_start3A_430 = tpu.memref_squeeze %dma_start3A_429 : memref<1x128xi32, #tpu.memory_space<vmem>> -> memref<128xi32, #tpu.memory_space<vmem>>
      %dma_start3A_431 = arith.constant 0 : i32
      %dma_start3A_432 = arith.constant 0 : i32
      %dma_start3A_433 = tpu.memref_slice %arg12[%dma_start3A_431, %dma_start3A_432] : memref<10240x64xf32, #tpu.memory_space<vmem_shared>> -> memref<10240x64xf32, #tpu.memory_space<vmem_shared>>
      tpu.enqueue_indirect_dma source(%dma_start3A_433 : memref<10240x64xf32, #tpu.memory_space<vmem_shared>>) target(%arg11 : memref<128x64xf32, #tpu.memory_space<vmem>>) offsets(%dma_start3A_430 : memref<128xi32, #tpu.memory_space<vmem>>) semaphore(%arg17 : memref<!tpu.dma_semaphore, #tpu.memory_space<semaphore_mem>>)
    }
    %scan3A_77 = arith.constant 10 : i32
    %dma_wait3A = arith.constant 0 : i32
    %dma_wait3A_78 = arith.constant 0 : i32
    %dma_wait3A_79 = tpu.memref_slice %arg6[%dma_wait3A, %dma_wait3A_78] : memref<40x128xi32, #tpu.memory_space<vmem>> -> memref<1x128xi32, #tpu.memory_space<vmem>>
    %dma_wait3A_80 = tpu.memref_squeeze %dma_wait3A_79 : memref<1x128xi32, #tpu.memory_space<vmem>> -> memref<128xi32, #tpu.memory_space<vmem>>
    %dma_wait3A_81 = arith.constant 0 : i32
    %dma_wait3A_82 = arith.constant 0 : i32
    %dma_wait3A_83 = tpu.memref_slice %arg12[%dma_wait3A_81, %dma_wait3A_82] : memref<10240x64xf32, #tpu.memory_space<vmem_shared>> -> memref<10240x64xf32, #tpu.memory_space<vmem_shared>>
    tpu.wait_indirect_dma semaphore(%arg14 : memref<!tpu.dma_semaphore, #tpu.memory_space<semaphore_mem>>) src(%dma_wait3A_83 : memref<10240x64xf32, #tpu.memory_space<vmem_shared>>) dst(%arg8 : memref<128x64xf32, #tpu.memory_space<vmem>>)
    %dma_wait3A_84 = arith.constant 0 : i32
    %dma_wait3A_85 = arith.constant 0 : i32
    %dma_wait3A_86 = tpu.memref_slice %arg6[%dma_wait3A_84, %dma_wait3A_85] : memref<40x128xi32, #tpu.memory_space<vmem>> -> memref<1x128xi32, #tpu.memory_space<vmem>>
    %dma_wait3A_87 = tpu.memref_squeeze %dma_wait3A_86 : memref<1x128xi32, #tpu.memory_space<vmem>> -> memref<128xi32, #tpu.memory_space<vmem>>
    %dma_wait3A_88 = arith.constant 0 : i32
    %dma_wait3A_89 = arith.constant 0 : i32
    %dma_wait3A_90 = tpu.memref_slice %arg12[%dma_wait3A_88, %dma_wait3A_89] : memref<10240x64xf32, #tpu.memory_space<vmem_shared>> -> memref<10240x64xf32, #tpu.memory_space<vmem_shared>>
    tpu.wait_indirect_dma semaphore(%arg15 : memref<!tpu.dma_semaphore, #tpu.memory_space<semaphore_mem>>) src(%dma_wait3A_90 : memref<10240x64xf32, #tpu.memory_space<vmem_shared>>) dst(%arg9 : memref<128x64xf32, #tpu.memory_space<vmem>>)
    %dma_wait3A_91 = arith.constant 0 : i32
    %dma_wait3A_92 = arith.constant 0 : i32
    %dma_wait3A_93 = tpu.memref_slice %arg6[%dma_wait3A_91, %dma_wait3A_92] : memref<40x128xi32, #tpu.memory_space<vmem>> -> memref<1x128xi32, #tpu.memory_space<vmem>>
    %dma_wait3A_94 = tpu.memref_squeeze %dma_wait3A_93 : memref<1x128xi32, #tpu.memory_space<vmem>> -> memref<128xi32, #tpu.memory_space<vmem>>
    %dma_wait3A_95 = arith.constant 0 : i32
    %dma_wait3A_96 = arith.constant 0 : i32
    %dma_wait3A_97 = tpu.memref_slice %arg12[%dma_wait3A_95, %dma_wait3A_96] : memref<10240x64xf32, #tpu.memory_space<vmem_shared>> -> memref<10240x64xf32, #tpu.memory_space<vmem_shared>>
    tpu.wait_indirect_dma semaphore(%arg16 : memref<!tpu.dma_semaphore, #tpu.memory_space<semaphore_mem>>) src(%dma_wait3A_97 : memref<10240x64xf32, #tpu.memory_space<vmem_shared>>) dst(%arg10 : memref<128x64xf32, #tpu.memory_space<vmem>>)
    %dma_wait3A_98 = arith.constant 0 : i32
    %dma_wait3A_99 = arith.constant 0 : i32
    %dma_wait3A_100 = tpu.memref_slice %arg6[%dma_wait3A_98, %dma_wait3A_99] : memref<40x128xi32, #tpu.memory_space<vmem>> -> memref<1x128xi32, #tpu.memory_space<vmem>>
    %dma_wait3A_101 = tpu.memref_squeeze %dma_wait3A_100 : memref<1x128xi32, #tpu.memory_space<vmem>> -> memref<128xi32, #tpu.memory_space<vmem>>
    %dma_wait3A_102 = arith.constant 0 : i32
    %dma_wait3A_103 = arith.constant 0 : i32
    %dma_wait3A_104 = tpu.memref_slice %arg12[%dma_wait3A_102, %dma_wait3A_103] : memref<10240x64xf32, #tpu.memory_space<vmem_shared>> -> memref<10240x64xf32, #tpu.memory_space<vmem_shared>>
    tpu.wait_indirect_dma semaphore(%arg17 : memref<!tpu.dma_semaphore, #tpu.memory_space<semaphore_mem>>) src(%dma_wait3A_104 : memref<10240x64xf32, #tpu.memory_space<vmem_shared>>) dst(%arg11 : memref<128x64xf32, #tpu.memory_space<vmem>>)
    "tpu.region"() ({
      %run_scoped3A = tpu.sem_alloc : memref<!tpu.dma_semaphore, #tpu.memory_space<semaphore_mem>>
      %dma_start3A_296 = arith.constant 0 : i32
      %dma_start3A_297 = arith.constant 0 : i32
      %dma_start3A_298 = tpu.memref_slice %arg3[%arg1, %dma_start3A_296, %dma_start3A_297] : memref<16x160x128xi32, #tpu.memory_space<hbm>> -> memref<1x160x128xi32, #tpu.memory_space<hbm>>
      %dma_start3A_299 = tpu.memref_squeeze %dma_start3A_298 : memref<1x160x128xi32, #tpu.memory_space<hbm>> -> memref<160x128xi32, #tpu.memory_space<hbm>>
      %dma_start3A_300 = arith.constant 40 : i32
      %dma_start3A_301 = arith.constant 0 : i32
      %dma_start3A_302 = tpu.memref_slice %dma_start3A_299[%dma_start3A_300, %dma_start3A_301] : memref<160x128xi32, #tpu.memory_space<hbm>> -> memref<40x128xi32, #tpu.memory_space<hbm>>
      %dma_start3A_303 = arith.constant 0 : i32
      %dma_start3A_304 = arith.constant 0 : i32
      %dma_start3A_305 = tpu.memref_slice %arg3[%arg1, %dma_start3A_303, %dma_start3A_304] : memref<16x160x128xi32, #tpu.memory_space<hbm>> -> memref<1x160x128xi32, #tpu.memory_space<hbm>>
      %dma_start3A_306 = tpu.memref_squeeze %dma_start3A_305 : memref<1x160x128xi32, #tpu.memory_space<hbm>> -> memref<160x128xi32, #tpu.memory_space<hbm>>
      %dma_start3A_307 = arith.constant 40 : i32
      %dma_start3A_308 = arith.constant 0 : i32
      %dma_start3A_309 = tpu.memref_slice %dma_start3A_306[%dma_start3A_307, %dma_start3A_308] : memref<160x128xi32, #tpu.memory_space<hbm>> -> memref<40x128xi32, #tpu.memory_space<hbm>>
      tpu.enqueue_dma source(%dma_start3A_309 : memref<40x128xi32, #tpu.memory_space<hbm>>) target(%arg6 : memref<40x128xi32, #tpu.memory_space<vmem>>) target_semaphore(%run_scoped3A : memref<!tpu.dma_semaphore, #tpu.memory_space<semaphore_mem>>)
      %dma_wait3A_310 = arith.constant 0 : i32
      %dma_wait3A_311 = arith.constant 0 : i32
      %dma_wait3A_312 = tpu.memref_slice %arg3[%arg1, %dma_wait3A_310, %dma_wait3A_311] : memref<16x160x128xi32, #tpu.memory_space<hbm>> -> memref<1x160x128xi32, #tpu.memory_space<hbm>>
      %dma_wait3A_313 = tpu.memref_squeeze %dma_wait3A_312 : memref<1x160x128xi32, #tpu.memory_space<hbm>> -> memref<160x128xi32, #tpu.memory_space<hbm>>
      %dma_wait3A_314 = arith.constant 40 : i32
      %dma_wait3A_315 = arith.constant 0 : i32
      %dma_wait3A_316 = tpu.memref_slice %dma_wait3A_313[%dma_wait3A_314, %dma_wait3A_315] : memref<160x128xi32, #tpu.memory_space<hbm>> -> memref<40x128xi32, #tpu.memory_space<hbm>>
      %dma_wait3A_317 = arith.constant 0 : i32
      %dma_wait3A_318 = arith.constant 0 : i32
      %dma_wait3A_319 = tpu.memref_slice %arg3[%arg1, %dma_wait3A_317, %dma_wait3A_318] : memref<16x160x128xi32, #tpu.memory_space<hbm>> -> memref<1x160x128xi32, #tpu.memory_space<hbm>>
      %dma_wait3A_320 = tpu.memref_squeeze %dma_wait3A_319 : memref<1x160x128xi32, #tpu.memory_space<hbm>> -> memref<160x128xi32, #tpu.memory_space<hbm>>
      %dma_wait3A_321 = arith.constant 40 : i32
      %dma_wait3A_322 = arith.constant 0 : i32
      %dma_wait3A_323 = tpu.memref_slice %dma_wait3A_320[%dma_wait3A_321, %dma_wait3A_322] : memref<160x128xi32, #tpu.memory_space<hbm>> -> memref<40x128xi32, #tpu.memory_space<hbm>>
      tpu.wait_dma2 semaphore(%run_scoped3A : memref<!tpu.dma_semaphore, #tpu.memory_space<semaphore_mem>>) src(%dma_wait3A_323 : memref<40x128xi32, #tpu.memory_space<hbm>>) dst(%arg6 : memref<40x128xi32, #tpu.memory_space<vmem>>)
      tpu.yield
    }) : () -> ()
    "tpu.region"() ({
      %run_scoped3A = tpu.sem_alloc : memref<!tpu.dma_semaphore, #tpu.memory_space<semaphore_mem>>
      %dma_start3A_296 = arith.constant 0 : i32
      %dma_start3A_297 = arith.constant 0 : i32
      %dma_start3A_298 = tpu.memref_slice %arg4[%arg1, %dma_start3A_296, %dma_start3A_297] : memref<16x160x128xi32, #tpu.memory_space<hbm>> -> memref<1x160x128xi32, #tpu.memory_space<hbm>>
      %dma_start3A_299 = tpu.memref_squeeze %dma_start3A_298 : memref<1x160x128xi32, #tpu.memory_space<hbm>> -> memref<160x128xi32, #tpu.memory_space<hbm>>
      %dma_start3A_300 = arith.constant 40 : i32
      %dma_start3A_301 = arith.constant 0 : i32
      %dma_start3A_302 = tpu.memref_slice %dma_start3A_299[%dma_start3A_300, %dma_start3A_301] : memref<160x128xi32, #tpu.memory_space<hbm>> -> memref<40x128xi32, #tpu.memory_space<hbm>>
      %dma_start3A_303 = arith.constant 0 : i32
      %dma_start3A_304 = arith.constant 0 : i32
      %dma_start3A_305 = tpu.memref_slice %arg4[%arg1, %dma_start3A_303, %dma_start3A_304] : memref<16x160x128xi32, #tpu.memory_space<hbm>> -> memref<1x160x128xi32, #tpu.memory_space<hbm>>
      %dma_start3A_306 = tpu.memref_squeeze %dma_start3A_305 : memref<1x160x128xi32, #tpu.memory_space<hbm>> -> memref<160x128xi32, #tpu.memory_space<hbm>>
      %dma_start3A_307 = arith.constant 40 : i32
      %dma_start3A_308 = arith.constant 0 : i32
      %dma_start3A_309 = tpu.memref_slice %dma_start3A_306[%dma_start3A_307, %dma_start3A_308] : memref<160x128xi32, #tpu.memory_space<hbm>> -> memref<40x128xi32, #tpu.memory_space<hbm>>
      tpu.enqueue_dma source(%dma_start3A_309 : memref<40x128xi32, #tpu.memory_space<hbm>>) target(%arg7 : memref<40x128xi32, #tpu.memory_space<vmem>>) target_semaphore(%run_scoped3A : memref<!tpu.dma_semaphore, #tpu.memory_space<semaphore_mem>>)
      %dma_wait3A_310 = arith.constant 0 : i32
      %dma_wait3A_311 = arith.constant 0 : i32
      %dma_wait3A_312 = tpu.memref_slice %arg4[%arg1, %dma_wait3A_310, %dma_wait3A_311] : memref<16x160x128xi32, #tpu.memory_space<hbm>> -> memref<1x160x128xi32, #tpu.memory_space<hbm>>
      %dma_wait3A_313 = tpu.memref_squeeze %dma_wait3A_312 : memref<1x160x128xi32, #tpu.memory_space<hbm>> -> memref<160x128xi32, #tpu.memory_space<hbm>>
      %dma_wait3A_314 = arith.constant 40 : i32
      %dma_wait3A_315 = arith.constant 0 : i32
      %dma_wait3A_316 = tpu.memref_slice %dma_wait3A_313[%dma_wait3A_314, %dma_wait3A_315] : memref<160x128xi32, #tpu.memory_space<hbm>> -> memref<40x128xi32, #tpu.memory_space<hbm>>
      %dma_wait3A_317 = arith.constant 0 : i32
      %dma_wait3A_318 = arith.constant 0 : i32
      %dma_wait3A_319 = tpu.memref_slice %arg4[%arg1, %dma_wait3A_317, %dma_wait3A_318] : memref<16x160x128xi32, #tpu.memory_space<hbm>> -> memref<1x160x128xi32, #tpu.memory_space<hbm>>
      %dma_wait3A_320 = tpu.memref_squeeze %dma_wait3A_319 : memref<1x160x128xi32, #tpu.memory_space<hbm>> -> memref<160x128xi32, #tpu.memory_space<hbm>>
      %dma_wait3A_321 = arith.constant 40 : i32
      %dma_wait3A_322 = arith.constant 0 : i32
      %dma_wait3A_323 = tpu.memref_slice %dma_wait3A_320[%dma_wait3A_321, %dma_wait3A_322] : memref<160x128xi32, #tpu.memory_space<hbm>> -> memref<40x128xi32, #tpu.memory_space<hbm>>
      tpu.wait_dma2 semaphore(%run_scoped3A : memref<!tpu.dma_semaphore, #tpu.memory_space<semaphore_mem>>) src(%dma_wait3A_323 : memref<40x128xi32, #tpu.memory_space<hbm>>) dst(%arg7 : memref<40x128xi32, #tpu.memory_space<vmem>>)
      tpu.yield
    }) : () -> ()
    %dma_start3A_105 = arith.constant 0 : i32
    %dma_start3A_106 = arith.constant 0 : i32
    %dma_start3A_107 = tpu.memref_slice %arg6[%dma_start3A_105, %dma_start3A_106] : memref<40x128xi32, #tpu.memory_space<vmem>> -> memref<1x128xi32, #tpu.memory_space<vmem>>
    %dma_start3A_108 = tpu.memref_squeeze %dma_start3A_107 : memref<1x128xi32, #tpu.memory_space<vmem>> -> memref<128xi32, #tpu.memory_space<vmem>>
    %dma_start3A_109 = arith.constant 0 : i32
    %dma_start3A_110 = arith.constant 0 : i32
    %dma_start3A_111 = tpu.memref_slice %arg12[%dma_start3A_109, %dma_start3A_110] : memref<10240x64xf32, #tpu.memory_space<vmem_shared>> -> memref<10240x64xf32, #tpu.memory_space<vmem_shared>>
    tpu.enqueue_indirect_dma source(%dma_start3A_111 : memref<10240x64xf32, #tpu.memory_space<vmem_shared>>) target(%arg8 : memref<128x64xf32, #tpu.memory_space<vmem>>) offsets(%dma_start3A_108 : memref<128xi32, #tpu.memory_space<vmem>>) semaphore(%arg14 : memref<!tpu.dma_semaphore, #tpu.memory_space<semaphore_mem>>)
    %dma_start3A_112 = arith.constant 1 : i32
    %dma_start3A_113 = arith.constant 0 : i32
    %dma_start3A_114 = tpu.memref_slice %arg6[%dma_start3A_112, %dma_start3A_113] : memref<40x128xi32, #tpu.memory_space<vmem>> -> memref<1x128xi32, #tpu.memory_space<vmem>>
    %dma_start3A_115 = tpu.memref_squeeze %dma_start3A_114 : memref<1x128xi32, #tpu.memory_space<vmem>> -> memref<128xi32, #tpu.memory_space<vmem>>
    %dma_start3A_116 = arith.constant 0 : i32
    %dma_start3A_117 = arith.constant 0 : i32
    %dma_start3A_118 = tpu.memref_slice %arg12[%dma_start3A_116, %dma_start3A_117] : memref<10240x64xf32, #tpu.memory_space<vmem_shared>> -> memref<10240x64xf32, #tpu.memory_space<vmem_shared>>
    tpu.enqueue_indirect_dma source(%dma_start3A_118 : memref<10240x64xf32, #tpu.memory_space<vmem_shared>>) target(%arg9 : memref<128x64xf32, #tpu.memory_space<vmem>>) offsets(%dma_start3A_115 : memref<128xi32, #tpu.memory_space<vmem>>) semaphore(%arg15 : memref<!tpu.dma_semaphore, #tpu.memory_space<semaphore_mem>>)
    %dma_start3A_119 = arith.constant 2 : i32
    %dma_start3A_120 = arith.constant 0 : i32
    %dma_start3A_121 = tpu.memref_slice %arg6[%dma_start3A_119, %dma_start3A_120] : memref<40x128xi32, #tpu.memory_space<vmem>> -> memref<1x128xi32, #tpu.memory_space<vmem>>
    %dma_start3A_122 = tpu.memref_squeeze %dma_start3A_121 : memref<1x128xi32, #tpu.memory_space<vmem>> -> memref<128xi32, #tpu.memory_space<vmem>>
    %dma_start3A_123 = arith.constant 0 : i32
    %dma_start3A_124 = arith.constant 0 : i32
    %dma_start3A_125 = tpu.memref_slice %arg12[%dma_start3A_123, %dma_start3A_124] : memref<10240x64xf32, #tpu.memory_space<vmem_shared>> -> memref<10240x64xf32, #tpu.memory_space<vmem_shared>>
    tpu.enqueue_indirect_dma source(%dma_start3A_125 : memref<10240x64xf32, #tpu.memory_space<vmem_shared>>) target(%arg10 : memref<128x64xf32, #tpu.memory_space<vmem>>) offsets(%dma_start3A_122 : memref<128xi32, #tpu.memory_space<vmem>>) semaphore(%arg16 : memref<!tpu.dma_semaphore, #tpu.memory_space<semaphore_mem>>)
    %dma_start3A_126 = arith.constant 3 : i32
    %dma_start3A_127 = arith.constant 0 : i32
    %dma_start3A_128 = tpu.memref_slice %arg6[%dma_start3A_126, %dma_start3A_127] : memref<40x128xi32, #tpu.memory_space<vmem>> -> memref<1x128xi32, #tpu.memory_space<vmem>>
    %dma_start3A_129 = tpu.memref_squeeze %dma_start3A_128 : memref<1x128xi32, #tpu.memory_space<vmem>> -> memref<128xi32, #tpu.memory_space<vmem>>
    %dma_start3A_130 = arith.constant 0 : i32
    %dma_start3A_131 = arith.constant 0 : i32
    %dma_start3A_132 = tpu.memref_slice %arg12[%dma_start3A_130, %dma_start3A_131] : memref<10240x64xf32, #tpu.memory_space<vmem_shared>> -> memref<10240x64xf32, #tpu.memory_space<vmem_shared>>
    tpu.enqueue_indirect_dma source(%dma_start3A_132 : memref<10240x64xf32, #tpu.memory_space<vmem_shared>>) target(%arg11 : memref<128x64xf32, #tpu.memory_space<vmem>>) offsets(%dma_start3A_129 : memref<128xi32, #tpu.memory_space<vmem>>) semaphore(%arg17 : memref<!tpu.dma_semaphore, #tpu.memory_space<semaphore_mem>>)
    %scan3A_133 = arith.constant 0 : i32
    %scan3A_134 = arith.constant 0 : i32
    %scan3A_135 = arith.constant 10 : i32
    %scan3A_136 = arith.addi %scan3A_134, %scan3A_135 : i32
    %scan3A_137 = arith.constant 1 : i32
    scf.for %scan3A_296 = %scan3A_134 to %scan3A_136 step %scan3A_137  : i32 {
      %mul3A_297 = arith.constant 4 : i32
      %mul3A_298 = arith.muli %scan3A_296, %mul3A_297 : i32
      %dma_wait3A_299 = arith.constant 0 : i32
      %dma_wait3A_300 = arith.constant 0 : i32
      %dma_wait3A_301 = tpu.memref_slice %arg6[%dma_wait3A_299, %dma_wait3A_300] : memref<40x128xi32, #tpu.memory_space<vmem>> -> memref<1x128xi32, #tpu.memory_space<vmem>>
      %dma_wait3A_302 = tpu.memref_squeeze %dma_wait3A_301 : memref<1x128xi32, #tpu.memory_space<vmem>> -> memref<128xi32, #tpu.memory_space<vmem>>
      %dma_wait3A_303 = arith.constant 0 : i32
      %dma_wait3A_304 = arith.constant 0 : i32
      %dma_wait3A_305 = tpu.memref_slice %arg12[%dma_wait3A_303, %dma_wait3A_304] : memref<10240x64xf32, #tpu.memory_space<vmem_shared>> -> memref<10240x64xf32, #tpu.memory_space<vmem_shared>>
      tpu.wait_indirect_dma semaphore(%arg14 : memref<!tpu.dma_semaphore, #tpu.memory_space<semaphore_mem>>) src(%dma_wait3A_305 : memref<10240x64xf32, #tpu.memory_space<vmem_shared>>) dst(%arg8 : memref<128x64xf32, #tpu.memory_space<vmem>>)
      %add3A_306 = arith.constant 0 : i32
      %add3A_307 = arith.addi %mul3A_298, %add3A_306 : i32
      %dma_start3A_308 = arith.constant 0 : i32
      %dma_start3A_309 = tpu.memref_slice %arg7[%add3A_307, %dma_start3A_308] : memref<40x128xi32, #tpu.memory_space<vmem>> -> memref<1x128xi32, #tpu.memory_space<vmem>>
      %dma_start3A_310 = tpu.memref_squeeze %dma_start3A_309 : memref<1x128xi32, #tpu.memory_space<vmem>> -> memref<128xi32, #tpu.memory_space<vmem>>
      %dma_start3A_311 = arith.constant 0 : i32
      %dma_start3A_312 = arith.constant 0 : i32
      %dma_start3A_313 = tpu.memref_slice %arg13[%dma_start3A_311, %dma_start3A_312] : memref<10240x64xf32, #tpu.memory_space<vmem_shared>> -> memref<10240x64xf32, #tpu.memory_space<vmem_shared>>
      tpu.enqueue_indirect_dma source(%arg8 : memref<128x64xf32, #tpu.memory_space<vmem>>) target(%dma_start3A_313 : memref<10240x64xf32, #tpu.memory_space<vmem_shared>>) offsets(%dma_start3A_310 : memref<128xi32, #tpu.memory_space<vmem>>) semaphore(%arg18 : memref<!tpu.dma_semaphore, #tpu.memory_space<semaphore_mem>>) {add = true}
      %dma_wait3A_314 = arith.constant 0 : i32
      %dma_wait3A_315 = arith.constant 0 : i32
      %dma_wait3A_316 = tpu.memref_slice %arg6[%dma_wait3A_314, %dma_wait3A_315] : memref<40x128xi32, #tpu.memory_space<vmem>> -> memref<1x128xi32, #tpu.memory_space<vmem>>
      %dma_wait3A_317 = tpu.memref_squeeze %dma_wait3A_316 : memref<1x128xi32, #tpu.memory_space<vmem>> -> memref<128xi32, #tpu.memory_space<vmem>>
      %dma_wait3A_318 = arith.constant 0 : i32
      %dma_wait3A_319 = arith.constant 0 : i32
      %dma_wait3A_320 = tpu.memref_slice %arg12[%dma_wait3A_318, %dma_wait3A_319] : memref<10240x64xf32, #tpu.memory_space<vmem_shared>> -> memref<10240x64xf32, #tpu.memory_space<vmem_shared>>
      tpu.wait_indirect_dma semaphore(%arg15 : memref<!tpu.dma_semaphore, #tpu.memory_space<semaphore_mem>>) src(%dma_wait3A_320 : memref<10240x64xf32, #tpu.memory_space<vmem_shared>>) dst(%arg9 : memref<128x64xf32, #tpu.memory_space<vmem>>)
      %add3A_321 = arith.constant 1 : i32
      %add3A_322 = arith.addi %mul3A_298, %add3A_321 : i32
      %dma_start3A_323 = arith.constant 0 : i32
      %dma_start3A_324 = tpu.memref_slice %arg7[%add3A_322, %dma_start3A_323] : memref<40x128xi32, #tpu.memory_space<vmem>> -> memref<1x128xi32, #tpu.memory_space<vmem>>
      %dma_start3A_325 = tpu.memref_squeeze %dma_start3A_324 : memref<1x128xi32, #tpu.memory_space<vmem>> -> memref<128xi32, #tpu.memory_space<vmem>>
      %dma_start3A_326 = arith.constant 0 : i32
      %dma_start3A_327 = arith.constant 0 : i32
      %dma_start3A_328 = tpu.memref_slice %arg13[%dma_start3A_326, %dma_start3A_327] : memref<10240x64xf32, #tpu.memory_space<vmem_shared>> -> memref<10240x64xf32, #tpu.memory_space<vmem_shared>>
      tpu.enqueue_indirect_dma source(%arg9 : memref<128x64xf32, #tpu.memory_space<vmem>>) target(%dma_start3A_328 : memref<10240x64xf32, #tpu.memory_space<vmem_shared>>) offsets(%dma_start3A_325 : memref<128xi32, #tpu.memory_space<vmem>>) semaphore(%arg19 : memref<!tpu.dma_semaphore, #tpu.memory_space<semaphore_mem>>) {add = true}
      %dma_wait3A_329 = arith.constant 0 : i32
      %dma_wait3A_330 = arith.constant 0 : i32
      %dma_wait3A_331 = tpu.memref_slice %arg6[%dma_wait3A_329, %dma_wait3A_330] : memref<40x128xi32, #tpu.memory_space<vmem>> -> memref<1x128xi32, #tpu.memory_space<vmem>>
      %dma_wait3A_332 = tpu.memref_squeeze %dma_wait3A_331 : memref<1x128xi32, #tpu.memory_space<vmem>> -> memref<128xi32, #tpu.memory_space<vmem>>
      %dma_wait3A_333 = arith.constant 0 : i32
      %dma_wait3A_334 = arith.constant 0 : i32
      %dma_wait3A_335 = tpu.memref_slice %arg12[%dma_wait3A_333, %dma_wait3A_334] : memref<10240x64xf32, #tpu.memory_space<vmem_shared>> -> memref<10240x64xf32, #tpu.memory_space<vmem_shared>>
      tpu.wait_indirect_dma semaphore(%arg16 : memref<!tpu.dma_semaphore, #tpu.memory_space<semaphore_mem>>) src(%dma_wait3A_335 : memref<10240x64xf32, #tpu.memory_space<vmem_shared>>) dst(%arg10 : memref<128x64xf32, #tpu.memory_space<vmem>>)
      %add3A_336 = arith.constant 2 : i32
      %add3A_337 = arith.addi %mul3A_298, %add3A_336 : i32
      %dma_start3A_338 = arith.constant 0 : i32
      %dma_start3A_339 = tpu.memref_slice %arg7[%add3A_337, %dma_start3A_338] : memref<40x128xi32, #tpu.memory_space<vmem>> -> memref<1x128xi32, #tpu.memory_space<vmem>>
      %dma_start3A_340 = tpu.memref_squeeze %dma_start3A_339 : memref<1x128xi32, #tpu.memory_space<vmem>> -> memref<128xi32, #tpu.memory_space<vmem>>
      %dma_start3A_341 = arith.constant 0 : i32
      %dma_start3A_342 = arith.constant 0 : i32
      %dma_start3A_343 = tpu.memref_slice %arg13[%dma_start3A_341, %dma_start3A_342] : memref<10240x64xf32, #tpu.memory_space<vmem_shared>> -> memref<10240x64xf32, #tpu.memory_space<vmem_shared>>
      tpu.enqueue_indirect_dma source(%arg10 : memref<128x64xf32, #tpu.memory_space<vmem>>) target(%dma_start3A_343 : memref<10240x64xf32, #tpu.memory_space<vmem_shared>>) offsets(%dma_start3A_340 : memref<128xi32, #tpu.memory_space<vmem>>) semaphore(%arg20 : memref<!tpu.dma_semaphore, #tpu.memory_space<semaphore_mem>>) {add = true}
      %dma_wait3A_344 = arith.constant 0 : i32
      %dma_wait3A_345 = arith.constant 0 : i32
      %dma_wait3A_346 = tpu.memref_slice %arg6[%dma_wait3A_344, %dma_wait3A_345] : memref<40x128xi32, #tpu.memory_space<vmem>> -> memref<1x128xi32, #tpu.memory_space<vmem>>
      %dma_wait3A_347 = tpu.memref_squeeze %dma_wait3A_346 : memref<1x128xi32, #tpu.memory_space<vmem>> -> memref<128xi32, #tpu.memory_space<vmem>>
      %dma_wait3A_348 = arith.constant 0 : i32
      %dma_wait3A_349 = arith.constant 0 : i32
      %dma_wait3A_350 = tpu.memref_slice %arg12[%dma_wait3A_348, %dma_wait3A_349] : memref<10240x64xf32, #tpu.memory_space<vmem_shared>> -> memref<10240x64xf32, #tpu.memory_space<vmem_shared>>
      tpu.wait_indirect_dma semaphore(%arg17 : memref<!tpu.dma_semaphore, #tpu.memory_space<semaphore_mem>>) src(%dma_wait3A_350 : memref<10240x64xf32, #tpu.memory_space<vmem_shared>>) dst(%arg11 : memref<128x64xf32, #tpu.memory_space<vmem>>)
      %add3A_351 = arith.constant 3 : i32
      %add3A_352 = arith.addi %mul3A_298, %add3A_351 : i32
      %dma_start3A_353 = arith.constant 0 : i32
      %dma_start3A_354 = tpu.memref_slice %arg7[%add3A_352, %dma_start3A_353] : memref<40x128xi32, #tpu.memory_space<vmem>> -> memref<1x128xi32, #tpu.memory_space<vmem>>
      %dma_start3A_355 = tpu.memref_squeeze %dma_start3A_354 : memref<1x128xi32, #tpu.memory_space<vmem>> -> memref<128xi32, #tpu.memory_space<vmem>>
      %dma_start3A_356 = arith.constant 0 : i32
      %dma_start3A_357 = arith.constant 0 : i32
      %dma_start3A_358 = tpu.memref_slice %arg13[%dma_start3A_356, %dma_start3A_357] : memref<10240x64xf32, #tpu.memory_space<vmem_shared>> -> memref<10240x64xf32, #tpu.memory_space<vmem_shared>>
      tpu.enqueue_indirect_dma source(%arg11 : memref<128x64xf32, #tpu.memory_space<vmem>>) target(%dma_start3A_358 : memref<10240x64xf32, #tpu.memory_space<vmem_shared>>) offsets(%dma_start3A_355 : memref<128xi32, #tpu.memory_space<vmem>>) semaphore(%arg21 : memref<!tpu.dma_semaphore, #tpu.memory_space<semaphore_mem>>) {add = true}
      %dma_wait3A_359 = arith.constant 0 : i32
      %dma_wait3A_360 = arith.constant 0 : i32
      %dma_wait3A_361 = tpu.memref_slice %arg7[%dma_wait3A_359, %dma_wait3A_360] : memref<40x128xi32, #tpu.memory_space<vmem>> -> memref<1x128xi32, #tpu.memory_space<vmem>>
      %dma_wait3A_362 = tpu.memref_squeeze %dma_wait3A_361 : memref<1x128xi32, #tpu.memory_space<vmem>> -> memref<128xi32, #tpu.memory_space<vmem>>
      %dma_wait3A_363 = arith.constant 0 : i32
      %dma_wait3A_364 = arith.constant 0 : i32
      %dma_wait3A_365 = tpu.memref_slice %arg13[%dma_wait3A_363, %dma_wait3A_364] : memref<10240x64xf32, #tpu.memory_space<vmem_shared>> -> memref<10240x64xf32, #tpu.memory_space<vmem_shared>>
      tpu.wait_indirect_dma semaphore(%arg18 : memref<!tpu.dma_semaphore, #tpu.memory_space<semaphore_mem>>) src(%arg8 : memref<128x64xf32, #tpu.memory_space<vmem>>) dst(%dma_wait3A_365 : memref<10240x64xf32, #tpu.memory_space<vmem_shared>>)
      %add3A_366 = arith.constant 4 : i32
      %add3A_367 = arith.addi %mul3A_298, %add3A_366 : i32
      %add3A_368 = arith.constant 0 : i32
      %add3A_369 = arith.addi %add3A_367, %add3A_368 : i32
      %min3A = arith.constant 39 : i32
      %min3A_370 = arith.minsi %add3A_369, %min3A : i32
      %dma_start3A_371 = arith.constant 0 : i32
      %dma_start3A_372 = tpu.memref_slice %arg6[%min3A_370, %dma_start3A_371] : memref<40x128xi32, #tpu.memory_space<vmem>> -> memref<1x128xi32, #tpu.memory_space<vmem>>
      %dma_start3A_373 = tpu.memref_squeeze %dma_start3A_372 : memref<1x128xi32, #tpu.memory_space<vmem>> -> memref<128xi32, #tpu.memory_space<vmem>>
      %dma_start3A_374 = arith.constant 0 : i32
      %dma_start3A_375 = arith.constant 0 : i32
      %dma_start3A_376 = tpu.memref_slice %arg12[%dma_start3A_374, %dma_start3A_375] : memref<10240x64xf32, #tpu.memory_space<vmem_shared>> -> memref<10240x64xf32, #tpu.memory_space<vmem_shared>>
      tpu.enqueue_indirect_dma source(%dma_start3A_376 : memref<10240x64xf32, #tpu.memory_space<vmem_shared>>) target(%arg8 : memref<128x64xf32, #tpu.memory_space<vmem>>) offsets(%dma_start3A_373 : memref<128xi32, #tpu.memory_space<vmem>>) semaphore(%arg14 : memref<!tpu.dma_semaphore, #tpu.memory_space<semaphore_mem>>)
      %dma_wait3A_377 = arith.constant 0 : i32
      %dma_wait3A_378 = arith.constant 0 : i32
      %dma_wait3A_379 = tpu.memref_slice %arg7[%dma_wait3A_377, %dma_wait3A_378] : memref<40x128xi32, #tpu.memory_space<vmem>> -> memref<1x128xi32, #tpu.memory_space<vmem>>
      %dma_wait3A_380 = tpu.memref_squeeze %dma_wait3A_379 : memref<1x128xi32, #tpu.memory_space<vmem>> -> memref<128xi32, #tpu.memory_space<vmem>>
      %dma_wait3A_381 = arith.constant 0 : i32
      %dma_wait3A_382 = arith.constant 0 : i32
      %dma_wait3A_383 = tpu.memref_slice %arg13[%dma_wait3A_381, %dma_wait3A_382] : memref<10240x64xf32, #tpu.memory_space<vmem_shared>> -> memref<10240x64xf32, #tpu.memory_space<vmem_shared>>
      tpu.wait_indirect_dma semaphore(%arg19 : memref<!tpu.dma_semaphore, #tpu.memory_space<semaphore_mem>>) src(%arg9 : memref<128x64xf32, #tpu.memory_space<vmem>>) dst(%dma_wait3A_383 : memref<10240x64xf32, #tpu.memory_space<vmem_shared>>)
      %add3A_384 = arith.constant 4 : i32
      %add3A_385 = arith.addi %mul3A_298, %add3A_384 : i32
      %add3A_386 = arith.constant 1 : i32
      %add3A_387 = arith.addi %add3A_385, %add3A_386 : i32
      %min3A_388 = arith.constant 39 : i32
      %min3A_389 = arith.minsi %add3A_387, %min3A_388 : i32
      %dma_start3A_390 = arith.constant 0 : i32
      %dma_start3A_391 = tpu.memref_slice %arg6[%min3A_389, %dma_start3A_390] : memref<40x128xi32, #tpu.memory_space<vmem>> -> memref<1x128xi32, #tpu.memory_space<vmem>>
      %dma_start3A_392 = tpu.memref_squeeze %dma_start3A_391 : memref<1x128xi32, #tpu.memory_space<vmem>> -> memref<128xi32, #tpu.memory_space<vmem>>
      %dma_start3A_393 = arith.constant 0 : i32
      %dma_start3A_394 = arith.constant 0 : i32
      %dma_start3A_395 = tpu.memref_slice %arg12[%dma_start3A_393, %dma_start3A_394] : memref<10240x64xf32, #tpu.memory_space<vmem_shared>> -> memref<10240x64xf32, #tpu.memory_space<vmem_shared>>
      tpu.enqueue_indirect_dma source(%dma_start3A_395 : memref<10240x64xf32, #tpu.memory_space<vmem_shared>>) target(%arg9 : memref<128x64xf32, #tpu.memory_space<vmem>>) offsets(%dma_start3A_392 : memref<128xi32, #tpu.memory_space<vmem>>) semaphore(%arg15 : memref<!tpu.dma_semaphore, #tpu.memory_space<semaphore_mem>>)
      %dma_wait3A_396 = arith.constant 0 : i32
      %dma_wait3A_397 = arith.constant 0 : i32
      %dma_wait3A_398 = tpu.memref_slice %arg7[%dma_wait3A_396, %dma_wait3A_397] : memref<40x128xi32, #tpu.memory_space<vmem>> -> memref<1x128xi32, #tpu.memory_space<vmem>>
      %dma_wait3A_399 = tpu.memref_squeeze %dma_wait3A_398 : memref<1x128xi32, #tpu.memory_space<vmem>> -> memref<128xi32, #tpu.memory_space<vmem>>
      %dma_wait3A_400 = arith.constant 0 : i32
      %dma_wait3A_401 = arith.constant 0 : i32
      %dma_wait3A_402 = tpu.memref_slice %arg13[%dma_wait3A_400, %dma_wait3A_401] : memref<10240x64xf32, #tpu.memory_space<vmem_shared>> -> memref<10240x64xf32, #tpu.memory_space<vmem_shared>>
      tpu.wait_indirect_dma semaphore(%arg20 : memref<!tpu.dma_semaphore, #tpu.memory_space<semaphore_mem>>) src(%arg10 : memref<128x64xf32, #tpu.memory_space<vmem>>) dst(%dma_wait3A_402 : memref<10240x64xf32, #tpu.memory_space<vmem_shared>>)
      %add3A_403 = arith.constant 4 : i32
      %add3A_404 = arith.addi %mul3A_298, %add3A_403 : i32
      %add3A_405 = arith.constant 2 : i32
      %add3A_406 = arith.addi %add3A_404, %add3A_405 : i32
      %min3A_407 = arith.constant 39 : i32
      %min3A_408 = arith.minsi %add3A_406, %min3A_407 : i32
      %dma_start3A_409 = arith.constant 0 : i32
      %dma_start3A_410 = tpu.memref_slice %arg6[%min3A_408, %dma_start3A_409] : memref<40x128xi32, #tpu.memory_space<vmem>> -> memref<1x128xi32, #tpu.memory_space<vmem>>
      %dma_start3A_411 = tpu.memref_squeeze %dma_start3A_410 : memref<1x128xi32, #tpu.memory_space<vmem>> -> memref<128xi32, #tpu.memory_space<vmem>>
      %dma_start3A_412 = arith.constant 0 : i32
      %dma_start3A_413 = arith.constant 0 : i32
      %dma_start3A_414 = tpu.memref_slice %arg12[%dma_start3A_412, %dma_start3A_413] : memref<10240x64xf32, #tpu.memory_space<vmem_shared>> -> memref<10240x64xf32, #tpu.memory_space<vmem_shared>>
      tpu.enqueue_indirect_dma source(%dma_start3A_414 : memref<10240x64xf32, #tpu.memory_space<vmem_shared>>) target(%arg10 : memref<128x64xf32, #tpu.memory_space<vmem>>) offsets(%dma_start3A_411 : memref<128xi32, #tpu.memory_space<vmem>>) semaphore(%arg16 : memref<!tpu.dma_semaphore, #tpu.memory_space<semaphore_mem>>)
      %dma_wait3A_415 = arith.constant 0 : i32
      %dma_wait3A_416 = arith.constant 0 : i32
      %dma_wait3A_417 = tpu.memref_slice %arg7[%dma_wait3A_415, %dma_wait3A_416] : memref<40x128xi32, #tpu.memory_space<vmem>> -> memref<1x128xi32, #tpu.memory_space<vmem>>
      %dma_wait3A_418 = tpu.memref_squeeze %dma_wait3A_417 : memref<1x128xi32, #tpu.memory_space<vmem>> -> memref<128xi32, #tpu.memory_space<vmem>>
      %dma_wait3A_419 = arith.constant 0 : i32
      %dma_wait3A_420 = arith.constant 0 : i32
      %dma_wait3A_421 = tpu.memref_slice %arg13[%dma_wait3A_419, %dma_wait3A_420] : memref<10240x64xf32, #tpu.memory_space<vmem_shared>> -> memref<10240x64xf32, #tpu.memory_space<vmem_shared>>
      tpu.wait_indirect_dma semaphore(%arg21 : memref<!tpu.dma_semaphore, #tpu.memory_space<semaphore_mem>>) src(%arg11 : memref<128x64xf32, #tpu.memory_space<vmem>>) dst(%dma_wait3A_421 : memref<10240x64xf32, #tpu.memory_space<vmem_shared>>)
      %add3A_422 = arith.constant 4 : i32
      %add3A_423 = arith.addi %mul3A_298, %add3A_422 : i32
      %add3A_424 = arith.constant 3 : i32
      %add3A_425 = arith.addi %add3A_423, %add3A_424 : i32
      %min3A_426 = arith.constant 39 : i32
      %min3A_427 = arith.minsi %add3A_425, %min3A_426 : i32
      %dma_start3A_428 = arith.constant 0 : i32
      %dma_start3A_429 = tpu.memref_slice %arg6[%min3A_427, %dma_start3A_428] : memref<40x128xi32, #tpu.memory_space<vmem>> -> memref<1x128xi32, #tpu.memory_space<vmem>>
      %dma_start3A_430 = tpu.memref_squeeze %dma_start3A_429 : memref<1x128xi32, #tpu.memory_space<vmem>> -> memref<128xi32, #tpu.memory_space<vmem>>
      %dma_start3A_431 = arith.constant 0 : i32
      %dma_start3A_432 = arith.constant 0 : i32
      %dma_start3A_433 = tpu.memref_slice %arg12[%dma_start3A_431, %dma_start3A_432] : memref<10240x64xf32, #tpu.memory_space<vmem_shared>> -> memref<10240x64xf32, #tpu.memory_space<vmem_shared>>
      tpu.enqueue_indirect_dma source(%dma_start3A_433 : memref<10240x64xf32, #tpu.memory_space<vmem_shared>>) target(%arg11 : memref<128x64xf32, #tpu.memory_space<vmem>>) offsets(%dma_start3A_430 : memref<128xi32, #tpu.memory_space<vmem>>) semaphore(%arg17 : memref<!tpu.dma_semaphore, #tpu.memory_space<semaphore_mem>>)
    }
    %scan3A_138 = arith.constant 10 : i32
    %dma_wait3A_139 = arith.constant 0 : i32
    %dma_wait3A_140 = arith.constant 0 : i32
    %dma_wait3A_141 = tpu.memref_slice %arg6[%dma_wait3A_139, %dma_wait3A_140] : memref<40x128xi32, #tpu.memory_space<vmem>> -> memref<1x128xi32, #tpu.memory_space<vmem>>
    %dma_wait3A_142 = tpu.memref_squeeze %dma_wait3A_141 : memref<1x128xi32, #tpu.memory_space<vmem>> -> memref<128xi32, #tpu.memory_space<vmem>>
    %dma_wait3A_143 = arith.constant 0 : i32
    %dma_wait3A_144 = arith.constant 0 : i32
    %dma_wait3A_145 = tpu.memref_slice %arg12[%dma_wait3A_143, %dma_wait3A_144] : memref<10240x64xf32, #tpu.memory_space<vmem_shared>> -> memref<10240x64xf32, #tpu.memory_space<vmem_shared>>
    tpu.wait_indirect_dma semaphore(%arg14 : memref<!tpu.dma_semaphore, #tpu.memory_space<semaphore_mem>>) src(%dma_wait3A_145 : memref<10240x64xf32, #tpu.memory_space<vmem_shared>>) dst(%arg8 : memref<128x64xf32, #tpu.memory_space<vmem>>)
    %dma_wait3A_146 = arith.constant 0 : i32
    %dma_wait3A_147 = arith.constant 0 : i32
    %dma_wait3A_148 = tpu.memref_slice %arg6[%dma_wait3A_146, %dma_wait3A_147] : memref<40x128xi32, #tpu.memory_space<vmem>> -> memref<1x128xi32, #tpu.memory_space<vmem>>
    %dma_wait3A_149 = tpu.memref_squeeze %dma_wait3A_148 : memref<1x128xi32, #tpu.memory_space<vmem>> -> memref<128xi32, #tpu.memory_space<vmem>>
    %dma_wait3A_150 = arith.constant 0 : i32
    %dma_wait3A_151 = arith.constant 0 : i32
    %dma_wait3A_152 = tpu.memref_slice %arg12[%dma_wait3A_150, %dma_wait3A_151] : memref<10240x64xf32, #tpu.memory_space<vmem_shared>> -> memref<10240x64xf32, #tpu.memory_space<vmem_shared>>
    tpu.wait_indirect_dma semaphore(%arg15 : memref<!tpu.dma_semaphore, #tpu.memory_space<semaphore_mem>>) src(%dma_wait3A_152 : memref<10240x64xf32, #tpu.memory_space<vmem_shared>>) dst(%arg9 : memref<128x64xf32, #tpu.memory_space<vmem>>)
    %dma_wait3A_153 = arith.constant 0 : i32
    %dma_wait3A_154 = arith.constant 0 : i32
    %dma_wait3A_155 = tpu.memref_slice %arg6[%dma_wait3A_153, %dma_wait3A_154] : memref<40x128xi32, #tpu.memory_space<vmem>> -> memref<1x128xi32, #tpu.memory_space<vmem>>
    %dma_wait3A_156 = tpu.memref_squeeze %dma_wait3A_155 : memref<1x128xi32, #tpu.memory_space<vmem>> -> memref<128xi32, #tpu.memory_space<vmem>>
    %dma_wait3A_157 = arith.constant 0 : i32
    %dma_wait3A_158 = arith.constant 0 : i32
    %dma_wait3A_159 = tpu.memref_slice %arg12[%dma_wait3A_157, %dma_wait3A_158] : memref<10240x64xf32, #tpu.memory_space<vmem_shared>> -> memref<10240x64xf32, #tpu.memory_space<vmem_shared>>
    tpu.wait_indirect_dma semaphore(%arg16 : memref<!tpu.dma_semaphore, #tpu.memory_space<semaphore_mem>>) src(%dma_wait3A_159 : memref<10240x64xf32, #tpu.memory_space<vmem_shared>>) dst(%arg10 : memref<128x64xf32, #tpu.memory_space<vmem>>)
    %dma_wait3A_160 = arith.constant 0 : i32
    %dma_wait3A_161 = arith.constant 0 : i32
    %dma_wait3A_162 = tpu.memref_slice %arg6[%dma_wait3A_160, %dma_wait3A_161] : memref<40x128xi32, #tpu.memory_space<vmem>> -> memref<1x128xi32, #tpu.memory_space<vmem>>
    %dma_wait3A_163 = tpu.memref_squeeze %dma_wait3A_162 : memref<1x128xi32, #tpu.memory_space<vmem>> -> memref<128xi32, #tpu.memory_space<vmem>>
    %dma_wait3A_164 = arith.constant 0 : i32
    %dma_wait3A_165 = arith.constant 0 : i32
    %dma_wait3A_166 = tpu.memref_slice %arg12[%dma_wait3A_164, %dma_wait3A_165] : memref<10240x64xf32, #tpu.memory_space<vmem_shared>> -> memref<10240x64xf32, #tpu.memory_space<vmem_shared>>
    tpu.wait_indirect_dma semaphore(%arg17 : memref<!tpu.dma_semaphore, #tpu.memory_space<semaphore_mem>>) src(%dma_wait3A_166 : memref<10240x64xf32, #tpu.memory_space<vmem_shared>>) dst(%arg11 : memref<128x64xf32, #tpu.memory_space<vmem>>)
    "tpu.region"() ({
      %run_scoped3A = tpu.sem_alloc : memref<!tpu.dma_semaphore, #tpu.memory_space<semaphore_mem>>
      %dma_start3A_296 = arith.constant 0 : i32
      %dma_start3A_297 = arith.constant 0 : i32
      %dma_start3A_298 = tpu.memref_slice %arg3[%arg1, %dma_start3A_296, %dma_start3A_297] : memref<16x160x128xi32, #tpu.memory_space<hbm>> -> memref<1x160x128xi32, #tpu.memory_space<hbm>>
      %dma_start3A_299 = tpu.memref_squeeze %dma_start3A_298 : memref<1x160x128xi32, #tpu.memory_space<hbm>> -> memref<160x128xi32, #tpu.memory_space<hbm>>
      %dma_start3A_300 = arith.constant 80 : i32
      %dma_start3A_301 = arith.constant 0 : i32
      %dma_start3A_302 = tpu.memref_slice %dma_start3A_299[%dma_start3A_300, %dma_start3A_301] : memref<160x128xi32, #tpu.memory_space<hbm>> -> memref<40x128xi32, #tpu.memory_space<hbm>>
      %dma_start3A_303 = arith.constant 0 : i32
      %dma_start3A_304 = arith.constant 0 : i32
      %dma_start3A_305 = tpu.memref_slice %arg3[%arg1, %dma_start3A_303, %dma_start3A_304] : memref<16x160x128xi32, #tpu.memory_space<hbm>> -> memref<1x160x128xi32, #tpu.memory_space<hbm>>
      %dma_start3A_306 = tpu.memref_squeeze %dma_start3A_305 : memref<1x160x128xi32, #tpu.memory_space<hbm>> -> memref<160x128xi32, #tpu.memory_space<hbm>>
      %dma_start3A_307 = arith.constant 80 : i32
      %dma_start3A_308 = arith.constant 0 : i32
      %dma_start3A_309 = tpu.memref_slice %dma_start3A_306[%dma_start3A_307, %dma_start3A_308] : memref<160x128xi32, #tpu.memory_space<hbm>> -> memref<40x128xi32, #tpu.memory_space<hbm>>
      tpu.enqueue_dma source(%dma_start3A_309 : memref<40x128xi32, #tpu.memory_space<hbm>>) target(%arg6 : memref<40x128xi32, #tpu.memory_space<vmem>>) target_semaphore(%run_scoped3A : memref<!tpu.dma_semaphore, #tpu.memory_space<semaphore_mem>>)
      %dma_wait3A_310 = arith.constant 0 : i32
      %dma_wait3A_311 = arith.constant 0 : i32
      %dma_wait3A_312 = tpu.memref_slice %arg3[%arg1, %dma_wait3A_310, %dma_wait3A_311] : memref<16x160x128xi32, #tpu.memory_space<hbm>> -> memref<1x160x128xi32, #tpu.memory_space<hbm>>
      %dma_wait3A_313 = tpu.memref_squeeze %dma_wait3A_312 : memref<1x160x128xi32, #tpu.memory_space<hbm>> -> memref<160x128xi32, #tpu.memory_space<hbm>>
      %dma_wait3A_314 = arith.constant 80 : i32
      %dma_wait3A_315 = arith.constant 0 : i32
      %dma_wait3A_316 = tpu.memref_slice %dma_wait3A_313[%dma_wait3A_314, %dma_wait3A_315] : memref<160x128xi32, #tpu.memory_space<hbm>> -> memref<40x128xi32, #tpu.memory_space<hbm>>
      %dma_wait3A_317 = arith.constant 0 : i32
      %dma_wait3A_318 = arith.constant 0 : i32
      %dma_wait3A_319 = tpu.memref_slice %arg3[%arg1, %dma_wait3A_317, %dma_wait3A_318] : memref<16x160x128xi32, #tpu.memory_space<hbm>> -> memref<1x160x128xi32, #tpu.memory_space<hbm>>
      %dma_wait3A_320 = tpu.memref_squeeze %dma_wait3A_319 : memref<1x160x128xi32, #tpu.memory_space<hbm>> -> memref<160x128xi32, #tpu.memory_space<hbm>>
      %dma_wait3A_321 = arith.constant 80 : i32
      %dma_wait3A_322 = arith.constant 0 : i32
      %dma_wait3A_323 = tpu.memref_slice %dma_wait3A_320[%dma_wait3A_321, %dma_wait3A_322] : memref<160x128xi32, #tpu.memory_space<hbm>> -> memref<40x128xi32, #tpu.memory_space<hbm>>
      tpu.wait_dma2 semaphore(%run_scoped3A : memref<!tpu.dma_semaphore, #tpu.memory_space<semaphore_mem>>) src(%dma_wait3A_323 : memref<40x128xi32, #tpu.memory_space<hbm>>) dst(%arg6 : memref<40x128xi32, #tpu.memory_space<vmem>>)
      tpu.yield
    }) : () -> ()
    "tpu.region"() ({
      %run_scoped3A = tpu.sem_alloc : memref<!tpu.dma_semaphore, #tpu.memory_space<semaphore_mem>>
      %dma_start3A_296 = arith.constant 0 : i32
      %dma_start3A_297 = arith.constant 0 : i32
      %dma_start3A_298 = tpu.memref_slice %arg4[%arg1, %dma_start3A_296, %dma_start3A_297] : memref<16x160x128xi32, #tpu.memory_space<hbm>> -> memref<1x160x128xi32, #tpu.memory_space<hbm>>
      %dma_start3A_299 = tpu.memref_squeeze %dma_start3A_298 : memref<1x160x128xi32, #tpu.memory_space<hbm>> -> memref<160x128xi32, #tpu.memory_space<hbm>>
      %dma_start3A_300 = arith.constant 80 : i32
      %dma_start3A_301 = arith.constant 0 : i32
      %dma_start3A_302 = tpu.memref_slice %dma_start3A_299[%dma_start3A_300, %dma_start3A_301] : memref<160x128xi32, #tpu.memory_space<hbm>> -> memref<40x128xi32, #tpu.memory_space<hbm>>
      %dma_start3A_303 = arith.constant 0 : i32
      %dma_start3A_304 = arith.constant 0 : i32
      %dma_start3A_305 = tpu.memref_slice %arg4[%arg1, %dma_start3A_303, %dma_start3A_304] : memref<16x160x128xi32, #tpu.memory_space<hbm>> -> memref<1x160x128xi32, #tpu.memory_space<hbm>>
      %dma_start3A_306 = tpu.memref_squeeze %dma_start3A_305 : memref<1x160x128xi32, #tpu.memory_space<hbm>> -> memref<160x128xi32, #tpu.memory_space<hbm>>
      %dma_start3A_307 = arith.constant 80 : i32
      %dma_start3A_308 = arith.constant 0 : i32
      %dma_start3A_309 = tpu.memref_slice %dma_start3A_306[%dma_start3A_307, %dma_start3A_308] : memref<160x128xi32, #tpu.memory_space<hbm>> -> memref<40x128xi32, #tpu.memory_space<hbm>>
      tpu.enqueue_dma source(%dma_start3A_309 : memref<40x128xi32, #tpu.memory_space<hbm>>) target(%arg7 : memref<40x128xi32, #tpu.memory_space<vmem>>) target_semaphore(%run_scoped3A : memref<!tpu.dma_semaphore, #tpu.memory_space<semaphore_mem>>)
      %dma_wait3A_310 = arith.constant 0 : i32
      %dma_wait3A_311 = arith.constant 0 : i32
      %dma_wait3A_312 = tpu.memref_slice %arg4[%arg1, %dma_wait3A_310, %dma_wait3A_311] : memref<16x160x128xi32, #tpu.memory_space<hbm>> -> memref<1x160x128xi32, #tpu.memory_space<hbm>>
      %dma_wait3A_313 = tpu.memref_squeeze %dma_wait3A_312 : memref<1x160x128xi32, #tpu.memory_space<hbm>> -> memref<160x128xi32, #tpu.memory_space<hbm>>
      %dma_wait3A_314 = arith.constant 80 : i32
      %dma_wait3A_315 = arith.constant 0 : i32
      %dma_wait3A_316 = tpu.memref_slice %dma_wait3A_313[%dma_wait3A_314, %dma_wait3A_315] : memref<160x128xi32, #tpu.memory_space<hbm>> -> memref<40x128xi32, #tpu.memory_space<hbm>>
      %dma_wait3A_317 = arith.constant 0 : i32
      %dma_wait3A_318 = arith.constant 0 : i32
      %dma_wait3A_319 = tpu.memref_slice %arg4[%arg1, %dma_wait3A_317, %dma_wait3A_318] : memref<16x160x128xi32, #tpu.memory_space<hbm>> -> memref<1x160x128xi32, #tpu.memory_space<hbm>>
      %dma_wait3A_320 = tpu.memref_squeeze %dma_wait3A_319 : memref<1x160x128xi32, #tpu.memory_space<hbm>> -> memref<160x128xi32, #tpu.memory_space<hbm>>
      %dma_wait3A_321 = arith.constant 80 : i32
      %dma_wait3A_322 = arith.constant 0 : i32
      %dma_wait3A_323 = tpu.memref_slice %dma_wait3A_320[%dma_wait3A_321, %dma_wait3A_322] : memref<160x128xi32, #tpu.memory_space<hbm>> -> memref<40x128xi32, #tpu.memory_space<hbm>>
      tpu.wait_dma2 semaphore(%run_scoped3A : memref<!tpu.dma_semaphore, #tpu.memory_space<semaphore_mem>>) src(%dma_wait3A_323 : memref<40x128xi32, #tpu.memory_space<hbm>>) dst(%arg7 : memref<40x128xi32, #tpu.memory_space<vmem>>)
      tpu.yield
    }) : () -> ()
    %dma_start3A_167 = arith.constant 0 : i32
    %dma_start3A_168 = arith.constant 0 : i32
    %dma_start3A_169 = tpu.memref_slice %arg6[%dma_start3A_167, %dma_start3A_168] : memref<40x128xi32, #tpu.memory_space<vmem>> -> memref<1x128xi32, #tpu.memory_space<vmem>>
    %dma_start3A_170 = tpu.memref_squeeze %dma_start3A_169 : memref<1x128xi32, #tpu.memory_space<vmem>> -> memref<128xi32, #tpu.memory_space<vmem>>
    %dma_start3A_171 = arith.constant 0 : i32
    %dma_start3A_172 = arith.constant 0 : i32
    %dma_start3A_173 = tpu.memref_slice %arg12[%dma_start3A_171, %dma_start3A_172] : memref<10240x64xf32, #tpu.memory_space<vmem_shared>> -> memref<10240x64xf32, #tpu.memory_space<vmem_shared>>
    tpu.enqueue_indirect_dma source(%dma_start3A_173 : memref<10240x64xf32, #tpu.memory_space<vmem_shared>>) target(%arg8 : memref<128x64xf32, #tpu.memory_space<vmem>>) offsets(%dma_start3A_170 : memref<128xi32, #tpu.memory_space<vmem>>) semaphore(%arg14 : memref<!tpu.dma_semaphore, #tpu.memory_space<semaphore_mem>>)
    %dma_start3A_174 = arith.constant 1 : i32
    %dma_start3A_175 = arith.constant 0 : i32
    %dma_start3A_176 = tpu.memref_slice %arg6[%dma_start3A_174, %dma_start3A_175] : memref<40x128xi32, #tpu.memory_space<vmem>> -> memref<1x128xi32, #tpu.memory_space<vmem>>
    %dma_start3A_177 = tpu.memref_squeeze %dma_start3A_176 : memref<1x128xi32, #tpu.memory_space<vmem>> -> memref<128xi32, #tpu.memory_space<vmem>>
    %dma_start3A_178 = arith.constant 0 : i32
    %dma_start3A_179 = arith.constant 0 : i32
    %dma_start3A_180 = tpu.memref_slice %arg12[%dma_start3A_178, %dma_start3A_179] : memref<10240x64xf32, #tpu.memory_space<vmem_shared>> -> memref<10240x64xf32, #tpu.memory_space<vmem_shared>>
    tpu.enqueue_indirect_dma source(%dma_start3A_180 : memref<10240x64xf32, #tpu.memory_space<vmem_shared>>) target(%arg9 : memref<128x64xf32, #tpu.memory_space<vmem>>) offsets(%dma_start3A_177 : memref<128xi32, #tpu.memory_space<vmem>>) semaphore(%arg15 : memref<!tpu.dma_semaphore, #tpu.memory_space<semaphore_mem>>)
    %dma_start3A_181 = arith.constant 2 : i32
    %dma_start3A_182 = arith.constant 0 : i32
    %dma_start3A_183 = tpu.memref_slice %arg6[%dma_start3A_181, %dma_start3A_182] : memref<40x128xi32, #tpu.memory_space<vmem>> -> memref<1x128xi32, #tpu.memory_space<vmem>>
    %dma_start3A_184 = tpu.memref_squeeze %dma_start3A_183 : memref<1x128xi32, #tpu.memory_space<vmem>> -> memref<128xi32, #tpu.memory_space<vmem>>
    %dma_start3A_185 = arith.constant 0 : i32
    %dma_start3A_186 = arith.constant 0 : i32
    %dma_start3A_187 = tpu.memref_slice %arg12[%dma_start3A_185, %dma_start3A_186] : memref<10240x64xf32, #tpu.memory_space<vmem_shared>> -> memref<10240x64xf32, #tpu.memory_space<vmem_shared>>
    tpu.enqueue_indirect_dma source(%dma_start3A_187 : memref<10240x64xf32, #tpu.memory_space<vmem_shared>>) target(%arg10 : memref<128x64xf32, #tpu.memory_space<vmem>>) offsets(%dma_start3A_184 : memref<128xi32, #tpu.memory_space<vmem>>) semaphore(%arg16 : memref<!tpu.dma_semaphore, #tpu.memory_space<semaphore_mem>>)
    %dma_start3A_188 = arith.constant 3 : i32
    %dma_start3A_189 = arith.constant 0 : i32
    %dma_start3A_190 = tpu.memref_slice %arg6[%dma_start3A_188, %dma_start3A_189] : memref<40x128xi32, #tpu.memory_space<vmem>> -> memref<1x128xi32, #tpu.memory_space<vmem>>
    %dma_start3A_191 = tpu.memref_squeeze %dma_start3A_190 : memref<1x128xi32, #tpu.memory_space<vmem>> -> memref<128xi32, #tpu.memory_space<vmem>>
    %dma_start3A_192 = arith.constant 0 : i32
    %dma_start3A_193 = arith.constant 0 : i32
    %dma_start3A_194 = tpu.memref_slice %arg12[%dma_start3A_192, %dma_start3A_193] : memref<10240x64xf32, #tpu.memory_space<vmem_shared>> -> memref<10240x64xf32, #tpu.memory_space<vmem_shared>>
    tpu.enqueue_indirect_dma source(%dma_start3A_194 : memref<10240x64xf32, #tpu.memory_space<vmem_shared>>) target(%arg11 : memref<128x64xf32, #tpu.memory_space<vmem>>) offsets(%dma_start3A_191 : memref<128xi32, #tpu.memory_space<vmem>>) semaphore(%arg17 : memref<!tpu.dma_semaphore, #tpu.memory_space<semaphore_mem>>)
    %scan3A_195 = arith.constant 0 : i32
    %scan3A_196 = arith.constant 0 : i32
    %scan3A_197 = arith.constant 10 : i32
    %scan3A_198 = arith.addi %scan3A_196, %scan3A_197 : i32
    %scan3A_199 = arith.constant 1 : i32
    scf.for %scan3A_296 = %scan3A_196 to %scan3A_198 step %scan3A_199  : i32 {
      %mul3A_297 = arith.constant 4 : i32
      %mul3A_298 = arith.muli %scan3A_296, %mul3A_297 : i32
      %dma_wait3A_299 = arith.constant 0 : i32
      %dma_wait3A_300 = arith.constant 0 : i32
      %dma_wait3A_301 = tpu.memref_slice %arg6[%dma_wait3A_299, %dma_wait3A_300] : memref<40x128xi32, #tpu.memory_space<vmem>> -> memref<1x128xi32, #tpu.memory_space<vmem>>
      %dma_wait3A_302 = tpu.memref_squeeze %dma_wait3A_301 : memref<1x128xi32, #tpu.memory_space<vmem>> -> memref<128xi32, #tpu.memory_space<vmem>>
      %dma_wait3A_303 = arith.constant 0 : i32
      %dma_wait3A_304 = arith.constant 0 : i32
      %dma_wait3A_305 = tpu.memref_slice %arg12[%dma_wait3A_303, %dma_wait3A_304] : memref<10240x64xf32, #tpu.memory_space<vmem_shared>> -> memref<10240x64xf32, #tpu.memory_space<vmem_shared>>
      tpu.wait_indirect_dma semaphore(%arg14 : memref<!tpu.dma_semaphore, #tpu.memory_space<semaphore_mem>>) src(%dma_wait3A_305 : memref<10240x64xf32, #tpu.memory_space<vmem_shared>>) dst(%arg8 : memref<128x64xf32, #tpu.memory_space<vmem>>)
      %add3A_306 = arith.constant 0 : i32
      %add3A_307 = arith.addi %mul3A_298, %add3A_306 : i32
      %dma_start3A_308 = arith.constant 0 : i32
      %dma_start3A_309 = tpu.memref_slice %arg7[%add3A_307, %dma_start3A_308] : memref<40x128xi32, #tpu.memory_space<vmem>> -> memref<1x128xi32, #tpu.memory_space<vmem>>
      %dma_start3A_310 = tpu.memref_squeeze %dma_start3A_309 : memref<1x128xi32, #tpu.memory_space<vmem>> -> memref<128xi32, #tpu.memory_space<vmem>>
      %dma_start3A_311 = arith.constant 0 : i32
      %dma_start3A_312 = arith.constant 0 : i32
      %dma_start3A_313 = tpu.memref_slice %arg13[%dma_start3A_311, %dma_start3A_312] : memref<10240x64xf32, #tpu.memory_space<vmem_shared>> -> memref<10240x64xf32, #tpu.memory_space<vmem_shared>>
      tpu.enqueue_indirect_dma source(%arg8 : memref<128x64xf32, #tpu.memory_space<vmem>>) target(%dma_start3A_313 : memref<10240x64xf32, #tpu.memory_space<vmem_shared>>) offsets(%dma_start3A_310 : memref<128xi32, #tpu.memory_space<vmem>>) semaphore(%arg18 : memref<!tpu.dma_semaphore, #tpu.memory_space<semaphore_mem>>) {add = true}
      %dma_wait3A_314 = arith.constant 0 : i32
      %dma_wait3A_315 = arith.constant 0 : i32
      %dma_wait3A_316 = tpu.memref_slice %arg6[%dma_wait3A_314, %dma_wait3A_315] : memref<40x128xi32, #tpu.memory_space<vmem>> -> memref<1x128xi32, #tpu.memory_space<vmem>>
      %dma_wait3A_317 = tpu.memref_squeeze %dma_wait3A_316 : memref<1x128xi32, #tpu.memory_space<vmem>> -> memref<128xi32, #tpu.memory_space<vmem>>
      %dma_wait3A_318 = arith.constant 0 : i32
      %dma_wait3A_319 = arith.constant 0 : i32
      %dma_wait3A_320 = tpu.memref_slice %arg12[%dma_wait3A_318, %dma_wait3A_319] : memref<10240x64xf32, #tpu.memory_space<vmem_shared>> -> memref<10240x64xf32, #tpu.memory_space<vmem_shared>>
      tpu.wait_indirect_dma semaphore(%arg15 : memref<!tpu.dma_semaphore, #tpu.memory_space<semaphore_mem>>) src(%dma_wait3A_320 : memref<10240x64xf32, #tpu.memory_space<vmem_shared>>) dst(%arg9 : memref<128x64xf32, #tpu.memory_space<vmem>>)
      %add3A_321 = arith.constant 1 : i32
      %add3A_322 = arith.addi %mul3A_298, %add3A_321 : i32
      %dma_start3A_323 = arith.constant 0 : i32
      %dma_start3A_324 = tpu.memref_slice %arg7[%add3A_322, %dma_start3A_323] : memref<40x128xi32, #tpu.memory_space<vmem>> -> memref<1x128xi32, #tpu.memory_space<vmem>>
      %dma_start3A_325 = tpu.memref_squeeze %dma_start3A_324 : memref<1x128xi32, #tpu.memory_space<vmem>> -> memref<128xi32, #tpu.memory_space<vmem>>
      %dma_start3A_326 = arith.constant 0 : i32
      %dma_start3A_327 = arith.constant 0 : i32
      %dma_start3A_328 = tpu.memref_slice %arg13[%dma_start3A_326, %dma_start3A_327] : memref<10240x64xf32, #tpu.memory_space<vmem_shared>> -> memref<10240x64xf32, #tpu.memory_space<vmem_shared>>
      tpu.enqueue_indirect_dma source(%arg9 : memref<128x64xf32, #tpu.memory_space<vmem>>) target(%dma_start3A_328 : memref<10240x64xf32, #tpu.memory_space<vmem_shared>>) offsets(%dma_start3A_325 : memref<128xi32, #tpu.memory_space<vmem>>) semaphore(%arg19 : memref<!tpu.dma_semaphore, #tpu.memory_space<semaphore_mem>>) {add = true}
      %dma_wait3A_329 = arith.constant 0 : i32
      %dma_wait3A_330 = arith.constant 0 : i32
      %dma_wait3A_331 = tpu.memref_slice %arg6[%dma_wait3A_329, %dma_wait3A_330] : memref<40x128xi32, #tpu.memory_space<vmem>> -> memref<1x128xi32, #tpu.memory_space<vmem>>
      %dma_wait3A_332 = tpu.memref_squeeze %dma_wait3A_331 : memref<1x128xi32, #tpu.memory_space<vmem>> -> memref<128xi32, #tpu.memory_space<vmem>>
      %dma_wait3A_333 = arith.constant 0 : i32
      %dma_wait3A_334 = arith.constant 0 : i32
      %dma_wait3A_335 = tpu.memref_slice %arg12[%dma_wait3A_333, %dma_wait3A_334] : memref<10240x64xf32, #tpu.memory_space<vmem_shared>> -> memref<10240x64xf32, #tpu.memory_space<vmem_shared>>
      tpu.wait_indirect_dma semaphore(%arg16 : memref<!tpu.dma_semaphore, #tpu.memory_space<semaphore_mem>>) src(%dma_wait3A_335 : memref<10240x64xf32, #tpu.memory_space<vmem_shared>>) dst(%arg10 : memref<128x64xf32, #tpu.memory_space<vmem>>)
      %add3A_336 = arith.constant 2 : i32
      %add3A_337 = arith.addi %mul3A_298, %add3A_336 : i32
      %dma_start3A_338 = arith.constant 0 : i32
      %dma_start3A_339 = tpu.memref_slice %arg7[%add3A_337, %dma_start3A_338] : memref<40x128xi32, #tpu.memory_space<vmem>> -> memref<1x128xi32, #tpu.memory_space<vmem>>
      %dma_start3A_340 = tpu.memref_squeeze %dma_start3A_339 : memref<1x128xi32, #tpu.memory_space<vmem>> -> memref<128xi32, #tpu.memory_space<vmem>>
      %dma_start3A_341 = arith.constant 0 : i32
      %dma_start3A_342 = arith.constant 0 : i32
      %dma_start3A_343 = tpu.memref_slice %arg13[%dma_start3A_341, %dma_start3A_342] : memref<10240x64xf32, #tpu.memory_space<vmem_shared>> -> memref<10240x64xf32, #tpu.memory_space<vmem_shared>>
      tpu.enqueue_indirect_dma source(%arg10 : memref<128x64xf32, #tpu.memory_space<vmem>>) target(%dma_start3A_343 : memref<10240x64xf32, #tpu.memory_space<vmem_shared>>) offsets(%dma_start3A_340 : memref<128xi32, #tpu.memory_space<vmem>>) semaphore(%arg20 : memref<!tpu.dma_semaphore, #tpu.memory_space<semaphore_mem>>) {add = true}
      %dma_wait3A_344 = arith.constant 0 : i32
      %dma_wait3A_345 = arith.constant 0 : i32
      %dma_wait3A_346 = tpu.memref_slice %arg6[%dma_wait3A_344, %dma_wait3A_345] : memref<40x128xi32, #tpu.memory_space<vmem>> -> memref<1x128xi32, #tpu.memory_space<vmem>>
      %dma_wait3A_347 = tpu.memref_squeeze %dma_wait3A_346 : memref<1x128xi32, #tpu.memory_space<vmem>> -> memref<128xi32, #tpu.memory_space<vmem>>
      %dma_wait3A_348 = arith.constant 0 : i32
      %dma_wait3A_349 = arith.constant 0 : i32
      %dma_wait3A_350 = tpu.memref_slice %arg12[%dma_wait3A_348, %dma_wait3A_349] : memref<10240x64xf32, #tpu.memory_space<vmem_shared>> -> memref<10240x64xf32, #tpu.memory_space<vmem_shared>>
      tpu.wait_indirect_dma semaphore(%arg17 : memref<!tpu.dma_semaphore, #tpu.memory_space<semaphore_mem>>) src(%dma_wait3A_350 : memref<10240x64xf32, #tpu.memory_space<vmem_shared>>) dst(%arg11 : memref<128x64xf32, #tpu.memory_space<vmem>>)
      %add3A_351 = arith.constant 3 : i32
      %add3A_352 = arith.addi %mul3A_298, %add3A_351 : i32
      %dma_start3A_353 = arith.constant 0 : i32
      %dma_start3A_354 = tpu.memref_slice %arg7[%add3A_352, %dma_start3A_353] : memref<40x128xi32, #tpu.memory_space<vmem>> -> memref<1x128xi32, #tpu.memory_space<vmem>>
      %dma_start3A_355 = tpu.memref_squeeze %dma_start3A_354 : memref<1x128xi32, #tpu.memory_space<vmem>> -> memref<128xi32, #tpu.memory_space<vmem>>
      %dma_start3A_356 = arith.constant 0 : i32
      %dma_start3A_357 = arith.constant 0 : i32
      %dma_start3A_358 = tpu.memref_slice %arg13[%dma_start3A_356, %dma_start3A_357] : memref<10240x64xf32, #tpu.memory_space<vmem_shared>> -> memref<10240x64xf32, #tpu.memory_space<vmem_shared>>
      tpu.enqueue_indirect_dma source(%arg11 : memref<128x64xf32, #tpu.memory_space<vmem>>) target(%dma_start3A_358 : memref<10240x64xf32, #tpu.memory_space<vmem_shared>>) offsets(%dma_start3A_355 : memref<128xi32, #tpu.memory_space<vmem>>) semaphore(%arg21 : memref<!tpu.dma_semaphore, #tpu.memory_space<semaphore_mem>>) {add = true}
      %dma_wait3A_359 = arith.constant 0 : i32
      %dma_wait3A_360 = arith.constant 0 : i32
      %dma_wait3A_361 = tpu.memref_slice %arg7[%dma_wait3A_359, %dma_wait3A_360] : memref<40x128xi32, #tpu.memory_space<vmem>> -> memref<1x128xi32, #tpu.memory_space<vmem>>
      %dma_wait3A_362 = tpu.memref_squeeze %dma_wait3A_361 : memref<1x128xi32, #tpu.memory_space<vmem>> -> memref<128xi32, #tpu.memory_space<vmem>>
      %dma_wait3A_363 = arith.constant 0 : i32
      %dma_wait3A_364 = arith.constant 0 : i32
      %dma_wait3A_365 = tpu.memref_slice %arg13[%dma_wait3A_363, %dma_wait3A_364] : memref<10240x64xf32, #tpu.memory_space<vmem_shared>> -> memref<10240x64xf32, #tpu.memory_space<vmem_shared>>
      tpu.wait_indirect_dma semaphore(%arg18 : memref<!tpu.dma_semaphore, #tpu.memory_space<semaphore_mem>>) src(%arg8 : memref<128x64xf32, #tpu.memory_space<vmem>>) dst(%dma_wait3A_365 : memref<10240x64xf32, #tpu.memory_space<vmem_shared>>)
      %add3A_366 = arith.constant 4 : i32
      %add3A_367 = arith.addi %mul3A_298, %add3A_366 : i32
      %add3A_368 = arith.constant 0 : i32
      %add3A_369 = arith.addi %add3A_367, %add3A_368 : i32
      %min3A = arith.constant 39 : i32
      %min3A_370 = arith.minsi %add3A_369, %min3A : i32
      %dma_start3A_371 = arith.constant 0 : i32
      %dma_start3A_372 = tpu.memref_slice %arg6[%min3A_370, %dma_start3A_371] : memref<40x128xi32, #tpu.memory_space<vmem>> -> memref<1x128xi32, #tpu.memory_space<vmem>>
      %dma_start3A_373 = tpu.memref_squeeze %dma_start3A_372 : memref<1x128xi32, #tpu.memory_space<vmem>> -> memref<128xi32, #tpu.memory_space<vmem>>
      %dma_start3A_374 = arith.constant 0 : i32
      %dma_start3A_375 = arith.constant 0 : i32
      %dma_start3A_376 = tpu.memref_slice %arg12[%dma_start3A_374, %dma_start3A_375] : memref<10240x64xf32, #tpu.memory_space<vmem_shared>> -> memref<10240x64xf32, #tpu.memory_space<vmem_shared>>
      tpu.enqueue_indirect_dma source(%dma_start3A_376 : memref<10240x64xf32, #tpu.memory_space<vmem_shared>>) target(%arg8 : memref<128x64xf32, #tpu.memory_space<vmem>>) offsets(%dma_start3A_373 : memref<128xi32, #tpu.memory_space<vmem>>) semaphore(%arg14 : memref<!tpu.dma_semaphore, #tpu.memory_space<semaphore_mem>>)
      %dma_wait3A_377 = arith.constant 0 : i32
      %dma_wait3A_378 = arith.constant 0 : i32
      %dma_wait3A_379 = tpu.memref_slice %arg7[%dma_wait3A_377, %dma_wait3A_378] : memref<40x128xi32, #tpu.memory_space<vmem>> -> memref<1x128xi32, #tpu.memory_space<vmem>>
      %dma_wait3A_380 = tpu.memref_squeeze %dma_wait3A_379 : memref<1x128xi32, #tpu.memory_space<vmem>> -> memref<128xi32, #tpu.memory_space<vmem>>
      %dma_wait3A_381 = arith.constant 0 : i32
      %dma_wait3A_382 = arith.constant 0 : i32
      %dma_wait3A_383 = tpu.memref_slice %arg13[%dma_wait3A_381, %dma_wait3A_382] : memref<10240x64xf32, #tpu.memory_space<vmem_shared>> -> memref<10240x64xf32, #tpu.memory_space<vmem_shared>>
      tpu.wait_indirect_dma semaphore(%arg19 : memref<!tpu.dma_semaphore, #tpu.memory_space<semaphore_mem>>) src(%arg9 : memref<128x64xf32, #tpu.memory_space<vmem>>) dst(%dma_wait3A_383 : memref<10240x64xf32, #tpu.memory_space<vmem_shared>>)
      %add3A_384 = arith.constant 4 : i32
      %add3A_385 = arith.addi %mul3A_298, %add3A_384 : i32
      %add3A_386 = arith.constant 1 : i32
      %add3A_387 = arith.addi %add3A_385, %add3A_386 : i32
      %min3A_388 = arith.constant 39 : i32
      %min3A_389 = arith.minsi %add3A_387, %min3A_388 : i32
      %dma_start3A_390 = arith.constant 0 : i32
      %dma_start3A_391 = tpu.memref_slice %arg6[%min3A_389, %dma_start3A_390] : memref<40x128xi32, #tpu.memory_space<vmem>> -> memref<1x128xi32, #tpu.memory_space<vmem>>
      %dma_start3A_392 = tpu.memref_squeeze %dma_start3A_391 : memref<1x128xi32, #tpu.memory_space<vmem>> -> memref<128xi32, #tpu.memory_space<vmem>>
      %dma_start3A_393 = arith.constant 0 : i32
      %dma_start3A_394 = arith.constant 0 : i32
      %dma_start3A_395 = tpu.memref_slice %arg12[%dma_start3A_393, %dma_start3A_394] : memref<10240x64xf32, #tpu.memory_space<vmem_shared>> -> memref<10240x64xf32, #tpu.memory_space<vmem_shared>>
      tpu.enqueue_indirect_dma source(%dma_start3A_395 : memref<10240x64xf32, #tpu.memory_space<vmem_shared>>) target(%arg9 : memref<128x64xf32, #tpu.memory_space<vmem>>) offsets(%dma_start3A_392 : memref<128xi32, #tpu.memory_space<vmem>>) semaphore(%arg15 : memref<!tpu.dma_semaphore, #tpu.memory_space<semaphore_mem>>)
      %dma_wait3A_396 = arith.constant 0 : i32
      %dma_wait3A_397 = arith.constant 0 : i32
      %dma_wait3A_398 = tpu.memref_slice %arg7[%dma_wait3A_396, %dma_wait3A_397] : memref<40x128xi32, #tpu.memory_space<vmem>> -> memref<1x128xi32, #tpu.memory_space<vmem>>
      %dma_wait3A_399 = tpu.memref_squeeze %dma_wait3A_398 : memref<1x128xi32, #tpu.memory_space<vmem>> -> memref<128xi32, #tpu.memory_space<vmem>>
      %dma_wait3A_400 = arith.constant 0 : i32
      %dma_wait3A_401 = arith.constant 0 : i32
      %dma_wait3A_402 = tpu.memref_slice %arg13[%dma_wait3A_400, %dma_wait3A_401] : memref<10240x64xf32, #tpu.memory_space<vmem_shared>> -> memref<10240x64xf32, #tpu.memory_space<vmem_shared>>
      tpu.wait_indirect_dma semaphore(%arg20 : memref<!tpu.dma_semaphore, #tpu.memory_space<semaphore_mem>>) src(%arg10 : memref<128x64xf32, #tpu.memory_space<vmem>>) dst(%dma_wait3A_402 : memref<10240x64xf32, #tpu.memory_space<vmem_shared>>)
      %add3A_403 = arith.constant 4 : i32
      %add3A_404 = arith.addi %mul3A_298, %add3A_403 : i32
      %add3A_405 = arith.constant 2 : i32
      %add3A_406 = arith.addi %add3A_404, %add3A_405 : i32
      %min3A_407 = arith.constant 39 : i32
      %min3A_408 = arith.minsi %add3A_406, %min3A_407 : i32
      %dma_start3A_409 = arith.constant 0 : i32
      %dma_start3A_410 = tpu.memref_slice %arg6[%min3A_408, %dma_start3A_409] : memref<40x128xi32, #tpu.memory_space<vmem>> -> memref<1x128xi32, #tpu.memory_space<vmem>>
      %dma_start3A_411 = tpu.memref_squeeze %dma_start3A_410 : memref<1x128xi32, #tpu.memory_space<vmem>> -> memref<128xi32, #tpu.memory_space<vmem>>
      %dma_start3A_412 = arith.constant 0 : i32
      %dma_start3A_413 = arith.constant 0 : i32
      %dma_start3A_414 = tpu.memref_slice %arg12[%dma_start3A_412, %dma_start3A_413] : memref<10240x64xf32, #tpu.memory_space<vmem_shared>> -> memref<10240x64xf32, #tpu.memory_space<vmem_shared>>
      tpu.enqueue_indirect_dma source(%dma_start3A_414 : memref<10240x64xf32, #tpu.memory_space<vmem_shared>>) target(%arg10 : memref<128x64xf32, #tpu.memory_space<vmem>>) offsets(%dma_start3A_411 : memref<128xi32, #tpu.memory_space<vmem>>) semaphore(%arg16 : memref<!tpu.dma_semaphore, #tpu.memory_space<semaphore_mem>>)
      %dma_wait3A_415 = arith.constant 0 : i32
      %dma_wait3A_416 = arith.constant 0 : i32
      %dma_wait3A_417 = tpu.memref_slice %arg7[%dma_wait3A_415, %dma_wait3A_416] : memref<40x128xi32, #tpu.memory_space<vmem>> -> memref<1x128xi32, #tpu.memory_space<vmem>>
      %dma_wait3A_418 = tpu.memref_squeeze %dma_wait3A_417 : memref<1x128xi32, #tpu.memory_space<vmem>> -> memref<128xi32, #tpu.memory_space<vmem>>
      %dma_wait3A_419 = arith.constant 0 : i32
      %dma_wait3A_420 = arith.constant 0 : i32
      %dma_wait3A_421 = tpu.memref_slice %arg13[%dma_wait3A_419, %dma_wait3A_420] : memref<10240x64xf32, #tpu.memory_space<vmem_shared>> -> memref<10240x64xf32, #tpu.memory_space<vmem_shared>>
      tpu.wait_indirect_dma semaphore(%arg21 : memref<!tpu.dma_semaphore, #tpu.memory_space<semaphore_mem>>) src(%arg11 : memref<128x64xf32, #tpu.memory_space<vmem>>) dst(%dma_wait3A_421 : memref<10240x64xf32, #tpu.memory_space<vmem_shared>>)
      %add3A_422 = arith.constant 4 : i32
      %add3A_423 = arith.addi %mul3A_298, %add3A_422 : i32
      %add3A_424 = arith.constant 3 : i32
      %add3A_425 = arith.addi %add3A_423, %add3A_424 : i32
      %min3A_426 = arith.constant 39 : i32
      %min3A_427 = arith.minsi %add3A_425, %min3A_426 : i32
      %dma_start3A_428 = arith.constant 0 : i32
      %dma_start3A_429 = tpu.memref_slice %arg6[%min3A_427, %dma_start3A_428] : memref<40x128xi32, #tpu.memory_space<vmem>> -> memref<1x128xi32, #tpu.memory_space<vmem>>
      %dma_start3A_430 = tpu.memref_squeeze %dma_start3A_429 : memref<1x128xi32, #tpu.memory_space<vmem>> -> memref<128xi32, #tpu.memory_space<vmem>>
      %dma_start3A_431 = arith.constant 0 : i32
      %dma_start3A_432 = arith.constant 0 : i32
      %dma_start3A_433 = tpu.memref_slice %arg12[%dma_start3A_431, %dma_start3A_432] : memref<10240x64xf32, #tpu.memory_space<vmem_shared>> -> memref<10240x64xf32, #tpu.memory_space<vmem_shared>>
      tpu.enqueue_indirect_dma source(%dma_start3A_433 : memref<10240x64xf32, #tpu.memory_space<vmem_shared>>) target(%arg11 : memref<128x64xf32, #tpu.memory_space<vmem>>) offsets(%dma_start3A_430 : memref<128xi32, #tpu.memory_space<vmem>>) semaphore(%arg17 : memref<!tpu.dma_semaphore, #tpu.memory_space<semaphore_mem>>)
    }
    %scan3A_200 = arith.constant 10 : i32
    %dma_wait3A_201 = arith.constant 0 : i32
    %dma_wait3A_202 = arith.constant 0 : i32
    %dma_wait3A_203 = tpu.memref_slice %arg6[%dma_wait3A_201, %dma_wait3A_202] : memref<40x128xi32, #tpu.memory_space<vmem>> -> memref<1x128xi32, #tpu.memory_space<vmem>>
    %dma_wait3A_204 = tpu.memref_squeeze %dma_wait3A_203 : memref<1x128xi32, #tpu.memory_space<vmem>> -> memref<128xi32, #tpu.memory_space<vmem>>
    %dma_wait3A_205 = arith.constant 0 : i32
    %dma_wait3A_206 = arith.constant 0 : i32
    %dma_wait3A_207 = tpu.memref_slice %arg12[%dma_wait3A_205, %dma_wait3A_206] : memref<10240x64xf32, #tpu.memory_space<vmem_shared>> -> memref<10240x64xf32, #tpu.memory_space<vmem_shared>>
    tpu.wait_indirect_dma semaphore(%arg14 : memref<!tpu.dma_semaphore, #tpu.memory_space<semaphore_mem>>) src(%dma_wait3A_207 : memref<10240x64xf32, #tpu.memory_space<vmem_shared>>) dst(%arg8 : memref<128x64xf32, #tpu.memory_space<vmem>>)
    %dma_wait3A_208 = arith.constant 0 : i32
    %dma_wait3A_209 = arith.constant 0 : i32
    %dma_wait3A_210 = tpu.memref_slice %arg6[%dma_wait3A_208, %dma_wait3A_209] : memref<40x128xi32, #tpu.memory_space<vmem>> -> memref<1x128xi32, #tpu.memory_space<vmem>>
    %dma_wait3A_211 = tpu.memref_squeeze %dma_wait3A_210 : memref<1x128xi32, #tpu.memory_space<vmem>> -> memref<128xi32, #tpu.memory_space<vmem>>
    %dma_wait3A_212 = arith.constant 0 : i32
    %dma_wait3A_213 = arith.constant 0 : i32
    %dma_wait3A_214 = tpu.memref_slice %arg12[%dma_wait3A_212, %dma_wait3A_213] : memref<10240x64xf32, #tpu.memory_space<vmem_shared>> -> memref<10240x64xf32, #tpu.memory_space<vmem_shared>>
    tpu.wait_indirect_dma semaphore(%arg15 : memref<!tpu.dma_semaphore, #tpu.memory_space<semaphore_mem>>) src(%dma_wait3A_214 : memref<10240x64xf32, #tpu.memory_space<vmem_shared>>) dst(%arg9 : memref<128x64xf32, #tpu.memory_space<vmem>>)
    %dma_wait3A_215 = arith.constant 0 : i32
    %dma_wait3A_216 = arith.constant 0 : i32
    %dma_wait3A_217 = tpu.memref_slice %arg6[%dma_wait3A_215, %dma_wait3A_216] : memref<40x128xi32, #tpu.memory_space<vmem>> -> memref<1x128xi32, #tpu.memory_space<vmem>>
    %dma_wait3A_218 = tpu.memref_squeeze %dma_wait3A_217 : memref<1x128xi32, #tpu.memory_space<vmem>> -> memref<128xi32, #tpu.memory_space<vmem>>
    %dma_wait3A_219 = arith.constant 0 : i32
    %dma_wait3A_220 = arith.constant 0 : i32
    %dma_wait3A_221 = tpu.memref_slice %arg12[%dma_wait3A_219, %dma_wait3A_220] : memref<10240x64xf32, #tpu.memory_space<vmem_shared>> -> memref<10240x64xf32, #tpu.memory_space<vmem_shared>>
    tpu.wait_indirect_dma semaphore(%arg16 : memref<!tpu.dma_semaphore, #tpu.memory_space<semaphore_mem>>) src(%dma_wait3A_221 : memref<10240x64xf32, #tpu.memory_space<vmem_shared>>) dst(%arg10 : memref<128x64xf32, #tpu.memory_space<vmem>>)
    %dma_wait3A_222 = arith.constant 0 : i32
    %dma_wait3A_223 = arith.constant 0 : i32
    %dma_wait3A_224 = tpu.memref_slice %arg6[%dma_wait3A_222, %dma_wait3A_223] : memref<40x128xi32, #tpu.memory_space<vmem>> -> memref<1x128xi32, #tpu.memory_space<vmem>>
    %dma_wait3A_225 = tpu.memref_squeeze %dma_wait3A_224 : memref<1x128xi32, #tpu.memory_space<vmem>> -> memref<128xi32, #tpu.memory_space<vmem>>
    %dma_wait3A_226 = arith.constant 0 : i32
    %dma_wait3A_227 = arith.constant 0 : i32
    %dma_wait3A_228 = tpu.memref_slice %arg12[%dma_wait3A_226, %dma_wait3A_227] : memref<10240x64xf32, #tpu.memory_space<vmem_shared>> -> memref<10240x64xf32, #tpu.memory_space<vmem_shared>>
    tpu.wait_indirect_dma semaphore(%arg17 : memref<!tpu.dma_semaphore, #tpu.memory_space<semaphore_mem>>) src(%dma_wait3A_228 : memref<10240x64xf32, #tpu.memory_space<vmem_shared>>) dst(%arg11 : memref<128x64xf32, #tpu.memory_space<vmem>>)
    "tpu.region"() ({
      %run_scoped3A = tpu.sem_alloc : memref<!tpu.dma_semaphore, #tpu.memory_space<semaphore_mem>>
      %dma_start3A_296 = arith.constant 0 : i32
      %dma_start3A_297 = arith.constant 0 : i32
      %dma_start3A_298 = tpu.memref_slice %arg3[%arg1, %dma_start3A_296, %dma_start3A_297] : memref<16x160x128xi32, #tpu.memory_space<hbm>> -> memref<1x160x128xi32, #tpu.memory_space<hbm>>
      %dma_start3A_299 = tpu.memref_squeeze %dma_start3A_298 : memref<1x160x128xi32, #tpu.memory_space<hbm>> -> memref<160x128xi32, #tpu.memory_space<hbm>>
      %dma_start3A_300 = arith.constant 120 : i32
      %dma_start3A_301 = arith.constant 0 : i32
      %dma_start3A_302 = tpu.memref_slice %dma_start3A_299[%dma_start3A_300, %dma_start3A_301] : memref<160x128xi32, #tpu.memory_space<hbm>> -> memref<40x128xi32, #tpu.memory_space<hbm>>
      %dma_start3A_303 = arith.constant 0 : i32
      %dma_start3A_304 = arith.constant 0 : i32
      %dma_start3A_305 = tpu.memref_slice %arg3[%arg1, %dma_start3A_303, %dma_start3A_304] : memref<16x160x128xi32, #tpu.memory_space<hbm>> -> memref<1x160x128xi32, #tpu.memory_space<hbm>>
      %dma_start3A_306 = tpu.memref_squeeze %dma_start3A_305 : memref<1x160x128xi32, #tpu.memory_space<hbm>> -> memref<160x128xi32, #tpu.memory_space<hbm>>
      %dma_start3A_307 = arith.constant 120 : i32
      %dma_start3A_308 = arith.constant 0 : i32
      %dma_start3A_309 = tpu.memref_slice %dma_start3A_306[%dma_start3A_307, %dma_start3A_308] : memref<160x128xi32, #tpu.memory_space<hbm>> -> memref<40x128xi32, #tpu.memory_space<hbm>>
      tpu.enqueue_dma source(%dma_start3A_309 : memref<40x128xi32, #tpu.memory_space<hbm>>) target(%arg6 : memref<40x128xi32, #tpu.memory_space<vmem>>) target_semaphore(%run_scoped3A : memref<!tpu.dma_semaphore, #tpu.memory_space<semaphore_mem>>)
      %dma_wait3A_310 = arith.constant 0 : i32
      %dma_wait3A_311 = arith.constant 0 : i32
      %dma_wait3A_312 = tpu.memref_slice %arg3[%arg1, %dma_wait3A_310, %dma_wait3A_311] : memref<16x160x128xi32, #tpu.memory_space<hbm>> -> memref<1x160x128xi32, #tpu.memory_space<hbm>>
      %dma_wait3A_313 = tpu.memref_squeeze %dma_wait3A_312 : memref<1x160x128xi32, #tpu.memory_space<hbm>> -> memref<160x128xi32, #tpu.memory_space<hbm>>
      %dma_wait3A_314 = arith.constant 120 : i32
      %dma_wait3A_315 = arith.constant 0 : i32
      %dma_wait3A_316 = tpu.memref_slice %dma_wait3A_313[%dma_wait3A_314, %dma_wait3A_315] : memref<160x128xi32, #tpu.memory_space<hbm>> -> memref<40x128xi32, #tpu.memory_space<hbm>>
      %dma_wait3A_317 = arith.constant 0 : i32
      %dma_wait3A_318 = arith.constant 0 : i32
      %dma_wait3A_319 = tpu.memref_slice %arg3[%arg1, %dma_wait3A_317, %dma_wait3A_318] : memref<16x160x128xi32, #tpu.memory_space<hbm>> -> memref<1x160x128xi32, #tpu.memory_space<hbm>>
      %dma_wait3A_320 = tpu.memref_squeeze %dma_wait3A_319 : memref<1x160x128xi32, #tpu.memory_space<hbm>> -> memref<160x128xi32, #tpu.memory_space<hbm>>
      %dma_wait3A_321 = arith.constant 120 : i32
      %dma_wait3A_322 = arith.constant 0 : i32
      %dma_wait3A_323 = tpu.memref_slice %dma_wait3A_320[%dma_wait3A_321, %dma_wait3A_322] : memref<160x128xi32, #tpu.memory_space<hbm>> -> memref<40x128xi32, #tpu.memory_space<hbm>>
      tpu.wait_dma2 semaphore(%run_scoped3A : memref<!tpu.dma_semaphore, #tpu.memory_space<semaphore_mem>>) src(%dma_wait3A_323 : memref<40x128xi32, #tpu.memory_space<hbm>>) dst(%arg6 : memref<40x128xi32, #tpu.memory_space<vmem>>)
      tpu.yield
    }) : () -> ()
    "tpu.region"() ({
      %run_scoped3A = tpu.sem_alloc : memref<!tpu.dma_semaphore, #tpu.memory_space<semaphore_mem>>
      %dma_start3A_296 = arith.constant 0 : i32
      %dma_start3A_297 = arith.constant 0 : i32
      %dma_start3A_298 = tpu.memref_slice %arg4[%arg1, %dma_start3A_296, %dma_start3A_297] : memref<16x160x128xi32, #tpu.memory_space<hbm>> -> memref<1x160x128xi32, #tpu.memory_space<hbm>>
      %dma_start3A_299 = tpu.memref_squeeze %dma_start3A_298 : memref<1x160x128xi32, #tpu.memory_space<hbm>> -> memref<160x128xi32, #tpu.memory_space<hbm>>
      %dma_start3A_300 = arith.constant 120 : i32
      %dma_start3A_301 = arith.constant 0 : i32
      %dma_start3A_302 = tpu.memref_slice %dma_start3A_299[%dma_start3A_300, %dma_start3A_301] : memref<160x128xi32, #tpu.memory_space<hbm>> -> memref<40x128xi32, #tpu.memory_space<hbm>>
      %dma_start3A_303 = arith.constant 0 : i32
      %dma_start3A_304 = arith.constant 0 : i32
      %dma_start3A_305 = tpu.memref_slice %arg4[%arg1, %dma_start3A_303, %dma_start3A_304] : memref<16x160x128xi32, #tpu.memory_space<hbm>> -> memref<1x160x128xi32, #tpu.memory_space<hbm>>
      %dma_start3A_306 = tpu.memref_squeeze %dma_start3A_305 : memref<1x160x128xi32, #tpu.memory_space<hbm>> -> memref<160x128xi32, #tpu.memory_space<hbm>>
      %dma_start3A_307 = arith.constant 120 : i32
      %dma_start3A_308 = arith.constant 0 : i32
      %dma_start3A_309 = tpu.memref_slice %dma_start3A_306[%dma_start3A_307, %dma_start3A_308] : memref<160x128xi32, #tpu.memory_space<hbm>> -> memref<40x128xi32, #tpu.memory_space<hbm>>
      tpu.enqueue_dma source(%dma_start3A_309 : memref<40x128xi32, #tpu.memory_space<hbm>>) target(%arg7 : memref<40x128xi32, #tpu.memory_space<vmem>>) target_semaphore(%run_scoped3A : memref<!tpu.dma_semaphore, #tpu.memory_space<semaphore_mem>>)
      %dma_wait3A_310 = arith.constant 0 : i32
      %dma_wait3A_311 = arith.constant 0 : i32
      %dma_wait3A_312 = tpu.memref_slice %arg4[%arg1, %dma_wait3A_310, %dma_wait3A_311] : memref<16x160x128xi32, #tpu.memory_space<hbm>> -> memref<1x160x128xi32, #tpu.memory_space<hbm>>
      %dma_wait3A_313 = tpu.memref_squeeze %dma_wait3A_312 : memref<1x160x128xi32, #tpu.memory_space<hbm>> -> memref<160x128xi32, #tpu.memory_space<hbm>>
      %dma_wait3A_314 = arith.constant 120 : i32
      %dma_wait3A_315 = arith.constant 0 : i32
      %dma_wait3A_316 = tpu.memref_slice %dma_wait3A_313[%dma_wait3A_314, %dma_wait3A_315] : memref<160x128xi32, #tpu.memory_space<hbm>> -> memref<40x128xi32, #tpu.memory_space<hbm>>
      %dma_wait3A_317 = arith.constant 0 : i32
      %dma_wait3A_318 = arith.constant 0 : i32
      %dma_wait3A_319 = tpu.memref_slice %arg4[%arg1, %dma_wait3A_317, %dma_wait3A_318] : memref<16x160x128xi32, #tpu.memory_space<hbm>> -> memref<1x160x128xi32, #tpu.memory_space<hbm>>
      %dma_wait3A_320 = tpu.memref_squeeze %dma_wait3A_319 : memref<1x160x128xi32, #tpu.memory_space<hbm>> -> memref<160x128xi32, #tpu.memory_space<hbm>>
      %dma_wait3A_321 = arith.constant 120 : i32
      %dma_wait3A_322 = arith.constant 0 : i32
      %dma_wait3A_323 = tpu.memref_slice %dma_wait3A_320[%dma_wait3A_321, %dma_wait3A_322] : memref<160x128xi32, #tpu.memory_space<hbm>> -> memref<40x128xi32, #tpu.memory_space<hbm>>
      tpu.wait_dma2 semaphore(%run_scoped3A : memref<!tpu.dma_semaphore, #tpu.memory_space<semaphore_mem>>) src(%dma_wait3A_323 : memref<40x128xi32, #tpu.memory_space<hbm>>) dst(%arg7 : memref<40x128xi32, #tpu.memory_space<vmem>>)
      tpu.yield
    }) : () -> ()
    %dma_start3A_229 = arith.constant 0 : i32
    %dma_start3A_230 = arith.constant 0 : i32
    %dma_start3A_231 = tpu.memref_slice %arg6[%dma_start3A_229, %dma_start3A_230] : memref<40x128xi32, #tpu.memory_space<vmem>> -> memref<1x128xi32, #tpu.memory_space<vmem>>
    %dma_start3A_232 = tpu.memref_squeeze %dma_start3A_231 : memref<1x128xi32, #tpu.memory_space<vmem>> -> memref<128xi32, #tpu.memory_space<vmem>>
    %dma_start3A_233 = arith.constant 0 : i32
    %dma_start3A_234 = arith.constant 0 : i32
    %dma_start3A_235 = tpu.memref_slice %arg12[%dma_start3A_233, %dma_start3A_234] : memref<10240x64xf32, #tpu.memory_space<vmem_shared>> -> memref<10240x64xf32, #tpu.memory_space<vmem_shared>>
    tpu.enqueue_indirect_dma source(%dma_start3A_235 : memref<10240x64xf32, #tpu.memory_space<vmem_shared>>) target(%arg8 : memref<128x64xf32, #tpu.memory_space<vmem>>) offsets(%dma_start3A_232 : memref<128xi32, #tpu.memory_space<vmem>>) semaphore(%arg14 : memref<!tpu.dma_semaphore, #tpu.memory_space<semaphore_mem>>)
    %dma_start3A_236 = arith.constant 1 : i32
    %dma_start3A_237 = arith.constant 0 : i32
    %dma_start3A_238 = tpu.memref_slice %arg6[%dma_start3A_236, %dma_start3A_237] : memref<40x128xi32, #tpu.memory_space<vmem>> -> memref<1x128xi32, #tpu.memory_space<vmem>>
    %dma_start3A_239 = tpu.memref_squeeze %dma_start3A_238 : memref<1x128xi32, #tpu.memory_space<vmem>> -> memref<128xi32, #tpu.memory_space<vmem>>
    %dma_start3A_240 = arith.constant 0 : i32
    %dma_start3A_241 = arith.constant 0 : i32
    %dma_start3A_242 = tpu.memref_slice %arg12[%dma_start3A_240, %dma_start3A_241] : memref<10240x64xf32, #tpu.memory_space<vmem_shared>> -> memref<10240x64xf32, #tpu.memory_space<vmem_shared>>
    tpu.enqueue_indirect_dma source(%dma_start3A_242 : memref<10240x64xf32, #tpu.memory_space<vmem_shared>>) target(%arg9 : memref<128x64xf32, #tpu.memory_space<vmem>>) offsets(%dma_start3A_239 : memref<128xi32, #tpu.memory_space<vmem>>) semaphore(%arg15 : memref<!tpu.dma_semaphore, #tpu.memory_space<semaphore_mem>>)
    %dma_start3A_243 = arith.constant 2 : i32
    %dma_start3A_244 = arith.constant 0 : i32
    %dma_start3A_245 = tpu.memref_slice %arg6[%dma_start3A_243, %dma_start3A_244] : memref<40x128xi32, #tpu.memory_space<vmem>> -> memref<1x128xi32, #tpu.memory_space<vmem>>
    %dma_start3A_246 = tpu.memref_squeeze %dma_start3A_245 : memref<1x128xi32, #tpu.memory_space<vmem>> -> memref<128xi32, #tpu.memory_space<vmem>>
    %dma_start3A_247 = arith.constant 0 : i32
    %dma_start3A_248 = arith.constant 0 : i32
    %dma_start3A_249 = tpu.memref_slice %arg12[%dma_start3A_247, %dma_start3A_248] : memref<10240x64xf32, #tpu.memory_space<vmem_shared>> -> memref<10240x64xf32, #tpu.memory_space<vmem_shared>>
    tpu.enqueue_indirect_dma source(%dma_start3A_249 : memref<10240x64xf32, #tpu.memory_space<vmem_shared>>) target(%arg10 : memref<128x64xf32, #tpu.memory_space<vmem>>) offsets(%dma_start3A_246 : memref<128xi32, #tpu.memory_space<vmem>>) semaphore(%arg16 : memref<!tpu.dma_semaphore, #tpu.memory_space<semaphore_mem>>)
    %dma_start3A_250 = arith.constant 3 : i32
    %dma_start3A_251 = arith.constant 0 : i32
    %dma_start3A_252 = tpu.memref_slice %arg6[%dma_start3A_250, %dma_start3A_251] : memref<40x128xi32, #tpu.memory_space<vmem>> -> memref<1x128xi32, #tpu.memory_space<vmem>>
    %dma_start3A_253 = tpu.memref_squeeze %dma_start3A_252 : memref<1x128xi32, #tpu.memory_space<vmem>> -> memref<128xi32, #tpu.memory_space<vmem>>
    %dma_start3A_254 = arith.constant 0 : i32
    %dma_start3A_255 = arith.constant 0 : i32
    %dma_start3A_256 = tpu.memref_slice %arg12[%dma_start3A_254, %dma_start3A_255] : memref<10240x64xf32, #tpu.memory_space<vmem_shared>> -> memref<10240x64xf32, #tpu.memory_space<vmem_shared>>
    tpu.enqueue_indirect_dma source(%dma_start3A_256 : memref<10240x64xf32, #tpu.memory_space<vmem_shared>>) target(%arg11 : memref<128x64xf32, #tpu.memory_space<vmem>>) offsets(%dma_start3A_253 : memref<128xi32, #tpu.memory_space<vmem>>) semaphore(%arg17 : memref<!tpu.dma_semaphore, #tpu.memory_space<semaphore_mem>>)
    %scan3A_257 = arith.constant 0 : i32
    %scan3A_258 = arith.constant 0 : i32
    %scan3A_259 = arith.constant 10 : i32
    %scan3A_260 = arith.addi %scan3A_258, %scan3A_259 : i32
    %scan3A_261 = arith.constant 1 : i32
    scf.for %scan3A_296 = %scan3A_258 to %scan3A_260 step %scan3A_261  : i32 {
      %mul3A_297 = arith.constant 4 : i32
      %mul3A_298 = arith.muli %scan3A_296, %mul3A_297 : i32
      %dma_wait3A_299 = arith.constant 0 : i32
      %dma_wait3A_300 = arith.constant 0 : i32
      %dma_wait3A_301 = tpu.memref_slice %arg6[%dma_wait3A_299, %dma_wait3A_300] : memref<40x128xi32, #tpu.memory_space<vmem>> -> memref<1x128xi32, #tpu.memory_space<vmem>>
      %dma_wait3A_302 = tpu.memref_squeeze %dma_wait3A_301 : memref<1x128xi32, #tpu.memory_space<vmem>> -> memref<128xi32, #tpu.memory_space<vmem>>
      %dma_wait3A_303 = arith.constant 0 : i32
      %dma_wait3A_304 = arith.constant 0 : i32
      %dma_wait3A_305 = tpu.memref_slice %arg12[%dma_wait3A_303, %dma_wait3A_304] : memref<10240x64xf32, #tpu.memory_space<vmem_shared>> -> memref<10240x64xf32, #tpu.memory_space<vmem_shared>>
      tpu.wait_indirect_dma semaphore(%arg14 : memref<!tpu.dma_semaphore, #tpu.memory_space<semaphore_mem>>) src(%dma_wait3A_305 : memref<10240x64xf32, #tpu.memory_space<vmem_shared>>) dst(%arg8 : memref<128x64xf32, #tpu.memory_space<vmem>>)
      %add3A_306 = arith.constant 0 : i32
      %add3A_307 = arith.addi %mul3A_298, %add3A_306 : i32
      %dma_start3A_308 = arith.constant 0 : i32
      %dma_start3A_309 = tpu.memref_slice %arg7[%add3A_307, %dma_start3A_308] : memref<40x128xi32, #tpu.memory_space<vmem>> -> memref<1x128xi32, #tpu.memory_space<vmem>>
      %dma_start3A_310 = tpu.memref_squeeze %dma_start3A_309 : memref<1x128xi32, #tpu.memory_space<vmem>> -> memref<128xi32, #tpu.memory_space<vmem>>
      %dma_start3A_311 = arith.constant 0 : i32
      %dma_start3A_312 = arith.constant 0 : i32
      %dma_start3A_313 = tpu.memref_slice %arg13[%dma_start3A_311, %dma_start3A_312] : memref<10240x64xf32, #tpu.memory_space<vmem_shared>> -> memref<10240x64xf32, #tpu.memory_space<vmem_shared>>
      tpu.enqueue_indirect_dma source(%arg8 : memref<128x64xf32, #tpu.memory_space<vmem>>) target(%dma_start3A_313 : memref<10240x64xf32, #tpu.memory_space<vmem_shared>>) offsets(%dma_start3A_310 : memref<128xi32, #tpu.memory_space<vmem>>) semaphore(%arg18 : memref<!tpu.dma_semaphore, #tpu.memory_space<semaphore_mem>>) {add = true}
      %dma_wait3A_314 = arith.constant 0 : i32
      %dma_wait3A_315 = arith.constant 0 : i32
      %dma_wait3A_316 = tpu.memref_slice %arg6[%dma_wait3A_314, %dma_wait3A_315] : memref<40x128xi32, #tpu.memory_space<vmem>> -> memref<1x128xi32, #tpu.memory_space<vmem>>
      %dma_wait3A_317 = tpu.memref_squeeze %dma_wait3A_316 : memref<1x128xi32, #tpu.memory_space<vmem>> -> memref<128xi32, #tpu.memory_space<vmem>>
      %dma_wait3A_318 = arith.constant 0 : i32
      %dma_wait3A_319 = arith.constant 0 : i32
      %dma_wait3A_320 = tpu.memref_slice %arg12[%dma_wait3A_318, %dma_wait3A_319] : memref<10240x64xf32, #tpu.memory_space<vmem_shared>> -> memref<10240x64xf32, #tpu.memory_space<vmem_shared>>
      tpu.wait_indirect_dma semaphore(%arg15 : memref<!tpu.dma_semaphore, #tpu.memory_space<semaphore_mem>>) src(%dma_wait3A_320 : memref<10240x64xf32, #tpu.memory_space<vmem_shared>>) dst(%arg9 : memref<128x64xf32, #tpu.memory_space<vmem>>)
      %add3A_321 = arith.constant 1 : i32
      %add3A_322 = arith.addi %mul3A_298, %add3A_321 : i32
      %dma_start3A_323 = arith.constant 0 : i32
      %dma_start3A_324 = tpu.memref_slice %arg7[%add3A_322, %dma_start3A_323] : memref<40x128xi32, #tpu.memory_space<vmem>> -> memref<1x128xi32, #tpu.memory_space<vmem>>
      %dma_start3A_325 = tpu.memref_squeeze %dma_start3A_324 : memref<1x128xi32, #tpu.memory_space<vmem>> -> memref<128xi32, #tpu.memory_space<vmem>>
      %dma_start3A_326 = arith.constant 0 : i32
      %dma_start3A_327 = arith.constant 0 : i32
      %dma_start3A_328 = tpu.memref_slice %arg13[%dma_start3A_326, %dma_start3A_327] : memref<10240x64xf32, #tpu.memory_space<vmem_shared>> -> memref<10240x64xf32, #tpu.memory_space<vmem_shared>>
      tpu.enqueue_indirect_dma source(%arg9 : memref<128x64xf32, #tpu.memory_space<vmem>>) target(%dma_start3A_328 : memref<10240x64xf32, #tpu.memory_space<vmem_shared>>) offsets(%dma_start3A_325 : memref<128xi32, #tpu.memory_space<vmem>>) semaphore(%arg19 : memref<!tpu.dma_semaphore, #tpu.memory_space<semaphore_mem>>) {add = true}
      %dma_wait3A_329 = arith.constant 0 : i32
      %dma_wait3A_330 = arith.constant 0 : i32
      %dma_wait3A_331 = tpu.memref_slice %arg6[%dma_wait3A_329, %dma_wait3A_330] : memref<40x128xi32, #tpu.memory_space<vmem>> -> memref<1x128xi32, #tpu.memory_space<vmem>>
      %dma_wait3A_332 = tpu.memref_squeeze %dma_wait3A_331 : memref<1x128xi32, #tpu.memory_space<vmem>> -> memref<128xi32, #tpu.memory_space<vmem>>
      %dma_wait3A_333 = arith.constant 0 : i32
      %dma_wait3A_334 = arith.constant 0 : i32
      %dma_wait3A_335 = tpu.memref_slice %arg12[%dma_wait3A_333, %dma_wait3A_334] : memref<10240x64xf32, #tpu.memory_space<vmem_shared>> -> memref<10240x64xf32, #tpu.memory_space<vmem_shared>>
      tpu.wait_indirect_dma semaphore(%arg16 : memref<!tpu.dma_semaphore, #tpu.memory_space<semaphore_mem>>) src(%dma_wait3A_335 : memref<10240x64xf32, #tpu.memory_space<vmem_shared>>) dst(%arg10 : memref<128x64xf32, #tpu.memory_space<vmem>>)
      %add3A_336 = arith.constant 2 : i32
      %add3A_337 = arith.addi %mul3A_298, %add3A_336 : i32
      %dma_start3A_338 = arith.constant 0 : i32
      %dma_start3A_339 = tpu.memref_slice %arg7[%add3A_337, %dma_start3A_338] : memref<40x128xi32, #tpu.memory_space<vmem>> -> memref<1x128xi32, #tpu.memory_space<vmem>>
      %dma_start3A_340 = tpu.memref_squeeze %dma_start3A_339 : memref<1x128xi32, #tpu.memory_space<vmem>> -> memref<128xi32, #tpu.memory_space<vmem>>
      %dma_start3A_341 = arith.constant 0 : i32
      %dma_start3A_342 = arith.constant 0 : i32
      %dma_start3A_343 = tpu.memref_slice %arg13[%dma_start3A_341, %dma_start3A_342] : memref<10240x64xf32, #tpu.memory_space<vmem_shared>> -> memref<10240x64xf32, #tpu.memory_space<vmem_shared>>
      tpu.enqueue_indirect_dma source(%arg10 : memref<128x64xf32, #tpu.memory_space<vmem>>) target(%dma_start3A_343 : memref<10240x64xf32, #tpu.memory_space<vmem_shared>>) offsets(%dma_start3A_340 : memref<128xi32, #tpu.memory_space<vmem>>) semaphore(%arg20 : memref<!tpu.dma_semaphore, #tpu.memory_space<semaphore_mem>>) {add = true}
      %dma_wait3A_344 = arith.constant 0 : i32
      %dma_wait3A_345 = arith.constant 0 : i32
      %dma_wait3A_346 = tpu.memref_slice %arg6[%dma_wait3A_344, %dma_wait3A_345] : memref<40x128xi32, #tpu.memory_space<vmem>> -> memref<1x128xi32, #tpu.memory_space<vmem>>
      %dma_wait3A_347 = tpu.memref_squeeze %dma_wait3A_346 : memref<1x128xi32, #tpu.memory_space<vmem>> -> memref<128xi32, #tpu.memory_space<vmem>>
      %dma_wait3A_348 = arith.constant 0 : i32
      %dma_wait3A_349 = arith.constant 0 : i32
      %dma_wait3A_350 = tpu.memref_slice %arg12[%dma_wait3A_348, %dma_wait3A_349] : memref<10240x64xf32, #tpu.memory_space<vmem_shared>> -> memref<10240x64xf32, #tpu.memory_space<vmem_shared>>
      tpu.wait_indirect_dma semaphore(%arg17 : memref<!tpu.dma_semaphore, #tpu.memory_space<semaphore_mem>>) src(%dma_wait3A_350 : memref<10240x64xf32, #tpu.memory_space<vmem_shared>>) dst(%arg11 : memref<128x64xf32, #tpu.memory_space<vmem>>)
      %add3A_351 = arith.constant 3 : i32
      %add3A_352 = arith.addi %mul3A_298, %add3A_351 : i32
      %dma_start3A_353 = arith.constant 0 : i32
      %dma_start3A_354 = tpu.memref_slice %arg7[%add3A_352, %dma_start3A_353] : memref<40x128xi32, #tpu.memory_space<vmem>> -> memref<1x128xi32, #tpu.memory_space<vmem>>
      %dma_start3A_355 = tpu.memref_squeeze %dma_start3A_354 : memref<1x128xi32, #tpu.memory_space<vmem>> -> memref<128xi32, #tpu.memory_space<vmem>>
      %dma_start3A_356 = arith.constant 0 : i32
      %dma_start3A_357 = arith.constant 0 : i32
      %dma_start3A_358 = tpu.memref_slice %arg13[%dma_start3A_356, %dma_start3A_357] : memref<10240x64xf32, #tpu.memory_space<vmem_shared>> -> memref<10240x64xf32, #tpu.memory_space<vmem_shared>>
      tpu.enqueue_indirect_dma source(%arg11 : memref<128x64xf32, #tpu.memory_space<vmem>>) target(%dma_start3A_358 : memref<10240x64xf32, #tpu.memory_space<vmem_shared>>) offsets(%dma_start3A_355 : memref<128xi32, #tpu.memory_space<vmem>>) semaphore(%arg21 : memref<!tpu.dma_semaphore, #tpu.memory_space<semaphore_mem>>) {add = true}
      %dma_wait3A_359 = arith.constant 0 : i32
      %dma_wait3A_360 = arith.constant 0 : i32
      %dma_wait3A_361 = tpu.memref_slice %arg7[%dma_wait3A_359, %dma_wait3A_360] : memref<40x128xi32, #tpu.memory_space<vmem>> -> memref<1x128xi32, #tpu.memory_space<vmem>>
      %dma_wait3A_362 = tpu.memref_squeeze %dma_wait3A_361 : memref<1x128xi32, #tpu.memory_space<vmem>> -> memref<128xi32, #tpu.memory_space<vmem>>
      %dma_wait3A_363 = arith.constant 0 : i32
      %dma_wait3A_364 = arith.constant 0 : i32
      %dma_wait3A_365 = tpu.memref_slice %arg13[%dma_wait3A_363, %dma_wait3A_364] : memref<10240x64xf32, #tpu.memory_space<vmem_shared>> -> memref<10240x64xf32, #tpu.memory_space<vmem_shared>>
      tpu.wait_indirect_dma semaphore(%arg18 : memref<!tpu.dma_semaphore, #tpu.memory_space<semaphore_mem>>) src(%arg8 : memref<128x64xf32, #tpu.memory_space<vmem>>) dst(%dma_wait3A_365 : memref<10240x64xf32, #tpu.memory_space<vmem_shared>>)
      %add3A_366 = arith.constant 4 : i32
      %add3A_367 = arith.addi %mul3A_298, %add3A_366 : i32
      %add3A_368 = arith.constant 0 : i32
      %add3A_369 = arith.addi %add3A_367, %add3A_368 : i32
      %min3A = arith.constant 39 : i32
      %min3A_370 = arith.minsi %add3A_369, %min3A : i32
      %dma_start3A_371 = arith.constant 0 : i32
      %dma_start3A_372 = tpu.memref_slice %arg6[%min3A_370, %dma_start3A_371] : memref<40x128xi32, #tpu.memory_space<vmem>> -> memref<1x128xi32, #tpu.memory_space<vmem>>
      %dma_start3A_373 = tpu.memref_squeeze %dma_start3A_372 : memref<1x128xi32, #tpu.memory_space<vmem>> -> memref<128xi32, #tpu.memory_space<vmem>>
      %dma_start3A_374 = arith.constant 0 : i32
      %dma_start3A_375 = arith.constant 0 : i32
      %dma_start3A_376 = tpu.memref_slice %arg12[%dma_start3A_374, %dma_start3A_375] : memref<10240x64xf32, #tpu.memory_space<vmem_shared>> -> memref<10240x64xf32, #tpu.memory_space<vmem_shared>>
      tpu.enqueue_indirect_dma source(%dma_start3A_376 : memref<10240x64xf32, #tpu.memory_space<vmem_shared>>) target(%arg8 : memref<128x64xf32, #tpu.memory_space<vmem>>) offsets(%dma_start3A_373 : memref<128xi32, #tpu.memory_space<vmem>>) semaphore(%arg14 : memref<!tpu.dma_semaphore, #tpu.memory_space<semaphore_mem>>)
      %dma_wait3A_377 = arith.constant 0 : i32
      %dma_wait3A_378 = arith.constant 0 : i32
      %dma_wait3A_379 = tpu.memref_slice %arg7[%dma_wait3A_377, %dma_wait3A_378] : memref<40x128xi32, #tpu.memory_space<vmem>> -> memref<1x128xi32, #tpu.memory_space<vmem>>
      %dma_wait3A_380 = tpu.memref_squeeze %dma_wait3A_379 : memref<1x128xi32, #tpu.memory_space<vmem>> -> memref<128xi32, #tpu.memory_space<vmem>>
      %dma_wait3A_381 = arith.constant 0 : i32
      %dma_wait3A_382 = arith.constant 0 : i32
      %dma_wait3A_383 = tpu.memref_slice %arg13[%dma_wait3A_381, %dma_wait3A_382] : memref<10240x64xf32, #tpu.memory_space<vmem_shared>> -> memref<10240x64xf32, #tpu.memory_space<vmem_shared>>
      tpu.wait_indirect_dma semaphore(%arg19 : memref<!tpu.dma_semaphore, #tpu.memory_space<semaphore_mem>>) src(%arg9 : memref<128x64xf32, #tpu.memory_space<vmem>>) dst(%dma_wait3A_383 : memref<10240x64xf32, #tpu.memory_space<vmem_shared>>)
      %add3A_384 = arith.constant 4 : i32
      %add3A_385 = arith.addi %mul3A_298, %add3A_384 : i32
      %add3A_386 = arith.constant 1 : i32
      %add3A_387 = arith.addi %add3A_385, %add3A_386 : i32
      %min3A_388 = arith.constant 39 : i32
      %min3A_389 = arith.minsi %add3A_387, %min3A_388 : i32
      %dma_start3A_390 = arith.constant 0 : i32
      %dma_start3A_391 = tpu.memref_slice %arg6[%min3A_389, %dma_start3A_390] : memref<40x128xi32, #tpu.memory_space<vmem>> -> memref<1x128xi32, #tpu.memory_space<vmem>>
      %dma_start3A_392 = tpu.memref_squeeze %dma_start3A_391 : memref<1x128xi32, #tpu.memory_space<vmem>> -> memref<128xi32, #tpu.memory_space<vmem>>
      %dma_start3A_393 = arith.constant 0 : i32
      %dma_start3A_394 = arith.constant 0 : i32
      %dma_start3A_395 = tpu.memref_slice %arg12[%dma_start3A_393, %dma_start3A_394] : memref<10240x64xf32, #tpu.memory_space<vmem_shared>> -> memref<10240x64xf32, #tpu.memory_space<vmem_shared>>
      tpu.enqueue_indirect_dma source(%dma_start3A_395 : memref<10240x64xf32, #tpu.memory_space<vmem_shared>>) target(%arg9 : memref<128x64xf32, #tpu.memory_space<vmem>>) offsets(%dma_start3A_392 : memref<128xi32, #tpu.memory_space<vmem>>) semaphore(%arg15 : memref<!tpu.dma_semaphore, #tpu.memory_space<semaphore_mem>>)
      %dma_wait3A_396 = arith.constant 0 : i32
      %dma_wait3A_397 = arith.constant 0 : i32
      %dma_wait3A_398 = tpu.memref_slice %arg7[%dma_wait3A_396, %dma_wait3A_397] : memref<40x128xi32, #tpu.memory_space<vmem>> -> memref<1x128xi32, #tpu.memory_space<vmem>>
      %dma_wait3A_399 = tpu.memref_squeeze %dma_wait3A_398 : memref<1x128xi32, #tpu.memory_space<vmem>> -> memref<128xi32, #tpu.memory_space<vmem>>
      %dma_wait3A_400 = arith.constant 0 : i32
      %dma_wait3A_401 = arith.constant 0 : i32
      %dma_wait3A_402 = tpu.memref_slice %arg13[%dma_wait3A_400, %dma_wait3A_401] : memref<10240x64xf32, #tpu.memory_space<vmem_shared>> -> memref<10240x64xf32, #tpu.memory_space<vmem_shared>>
      tpu.wait_indirect_dma semaphore(%arg20 : memref<!tpu.dma_semaphore, #tpu.memory_space<semaphore_mem>>) src(%arg10 : memref<128x64xf32, #tpu.memory_space<vmem>>) dst(%dma_wait3A_402 : memref<10240x64xf32, #tpu.memory_space<vmem_shared>>)
      %add3A_403 = arith.constant 4 : i32
      %add3A_404 = arith.addi %mul3A_298, %add3A_403 : i32
      %add3A_405 = arith.constant 2 : i32
      %add3A_406 = arith.addi %add3A_404, %add3A_405 : i32
      %min3A_407 = arith.constant 39 : i32
      %min3A_408 = arith.minsi %add3A_406, %min3A_407 : i32
      %dma_start3A_409 = arith.constant 0 : i32
      %dma_start3A_410 = tpu.memref_slice %arg6[%min3A_408, %dma_start3A_409] : memref<40x128xi32, #tpu.memory_space<vmem>> -> memref<1x128xi32, #tpu.memory_space<vmem>>
      %dma_start3A_411 = tpu.memref_squeeze %dma_start3A_410 : memref<1x128xi32, #tpu.memory_space<vmem>> -> memref<128xi32, #tpu.memory_space<vmem>>
      %dma_start3A_412 = arith.constant 0 : i32
      %dma_start3A_413 = arith.constant 0 : i32
      %dma_start3A_414 = tpu.memref_slice %arg12[%dma_start3A_412, %dma_start3A_413] : memref<10240x64xf32, #tpu.memory_space<vmem_shared>> -> memref<10240x64xf32, #tpu.memory_space<vmem_shared>>
      tpu.enqueue_indirect_dma source(%dma_start3A_414 : memref<10240x64xf32, #tpu.memory_space<vmem_shared>>) target(%arg10 : memref<128x64xf32, #tpu.memory_space<vmem>>) offsets(%dma_start3A_411 : memref<128xi32, #tpu.memory_space<vmem>>) semaphore(%arg16 : memref<!tpu.dma_semaphore, #tpu.memory_space<semaphore_mem>>)
      %dma_wait3A_415 = arith.constant 0 : i32
      %dma_wait3A_416 = arith.constant 0 : i32
      %dma_wait3A_417 = tpu.memref_slice %arg7[%dma_wait3A_415, %dma_wait3A_416] : memref<40x128xi32, #tpu.memory_space<vmem>> -> memref<1x128xi32, #tpu.memory_space<vmem>>
      %dma_wait3A_418 = tpu.memref_squeeze %dma_wait3A_417 : memref<1x128xi32, #tpu.memory_space<vmem>> -> memref<128xi32, #tpu.memory_space<vmem>>
      %dma_wait3A_419 = arith.constant 0 : i32
      %dma_wait3A_420 = arith.constant 0 : i32
      %dma_wait3A_421 = tpu.memref_slice %arg13[%dma_wait3A_419, %dma_wait3A_420] : memref<10240x64xf32, #tpu.memory_space<vmem_shared>> -> memref<10240x64xf32, #tpu.memory_space<vmem_shared>>
      tpu.wait_indirect_dma semaphore(%arg21 : memref<!tpu.dma_semaphore, #tpu.memory_space<semaphore_mem>>) src(%arg11 : memref<128x64xf32, #tpu.memory_space<vmem>>) dst(%dma_wait3A_421 : memref<10240x64xf32, #tpu.memory_space<vmem_shared>>)
      %add3A_422 = arith.constant 4 : i32
      %add3A_423 = arith.addi %mul3A_298, %add3A_422 : i32
      %add3A_424 = arith.constant 3 : i32
      %add3A_425 = arith.addi %add3A_423, %add3A_424 : i32
      %min3A_426 = arith.constant 39 : i32
      %min3A_427 = arith.minsi %add3A_425, %min3A_426 : i32
      %dma_start3A_428 = arith.constant 0 : i32
      %dma_start3A_429 = tpu.memref_slice %arg6[%min3A_427, %dma_start3A_428] : memref<40x128xi32, #tpu.memory_space<vmem>> -> memref<1x128xi32, #tpu.memory_space<vmem>>
      %dma_start3A_430 = tpu.memref_squeeze %dma_start3A_429 : memref<1x128xi32, #tpu.memory_space<vmem>> -> memref<128xi32, #tpu.memory_space<vmem>>
      %dma_start3A_431 = arith.constant 0 : i32
      %dma_start3A_432 = arith.constant 0 : i32
      %dma_start3A_433 = tpu.memref_slice %arg12[%dma_start3A_431, %dma_start3A_432] : memref<10240x64xf32, #tpu.memory_space<vmem_shared>> -> memref<10240x64xf32, #tpu.memory_space<vmem_shared>>
      tpu.enqueue_indirect_dma source(%dma_start3A_433 : memref<10240x64xf32, #tpu.memory_space<vmem_shared>>) target(%arg11 : memref<128x64xf32, #tpu.memory_space<vmem>>) offsets(%dma_start3A_430 : memref<128xi32, #tpu.memory_space<vmem>>) semaphore(%arg17 : memref<!tpu.dma_semaphore, #tpu.memory_space<semaphore_mem>>)
    }
    %scan3A_262 = arith.constant 10 : i32
    %dma_wait3A_263 = arith.constant 0 : i32
    %dma_wait3A_264 = arith.constant 0 : i32
    %dma_wait3A_265 = tpu.memref_slice %arg6[%dma_wait3A_263, %dma_wait3A_264] : memref<40x128xi32, #tpu.memory_space<vmem>> -> memref<1x128xi32, #tpu.memory_space<vmem>>
    %dma_wait3A_266 = tpu.memref_squeeze %dma_wait3A_265 : memref<1x128xi32, #tpu.memory_space<vmem>> -> memref<128xi32, #tpu.memory_space<vmem>>
    %dma_wait3A_267 = arith.constant 0 : i32
    %dma_wait3A_268 = arith.constant 0 : i32
    %dma_wait3A_269 = tpu.memref_slice %arg12[%dma_wait3A_267, %dma_wait3A_268] : memref<10240x64xf32, #tpu.memory_space<vmem_shared>> -> memref<10240x64xf32, #tpu.memory_space<vmem_shared>>
    tpu.wait_indirect_dma semaphore(%arg14 : memref<!tpu.dma_semaphore, #tpu.memory_space<semaphore_mem>>) src(%dma_wait3A_269 : memref<10240x64xf32, #tpu.memory_space<vmem_shared>>) dst(%arg8 : memref<128x64xf32, #tpu.memory_space<vmem>>)
    %dma_wait3A_270 = arith.constant 0 : i32
    %dma_wait3A_271 = arith.constant 0 : i32
    %dma_wait3A_272 = tpu.memref_slice %arg6[%dma_wait3A_270, %dma_wait3A_271] : memref<40x128xi32, #tpu.memory_space<vmem>> -> memref<1x128xi32, #tpu.memory_space<vmem>>
    %dma_wait3A_273 = tpu.memref_squeeze %dma_wait3A_272 : memref<1x128xi32, #tpu.memory_space<vmem>> -> memref<128xi32, #tpu.memory_space<vmem>>
    %dma_wait3A_274 = arith.constant 0 : i32
    %dma_wait3A_275 = arith.constant 0 : i32
    %dma_wait3A_276 = tpu.memref_slice %arg12[%dma_wait3A_274, %dma_wait3A_275] : memref<10240x64xf32, #tpu.memory_space<vmem_shared>> -> memref<10240x64xf32, #tpu.memory_space<vmem_shared>>
    tpu.wait_indirect_dma semaphore(%arg15 : memref<!tpu.dma_semaphore, #tpu.memory_space<semaphore_mem>>) src(%dma_wait3A_276 : memref<10240x64xf32, #tpu.memory_space<vmem_shared>>) dst(%arg9 : memref<128x64xf32, #tpu.memory_space<vmem>>)
    %dma_wait3A_277 = arith.constant 0 : i32
    %dma_wait3A_278 = arith.constant 0 : i32
    %dma_wait3A_279 = tpu.memref_slice %arg6[%dma_wait3A_277, %dma_wait3A_278] : memref<40x128xi32, #tpu.memory_space<vmem>> -> memref<1x128xi32, #tpu.memory_space<vmem>>
    %dma_wait3A_280 = tpu.memref_squeeze %dma_wait3A_279 : memref<1x128xi32, #tpu.memory_space<vmem>> -> memref<128xi32, #tpu.memory_space<vmem>>
    %dma_wait3A_281 = arith.constant 0 : i32
    %dma_wait3A_282 = arith.constant 0 : i32
    %dma_wait3A_283 = tpu.memref_slice %arg12[%dma_wait3A_281, %dma_wait3A_282] : memref<10240x64xf32, #tpu.memory_space<vmem_shared>> -> memref<10240x64xf32, #tpu.memory_space<vmem_shared>>
    tpu.wait_indirect_dma semaphore(%arg16 : memref<!tpu.dma_semaphore, #tpu.memory_space<semaphore_mem>>) src(%dma_wait3A_283 : memref<10240x64xf32, #tpu.memory_space<vmem_shared>>) dst(%arg10 : memref<128x64xf32, #tpu.memory_space<vmem>>)
    %dma_wait3A_284 = arith.constant 0 : i32
    %dma_wait3A_285 = arith.constant 0 : i32
    %dma_wait3A_286 = tpu.memref_slice %arg6[%dma_wait3A_284, %dma_wait3A_285] : memref<40x128xi32, #tpu.memory_space<vmem>> -> memref<1x128xi32, #tpu.memory_space<vmem>>
    %dma_wait3A_287 = tpu.memref_squeeze %dma_wait3A_286 : memref<1x128xi32, #tpu.memory_space<vmem>> -> memref<128xi32, #tpu.memory_space<vmem>>
    %dma_wait3A_288 = arith.constant 0 : i32
    %dma_wait3A_289 = arith.constant 0 : i32
    %dma_wait3A_290 = tpu.memref_slice %arg12[%dma_wait3A_288, %dma_wait3A_289] : memref<10240x64xf32, #tpu.memory_space<vmem_shared>> -> memref<10240x64xf32, #tpu.memory_space<vmem_shared>>
    tpu.wait_indirect_dma semaphore(%arg17 : memref<!tpu.dma_semaphore, #tpu.memory_space<semaphore_mem>>) src(%dma_wait3A_290 : memref<10240x64xf32, #tpu.memory_space<vmem_shared>>) dst(%arg11 : memref<128x64xf32, #tpu.memory_space<vmem>>)
    %barrier3A_291 = arith.constant 0 : index
    tpu.barrier barrier_id(%barrier3A_291)
    %mul3A_292 = arith.constant 640 : i32
    %mul3A_293 = arith.muli %arg1, %mul3A_292 : i32
    %mul3A_294 = arith.constant 640 : i32
    %mul3A_295 = arith.muli %arg1, %mul3A_294 : i32
    "tpu.region"() ({
      %run_scoped3A = tpu.sem_alloc : memref<!tpu.dma_semaphore, #tpu.memory_space<semaphore_mem>>
      %dma_start3A_296 = arith.constant 0 : i32
      %dma_start3A_297 = arith.constant 0 : i32
      %dma_start3A_298 = tpu.memref_slice %arg5[%arg0, %dma_start3A_296, %dma_start3A_297] : memref<2x10240x64xf32, #tpu.memory_space<hbm>> -> memref<1x10240x64xf32, #tpu.memory_space<hbm>>
      %dma_start3A_299 = tpu.memref_squeeze %dma_start3A_298 : memref<1x10240x64xf32, #tpu.memory_space<hbm>> -> memref<10240x64xf32, #tpu.memory_space<hbm>>
      %dma_start3A_300 = arith.constant 0 : i32
      %dma_start3A_301 = tpu.memref_slice %dma_start3A_299[%mul3A_295, %dma_start3A_300] : memref<10240x64xf32, #tpu.memory_space<hbm>> -> memref<640x64xf32, #tpu.memory_space<hbm>>
      %dma_start3A_302 = arith.constant 0 : i32
      %dma_start3A_303 = tpu.memref_slice %arg13[%mul3A_293, %dma_start3A_302] : memref<10240x64xf32, #tpu.memory_space<vmem_shared>> -> memref<640x64xf32, #tpu.memory_space<vmem_shared>>
      tpu.enqueue_dma source(%dma_start3A_303 : memref<640x64xf32, #tpu.memory_space<vmem_shared>>) target(%dma_start3A_301 : memref<640x64xf32, #tpu.memory_space<hbm>>) target_semaphore(%run_scoped3A : memref<!tpu.dma_semaphore, #tpu.memory_space<semaphore_mem>>)
      %dma_wait3A_304 = arith.constant 0 : i32
      %dma_wait3A_305 = arith.constant 0 : i32
      %dma_wait3A_306 = tpu.memref_slice %arg5[%arg0, %dma_wait3A_304, %dma_wait3A_305] : memref<2x10240x64xf32, #tpu.memory_space<hbm>> -> memref<1x10240x64xf32, #tpu.memory_space<hbm>>
      %dma_wait3A_307 = tpu.memref_squeeze %dma_wait3A_306 : memref<1x10240x64xf32, #tpu.memory_space<hbm>> -> memref<10240x64xf32, #tpu.memory_space<hbm>>
      %dma_wait3A_308 = arith.constant 0 : i32
      %dma_wait3A_309 = tpu.memref_slice %dma_wait3A_307[%mul3A_295, %dma_wait3A_308] : memref<10240x64xf32, #tpu.memory_space<hbm>> -> memref<640x64xf32, #tpu.memory_space<hbm>>
      %dma_wait3A_310 = arith.constant 0 : i32
      %dma_wait3A_311 = tpu.memref_slice %arg13[%mul3A_293, %dma_wait3A_310] : memref<10240x64xf32, #tpu.memory_space<vmem_shared>> -> memref<640x64xf32, #tpu.memory_space<vmem_shared>>
      tpu.wait_dma2 semaphore(%run_scoped3A : memref<!tpu.dma_semaphore, #tpu.memory_space<semaphore_mem>>) src(%dma_wait3A_311 : memref<640x64xf32, #tpu.memory_space<vmem_shared>>) dst(%dma_wait3A_309 : memref<640x64xf32, #tpu.memory_space<hbm>>)
      tpu.yield
    }) : () -> ()
    return
  }
}

module attributes {stable_mosaic.version = 14 : i64} {
  func.func @_mm_body(%arg0: i32, %arg1: memref<1024x128xf32, #tpu.memory_space<vmem>>, %arg2: memref<128x128xf32, #tpu.memory_space<vmem>>, %arg3: memref<1024x128xf32, #tpu.memory_space<vmem>>) attributes {dimension_semantics = [#tpu.dimension_semantics<arbitrary>], iteration_bounds = array<i64: 10>, scalar_prefetch = 0 : i64, scratch_operands = 0 : i64, tpu.core_type = #tpu.core_type<tc>, window_params = [{transform_indices = @transform_0, window_bounds = array<i64: 1024, 128>}, {pipeline_mode = #tpu.pipeline_mode<synchronous>, transform_indices = @transform_1, window_bounds = array<i64: 128, 128>}, {transform_indices = @transform_2, window_bounds = array<i64: 1024, 128>}]} {
    %get3A = arith.constant 0 : index
    %get3A_0 = arith.constant 0 : index
    %get3A_1 = vector.load %arg1[%get3A, %get3A_0] : memref<1024x128xf32, #tpu.memory_space<vmem>>, vector<1024x128xf32>
    %get3A_2 = arith.constant 0 : index
    %get3A_3 = arith.constant 0 : index
    %get3A_4 = vector.load %arg2[%get3A_2, %get3A_3] : memref<128x128xf32, #tpu.memory_space<vmem>>, vector<128x128xf32>
    %dot_general3A = arith.constant dense<0.000000e+00> : vector<1024x128xf32>
    %dot_general3A_5 = tpu.matmul %get3A_1, %get3A_4, %dot_general3A {dimension_numbers = #tpu.dot_dimension_numbers<[1], [0], [0], [1], [0, 0, 1, 1], [], []>, transpose_lhs_hint = false} : vector<1024x128xf32>, vector<128x128xf32>, vector<1024x128xf32> -> vector<1024x128xf32>
    %swap3A = arith.constant 0 : index
    %swap3A_6 = arith.constant 0 : index
    %swap3A_7 = vector.load %arg3[%swap3A, %swap3A_6] : memref<1024x128xf32, #tpu.memory_space<vmem>>, vector<1024x128xf32>
    tpu.vector_store %arg3[%swap3A, %swap3A_6], %dot_general3A_5 {strides = array<i32>} : memref<1024x128xf32, #tpu.memory_space<vmem>>, vector<1024x128xf32>,
    return
  }
  func.func @transform_0(%arg0: i32) -> (i32, i32) {
    %c0_i32 = arith.constant 0 : i32
    %c0_i32_0 = arith.constant 0 : i32
    return %arg0, %c0_i32 : i32, i32
  }
  func.func @transform_1(%arg0: i32) -> (i32, i32) {
    %c0_i32 = arith.constant 0 : i32
    %c0_i32_0 = arith.constant 0 : i32
    %c0_i32_1 = arith.constant 0 : i32
    return %c0_i32, %c0_i32_0 : i32, i32
  }
  func.func @transform_2(%arg0: i32) -> (i32, i32) {
    %c0_i32 = arith.constant 0 : i32
    %c0_i32_0 = arith.constant 0 : i32
    return %arg0, %c0_i32 : i32, i32
  }
}

module attributes {stable_mosaic.version = 14 : i64} {
  func.func @_scale_body(%arg0: i32, %arg1: memref<2x1024x16xf32, #tpu.memory_space<vmem>>, %arg2: memref<1024x128xf32, #tpu.memory_space<vmem>>, %arg3: memref<1024x1xf32, #tpu.memory_space<vmem>>, %arg4: memref<2x1024x64xf32, #tpu.memory_space<vmem>>) attributes {dimension_semantics = [#tpu.dimension_semantics<arbitrary>], iteration_bounds = array<i64: 10>, scalar_prefetch = 0 : i64, scratch_operands = 0 : i64, tpu.core_type = #tpu.core_type<tc>, window_params = [{transform_indices = @transform_0, window_bounds = array<i64: 2, 1024, 16>}, {transform_indices = @transform_1, window_bounds = array<i64: 1024, 128>}, {transform_indices = @transform_2, window_bounds = array<i64: 1024, 1>}, {transform_indices = @transform_3, window_bounds = array<i64: 2, 1024, 64>}]} {
    %get3A = arith.constant 0 : index
    %get3A_0 = arith.constant 0 : index
    %get3A_1 = arith.constant 0 : index
    %get3A_2 = vector.load %arg1[%get3A, %get3A_0, %get3A_1] : memref<2x1024x16xf32, #tpu.memory_space<vmem>>, vector<1x1024x1xf32>
    %get3A_3 = vector.shape_cast %get3A_2 : vector<1x1024x1xf32> to vector<1024x1xf32>
    %get3A_4 = arith.constant 1 : index
    %get3A_5 = arith.constant 0 : index
    %get3A_6 = arith.constant 0 : index
    %get3A_7 = vector.load %arg1[%get3A_4, %get3A_5, %get3A_6] : memref<2x1024x16xf32, #tpu.memory_space<vmem>>, vector<1x1024x1xf32>
    %get3A_8 = vector.shape_cast %get3A_7 : vector<1x1024x1xf32> to vector<1024x1xf32>
    %add3A = arith.addf %get3A_3, %get3A_8 : vector<1024x1xf32>
    %add3A_9 = arith.constant 1.000000e+00 : f32
    %add3A_10 = vector.broadcast %add3A_9 : f32 to vector<1024x1xf32>
    %add3A_11 = arith.addf %add3A, %add3A_10 : vector<1024x1xf32>
    %rsqrt3A = math.rsqrt %add3A_11 : vector<1024x1xf32>
    %swap3A = arith.constant 0 : index
    %swap3A_12 = arith.constant 0 : index
    %swap3A_13 = vector.load %arg3[%swap3A, %swap3A_12] : memref<1024x1xf32, #tpu.memory_space<vmem>>, vector<1024x1xf32>
    tpu.vector_store %arg3[%swap3A, %swap3A_12], %rsqrt3A {strides = array<i32>} : memref<1024x1xf32, #tpu.memory_space<vmem>>, vector<1024x1xf32>,
    %get3A_14 = arith.constant 0 : index
    %get3A_15 = arith.constant 0 : index
    %get3A_16 = vector.load %arg2[%get3A_14, %get3A_15] : memref<1024x128xf32, #tpu.memory_space<vmem>>, vector<1024x128xf32>
    %mul3A = vector.broadcast %rsqrt3A : vector<1024x1xf32> to vector<1024x128xf32>
    %mul3A_17 = arith.mulf %get3A_16, %mul3A : vector<1024x128xf32>
    %slice3A = vector.extract_strided_slice %mul3A_17 {offsets = [0, 0], sizes = [1024, 64], strides = [1, 1]} : vector<1024x128xf32> to vector<1024x64xf32>
    %swap3A_18 = arith.constant 0 : index
    %swap3A_19 = arith.constant 0 : index
    %swap3A_20 = arith.constant 0 : index
    %swap3A_21 = vector.load %arg4[%swap3A_18, %swap3A_19, %swap3A_20] : memref<2x1024x64xf32, #tpu.memory_space<vmem>>, vector<1x1024x64xf32>
    %swap3A_22 = vector.shape_cast %swap3A_21 : vector<1x1024x64xf32> to vector<1024x64xf32>
    %swap3A_23 = vector.shape_cast %slice3A : vector<1024x64xf32> to vector<1x1024x64xf32>
    tpu.vector_store %arg4[%swap3A_18, %swap3A_19, %swap3A_20], %swap3A_23 {strides = array<i32>} : memref<2x1024x64xf32, #tpu.memory_space<vmem>>, vector<1x1024x64xf32>,
    %slice3A_24 = vector.extract_strided_slice %mul3A_17 {offsets = [0, 64], sizes = [1024, 64], strides = [1, 1]} : vector<1024x128xf32> to vector<1024x64xf32>
    %swap3A_25 = arith.constant 1 : index
    %swap3A_26 = arith.constant 0 : index
    %swap3A_27 = arith.constant 0 : index
    %swap3A_28 = vector.load %arg4[%swap3A_25, %swap3A_26, %swap3A_27] : memref<2x1024x64xf32, #tpu.memory_space<vmem>>, vector<1x1024x64xf32>
    %swap3A_29 = vector.shape_cast %swap3A_28 : vector<1x1024x64xf32> to vector<1024x64xf32>
    %swap3A_30 = vector.shape_cast %slice3A_24 : vector<1024x64xf32> to vector<1x1024x64xf32>
    tpu.vector_store %arg4[%swap3A_25, %swap3A_26, %swap3A_27], %swap3A_30 {strides = array<i32>} : memref<2x1024x64xf32, #tpu.memory_space<vmem>>, vector<1x1024x64xf32>,
    return
  }
  func.func @transform_0(%arg0: i32) -> (i32, i32, i32) {
    %c0_i32 = arith.constant 0 : i32
    %c0_i32_0 = arith.constant 0 : i32
    %c0_i32_1 = arith.constant 0 : i32
    return %c0_i32, %arg0, %c0_i32_0 : i32, i32, i32
  }
  func.func @transform_1(%arg0: i32) -> (i32, i32) {
    %c0_i32 = arith.constant 0 : i32
    %c0_i32_0 = arith.constant 0 : i32
    return %arg0, %c0_i32 : i32, i32
  }
  func.func @transform_2(%arg0: i32) -> (i32, i32) {
    %c0_i32 = arith.constant 0 : i32
    %c0_i32_0 = arith.constant 0 : i32
    return %arg0, %c0_i32 : i32, i32
  }
  func.func @transform_3(%arg0: i32) -> (i32, i32, i32) {
    %c0_i32 = arith.constant 0 : i32
    %c0_i32_0 = arith.constant 0 : i32
    %c0_i32_1 = arith.constant 0 : i32
    return %c0_i32, %arg0, %c0_i32_0 : i32, i32, i32
  }
}

module attributes {stable_mosaic.version = 14 : i64} {
  func.func @_layer2_body(%arg0: i32, %arg1: memref<2x1024x64xf32, #tpu.memory_space<vmem>>, %arg2: memref<2x1024x64xf32, #tpu.memory_space<vmem>>, %arg3: memref<1024x1xf32, #tpu.memory_space<vmem>>, %arg4: memref<1x128xf32, #tpu.memory_space<vmem>>, %arg5: memref<128x128xf32, #tpu.memory_space<vmem>>, %arg6: memref<2x1024x64xf32, #tpu.memory_space<vmem>>) attributes {dimension_semantics = [#tpu.dimension_semantics<arbitrary>], iteration_bounds = array<i64: 10>, scalar_prefetch = 0 : i64, scratch_operands = 0 : i64, tpu.core_type = #tpu.core_type<tc>, window_params = [{transform_indices = @transform_0, window_bounds = array<i64: 2, 1024, 64>}, {transform_indices = @transform_1, window_bounds = array<i64: 2, 1024, 64>}, {transform_indices = @transform_2, window_bounds = array<i64: 1024, 1>}, {pipeline_mode = #tpu.pipeline_mode<synchronous>, transform_indices = @transform_3, window_bounds = array<i64: 1, 128>}, {pipeline_mode = #tpu.pipeline_mode<synchronous>, transform_indices = @transform_4, window_bounds = array<i64: 128, 128>}, {transform_indices = @transform_5, window_bounds = array<i64: 2, 1024, 64>}]} {
    %get3A = arith.constant 0 : index
    %get3A_0 = arith.constant 0 : index
    %get3A_1 = vector.load %arg3[%get3A, %get3A_0] : memref<1024x1xf32, #tpu.memory_space<vmem>>, vector<1024x1xf32>
    %get3A_2 = arith.constant 0 : index
    %get3A_3 = arith.constant 0 : index
    %get3A_4 = arith.constant 0 : index
    %get3A_5 = vector.load %arg1[%get3A_2, %get3A_3, %get3A_4] : memref<2x1024x64xf32, #tpu.memory_space<vmem>>, vector<1x1024x64xf32>
    %get3A_6 = vector.shape_cast %get3A_5 : vector<1x1024x64xf32> to vector<1024x64xf32>
    %get3A_7 = arith.constant 1 : index
    %get3A_8 = arith.constant 0 : index
    %get3A_9 = arith.constant 0 : index
    %get3A_10 = vector.load %arg1[%get3A_7, %get3A_8, %get3A_9] : memref<2x1024x64xf32, #tpu.memory_space<vmem>>, vector<1x1024x64xf32>
    %get3A_11 = vector.shape_cast %get3A_10 : vector<1x1024x64xf32> to vector<1024x64xf32>
    %concatenate3A = tpu.concatenate %get3A_6, %get3A_11 in 1 : vector<1024x64xf32>, vector<1024x64xf32> -> vector<1024x128xf32>
    %get3A_12 = arith.constant 0 : index
    %get3A_13 = arith.constant 0 : index
    %get3A_14 = arith.constant 0 : index
    %get3A_15 = vector.load %arg2[%get3A_12, %get3A_13, %get3A_14] : memref<2x1024x64xf32, #tpu.memory_space<vmem>>, vector<1x1024x64xf32>
    %get3A_16 = vector.shape_cast %get3A_15 : vector<1x1024x64xf32> to vector<1024x64xf32>
    %get3A_17 = arith.constant 1 : index
    %get3A_18 = arith.constant 0 : index
    %get3A_19 = arith.constant 0 : index
    %get3A_20 = vector.load %arg2[%get3A_17, %get3A_18, %get3A_19] : memref<2x1024x64xf32, #tpu.memory_space<vmem>>, vector<1x1024x64xf32>
    %get3A_21 = vector.shape_cast %get3A_20 : vector<1x1024x64xf32> to vector<1024x64xf32>
    %concatenate3A_22 = tpu.concatenate %get3A_16, %get3A_21 in 1 : vector<1024x64xf32>, vector<1024x64xf32> -> vector<1024x128xf32>
    %add3A = arith.addf %concatenate3A, %concatenate3A_22 : vector<1024x128xf32>
    %mul3A = vector.broadcast %get3A_1 : vector<1024x1xf32> to vector<1024x128xf32>
    %mul3A_23 = arith.mulf %add3A, %mul3A : vector<1024x128xf32>
    %get3A_24 = arith.constant 0 : index
    %get3A_25 = arith.constant 0 : index
    %get3A_26 = vector.load %arg4[%get3A_24, %get3A_25] : memref<1x128xf32, #tpu.memory_space<vmem>>, vector<1x128xf32>
    %add3A_27 = vector.broadcast %get3A_26 : vector<1x128xf32> to vector<1024x128xf32>
    %add3A_28 = arith.addf %mul3A_23, %add3A_27 : vector<1024x128xf32>
    %max3A = arith.constant 0.000000e+00 : f32
    %max3A_29 = vector.broadcast %max3A : f32 to vector<1024x128xf32>
    %max3A_30 = arith.maximumf %add3A_28, %max3A_29 : vector<1024x128xf32>
    %get3A_31 = arith.constant 0 : index
    %get3A_32 = arith.constant 0 : index
    %get3A_33 = vector.load %arg5[%get3A_31, %get3A_32] : memref<128x128xf32, #tpu.memory_space<vmem>>, vector<128x128xf32>
    %dot_general3A = arith.constant dense<0.000000e+00> : vector<1024x128xf32>
    %dot_general3A_34 = tpu.matmul %max3A_30, %get3A_33, %dot_general3A {dimension_numbers = #tpu.dot_dimension_numbers<[1], [0], [0], [1], [0, 0, 1, 1], [], []>, transpose_lhs_hint = false} : vector<1024x128xf32>, vector<128x128xf32>, vector<1024x128xf32> -> vector<1024x128xf32>
    %mul3A_35 = vector.broadcast %get3A_1 : vector<1024x1xf32> to vector<1024x128xf32>
    %mul3A_36 = arith.mulf %dot_general3A_34, %mul3A_35 : vector<1024x128xf32>
    %slice3A = vector.extract_strided_slice %mul3A_36 {offsets = [0, 0], sizes = [1024, 64], strides = [1, 1]} : vector<1024x128xf32> to vector<1024x64xf32>
    %swap3A = arith.constant 0 : index
    %swap3A_37 = arith.constant 0 : index
    %swap3A_38 = arith.constant 0 : index
    %swap3A_39 = vector.load %arg6[%swap3A, %swap3A_37, %swap3A_38] : memref<2x1024x64xf32, #tpu.memory_space<vmem>>, vector<1x1024x64xf32>
    %swap3A_40 = vector.shape_cast %swap3A_39 : vector<1x1024x64xf32> to vector<1024x64xf32>
    %swap3A_41 = vector.shape_cast %slice3A : vector<1024x64xf32> to vector<1x1024x64xf32>
    tpu.vector_store %arg6[%swap3A, %swap3A_37, %swap3A_38], %swap3A_41 {strides = array<i32>} : memref<2x1024x64xf32, #tpu.memory_space<vmem>>, vector<1x1024x64xf32>,
    %slice3A_42 = vector.extract_strided_slice %mul3A_36 {offsets = [0, 64], sizes = [1024, 64], strides = [1, 1]} : vector<1024x128xf32> to vector<1024x64xf32>
    %swap3A_43 = arith.constant 1 : index
    %swap3A_44 = arith.constant 0 : index
    %swap3A_45 = arith.constant 0 : index
    %swap3A_46 = vector.load %arg6[%swap3A_43, %swap3A_44, %swap3A_45] : memref<2x1024x64xf32, #tpu.memory_space<vmem>>, vector<1x1024x64xf32>
    %swap3A_47 = vector.shape_cast %swap3A_46 : vector<1x1024x64xf32> to vector<1024x64xf32>
    %swap3A_48 = vector.shape_cast %slice3A_42 : vector<1024x64xf32> to vector<1x1024x64xf32>
    tpu.vector_store %arg6[%swap3A_43, %swap3A_44, %swap3A_45], %swap3A_48 {strides = array<i32>} : memref<2x1024x64xf32, #tpu.memory_space<vmem>>, vector<1x1024x64xf32>,
    return
  }
  func.func @transform_0(%arg0: i32) -> (i32, i32, i32) {
    %c0_i32 = arith.constant 0 : i32
    %c0_i32_0 = arith.constant 0 : i32
    %c0_i32_1 = arith.constant 0 : i32
    return %c0_i32, %arg0, %c0_i32_0 : i32, i32, i32
  }
  func.func @transform_1(%arg0: i32) -> (i32, i32, i32) {
    %c0_i32 = arith.constant 0 : i32
    %c0_i32_0 = arith.constant 0 : i32
    %c0_i32_1 = arith.constant 0 : i32
    return %c0_i32, %arg0, %c0_i32_0 : i32, i32, i32
  }
  func.func @transform_2(%arg0: i32) -> (i32, i32) {
    %c0_i32 = arith.constant 0 : i32
    %c0_i32_0 = arith.constant 0 : i32
    return %arg0, %c0_i32 : i32, i32
  }
  func.func @transform_3(%arg0: i32) -> (i32, i32) {
    %c0_i32 = arith.constant 0 : i32
    %c0_i32_0 = arith.constant 0 : i32
    %c0_i32_1 = arith.constant 0 : i32
    return %c0_i32, %c0_i32_0 : i32, i32
  }
  func.func @transform_4(%arg0: i32) -> (i32, i32) {
    %c0_i32 = arith.constant 0 : i32
    %c0_i32_0 = arith.constant 0 : i32
    %c0_i32_1 = arith.constant 0 : i32
    return %c0_i32, %c0_i32_0 : i32, i32
  }
  func.func @transform_5(%arg0: i32) -> (i32, i32, i32) {
    %c0_i32 = arith.constant 0 : i32
    %c0_i32_0 = arith.constant 0 : i32
    %c0_i32_1 = arith.constant 0 : i32
    return %c0_i32, %arg0, %c0_i32_0 : i32, i32, i32
  }
}

module attributes {stable_mosaic.version = 14 : i64} {
  func.func @_final_body(%arg0: i32, %arg1: memref<2x1024x64xf32, #tpu.memory_space<vmem>>, %arg2: memref<2x1024x64xf32, #tpu.memory_space<vmem>>, %arg3: memref<1024x1xf32, #tpu.memory_space<vmem>>, %arg4: memref<1x128xf32, #tpu.memory_space<vmem>>, %arg5: memref<128x64xf32, #tpu.memory_space<vmem>>, %arg6: memref<1x64xf32, #tpu.memory_space<vmem>>, %arg7: memref<1024x128xf32, #tpu.memory_space<vmem>>, %arg8: memref<1024x64xf32, #tpu.memory_space<vmem>>, %arg9: memref<1024x64xf32, #tpu.memory_space<vmem>>, %arg10: memref<1024x1xi32, #tpu.memory_space<vmem>>) attributes {dimension_semantics = [#tpu.dimension_semantics<arbitrary>], iteration_bounds = array<i64: 10>, scalar_prefetch = 0 : i64, scratch_operands = 0 : i64, tpu.core_type = #tpu.core_type<tc>, window_params = [{transform_indices = @transform_0, window_bounds = array<i64: 2, 1024, 64>}, {transform_indices = @transform_1, window_bounds = array<i64: 2, 1024, 64>}, {transform_indices = @transform_2, window_bounds = array<i64: 1024, 1>}, {pipeline_mode = #tpu.pipeline_mode<synchronous>, transform_indices = @transform_3, window_bounds = array<i64: 1, 128>}, {pipeline_mode = #tpu.pipeline_mode<synchronous>, transform_indices = @transform_4, window_bounds = array<i64: 128, 64>}, {pipeline_mode = #tpu.pipeline_mode<synchronous>, transform_indices = @transform_5, window_bounds = array<i64: 1, 64>}, {transform_indices = @transform_6, window_bounds = array<i64: 1024, 128>}, {transform_indices = @transform_7, window_bounds = array<i64: 1024, 64>}, {transform_indices = @transform_8, window_bounds = array<i64: 1024, 64>}, {transform_indices = @transform_9, window_bounds = array<i64: 1024, 1>}]} {
    %get3A = arith.constant 0 : index
    %get3A_0 = arith.constant 0 : index
    %get3A_1 = vector.load %arg3[%get3A, %get3A_0] : memref<1024x1xf32, #tpu.memory_space<vmem>>, vector<1024x1xf32>
    %get3A_2 = arith.constant 0 : index
    %get3A_3 = arith.constant 0 : index
    %get3A_4 = arith.constant 0 : index
    %get3A_5 = vector.load %arg1[%get3A_2, %get3A_3, %get3A_4] : memref<2x1024x64xf32, #tpu.memory_space<vmem>>, vector<1x1024x64xf32>
    %get3A_6 = vector.shape_cast %get3A_5 : vector<1x1024x64xf32> to vector<1024x64xf32>
    %get3A_7 = arith.constant 1 : index
    %get3A_8 = arith.constant 0 : index
    %get3A_9 = arith.constant 0 : index
    %get3A_10 = vector.load %arg1[%get3A_7, %get3A_8, %get3A_9] : memref<2x1024x64xf32, #tpu.memory_space<vmem>>, vector<1x1024x64xf32>
    %get3A_11 = vector.shape_cast %get3A_10 : vector<1x1024x64xf32> to vector<1024x64xf32>
    %concatenate3A = tpu.concatenate %get3A_6, %get3A_11 in 1 : vector<1024x64xf32>, vector<1024x64xf32> -> vector<1024x128xf32>
    %get3A_12 = arith.constant 0 : index
    %get3A_13 = arith.constant 0 : index
    %get3A_14 = arith.constant 0 : index
    %get3A_15 = vector.load %arg2[%get3A_12, %get3A_13, %get3A_14] : memref<2x1024x64xf32, #tpu.memory_space<vmem>>, vector<1x1024x64xf32>
    %get3A_16 = vector.shape_cast %get3A_15 : vector<1x1024x64xf32> to vector<1024x64xf32>
    %get3A_17 = arith.constant 1 : index
    %get3A_18 = arith.constant 0 : index
    %get3A_19 = arith.constant 0 : index
    %get3A_20 = vector.load %arg2[%get3A_17, %get3A_18, %get3A_19] : memref<2x1024x64xf32, #tpu.memory_space<vmem>>, vector<1x1024x64xf32>
    %get3A_21 = vector.shape_cast %get3A_20 : vector<1x1024x64xf32> to vector<1024x64xf32>
    %concatenate3A_22 = tpu.concatenate %get3A_16, %get3A_21 in 1 : vector<1024x64xf32>, vector<1024x64xf32> -> vector<1024x128xf32>
    %add3A = arith.addf %concatenate3A, %concatenate3A_22 : vector<1024x128xf32>
    %mul3A = vector.broadcast %get3A_1 : vector<1024x1xf32> to vector<1024x128xf32>
    %mul3A_23 = arith.mulf %add3A, %mul3A : vector<1024x128xf32>
    %get3A_24 = arith.constant 0 : index
    %get3A_25 = arith.constant 0 : index
    %get3A_26 = vector.load %arg4[%get3A_24, %get3A_25] : memref<1x128xf32, #tpu.memory_space<vmem>>, vector<1x128xf32>
    %add3A_27 = vector.broadcast %get3A_26 : vector<1x128xf32> to vector<1024x128xf32>
    %add3A_28 = arith.addf %mul3A_23, %add3A_27 : vector<1024x128xf32>
    %swap3A = arith.constant 0 : index
    %swap3A_29 = arith.constant 0 : index
    %swap3A_30 = vector.load %arg7[%swap3A, %swap3A_29] : memref<1024x128xf32, #tpu.memory_space<vmem>>, vector<1024x128xf32>
    tpu.vector_store %arg7[%swap3A, %swap3A_29], %add3A_28 {strides = array<i32>} : memref<1024x128xf32, #tpu.memory_space<vmem>>, vector<1024x128xf32>,
    %get3A_31 = arith.constant 0 : index
    %get3A_32 = arith.constant 0 : index
    %get3A_33 = vector.load %arg5[%get3A_31, %get3A_32] : memref<128x64xf32, #tpu.memory_space<vmem>>, vector<128x64xf32>
    %dot_general3A = arith.constant dense<0.000000e+00> : vector<1024x64xf32>
    %dot_general3A_34 = tpu.matmul %add3A_28, %get3A_33, %dot_general3A {dimension_numbers = #tpu.dot_dimension_numbers<[1], [0], [0], [1], [0, 0, 1, 1], [], []>, transpose_lhs_hint = false} : vector<1024x128xf32>, vector<128x64xf32>, vector<1024x64xf32> -> vector<1024x64xf32>
    %get3A_35 = arith.constant 0 : index
    %get3A_36 = arith.constant 0 : index
    %get3A_37 = vector.load %arg6[%get3A_35, %get3A_36] : memref<1x64xf32, #tpu.memory_space<vmem>>, vector<1x64xf32>
    %add3A_38 = vector.broadcast %get3A_37 : vector<1x64xf32> to vector<1024x64xf32>
    %add3A_39 = arith.addf %dot_general3A_34, %add3A_38 : vector<1024x64xf32>
    %swap3A_40 = arith.constant 0 : index
    %swap3A_41 = arith.constant 0 : index
    %swap3A_42 = vector.load %arg8[%swap3A_40, %swap3A_41] : memref<1024x64xf32, #tpu.memory_space<vmem>>, vector<1024x64xf32>
    tpu.vector_store %arg8[%swap3A_40, %swap3A_41], %add3A_39 {strides = array<i32>} : memref<1024x64xf32, #tpu.memory_space<vmem>>, vector<1024x64xf32>,
    %reduce_max3A = arith.constant dense<0xFF800000> : vector<1024xf32>
    %reduce_max3A_43 = vector.multi_reduction <maximumf>, %add3A_39, %reduce_max3A [1] : vector<1024x64xf32> to vector<1024xf32>
    %broadcast_in_dim3A = vector.shape_cast %reduce_max3A_43 : vector<1024xf32> to vector<1024x1xf32>
    %sub3A = vector.broadcast %broadcast_in_dim3A : vector<1024x1xf32> to vector<1024x64xf32>
    %sub3A_44 = arith.subf %add3A_39, %sub3A : vector<1024x64xf32>
    %exp3A = math.exp %sub3A_44 : vector<1024x64xf32>
    %reduce_sum3A = arith.constant dense<0.000000e+00> : vector<1024xf32>
    %reduce_sum3A_45 = vector.multi_reduction <add>, %exp3A, %reduce_sum3A [1] : vector<1024x64xf32> to vector<1024xf32>
    %broadcast_in_dim3A_46 = vector.shape_cast %reduce_sum3A_45 : vector<1024xf32> to vector<1024x1xf32>
    %div3A = vector.broadcast %broadcast_in_dim3A_46 : vector<1024x1xf32> to vector<1024x64xf32>
    %div3A_47 = arith.divf %exp3A, %div3A : vector<1024x64xf32>
    %swap3A_48 = arith.constant 0 : index
    %swap3A_49 = arith.constant 0 : index
    %swap3A_50 = vector.load %arg9[%swap3A_48, %swap3A_49] : memref<1024x64xf32, #tpu.memory_space<vmem>>, vector<1024x64xf32>
    tpu.vector_store %arg9[%swap3A_48, %swap3A_49], %div3A_47 {strides = array<i32>} : memref<1024x64xf32, #tpu.memory_space<vmem>>, vector<1024x64xf32>,
    %iota3A = tpu.iota {dimensions = array<i32: 1>} : vector<1024x64xi32>
    %eq3A = vector.broadcast %broadcast_in_dim3A : vector<1024x1xf32> to vector<1024x64xf32>
    %eq3A_51 = arith.cmpf oeq, %add3A_39, %eq3A : vector<1024x64xf32>
    %jit3A = arith.constant 1048576 : i32
    %broadcast_in_dim3A_52 = vector.broadcast %jit3A : i32 to vector<1024x64xi32>
    %select_n3A = arith.select %eq3A_51, %iota3A, %broadcast_in_dim3A_52 : vector<1024x64xi1>, vector<1024x64xi32>
    %reduce_min3A = arith.constant dense<2147483647> : vector<1024xi32>
    %reduce_min3A_53 = vector.multi_reduction <minsi>, %select_n3A, %reduce_min3A [1] : vector<1024x64xi32> to vector<1024xi32>
    %broadcast_in_dim3A_54 = vector.shape_cast %reduce_min3A_53 : vector<1024xi32> to vector<1024x1xi32>
    %swap3A_55 = arith.constant 0 : index
    %swap3A_56 = arith.constant 0 : index
    %swap3A_57 = vector.load %arg10[%swap3A_55, %swap3A_56] : memref<1024x1xi32, #tpu.memory_space<vmem>>, vector<1024x1xi32>
    tpu.vector_store %arg10[%swap3A_55, %swap3A_56], %broadcast_in_dim3A_54 {strides = array<i32>} : memref<1024x1xi32, #tpu.memory_space<vmem>>, vector<1024x1xi32>,
    return
  }
  func.func @transform_0(%arg0: i32) -> (i32, i32, i32) {
    %c0_i32 = arith.constant 0 : i32
    %c0_i32_0 = arith.constant 0 : i32
    %c0_i32_1 = arith.constant 0 : i32
    return %c0_i32, %arg0, %c0_i32_0 : i32, i32, i32
  }
  func.func @transform_1(%arg0: i32) -> (i32, i32, i32) {
    %c0_i32 = arith.constant 0 : i32
    %c0_i32_0 = arith.constant 0 : i32
    %c0_i32_1 = arith.constant 0 : i32
    return %c0_i32, %arg0, %c0_i32_0 : i32, i32, i32
  }
  func.func @transform_2(%arg0: i32) -> (i32, i32) {
    %c0_i32 = arith.constant 0 : i32
    %c0_i32_0 = arith.constant 0 : i32
    return %arg0, %c0_i32 : i32, i32
  }
  func.func @transform_3(%arg0: i32) -> (i32, i32) {
    %c0_i32 = arith.constant 0 : i32
    %c0_i32_0 = arith.constant 0 : i32
    %c0_i32_1 = arith.constant 0 : i32
    return %c0_i32, %c0_i32_0 : i32, i32
  }
  func.func @transform_4(%arg0: i32) -> (i32, i32) {
    %c0_i32 = arith.constant 0 : i32
    %c0_i32_0 = arith.constant 0 : i32
    %c0_i32_1 = arith.constant 0 : i32
    return %c0_i32, %c0_i32_0 : i32, i32
  }
  func.func @transform_5(%arg0: i32) -> (i32, i32) {
    %c0_i32 = arith.constant 0 : i32
    %c0_i32_0 = arith.constant 0 : i32
    %c0_i32_1 = arith.constant 0 : i32
    return %c0_i32, %c0_i32_0 : i32, i32
  }
  func.func @transform_6(%arg0: i32) -> (i32, i32) {
    %c0_i32 = arith.constant 0 : i32
    %c0_i32_0 = arith.constant 0 : i32
    return %arg0, %c0_i32 : i32, i32
  }
  func.func @transform_7(%arg0: i32) -> (i32, i32) {
    %c0_i32 = arith.constant 0 : i32
    %c0_i32_0 = arith.constant 0 : i32
    return %arg0, %c0_i32 : i32, i32
  }
  func.func @transform_8(%arg0: i32) -> (i32, i32) {
    %c0_i32 = arith.constant 0 : i32
    %c0_i32_0 = arith.constant 0 : i32
    return %arg0, %c0_i32 : i32, i32
  }
  func.func @transform_9(%arg0: i32) -> (i32, i32) {
    %c0_i32 = arith.constant 0 : i32
    %c0_i32_0 = arith.constant 0 : i32
    return %arg0, %c0_i32 : i32, i32
  }
}

</mosaic_0001>

<sc_bundles>
// kernel: kernel.12.cloned.1.call-start
scs
__scs_entry_jumppad:
0x0: {  	(pc) =	sbr.rel $0x88, $3  }
0x1: {  	(tag) =	ssettag $0x0;
	lr =	simm.s32 $0x1  }
0x2: {  	[smem:$0x3F99] =	sst lr;
	_ =	strace $0xD0000000  }
0x3: {  	_ = 	snop  }
0x4: {  	_ = 	snop  }
0x5: {  	_ = 	snop  }
0x6: {  	_ = 	snop  }
0x7: {  	_ = 	snop  }
__scs_overlays_trampoline_lowered:
0x8: {  	[smem:$0x3FA8] =	sst s0  }
0x9: {  	[smem:$0x3FA9] =	sst s1  }
0xa: {  	[smem:$0x3FAA] =	sst s2  }
0xb: {  	[smem:$0x3FAB] =	sst s3  }
0xc: {  	[smem:$0x3FAC] =	sst s4  }
0xd: {  	[smem:$0x3FAD] =	sst s5  }
0xe: {  	[smem:$0x3FAE] =	sst s6  }
0xf: {  	[smem:$0x3FAF] =	sst s7  }
0x10: {  	[smem:$0x3FB0] =	sst s8  }
0x11: {  	[smem:$0x3FB1] =	sst s9;
	s0 =	simm.s32 @!p0 $0x0  }
0x12: {  	s1 =	sld [smem:$0x3F97];
	s0 =	simm.s32 @p0 $0x1  }
0x13: {  	[smem:$0x3FB2] =	sst s0;
	s0 =	simm.s32 @!p1 $0x0  }
0x14: {  	s2 =	sld [smem:$0x3F96];
	s0 =	simm.s32 @p1 $0x1  }
0x15: {  	[smem:$0x3FB3] =	sst s0;
	s0 =	simm.s32 @!p2 $0x0  }
0x16: {  	s3 =	sld [smem:$0x3FDB];
	s0 =	simm.s32 @p2 $0x1  }
0x17: {  	s4 =	simm.s32 $0x1BF5;
	[smem:$0x3FB5] =	sst s0  }
0x18: {  	s0 =	sld [smem:$0x3F98];
	_ =	swait.ge [sflag:s4], $0x0  }
0x19: {  	s7 =	sld [smem:$0x3F99]  }
0x1a: {  	s8 =	sadd.s32 $0xFFFFE003, lr  }
0x1b: {  	s9 =	sadd.s32 $0xFFFFFEF7, lr;
	s5 =	simm.s32 $0xFFFFFFFF;
	p2 =	slt.u32 s8, $0xFFFFF086  }
0x1c: {  	p1 =	slt.u32 s9, $0xF7A;
	s5 =	simm.s32 @!p2 $0x0  }
0x1d: {  	s5 =	simm.s32 @p1 $0x1;
	p0 =	seq.s32 s7, s2  }
0x1e: {  	s7 =	smul.u32 @!p0 $0xF7A, s2;
	p2 =	seq.s32 @!p0 s5, $0x0  }
0x1f: {  	s9 =	smul.u32 $0xF7A, s1;
	s8 =	simm.s32 @!p0 $0x1BF5;
	p2 =	por !p2, p0  }
0x20: {  	[sflag:s8] =	ssyncset.s32 @!p0 $0xFFFFF086;
	s6 =	sadd.s32 @!p0 s3, s7;
	s7 =	simm.s32 @!p0 $0x108  }
0x21: {  	s3 =	sadd.s32 s3, s9;
	s6 =	sadd.s32 @!p0 $0x88, s6;
	s7 =	simm.s32 @p2 $0x1082  }
0x22: {  	[simem:s7], [sflag:s8] =	dma.local @!p0 [hbm:s6], $0xF7A  }
0x23: {  	s9 =	sor.u32 $0xD0000000, s2;
	s6 =	simm.s32 $0x108;
	_ =	swait.ge @!p0 [sflag:s8], $0x0  }
0x24: {  	s3 =	sadd.s32 $0x88, s3;
	s6 =	simm.s32 @!p1 $0x1082;
	[sflag:s4] =	ssyncset.s32 $0xFFFFF086  }
0x25: {  	[simem:s6], [sflag:s4] =	dma.local [hbm:s3], $0xF7A  }
0x26: {  	[smem:$0x3F99] =	sst s1;
	(tag) =	ssettag s2;
	_ =	strace s9  }
0x27: {  	s1 =	sld [smem:$0x3FA9]  }
0x28: {  	s2 =	sld [smem:$0x3FAA]  }
0x29: {  	s4 =	sld [smem:$0x3FAC]  }
0x2a: {  	p0 =	seq.s32 s5, $0x0;
	s5 =	sld [smem:$0x3FAD]  }
0x2b: {  	s6 =	sld [smem:$0x3FAE]  }
0x2c: {  	s7 =	sld [smem:$0x3FAF]  }
0x2d: {  	s3 =	simm.s32 $0x108;
	s8 =	sld [smem:$0x3FB0]  }
0x2e: {  	s3 =	simm.s32 @!p0 $0x1082;
	s9 =	sld [smem:$0x3FB1]  }
0x2f: {  	lr =	sadd.s32 s0, s3;
	s0 =	sld [smem:$0x3FA8]  }
0x30: {  	s3 =	sld [smem:$0x3FAB]  }
0x31: {  	[smem:$0x3FB4] =	sst s10  }
0x32: {  	s10 =	sld [smem:$0x3FB2];
	_ =	sdelay $0x3  }
0x33: {  	p0 =	seq.s32 s10, $0x1;
	s10 =	sld [smem:$0x3FB4];
	_ =	sdelay $0x3  }
0x34: {  	[smem:$0x3FB4] =	sst s10  }
0x35: {  	s10 =	sld [smem:$0x3FB3];
	_ =	sdelay $0x3  }
0x36: {  	p1 =	seq.s32 s10, $0x1;
	s10 =	sld [smem:$0x3FB4];
	_ =	sdelay $0x3  }
0x37: {  	[smem:$0x3FB4] =	sst s10  }
0x38: {  	s10 =	sld [smem:$0x3FB5]  }
0x39: {  	_ = 	snop;
	(pc) =	sbr.ind lr, $3  }
0x3a: {  	_ = 	snop  }
0x3b: {  	_ = 	snop  }
0x3c: {  	p2 =	seq.s32 s10, $0x1;
	s10 =	sld [smem:$0x3FB4]  }
0x3d: {  	_ =	shalt  }
0x3e: {  	_ =	shalt  }
0x3f: {  	_ =	shalt  }
0x40: {  	_ =	shalt  }
0x41: {  	_ =	shalt  }
0x42: {  	_ =	shalt  }
0x43: {  	_ =	shalt  }
0x44: {  	_ =	shalt  }
0x45: {  	_ =	shalt  }
0x46: {  	_ =	shalt  }
0x47: {  	_ =	shalt  }
0x48: {  	_ =	shalt  }
0x49: {  	_ =	shalt  }
0x4a: {  	_ =	shalt  }
0x4b: {  	_ =	shalt  }
0x4c: {  	_ =	shalt  }
0x4d: {  	_ =	shalt  }
0x4e: {  	_ =	shalt  }
0x4f: {  	_ =	shalt  }
0x50: {  	_ =	shalt  }
0x51: {  	_ =	shalt  }
0x52: {  	_ =	shalt  }
0x53: {  	_ =	shalt  }
0x54: {  	_ =	shalt  }
0x55: {  	_ =	shalt  }
0x56: {  	_ =	shalt  }
0x57: {  	_ =	shalt  }
0x58: {  	_ =	shalt  }
0x59: {  	_ =	shalt  }
0x5a: {  	_ =	shalt  }
0x5b: {  	_ =	shalt  }
0x5c: {  	_ =	shalt  }
0x5d: {  	_ =	shalt  }
0x5e: {  	_ =	shalt  }
0x5f: {  	_ =	shalt  }
0x60: {  	_ =	shalt  }
0x61: {  	_ =	shalt  }
0x62: {  	_ =	shalt  }
0x63: {  	_ =	shalt  }
0x64: {  	_ =	shalt  }
0x65: {  	_ =	shalt  }
0x66: {  	_ =	shalt  }
0x67: {  	_ =	shalt  }
0x68: {  	_ =	shalt  }
0x69: {  	_ =	shalt  }
0x6a: {  	_ =	shalt  }
0x6b: {  	_ =	shalt  }
0x6c: {  	_ =	shalt  }
0x6d: {  	_ =	shalt  }
0x6e: {  	_ =	shalt  }
0x6f: {  	_ =	shalt  }
0x70: {  	_ =	shalt  }
0x71: {  	_ =	shalt  }
0x72: {  	_ =	shalt  }
0x73: {  	_ =	shalt  }
0x74: {  	_ =	shalt  }
0x75: {  	_ =	shalt  }
0x76: {  	_ =	shalt  }
0x77: {  	_ =	shalt  }
0x78: {  	_ =	shalt  }
0x79: {  	_ =	shalt  }
0x7a: {  	_ =	shalt  }
0x7b: {  	_ =	shalt  }
0x7c: {  	_ =	shalt  }
0x7d: {  	_ =	shalt  }
0x7e: {  	_ =	shalt  }
0x7f: {  	_ =	shalt  }
0x80: {  	_ =	shalt  }
0x81: {  	_ =	shalt  }
0x82: {  	_ =	shalt  }
0x83: {  	_ =	shalt  }
0x84: {  	_ =	shalt  }
0x85: {  	_ =	shalt  }
0x86: {  	_ =	shalt  }
0x87: {  	_ =	shalt  }
.Lfunc_end0:
.L_simem_size_0:
called_computation.1_lowered:
.L_overlay_start_0:
0x88: {  	s2 =	sld [smem:$0x3FD9]  }
0x89: {  	s3 =	sld [smem:$0x3FFE];
	_ =	sdelay $0x1  }
0x8a: {  	s1 =	srdreg.scid  }
0x8b: {  	s0 =	sand.u32 $0x1, s1  }
0x8c: {  	s14 =	sshll.u32 s0, $0xA;
	s2 =	sadd.s32 s3, s2  }
0x8d: {  	s2 =	sadd.s32 s2, s14  }
0x8e: {  	[smem:$0x3FC0] =	sst s2  }
0x8f: {  	_ = 	snop  }
0x90: {  	s2 =	sld [smem:$0x3FD0];
	_ =	sdelay $0x2  }
0x91: {  	s15 =	simm.s32 $0xA;
	s4 =	simm.s32 $0x10  }
0x92: {  	[smem:s4], [sflag:s15] =	dma.local [hbm:s2], $0x1  }
0x93: {  	_ =	swait.eq [sflag:s15], $0x1  }
0x94: {  	[sflag:s15] =	ssyncset.done $0x0  }
0x95: {  	s16 =	sld [smem:$0x10];
	[sflag:s15] =	ssyncadd.s32 $0xFFFFFFFF  }
0x96: {  	s17 =	sld [smem:$0x12];
	(tm) =	ssettm $0x1  }
0x97: {  	s18 =	sld [smem:$0x3FFB];
	_ =	sdelay $0x3  }
0x98: {  	_ =	strace s18  }
0x99: {  	s4 =	sld [smem:$0x3FFC];
	_ =	sdelay $0x3  }
0x9a: {  	_ =	strace s4  }
0x9b: {  	s4 =	sld [smem:$0x3FFD];
	_ =	sdelay $0x3  }
0x9c: {  	_ =	strace s4  }
0x9d: {  	_ =	strace $0x8FFFFFFF  }
0x9e: {  	s19 =	sld [smem:$0x3FDB];
	_ =	sdelay $0x1  }
0x9f: {  	s5 =	simm.s32 $_scs_section_size  }
0xa0: {  	s6 =	simm.s32 $_size__tile_overlayer_lowered;
	s7 =	simm.s32 $_tile_overlayer_lowered  }
0xa1: {  	s22 =	simm.s32 $0x1BFF;
	s21 =	sshll.u32 s7, $0x1;
	s4 =	sadd.s32 s5, s19  }
0xa2: {  	s8 =	simm.s32 $0x0;
	s20 =	sshll.u32 s6, $0x1;
	s6 =	sadd.s32 s21, s4  }
0xa3: {  	[timem:s8], [sflag:s22] =	dma.local [hbm:s6], s20  }
0xa4: {  	_ =	swait.ge [sflag:s22], s20  }
0xa5: {  	s5 =	ssub.s32 $0x0, s20;
	[sflag:s22] =	ssyncset.done $0x0  }
0xa6: {  	[sflag:s22] =	ssyncadd.s32 s5;
	_ =	sdelay $0x1  }
0xa7: {  	s23 =	simm.s32 $0x1B8B  }
0xa8: {  	_ =	swait.ge [sflag:s23], $0x1  }
0xa9: {  	[sflag:s23] =	ssyncset.done $0x0  }
0xaa: {  	s25 =	simm.s32 $0x1B8E;
	s24 =	sld [smem:$0x3FFE];
	[sflag:s23] =	ssyncadd.s32 $0xFFFFFFFF  }
0xab: {  	s26 =	simm.s32 $execute0_lowered;
	[smem:$0x3FD2] =	sst s25  }
0xac: {  	s6 =	sshll.u32 s26, $0x1;
	_ =	strace $0x80000049;
	[dreg:$0x1] =	wrdreg $0xFFFFFFFF  }
0xad: {  	s28 =	simm.s32 $_size_execute0_lowered;
	s4 =	sadd.s32 s4, s6;
	[dreg:$0x0] =	wrdreg $0x0  }
0xae: {  	s6 =	sshll.u32 s28, $0x1;
	[dreg:$0x2] =	wrdreg s4  }
0xaf: {  	[dreg:$0x3] =	wrdreg s6  }
0xb0: {  	[dreg:$0x4] =	wrdreg $0xC0  }
0xb1: {  	_ =	task [dreg:s8], $0x5FFFF  }
0xb2: {  	[dreg:$0x1] =	wrdreg $0xFFFFFFFF  }
0xb3: {  	[dreg:$0x0] =	wrdreg $0x60  }
0xb4: {  	[dreg:$0x2] =	wrdreg s24  }
0xb5: {  	[dreg:$0x3] =	wrdreg s16  }
0xb6: {  	[dreg:$0x4] =	wrdreg s17  }
0xb7: {  	[dreg:$0x5] =	wrdreg $0xA8000  }
0xb8: {  	[dreg:$0x6] =	wrdreg $0x148000  }
0xb9: {  	[dreg:$0x7] =	wrdreg $0x9  }
0xba: {  	_ =	task.clear_ibuf [dreg:s8], $0x8FFFF;
	_ =	strace $0x90000049  }
0xbb: {  	s29 =	simm.s32 $0x9;
	_ =	strace $0x8000004B  }
0xbc: {  	_ =	swait.ge [sflag:s29], $0x1  }
0xbd: {  	[sflag:s29] =	ssyncadd.s32 $0xFFFFFFFF  }
0xbe: {  	_ =	strace $0x9000004B  }
0xbf: {  	_ =	sfence  }
0xc0: {  	s30 =	sld [smem:$0x0];
	_ =	sdelay $0x2  }
0xc1: {  	s31 =	sshll.u32 s1, $0xD;
	s1 =	sshrl.u32 s1, $0x2  }
0xc2: {  	s3 =	sand.u32 $0x4000, s31;
	s1 =	sadd.s32 s1, s30  }
0xc3: {  	s0 =	sor.u32 s3, s0;
	s1 =	sshll.u32 s1, $0x11  }
0xc4: {  	s0 =	sor.u32 s1, s0  }
0xc5: {  	s0 =	sadd.s32 $0x8F2B, s0  }
0xc6: {  	[sflag:s0] =	ssyncadd.remote.s32 $0x1  }
0xc7: {  	_ =	sfence.sel $0xFFFF  }
0xc8: {  	[dreg:$0x0] =	wrdreg $0xFFFFFFFF;
	(pc) =	sbr.abs _section_cstart, $3  }
0xc9: {  	[dreg:$0x1] =	wrdreg $0xFFFFFFFF  }
0xca: {  	_ =	task.clear_ibuf [dreg:s8], $0x2FFFF;
	_ =	strace $0x9FFFFFFF  }
0xcb: {  	(tm) =	ssettm $0x7FFFFFFF  }
tec
execute0_lowered:
.L_overlay_start_1:
0x0: {  	(tag) =	ssettag $0x1  }
0x1: {  	s0 =	rddreg [dreg:$0x0]  }
0x2: {  	s3 =	rddreg [dreg:$0x1]  }
0x3: {  	s5 =	rddreg [dreg:$0x2]  }
0x4: {  	s1 =	rddreg [dreg:$0x3]  }
0x5: {  	s2 =	rddreg [dreg:$0x4]  }
0x6: {  	s4 =	srdreg.scid;
	s13 =	stileid.u32  }
0x7: {  	s16 =	simm.s32 $0x9;
	s28 =	simm.s32 $0x2;
	s29 =	simm.s32 $0x3  }
0x8: {  	s30 =	simm.s32 $0x4;
	s31 =	simm.s32 $0x5;
	s8 =	smul.u32 $0xA000, s13  }
0x9: {  	s14 =	simm.s32 $0x1200;
	s15 =	simm.s32 $0x1280;
	s9 =	smul.u32 $0x28000, s13  }
0xa: {  	s6 =	sand.u32 $0x1, s4;
	s4 =	simm.s32 $0x0;
	s21 =	smul.u32 $0xA00, s13  }
0xb: {  	s12 =	sshll.u32 s13, $0x6;
	s7 =	smul.u32 $0x14000, s6;
	[smem:$0x7FF] =	sst s4  }
0xc: {  	s6 =	ssub.s32 $0x2, s6;
	s19 =	sor.u32 $0x1C09, s12;
	_ =	strace $0x8000004A  }
0xd: {  	s17 =	sshrl.u32 s6, $0x1;
	s18 =	sshrl.u32 s8, $0x3;
	s10 =	sadd.s32 s8, s1  }
0xe: {  	s9 =	sshrl.u32 s9, $0x2;
	s8 =	sadd.s32 s8, s2;
	s12 =	sadd.s32 s3, s21  }
0xf: {  	s13 =	sadd.s32 s5, s21;
	s3 =	simm.s32 $0x7;
	s5 =	simm.s32 $0x8  }
0x10: {  	s21 =	simm.s32 $0x2700;
	s0 =	sadd.s32 s7, s0;
	s6 =	ssub.s32 s6, s17  }
0x11: {  	[dreg:$0x7] =	wrdreg s8;
	s20 =	sadd.s32 s9, s2;
	s9 =	smov.u32 s19  }
0x12: {  	s26 =	sshrl.u32 s10, $0x3;
	s17 =	simm.s32 $0x2800;
	s19 =	simm.s32 $0x80  }
0x13: {  	s7 =	simm.s32 $0x2600;
	s22 =	sadd.s32 $0x2000, s20;
	[dreg:$0xd] =	wrdreg s26  }
0x14: {  	s11 =	sadd.s32 s18, s0;
	s23 =	sadd.s32 $0x4000, s20;
	[dreg:$0x8] =	wrdreg s22  }
0x15: {  	s24 =	sadd.s32 $0x6000, s20;
	s8 =	sadd.s32 $0x8000, s20;
	[dreg:$0x9] =	wrdreg s23  }
0x16: {  	s0 =	sadd.s32 $0xA1E00, s0;
	s25 =	smax.u32 s6, $0x1;
	[dreg:$0xa] =	wrdreg s24  }
0x17: {  	s20 =	simm.s32 $0x4800;
	s26 =	simm.s32 $0x1;
	[dreg:$0xb] =	wrdreg s8  }
0x18: {  	s6 =	simm.s32 $0x1380;
	s11 =	sadd.s32 $0x79E00, s11;
	[dreg:$0xc] =	wrdreg s25  }
0x19: {  	s22 =	simm.s32 $0x6800;
	s0 =	sadd.s32 s18, s0;
	s25 =	simm.s32 $0x8800  }
0x1a: {  	s24 =	simm.s32 $0x1300;
	s18 =	simm.s32 $0x2680;
	[dreg:$0x6] =	wrdreg s11  }
0x1b: {  	v0 =	vimm.f32 $0.0e+00;
	s23 =	simm.s32 $0x2780;
	[dreg:$0xe] =	wrdreg s0;
	s0 =	simm.s32 $0x6  }
.LBB2_1:
0x1c: {  	s8 =	rddreg [dreg:$0x6]  }
0x1d: {  	s10 =	rddreg [dreg:$0xd]  }
0x1e: {  	[spmem:s10], [sflag:s9] =	dma.local [hbm:s8], $0x1400  }
0x1f: {  	_ =	swait.ge [sflag:s16], $0x1400  }
0x20: {  	s11 =	smov.u32 s9;
	[sflag:s16] =	ssyncset.done $0x0  }
0x21: {  	s8 =	simm.s32 $0x100;
	s9 =	simm.s32 $0x0;
	[sflag:s16] =	ssyncadd.s32 $0xFFFFEC00  }
.LBB2_2:
0x22: {  	p0 =	sne.s32 s8, $0x7F00;
	[tilespmem:s9+$0x2800] =	vst v0;
	s9 =	smov.u32 s8;
	s8 =	sadd.s32 $0x100, s8  }
.Ltmp0:
0x23: {  	(pc) =	sbr.rel @p0 .LBB2_2-.Ltmp0, $2  }
0x24: {  	_ =	sdelay $0x2  }
0x25: {  	s9 =	sshra.s32 s9, $0x2  }
0x26: {  	[tilespmem:s9+$0x2800] =	vst v0;
	s8 =	simm.s32 $0x0;
	s9 =	simm.s32 $0x100;
	s10 =	simm.s32 $0x0  }
.LBB2_4:
0x27: {  	p0 =	sne.s32 s9, $0x7F00;
	[tilespmem:s10+$0x2810] =	vst v0;
	s10 =	smov.u32 s9;
	s9 =	sadd.s32 $0x100, s9  }
.Ltmp1:
0x28: {  	(pc) =	sbr.rel @p0 .LBB2_4-.Ltmp1, $2  }
0x29: {  	_ =	sdelay $0x2  }
0x2a: {  	s10 =	sshra.s32 s10, $0x2  }
0x2b: {  	[tilespmem:s10+$0x2810] =	vst v0  }
.LBB2_6:
0x2c: {  	p0 =	sne.s32 s8, $0x7F00  }
.Ltmp2:
0x2d: {  	_ = 	snop;
	(pc) =	sbr.rel @p0 .LBB2_6-.Ltmp2, $3  }
0x2e: {  	_ =	sdelay $0x1  }
0x2f: {  	s9 =	sshra.s32 s8, $0x2  }
0x30: {  	s8 =	sadd.s32 $0x100, s8;
	[tilespmem:s9+$0x2820] =	vst v0  }
0x31: {  	s8 =	simm.s32 $0x100;
	s9 =	simm.s32 $0x0  }
.LBB2_8:
0x32: {  	p0 =	sne.s32 s8, $0x7F00;
	[tilespmem:s9+$0x2830] =	vst v0;
	s9 =	smov.u32 s8;
	s8 =	sadd.s32 $0x100, s8  }
.Ltmp3:
0x33: {  	(pc) =	sbr.rel @p0 .LBB2_8-.Ltmp3, $2  }
0x34: {  	_ =	sdelay $0x2  }
0x35: {  	s9 =	sshra.s32 s9, $0x2  }
0x36: {  	[tilespmem:s9+$0x2830] =	vst v0;
	s8 =	rddreg [dreg:$0x7]  }
0x37: {  	[spmem:s8] =	stream.linear.scatter [tilespmem:s17], [sflag:$0x9], $0x2000, $0x38;
	[tilespmem:$0x1E800] =	vst v63  }
0x38: {  	_ =	swait.ge [sflag:s16], $0x2000  }
0x39: {  	[sflag:s16] =	ssyncset.done $0x0  }
0x3a: {  	s10 =	rddreg [dreg:$0x8];
	[sflag:s16] =	ssyncadd.s32 $0xFFFFE000  }
0x3b: {  	[spmem:s10] =	stream.linear.scatter [tilespmem:s17], [sflag:$0x9], $0x2000, $0x38;
	[tilespmem:$0x1E800] =	vst v63  }
0x3c: {  	_ =	swait.ge [sflag:s16], $0x2000  }
0x3d: {  	[sflag:s16] =	ssyncset.done $0x0  }
0x3e: {  	s9 =	rddreg [dreg:$0x9];
	[sflag:s16] =	ssyncadd.s32 $0xFFFFE000  }
0x3f: {  	[spmem:s9] =	stream.linear.scatter [tilespmem:s17], [sflag:$0x9], $0x2000, $0x38;
	[tilespmem:$0x1E800] =	vst v63  }
0x40: {  	_ =	swait.ge [sflag:s16], $0x2000  }
0x41: {  	[sflag:s16] =	ssyncset.done $0x0  }
0x42: {  	s10 =	rddreg [dreg:$0xa];
	[sflag:s16] =	ssyncadd.s32 $0xFFFFE000  }
0x43: {  	[spmem:s10] =	stream.linear.scatter [tilespmem:s17], [sflag:$0x9], $0x2000, $0x38;
	[tilespmem:$0x1E800] =	vst v63  }
0x44: {  	_ =	swait.ge [sflag:s16], $0x2000  }
0x45: {  	[sflag:s16] =	ssyncset.done $0x0  }
0x46: {  	s9 =	rddreg [dreg:$0xb];
	[sflag:s16] =	ssyncadd.s32 $0xFFFFE000  }
0x47: {  	[spmem:s9] =	stream.linear.scatter [tilespmem:s17], [sflag:$0x9], $0x2000, $0x38;
	[tilespmem:$0x1E800] =	vst v63  }
0x48: {  	_ =	swait.ge [sflag:s16], $0x2000  }
0x49: {  	[sflag:s16] =	ssyncset.done $0x0  }
0x4a: {  	[sflag:s16] =	ssyncadd.s32 $0xFFFFE000  }
0x4b: {  	s8 =	simm.s32 $0x0;
	[bflag:$0x0] =	sbarrier.arrive $0xFFFF  }
0x4c: {  	[tilespmem:s8], [sflag:$0x9] =	stream.linear.gather [hbm4b:s12+s8], $0x1400, $0x38;
	[tilespmem:$0x1E800] =	vst v63  }
0x4d: {  	_ =	swait.ge [sflag:s16], $0x1400  }
0x4e: {  	[sflag:s16] =	ssyncset.done $0x0  }
0x4f: {  	s10 =	simm.s32 $0x1400;
	[sflag:s16] =	ssyncadd.s32 $0xFFFFEC00  }
0x50: {  	[tilespmem:s10], [sflag:$0x9] =	stream.linear.gather [hbm4b:s13+s8], $0x1400, $0x38;
	[tilespmem:$0x1E800] =	vst v63  }
0x51: {  	_ =	swait.ge [sflag:s16], $0x1400  }
0x52: {  	[sflag:s16] =	ssyncset.done $0x0  }
0x53: {  	[sflag:s16] =	ssyncadd.s32 $0xFFFFEC00  }
0x54: {  	[tilespmem:s17], [sflag:$0x1] =	stream.indirect.gather [spmem:s1], $0x40, s8, s19, $0xb8;
	[tilespmem:$0x1E800] =	vst v63  }
0x55: {  	_ = 	snop  }
0x56: {  	[tilespmem:s20], [sflag:$0x2] =	stream.indirect.gather [spmem:s1], $0x40, s19, s19, $0xb8;
	[tilespmem:$0x1E800] =	vst v63  }
0x57: {  	s10 =	simm.s32 $0x100  }
0x58: {  	[tilespmem:s22], [sflag:$0x3] =	stream.indirect.gather [spmem:s1], $0x40, s10, s19, $0xb8;
	[tilespmem:$0x1E800] =	vst v63  }
0x59: {  	s9 =	simm.s32 $0x180  }
0x5a: {  	[tilespmem:s25], [sflag:$0x4] =	stream.indirect.gather [spmem:s1], $0x40, s9, s19, $0xb8;
	[tilespmem:$0x1E800] =	vst v63  }
0x5b: {  	_ =	swait.ge [sflag:s26], $0x2000  }
0x5c: {  	[sflag:s26] =	ssyncset.done $0x0  }
0x5d: {  	s10 =	simm.s32 $0x1400;
	[sflag:s26] =	ssyncadd.s32 $0xFFFFE000  }
0x5e: {  	[spmem:s2] =	stream.indirect.scatter.add.f32 [tilespmem:s17], [sflag:$0x5], $0x40, s10, s19, $0xb8;
	[tilespmem:$0x1E800] =	vst v63  }
0x5f: {  	_ =	swait.ge [sflag:s28], $0x2000  }
0x60: {  	[sflag:s28] =	ssyncset.done $0x0  }
0x61: {  	s9 =	simm.s32 $0x1480;
	[sflag:s28] =	ssyncadd.s32 $0xFFFFE000  }
0x62: {  	[spmem:s2] =	stream.indirect.scatter.add.f32 [tilespmem:s20], [sflag:$0x6], $0x40, s9, s19, $0xb8;
	[tilespmem:$0x1E800] =	vst v63  }
0x63: {  	_ =	swait.ge [sflag:s29], $0x2000  }
0x64: {  	[sflag:s29] =	ssyncset.done $0x0  }
0x65: {  	s10 =	simm.s32 $0x1500;
	[sflag:s29] =	ssyncadd.s32 $0xFFFFE000  }
0x66: {  	[spmem:s2] =	stream.indirect.scatter.add.f32 [tilespmem:s22], [sflag:$0x7], $0x40, s10, s19, $0xb8;
	[tilespmem:$0x1E800] =	vst v63  }
0x67: {  	_ =	swait.ge [sflag:s30], $0x2000  }
0x68: {  	[sflag:s30] =	ssyncset.done $0x0  }
0x69: {  	s9 =	simm.s32 $0x1580;
	[sflag:s30] =	ssyncadd.s32 $0xFFFFE000  }
0x6a: {  	[spmem:s2] =	stream.indirect.scatter.add.f32 [tilespmem:s25], [sflag:$0x8], $0x40, s9, s19, $0xb8;
	[tilespmem:$0x1E800] =	vst v63  }
0x6b: {  	_ =	swait.ge [sflag:s31], $0x2000  }
0x6c: {  	[sflag:s31] =	ssyncset.done $0x0  }
0x6d: {  	s10 =	simm.s32 $0x200;
	[sflag:s31] =	ssyncadd.s32 $0xFFFFE000  }
0x6e: {  	[tilespmem:s17], [sflag:$0x1] =	stream.indirect.gather [spmem:s1], $0x40, s10, s19, $0xb8;
	[tilespmem:$0x1E800] =	vst v63  }
0x6f: {  	_ =	swait.ge [sflag:s0], $0x2000  }
0x70: {  	[sflag:s0] =	ssyncset.done $0x0  }
0x71: {  	s9 =	simm.s32 $0x280;
	[sflag:s0] =	ssyncadd.s32 $0xFFFFE000  }
0x72: {  	[tilespmem:s20], [sflag:$0x2] =	stream.indirect.gather [spmem:s1], $0x40, s9, s19, $0xb8;
	[tilespmem:$0x1E800] =	vst v63  }
0x73: {  	_ =	swait.ge [sflag:s3], $0x2000  }
0x74: {  	[sflag:s3] =	ssyncset.done $0x0  }
0x75: {  	s10 =	simm.s32 $0x300;
	[sflag:s3] =	ssyncadd.s32 $0xFFFFE000  }
0x76: {  	[tilespmem:s22], [sflag:$0x3] =	stream.indirect.gather [spmem:s1], $0x40, s10, s19, $0xb8;
	[tilespmem:$0x1E800] =	vst v63  }
0x77: {  	_ =	swait.ge [sflag:s5], $0x2000  }
0x78: {  	[sflag:s5] =	ssyncset.done $0x0  }
0x79: {  	s8 =	simm.s32 $0x800;
	s9 =	simm.s32 $0x380;
	[sflag:s5] =	ssyncadd.s32 $0xFFFFE000  }
.LBB2_10:
0x7a: {  	[tilespmem:s25], [sflag:$0x4] =	stream.indirect.gather [spmem:s1], $0x40, s9, s19, $0xb8;
	[tilespmem:$0x1E800] =	vst v63  }
0x7b: {  	s9 =	smov.u32 s8  }
0x7c: {  	p0 =	sne.s32 s8, $0x3800;
	s8 =	sadd.s32 $0x800, s8;
	_ =	swait.ge [sflag:s26], $0x2000  }
0x7d: {  	s9 =	sshra.s32 s9, $0x2;
	[sflag:s26] =	ssyncset.done $0x0  }
0x7e: {  	s10 =	sadd.s32 $0x1400, s9;
	[sflag:s26] =	ssyncadd.s32 $0xFFFFE000  }
0x7f: {  	[spmem:s2] =	stream.indirect.scatter.add.f32 [tilespmem:s17], [sflag:$0x5], $0x40, s10, s19, $0xb8;
	[tilespmem:$0x1E800] =	vst v63  }
0x80: {  	_ =	swait.ge [sflag:s28], $0x2000  }
0x81: {  	[sflag:s28] =	ssyncset.done $0x0  }
0x82: {  	s10 =	sadd.s32 $0x1480, s9;
	[sflag:s28] =	ssyncadd.s32 $0xFFFFE000  }
0x83: {  	[spmem:s2] =	stream.indirect.scatter.add.f32 [tilespmem:s20], [sflag:$0x6], $0x40, s10, s19, $0xb8;
	[tilespmem:$0x1E800] =	vst v63  }
0x84: {  	_ =	swait.ge [sflag:s29], $0x2000  }
0x85: {  	[sflag:s29] =	ssyncset.done $0x0  }
0x86: {  	s10 =	sadd.s32 $0x1500, s9;
	[sflag:s29] =	ssyncadd.s32 $0xFFFFE000  }
0x87: {  	[spmem:s2] =	stream.indirect.scatter.add.f32 [tilespmem:s22], [sflag:$0x7], $0x40, s10, s19, $0xb8;
	[tilespmem:$0x1E800] =	vst v63  }
0x88: {  	_ =	swait.ge [sflag:s30], $0x2000  }
0x89: {  	[sflag:s30] =	ssyncset.done $0x0  }
0x8a: {  	s10 =	sadd.s32 $0x1580, s9;
	[sflag:s30] =	ssyncadd.s32 $0xFFFFE000  }
0x8b: {  	[spmem:s2] =	stream.indirect.scatter.add.f32 [tilespmem:s25], [sflag:$0x8], $0x40, s10, s19, $0xb8;
	[tilespmem:$0x1E800] =	vst v63  }
0x8c: {  	_ =	swait.ge [sflag:s31], $0x2000  }
0x8d: {  	[sflag:s31] =	ssyncset.done $0x0  }
0x8e: {  	s10 =	sadd.s32 $0x200, s9;
	[sflag:s31] =	ssyncadd.s32 $0xFFFFE000  }
0x8f: {  	[tilespmem:s17], [sflag:$0x1] =	stream.indirect.gather [spmem:s1], $0x40, s10, s19, $0xb8;
	[tilespmem:$0x1E800] =	vst v63  }
0x90: {  	_ =	swait.ge [sflag:s0], $0x2000  }
0x91: {  	[sflag:s0] =	ssyncset.done $0x0  }
0x92: {  	s10 =	sadd.s32 $0x280, s9;
	[sflag:s0] =	ssyncadd.s32 $0xFFFFE000  }
0x93: {  	[tilespmem:s20], [sflag:$0x2] =	stream.indirect.gather [spmem:s1], $0x40, s10, s19, $0xb8;
	[tilespmem:$0x1E800] =	vst v63  }
0x94: {  	_ =	swait.ge [sflag:s3], $0x2000  }
0x95: {  	[sflag:s3] =	ssyncset.done $0x0  }
.Ltmp4:
0x96: {  	s10 =	sadd.s32 $0x300, s9;
	[sflag:s3] =	ssyncadd.s32 $0xFFFFE000;
	(pc) =	sbr.rel @p0 .LBB2_10-.Ltmp4, $4  }
0x97: {  	[tilespmem:s22], [sflag:$0x3] =	stream.indirect.gather [spmem:s1], $0x40, s10, s19, $0xb8;
	[tilespmem:$0x1E800] =	vst v63  }
0x98: {  	_ =	swait.ge [sflag:s5], $0x2000  }
0x99: {  	[sflag:s5] =	ssyncset.done $0x0  }
0x9a: {  	s9 =	sadd.s32 $0x380, s9;
	[sflag:s5] =	ssyncadd.s32 $0xFFFFE000  }
0x9b: {  	[tilespmem:s25], [sflag:$0x4] =	stream.indirect.gather [spmem:s1], $0x40, s9, s19, $0xb8;
	[tilespmem:$0x1E800] =	vst v63  }
0x9c: {  	_ =	swait.ge [sflag:s26], $0x2000  }
0x9d: {  	[sflag:s26] =	ssyncset.done $0x0  }
0x9e: {  	s8 =	simm.s32 $0x2400;
	[sflag:s26] =	ssyncadd.s32 $0xFFFFE000  }
0x9f: {  	[spmem:s2] =	stream.indirect.scatter.add.f32 [tilespmem:s17], [sflag:$0x5], $0x40, s8, s19, $0xb8;
	[tilespmem:$0x1E800] =	vst v63  }
0xa0: {  	_ =	swait.ge [sflag:s28], $0x2000  }
0xa1: {  	[sflag:s28] =	ssyncset.done $0x0  }
0xa2: {  	s9 =	simm.s32 $0x2480;
	[sflag:s28] =	ssyncadd.s32 $0xFFFFE000  }
0xa3: {  	[spmem:s2] =	stream.indirect.scatter.add.f32 [tilespmem:s20], [sflag:$0x6], $0x40, s9, s19, $0xb8;
	[tilespmem:$0x1E800] =	vst v63  }
0xa4: {  	_ =	swait.ge [sflag:s29], $0x2000  }
0xa5: {  	[sflag:s29] =	ssyncset.done $0x0  }
0xa6: {  	s10 =	simm.s32 $0x2500;
	[sflag:s29] =	ssyncadd.s32 $0xFFFFE000  }
0xa7: {  	[spmem:s2] =	stream.indirect.scatter.add.f32 [tilespmem:s22], [sflag:$0x7], $0x40, s10, s19, $0xb8;
	[tilespmem:$0x1E800] =	vst v63  }
0xa8: {  	_ =	swait.ge [sflag:s30], $0x2000  }
0xa9: {  	[sflag:s30] =	ssyncset.done $0x0  }
0xaa: {  	s9 =	simm.s32 $0x2580;
	[sflag:s30] =	ssyncadd.s32 $0xFFFFE000  }
0xab: {  	[spmem:s2] =	stream.indirect.scatter.add.f32 [tilespmem:s25], [sflag:$0x8], $0x40, s9, s19, $0xb8;
	[tilespmem:$0x1E800] =	vst v63  }
0xac: {  	_ =	swait.ge [sflag:s31], $0x2000  }
0xad: {  	[sflag:s31] =	ssyncset.done $0x0  }
0xae: {  	[sflag:s31] =	ssyncadd.s32 $0xFFFFE000  }
0xaf: {  	[tilespmem:s17], [sflag:$0x1] =	stream.indirect.gather [spmem:s1], $0x40, s14, s19, $0xb8;
	[tilespmem:$0x1E800] =	vst v63  }
0xb0: {  	_ =	swait.ge [sflag:s0], $0x2000  }
0xb1: {  	[sflag:s0] =	ssyncset.done $0x0  }
0xb2: {  	[sflag:s0] =	ssyncadd.s32 $0xFFFFE000  }
0xb3: {  	[tilespmem:s20], [sflag:$0x2] =	stream.indirect.gather [spmem:s1], $0x40, s15, s19, $0xb8;
	[tilespmem:$0x1E800] =	vst v63  }
0xb4: {  	_ =	swait.ge [sflag:s3], $0x2000  }
0xb5: {  	[sflag:s3] =	ssyncset.done $0x0  }
0xb6: {  	[sflag:s3] =	ssyncadd.s32 $0xFFFFE000  }
0xb7: {  	[tilespmem:s22], [sflag:$0x3] =	stream.indirect.gather [spmem:s1], $0x40, s24, s19, $0xb8;
	[tilespmem:$0x1E800] =	vst v63  }
0xb8: {  	_ =	swait.ge [sflag:s5], $0x2000  }
0xb9: {  	[sflag:s5] =	ssyncset.done $0x0  }
0xba: {  	[sflag:s5] =	ssyncadd.s32 $0xFFFFE000  }
0xbb: {  	[tilespmem:s25], [sflag:$0x4] =	stream.indirect.gather [spmem:s1], $0x40, s6, s19, $0xb8;
	[tilespmem:$0x1E800] =	vst v63  }
0xbc: {  	_ =	swait.ge [sflag:s26], $0x2000  }
0xbd: {  	[sflag:s26] =	ssyncset.done $0x0  }
0xbe: {  	[sflag:s26] =	ssyncadd.s32 $0xFFFFE000  }
0xbf: {  	[spmem:s2] =	stream.indirect.scatter.add.f32 [tilespmem:s17], [sflag:$0x5], $0x40, s7, s19, $0xb8;
	[tilespmem:$0x1E800] =	vst v63  }
0xc0: {  	_ =	swait.ge [sflag:s28], $0x2000  }
0xc1: {  	[sflag:s28] =	ssyncset.done $0x0  }
0xc2: {  	[sflag:s28] =	ssyncadd.s32 $0xFFFFE000  }
0xc3: {  	[spmem:s2] =	stream.indirect.scatter.add.f32 [tilespmem:s20], [sflag:$0x6], $0x40, s18, s19, $0xb8;
	[tilespmem:$0x1E800] =	vst v63  }
0xc4: {  	_ =	swait.ge [sflag:s29], $0x2000  }
0xc5: {  	[sflag:s29] =	ssyncset.done $0x0  }
0xc6: {  	[sflag:s29] =	ssyncadd.s32 $0xFFFFE000  }
0xc7: {  	[spmem:s2] =	stream.indirect.scatter.add.f32 [tilespmem:s22], [sflag:$0x7], $0x40, s21, s19, $0xb8;
	[tilespmem:$0x1E800] =	vst v63  }
0xc8: {  	_ =	swait.ge [sflag:s30], $0x2000  }
0xc9: {  	[sflag:s30] =	ssyncset.done $0x0  }
0xca: {  	[sflag:s30] =	ssyncadd.s32 $0xFFFFE000  }
0xcb: {  	[spmem:s2] =	stream.indirect.scatter.add.f32 [tilespmem:s25], [sflag:$0x8], $0x40, s23, s19, $0xb8;
	[tilespmem:$0x1E800] =	vst v63  }
0xcc: {  	_ =	swait.ge [sflag:s31], $0x2000  }
0xcd: {  	[sflag:s31] =	ssyncset.done $0x0  }
0xce: {  	[sflag:s31] =	ssyncadd.s32 $0xFFFFE000  }
0xcf: {  	[tilespmem:s17], [sflag:$0x1] =	stream.indirect.gather [spmem:s1], $0x40, s6, s19, $0xb8;
	[tilespmem:$0x1E800] =	vst v63  }
0xd0: {  	_ =	swait.ge [sflag:s0], $0x2000  }
0xd1: {  	[sflag:s0] =	ssyncset.done $0x0  }
0xd2: {  	[sflag:s0] =	ssyncadd.s32 $0xFFFFE000  }
0xd3: {  	[tilespmem:s20], [sflag:$0x2] =	stream.indirect.gather [spmem:s1], $0x40, s6, s19, $0xb8;
	[tilespmem:$0x1E800] =	vst v63  }
0xd4: {  	_ =	swait.ge [sflag:s3], $0x2000  }
0xd5: {  	[sflag:s3] =	ssyncset.done $0x0  }
0xd6: {  	[sflag:s3] =	ssyncadd.s32 $0xFFFFE000  }
0xd7: {  	[tilespmem:s22], [sflag:$0x3] =	stream.indirect.gather [spmem:s1], $0x40, s6, s19, $0xb8;
	[tilespmem:$0x1E800] =	vst v63  }
0xd8: {  	_ =	swait.ge [sflag:s5], $0x2000  }
0xd9: {  	[sflag:s5] =	ssyncset.done $0x0  }
0xda: {  	[sflag:s5] =	ssyncadd.s32 $0xFFFFE000  }
0xdb: {  	[tilespmem:s25], [sflag:$0x4] =	stream.indirect.gather [spmem:s1], $0x40, s6, s19, $0xb8;
	[tilespmem:$0x1E800] =	vst v63  }
0xdc: {  	_ =	swait.ge [sflag:s26], $0x2000  }
0xdd: {  	[sflag:s26] =	ssyncset.done $0x0  }
0xde: {  	[sflag:s26] =	ssyncadd.s32 $0xFFFFE000  }
0xdf: {  	_ =	swait.ge [sflag:s28], $0x2000  }
0xe0: {  	[sflag:s28] =	ssyncset.done $0x0  }
0xe1: {  	[sflag:s28] =	ssyncadd.s32 $0xFFFFE000  }
0xe2: {  	_ =	swait.ge [sflag:s29], $0x2000  }
0xe3: {  	[sflag:s29] =	ssyncset.done $0x0  }
0xe4: {  	[sflag:s29] =	ssyncadd.s32 $0xFFFFE000  }
0xe5: {  	_ =	swait.ge [sflag:s30], $0x2000  }
0xe6: {  	[sflag:s30] =	ssyncset.done $0x0  }
0xe7: {  	s10 =	sadd.s32 $0x280, s12;
	s9 =	simm.s32 $0x0;
	[sflag:s30] =	ssyncadd.s32 $0xFFFFE000  }
0xe8: {  	[tilespmem:s9], [sflag:$0x9] =	stream.linear.gather [hbm4b:s10+s9], $0x1400, $0x38;
	[tilespmem:$0x1E800] =	vst v63  }
0xe9: {  	_ =	swait.ge [sflag:s16], $0x1400  }
0xea: {  	[sflag:s16] =	ssyncset.done $0x0  }
0xeb: {  	s8 =	sadd.s32 $0x280, s13;
	s10 =	simm.s32 $0x1400;
	[sflag:s16] =	ssyncadd.s32 $0xFFFFEC00  }
0xec: {  	[tilespmem:s10], [sflag:$0x9] =	stream.linear.gather [hbm4b:s8+s9], $0x1400, $0x38;
	[tilespmem:$0x1E800] =	vst v63  }
0xed: {  	_ =	swait.ge [sflag:s16], $0x1400  }
0xee: {  	[sflag:s16] =	ssyncset.done $0x0  }
0xef: {  	[sflag:s16] =	ssyncadd.s32 $0xFFFFEC00  }
0xf0: {  	[tilespmem:s17], [sflag:$0x1] =	stream.indirect.gather [spmem:s1], $0x40, s9, s19, $0xb8;
	[tilespmem:$0x1E800] =	vst v63  }
0xf1: {  	_ = 	snop  }
0xf2: {  	[tilespmem:s20], [sflag:$0x2] =	stream.indirect.gather [spmem:s1], $0x40, s19, s19, $0xb8;
	[tilespmem:$0x1E800] =	vst v63  }
0xf3: {  	s10 =	simm.s32 $0x100  }
0xf4: {  	[tilespmem:s22], [sflag:$0x3] =	stream.indirect.gather [spmem:s1], $0x40, s10, s19, $0xb8;
	[tilespmem:$0x1E800] =	vst v63  }
0xf5: {  	s9 =	simm.s32 $0x180  }
0xf6: {  	[tilespmem:s25], [sflag:$0x4] =	stream.indirect.gather [spmem:s1], $0x40, s9, s19, $0xb8;
	[tilespmem:$0x1E800] =	vst v63  }
0xf7: {  	_ =	swait.ge [sflag:s26], $0x2000  }
0xf8: {  	[sflag:s26] =	ssyncset.done $0x0  }
0xf9: {  	s10 =	simm.s32 $0x1400;
	[sflag:s26] =	ssyncadd.s32 $0xFFFFE000  }
0xfa: {  	[spmem:s2] =	stream.indirect.scatter.add.f32 [tilespmem:s17], [sflag:$0x5], $0x40, s10, s19, $0xb8;
	[tilespmem:$0x1E800] =	vst v63  }
0xfb: {  	_ =	swait.ge [sflag:s28], $0x2000  }
0xfc: {  	[sflag:s28] =	ssyncset.done $0x0  }
0xfd: {  	s9 =	simm.s32 $0x1480;
	[sflag:s28] =	ssyncadd.s32 $0xFFFFE000  }
0xfe: {  	[spmem:s2] =	stream.indirect.scatter.add.f32 [tilespmem:s20], [sflag:$0x6], $0x40, s9, s19, $0xb8;
	[tilespmem:$0x1E800] =	vst v63  }
0xff: {  	_ =	swait.ge [sflag:s29], $0x2000  }
0x100: {  	[sflag:s29] =	ssyncset.done $0x0  }
0x101: {  	s10 =	simm.s32 $0x1500;
	[sflag:s29] =	ssyncadd.s32 $0xFFFFE000  }
0x102: {  	[spmem:s2] =	stream.indirect.scatter.add.f32 [tilespmem:s22], [sflag:$0x7], $0x40, s10, s19, $0xb8;
	[tilespmem:$0x1E800] =	vst v63  }
0x103: {  	_ =	swait.ge [sflag:s30], $0x2000  }
0x104: {  	[sflag:s30] =	ssyncset.done $0x0  }
0x105: {  	s9 =	simm.s32 $0x1580;
	[sflag:s30] =	ssyncadd.s32 $0xFFFFE000  }
0x106: {  	[spmem:s2] =	stream.indirect.scatter.add.f32 [tilespmem:s25], [sflag:$0x8], $0x40, s9, s19, $0xb8;
	[tilespmem:$0x1E800] =	vst v63  }
0x107: {  	_ =	swait.ge [sflag:s31], $0x2000  }
0x108: {  	[sflag:s31] =	ssyncset.done $0x0  }
0x109: {  	s10 =	simm.s32 $0x200;
	[sflag:s31] =	ssyncadd.s32 $0xFFFFE000  }
0x10a: {  	[tilespmem:s17], [sflag:$0x1] =	stream.indirect.gather [spmem:s1], $0x40, s10, s19, $0xb8;
	[tilespmem:$0x1E800] =	vst v63  }
0x10b: {  	_ =	swait.ge [sflag:s0], $0x2000  }
0x10c: {  	[sflag:s0] =	ssyncset.done $0x0  }
0x10d: {  	s9 =	simm.s32 $0x280;
	[sflag:s0] =	ssyncadd.s32 $0xFFFFE000  }
0x10e: {  	[tilespmem:s20], [sflag:$0x2] =	stream.indirect.gather [spmem:s1], $0x40, s9, s19, $0xb8;
	[tilespmem:$0x1E800] =	vst v63  }
0x10f: {  	_ =	swait.ge [sflag:s3], $0x2000  }
0x110: {  	[sflag:s3] =	ssyncset.done $0x0  }
0x111: {  	s10 =	simm.s32 $0x300;
	[sflag:s3] =	ssyncadd.s32 $0xFFFFE000  }
0x112: {  	[tilespmem:s22], [sflag:$0x3] =	stream.indirect.gather [spmem:s1], $0x40, s10, s19, $0xb8;
	[tilespmem:$0x1E800] =	vst v63  }
0x113: {  	_ =	swait.ge [sflag:s5], $0x2000  }
0x114: {  	[sflag:s5] =	ssyncset.done $0x0  }
0x115: {  	s8 =	simm.s32 $0x800;
	s9 =	simm.s32 $0x380;
	[sflag:s5] =	ssyncadd.s32 $0xFFFFE000  }
.LBB2_12:
0x116: {  	[tilespmem:s25], [sflag:$0x4] =	stream.indirect.gather [spmem:s1], $0x40, s9, s19, $0xb8;
	[tilespmem:$0x1E800] =	vst v63  }
0x117: {  	s9 =	smov.u32 s8  }
0x118: {  	p0 =	sne.s32 s8, $0x3800;
	s8 =	sadd.s32 $0x800, s8;
	_ =	swait.ge [sflag:s26], $0x2000  }
0x119: {  	s9 =	sshra.s32 s9, $0x2;
	[sflag:s26] =	ssyncset.done $0x0  }
0x11a: {  	s10 =	sadd.s32 $0x1400, s9;
	[sflag:s26] =	ssyncadd.s32 $0xFFFFE000  }
0x11b: {  	[spmem:s2] =	stream.indirect.scatter.add.f32 [tilespmem:s17], [sflag:$0x5], $0x40, s10, s19, $0xb8;
	[tilespmem:$0x1E800] =	vst v63  }
0x11c: {  	_ =	swait.ge [sflag:s28], $0x2000  }
0x11d: {  	[sflag:s28] =	ssyncset.done $0x0  }
0x11e: {  	s10 =	sadd.s32 $0x1480, s9;
	[sflag:s28] =	ssyncadd.s32 $0xFFFFE000  }
0x11f: {  	[spmem:s2] =	stream.indirect.scatter.add.f32 [tilespmem:s20], [sflag:$0x6], $0x40, s10, s19, $0xb8;
	[tilespmem:$0x1E800] =	vst v63  }
0x120: {  	_ =	swait.ge [sflag:s29], $0x2000  }
0x121: {  	[sflag:s29] =	ssyncset.done $0x0  }
0x122: {  	s10 =	sadd.s32 $0x1500, s9;
	[sflag:s29] =	ssyncadd.s32 $0xFFFFE000  }
0x123: {  	[spmem:s2] =	stream.indirect.scatter.add.f32 [tilespmem:s22], [sflag:$0x7], $0x40, s10, s19, $0xb8;
	[tilespmem:$0x1E800] =	vst v63  }
0x124: {  	_ =	swait.ge [sflag:s30], $0x2000  }
0x125: {  	[sflag:s30] =	ssyncset.done $0x0  }
0x126: {  	s10 =	sadd.s32 $0x1580, s9;
	[sflag:s30] =	ssyncadd.s32 $0xFFFFE000  }
0x127: {  	[spmem:s2] =	stream.indirect.scatter.add.f32 [tilespmem:s25], [sflag:$0x8], $0x40, s10, s19, $0xb8;
	[tilespmem:$0x1E800] =	vst v63  }
0x128: {  	_ =	swait.ge [sflag:s31], $0x2000  }
0x129: {  	[sflag:s31] =	ssyncset.done $0x0  }
0x12a: {  	s10 =	sadd.s32 $0x200, s9;
	[sflag:s31] =	ssyncadd.s32 $0xFFFFE000  }
0x12b: {  	[tilespmem:s17], [sflag:$0x1] =	stream.indirect.gather [spmem:s1], $0x40, s10, s19, $0xb8;
	[tilespmem:$0x1E800] =	vst v63  }
0x12c: {  	_ =	swait.ge [sflag:s0], $0x2000  }
0x12d: {  	[sflag:s0] =	ssyncset.done $0x0  }
0x12e: {  	s10 =	sadd.s32 $0x280, s9;
	[sflag:s0] =	ssyncadd.s32 $0xFFFFE000  }
0x12f: {  	[tilespmem:s20], [sflag:$0x2] =	stream.indirect.gather [spmem:s1], $0x40, s10, s19, $0xb8;
	[tilespmem:$0x1E800] =	vst v63  }
0x130: {  	_ =	swait.ge [sflag:s3], $0x2000  }
0x131: {  	[sflag:s3] =	ssyncset.done $0x0  }
.Ltmp5:
0x132: {  	s10 =	sadd.s32 $0x300, s9;
	[sflag:s3] =	ssyncadd.s32 $0xFFFFE000;
	(pc) =	sbr.rel @p0 .LBB2_12-.Ltmp5, $4  }
0x133: {  	[tilespmem:s22], [sflag:$0x3] =	stream.indirect.gather [spmem:s1], $0x40, s10, s19, $0xb8;
	[tilespmem:$0x1E800] =	vst v63  }
0x134: {  	_ =	swait.ge [sflag:s5], $0x2000  }
0x135: {  	[sflag:s5] =	ssyncset.done $0x0  }
0x136: {  	s9 =	sadd.s32 $0x380, s9;
	[sflag:s5] =	ssyncadd.s32 $0xFFFFE000  }
0x137: {  	[tilespmem:s25], [sflag:$0x4] =	stream.indirect.gather [spmem:s1], $0x40, s9, s19, $0xb8;
	[tilespmem:$0x1E800] =	vst v63  }
0x138: {  	_ =	swait.ge [sflag:s26], $0x2000  }
0x139: {  	[sflag:s26] =	ssyncset.done $0x0  }
0x13a: {  	s8 =	simm.s32 $0x2400;
	[sflag:s26] =	ssyncadd.s32 $0xFFFFE000  }
0x13b: {  	[spmem:s2] =	stream.indirect.scatter.add.f32 [tilespmem:s17], [sflag:$0x5], $0x40, s8, s19, $0xb8;
	[tilespmem:$0x1E800] =	vst v63  }
0x13c: {  	_ =	swait.ge [sflag:s28], $0x2000  }
0x13d: {  	[sflag:s28] =	ssyncset.done $0x0  }
0x13e: {  	s9 =	simm.s32 $0x2480;
	[sflag:s28] =	ssyncadd.s32 $0xFFFFE000  }
0x13f: {  	[spmem:s2] =	stream.indirect.scatter.add.f32 [tilespmem:s20], [sflag:$0x6], $0x40, s9, s19, $0xb8;
	[tilespmem:$0x1E800] =	vst v63  }
0x140: {  	_ =	swait.ge [sflag:s29], $0x2000  }
0x141: {  	[sflag:s29] =	ssyncset.done $0x0  }
0x142: {  	s10 =	simm.s32 $0x2500;
	[sflag:s29] =	ssyncadd.s32 $0xFFFFE000  }
0x143: {  	[spmem:s2] =	stream.indirect.scatter.add.f32 [tilespmem:s22], [sflag:$0x7], $0x40, s10, s19, $0xb8;
	[tilespmem:$0x1E800] =	vst v63  }
0x144: {  	_ =	swait.ge [sflag:s30], $0x2000  }
0x145: {  	[sflag:s30] =	ssyncset.done $0x0  }
0x146: {  	s9 =	simm.s32 $0x2580;
	[sflag:s30] =	ssyncadd.s32 $0xFFFFE000  }
0x147: {  	[spmem:s2] =	stream.indirect.scatter.add.f32 [tilespmem:s25], [sflag:$0x8], $0x40, s9, s19, $0xb8;
	[tilespmem:$0x1E800] =	vst v63  }
0x148: {  	_ =	swait.ge [sflag:s31], $0x2000  }
0x149: {  	[sflag:s31] =	ssyncset.done $0x0  }
0x14a: {  	[sflag:s31] =	ssyncadd.s32 $0xFFFFE000  }
0x14b: {  	[tilespmem:s17], [sflag:$0x1] =	stream.indirect.gather [spmem:s1], $0x40, s14, s19, $0xb8;
	[tilespmem:$0x1E800] =	vst v63  }
0x14c: {  	_ =	swait.ge [sflag:s0], $0x2000  }
0x14d: {  	[sflag:s0] =	ssyncset.done $0x0  }
0x14e: {  	[sflag:s0] =	ssyncadd.s32 $0xFFFFE000  }
0x14f: {  	[tilespmem:s20], [sflag:$0x2] =	stream.indirect.gather [spmem:s1], $0x40, s15, s19, $0xb8;
	[tilespmem:$0x1E800] =	vst v63  }
0x150: {  	_ =	swait.ge [sflag:s3], $0x2000  }
0x151: {  	[sflag:s3] =	ssyncset.done $0x0  }
0x152: {  	[sflag:s3] =	ssyncadd.s32 $0xFFFFE000  }
0x153: {  	[tilespmem:s22], [sflag:$0x3] =	stream.indirect.gather [spmem:s1], $0x40, s24, s19, $0xb8;
	[tilespmem:$0x1E800] =	vst v63  }
0x154: {  	_ =	swait.ge [sflag:s5], $0x2000  }
0x155: {  	[sflag:s5] =	ssyncset.done $0x0  }
0x156: {  	[sflag:s5] =	ssyncadd.s32 $0xFFFFE000  }
0x157: {  	[tilespmem:s25], [sflag:$0x4] =	stream.indirect.gather [spmem:s1], $0x40, s6, s19, $0xb8;
	[tilespmem:$0x1E800] =	vst v63  }
0x158: {  	_ =	swait.ge [sflag:s26], $0x2000  }
0x159: {  	[sflag:s26] =	ssyncset.done $0x0  }
0x15a: {  	[sflag:s26] =	ssyncadd.s32 $0xFFFFE000  }
0x15b: {  	[spmem:s2] =	stream.indirect.scatter.add.f32 [tilespmem:s17], [sflag:$0x5], $0x40, s7, s19, $0xb8;
	[tilespmem:$0x1E800] =	vst v63  }
0x15c: {  	_ =	swait.ge [sflag:s28], $0x2000  }
0x15d: {  	[sflag:s28] =	ssyncset.done $0x0  }
0x15e: {  	[sflag:s28] =	ssyncadd.s32 $0xFFFFE000  }
0x15f: {  	[spmem:s2] =	stream.indirect.scatter.add.f32 [tilespmem:s20], [sflag:$0x6], $0x40, s18, s19, $0xb8;
	[tilespmem:$0x1E800] =	vst v63  }
0x160: {  	_ =	swait.ge [sflag:s29], $0x2000  }
0x161: {  	[sflag:s29] =	ssyncset.done $0x0  }
0x162: {  	[sflag:s29] =	ssyncadd.s32 $0xFFFFE000  }
0x163: {  	[spmem:s2] =	stream.indirect.scatter.add.f32 [tilespmem:s22], [sflag:$0x7], $0x40, s21, s19, $0xb8;
	[tilespmem:$0x1E800] =	vst v63  }
0x164: {  	_ =	swait.ge [sflag:s30], $0x2000  }
0x165: {  	[sflag:s30] =	ssyncset.done $0x0  }
0x166: {  	[sflag:s30] =	ssyncadd.s32 $0xFFFFE000  }
0x167: {  	[spmem:s2] =	stream.indirect.scatter.add.f32 [tilespmem:s25], [sflag:$0x8], $0x40, s23, s19, $0xb8;
	[tilespmem:$0x1E800] =	vst v63  }
0x168: {  	_ =	swait.ge [sflag:s31], $0x2000  }
0x169: {  	[sflag:s31] =	ssyncset.done $0x0  }
0x16a: {  	[sflag:s31] =	ssyncadd.s32 $0xFFFFE000  }
0x16b: {  	[tilespmem:s17], [sflag:$0x1] =	stream.indirect.gather [spmem:s1], $0x40, s6, s19, $0xb8;
	[tilespmem:$0x1E800] =	vst v63  }
0x16c: {  	_ =	swait.ge [sflag:s0], $0x2000  }
0x16d: {  	[sflag:s0] =	ssyncset.done $0x0  }
0x16e: {  	[sflag:s0] =	ssyncadd.s32 $0xFFFFE000  }
0x16f: {  	[tilespmem:s20], [sflag:$0x2] =	stream.indirect.gather [spmem:s1], $0x40, s6, s19, $0xb8;
	[tilespmem:$0x1E800] =	vst v63  }
0x170: {  	_ =	swait.ge [sflag:s3], $0x2000  }
0x171: {  	[sflag:s3] =	ssyncset.done $0x0  }
0x172: {  	[sflag:s3] =	ssyncadd.s32 $0xFFFFE000  }
0x173: {  	[tilespmem:s22], [sflag:$0x3] =	stream.indirect.gather [spmem:s1], $0x40, s6, s19, $0xb8;
	[tilespmem:$0x1E800] =	vst v63  }
0x174: {  	_ =	swait.ge [sflag:s5], $0x2000  }
0x175: {  	[sflag:s5] =	ssyncset.done $0x0  }
0x176: {  	[sflag:s5] =	ssyncadd.s32 $0xFFFFE000  }
0x177: {  	[tilespmem:s25], [sflag:$0x4] =	stream.indirect.gather [spmem:s1], $0x40, s6, s19, $0xb8;
	[tilespmem:$0x1E800] =	vst v63  }
0x178: {  	_ =	swait.ge [sflag:s26], $0x2000  }
0x179: {  	[sflag:s26] =	ssyncset.done $0x0  }
0x17a: {  	[sflag:s26] =	ssyncadd.s32 $0xFFFFE000  }
0x17b: {  	_ =	swait.ge [sflag:s28], $0x2000  }
0x17c: {  	[sflag:s28] =	ssyncset.done $0x0  }
0x17d: {  	[sflag:s28] =	ssyncadd.s32 $0xFFFFE000  }
0x17e: {  	_ =	swait.ge [sflag:s29], $0x2000  }
0x17f: {  	[sflag:s29] =	ssyncset.done $0x0  }
0x180: {  	[sflag:s29] =	ssyncadd.s32 $0xFFFFE000  }
0x181: {  	_ =	swait.ge [sflag:s30], $0x2000  }
0x182: {  	[sflag:s30] =	ssyncset.done $0x0  }
0x183: {  	s10 =	sadd.s32 $0x500, s12;
	s9 =	simm.s32 $0x0;
	[sflag:s30] =	ssyncadd.s32 $0xFFFFE000  }
0x184: {  	[tilespmem:s9], [sflag:$0x9] =	stream.linear.gather [hbm4b:s10+s9], $0x1400, $0x38;
	[tilespmem:$0x1E800] =	vst v63  }
0x185: {  	_ =	swait.ge [sflag:s16], $0x1400  }
0x186: {  	[sflag:s16] =	ssyncset.done $0x0  }
0x187: {  	s8 =	sadd.s32 $0x500, s13;
	s10 =	simm.s32 $0x1400;
	[sflag:s16] =	ssyncadd.s32 $0xFFFFEC00  }
0x188: {  	[tilespmem:s10], [sflag:$0x9] =	stream.linear.gather [hbm4b:s8+s9], $0x1400, $0x38;
	[tilespmem:$0x1E800] =	vst v63  }
0x189: {  	_ =	swait.ge [sflag:s16], $0x1400  }
0x18a: {  	[sflag:s16] =	ssyncset.done $0x0  }
0x18b: {  	[sflag:s16] =	ssyncadd.s32 $0xFFFFEC00  }
0x18c: {  	[tilespmem:s17], [sflag:$0x1] =	stream.indirect.gather [spmem:s1], $0x40, s9, s19, $0xb8;
	[tilespmem:$0x1E800] =	vst v63  }
0x18d: {  	_ = 	snop  }
0x18e: {  	[tilespmem:s20], [sflag:$0x2] =	stream.indirect.gather [spmem:s1], $0x40, s19, s19, $0xb8;
	[tilespmem:$0x1E800] =	vst v63  }
0x18f: {  	s10 =	simm.s32 $0x100  }
0x190: {  	[tilespmem:s22], [sflag:$0x3] =	stream.indirect.gather [spmem:s1], $0x40, s10, s19, $0xb8;
	[tilespmem:$0x1E800] =	vst v63  }
0x191: {  	s9 =	simm.s32 $0x180  }
0x192: {  	[tilespmem:s25], [sflag:$0x4] =	stream.indirect.gather [spmem:s1], $0x40, s9, s19, $0xb8;
	[tilespmem:$0x1E800] =	vst v63  }
0x193: {  	_ =	swait.ge [sflag:s26], $0x2000  }
0x194: {  	[sflag:s26] =	ssyncset.done $0x0  }
0x195: {  	s10 =	simm.s32 $0x1400;
	[sflag:s26] =	ssyncadd.s32 $0xFFFFE000  }
0x196: {  	[spmem:s2] =	stream.indirect.scatter.add.f32 [tilespmem:s17], [sflag:$0x5], $0x40, s10, s19, $0xb8;
	[tilespmem:$0x1E800] =	vst v63  }
0x197: {  	_ =	swait.ge [sflag:s28], $0x2000  }
0x198: {  	[sflag:s28] =	ssyncset.done $0x0  }
0x199: {  	s9 =	simm.s32 $0x1480;
	[sflag:s28] =	ssyncadd.s32 $0xFFFFE000  }
0x19a: {  	[spmem:s2] =	stream.indirect.scatter.add.f32 [tilespmem:s20], [sflag:$0x6], $0x40, s9, s19, $0xb8;
	[tilespmem:$0x1E800] =	vst v63  }
0x19b: {  	_ =	swait.ge [sflag:s29], $0x2000  }
0x19c: {  	[sflag:s29] =	ssyncset.done $0x0  }
0x19d: {  	s10 =	simm.s32 $0x1500;
	[sflag:s29] =	ssyncadd.s32 $0xFFFFE000  }
0x19e: {  	[spmem:s2] =	stream.indirect.scatter.add.f32 [tilespmem:s22], [sflag:$0x7], $0x40, s10, s19, $0xb8;
	[tilespmem:$0x1E800] =	vst v63  }
0x19f: {  	_ =	swait.ge [sflag:s30], $0x2000  }
0x1a0: {  	[sflag:s30] =	ssyncset.done $0x0  }
0x1a1: {  	s9 =	simm.s32 $0x1580;
	[sflag:s30] =	ssyncadd.s32 $0xFFFFE000  }
0x1a2: {  	[spmem:s2] =	stream.indirect.scatter.add.f32 [tilespmem:s25], [sflag:$0x8], $0x40, s9, s19, $0xb8;
	[tilespmem:$0x1E800] =	vst v63  }
0x1a3: {  	_ =	swait.ge [sflag:s31], $0x2000  }
0x1a4: {  	[sflag:s31] =	ssyncset.done $0x0  }
0x1a5: {  	s10 =	simm.s32 $0x200;
	[sflag:s31] =	ssyncadd.s32 $0xFFFFE000  }
0x1a6: {  	[tilespmem:s17], [sflag:$0x1] =	stream.indirect.gather [spmem:s1], $0x40, s10, s19, $0xb8;
	[tilespmem:$0x1E800] =	vst v63  }
0x1a7: {  	_ =	swait.ge [sflag:s0], $0x2000  }
0x1a8: {  	[sflag:s0] =	ssyncset.done $0x0  }
0x1a9: {  	s9 =	simm.s32 $0x280;
	[sflag:s0] =	ssyncadd.s32 $0xFFFFE000  }
0x1aa: {  	[tilespmem:s20], [sflag:$0x2] =	stream.indirect.gather [spmem:s1], $0x40, s9, s19, $0xb8;
	[tilespmem:$0x1E800] =	vst v63  }
0x1ab: {  	_ =	swait.ge [sflag:s3], $0x2000  }
0x1ac: {  	[sflag:s3] =	ssyncset.done $0x0  }
0x1ad: {  	s10 =	simm.s32 $0x300;
	[sflag:s3] =	ssyncadd.s32 $0xFFFFE000  }
0x1ae: {  	[tilespmem:s22], [sflag:$0x3] =	stream.indirect.gather [spmem:s1], $0x40, s10, s19, $0xb8;
	[tilespmem:$0x1E800] =	vst v63  }
0x1af: {  	_ =	swait.ge [sflag:s5], $0x2000  }
0x1b0: {  	[sflag:s5] =	ssyncset.done $0x0  }
0x1b1: {  	s8 =	simm.s32 $0x800;
	s9 =	simm.s32 $0x380;
	[sflag:s5] =	ssyncadd.s32 $0xFFFFE000  }
.LBB2_14:
0x1b2: {  	[tilespmem:s25], [sflag:$0x4] =	stream.indirect.gather [spmem:s1], $0x40, s9, s19, $0xb8;
	[tilespmem:$0x1E800] =	vst v63  }
0x1b3: {  	s9 =	smov.u32 s8  }
0x1b4: {  	p0 =	sne.s32 s8, $0x3800;
	s8 =	sadd.s32 $0x800, s8;
	_ =	swait.ge [sflag:s26], $0x2000  }
0x1b5: {  	s9 =	sshra.s32 s9, $0x2;
	[sflag:s26] =	ssyncset.done $0x0  }
0x1b6: {  	s10 =	sadd.s32 $0x1400, s9;
	[sflag:s26] =	ssyncadd.s32 $0xFFFFE000  }
0x1b7: {  	[spmem:s2] =	stream.indirect.scatter.add.f32 [tilespmem:s17], [sflag:$0x5], $0x40, s10, s19, $0xb8;
	[tilespmem:$0x1E800] =	vst v63  }
0x1b8: {  	_ =	swait.ge [sflag:s28], $0x2000  }
0x1b9: {  	[sflag:s28] =	ssyncset.done $0x0  }
0x1ba: {  	s10 =	sadd.s32 $0x1480, s9;
	[sflag:s28] =	ssyncadd.s32 $0xFFFFE000  }
0x1bb: {  	[spmem:s2] =	stream.indirect.scatter.add.f32 [tilespmem:s20], [sflag:$0x6], $0x40, s10, s19, $0xb8;
	[tilespmem:$0x1E800] =	vst v63  }
0x1bc: {  	_ =	swait.ge [sflag:s29], $0x2000  }
0x1bd: {  	[sflag:s29] =	ssyncset.done $0x0  }
0x1be: {  	s10 =	sadd.s32 $0x1500, s9;
	[sflag:s29] =	ssyncadd.s32 $0xFFFFE000  }
0x1bf: {  	[spmem:s2] =	stream.indirect.scatter.add.f32 [tilespmem:s22], [sflag:$0x7], $0x40, s10, s19, $0xb8;
	[tilespmem:$0x1E800] =	vst v63  }
0x1c0: {  	_ =	swait.ge [sflag:s30], $0x2000  }
0x1c1: {  	[sflag:s30] =	ssyncset.done $0x0  }
0x1c2: {  	s10 =	sadd.s32 $0x1580, s9;
	[sflag:s30] =	ssyncadd.s32 $0xFFFFE000  }
0x1c3: {  	[spmem:s2] =	stream.indirect.scatter.add.f32 [tilespmem:s25], [sflag:$0x8], $0x40, s10, s19, $0xb8;
	[tilespmem:$0x1E800] =	vst v63  }
0x1c4: {  	_ =	swait.ge [sflag:s31], $0x2000  }
0x1c5: {  	[sflag:s31] =	ssyncset.done $0x0  }
0x1c6: {  	s10 =	sadd.s32 $0x200, s9;
	[sflag:s31] =	ssyncadd.s32 $0xFFFFE000  }
0x1c7: {  	[tilespmem:s17], [sflag:$0x1] =	stream.indirect.gather [spmem:s1], $0x40, s10, s19, $0xb8;
	[tilespmem:$0x1E800] =	vst v63  }
0x1c8: {  	_ =	swait.ge [sflag:s0], $0x2000  }
0x1c9: {  	[sflag:s0] =	ssyncset.done $0x0  }
0x1ca: {  	s10 =	sadd.s32 $0x280, s9;
	[sflag:s0] =	ssyncadd.s32 $0xFFFFE000  }
0x1cb: {  	[tilespmem:s20], [sflag:$0x2] =	stream.indirect.gather [spmem:s1], $0x40, s10, s19, $0xb8;
	[tilespmem:$0x1E800] =	vst v63  }
0x1cc: {  	_ =	swait.ge [sflag:s3], $0x2000  }
0x1cd: {  	[sflag:s3] =	ssyncset.done $0x0  }
.Ltmp6:
0x1ce: {  	s10 =	sadd.s32 $0x300, s9;
	[sflag:s3] =	ssyncadd.s32 $0xFFFFE000;
	(pc) =	sbr.rel @p0 .LBB2_14-.Ltmp6, $4  }
0x1cf: {  	[tilespmem:s22], [sflag:$0x3] =	stream.indirect.gather [spmem:s1], $0x40, s10, s19, $0xb8;
	[tilespmem:$0x1E800] =	vst v63  }
0x1d0: {  	_ =	swait.ge [sflag:s5], $0x2000  }
0x1d1: {  	[sflag:s5] =	ssyncset.done $0x0  }
0x1d2: {  	s9 =	sadd.s32 $0x380, s9;
	[sflag:s5] =	ssyncadd.s32 $0xFFFFE000  }
0x1d3: {  	[tilespmem:s25], [sflag:$0x4] =	stream.indirect.gather [spmem:s1], $0x40, s9, s19, $0xb8;
	[tilespmem:$0x1E800] =	vst v63  }
0x1d4: {  	_ =	swait.ge [sflag:s26], $0x2000  }
0x1d5: {  	[sflag:s26] =	ssyncset.done $0x0  }
0x1d6: {  	s8 =	simm.s32 $0x2400;
	[sflag:s26] =	ssyncadd.s32 $0xFFFFE000  }
0x1d7: {  	[spmem:s2] =	stream.indirect.scatter.add.f32 [tilespmem:s17], [sflag:$0x5], $0x40, s8, s19, $0xb8;
	[tilespmem:$0x1E800] =	vst v63  }
0x1d8: {  	_ =	swait.ge [sflag:s28], $0x2000  }
0x1d9: {  	[sflag:s28] =	ssyncset.done $0x0  }
0x1da: {  	s9 =	simm.s32 $0x2480;
	[sflag:s28] =	ssyncadd.s32 $0xFFFFE000  }
0x1db: {  	[spmem:s2] =	stream.indirect.scatter.add.f32 [tilespmem:s20], [sflag:$0x6], $0x40, s9, s19, $0xb8;
	[tilespmem:$0x1E800] =	vst v63  }
0x1dc: {  	_ =	swait.ge [sflag:s29], $0x2000  }
0x1dd: {  	[sflag:s29] =	ssyncset.done $0x0  }
0x1de: {  	s10 =	simm.s32 $0x2500;
	[sflag:s29] =	ssyncadd.s32 $0xFFFFE000  }
0x1df: {  	[spmem:s2] =	stream.indirect.scatter.add.f32 [tilespmem:s22], [sflag:$0x7], $0x40, s10, s19, $0xb8;
	[tilespmem:$0x1E800] =	vst v63  }
0x1e0: {  	_ =	swait.ge [sflag:s30], $0x2000  }
0x1e1: {  	[sflag:s30] =	ssyncset.done $0x0  }
0x1e2: {  	s9 =	simm.s32 $0x2580;
	[sflag:s30] =	ssyncadd.s32 $0xFFFFE000  }
0x1e3: {  	[spmem:s2] =	stream.indirect.scatter.add.f32 [tilespmem:s25], [sflag:$0x8], $0x40, s9, s19, $0xb8;
	[tilespmem:$0x1E800] =	vst v63  }
0x1e4: {  	_ =	swait.ge [sflag:s31], $0x2000  }
0x1e5: {  	[sflag:s31] =	ssyncset.done $0x0  }
0x1e6: {  	[sflag:s31] =	ssyncadd.s32 $0xFFFFE000  }
0x1e7: {  	[tilespmem:s17], [sflag:$0x1] =	stream.indirect.gather [spmem:s1], $0x40, s14, s19, $0xb8;
	[tilespmem:$0x1E800] =	vst v63  }
0x1e8: {  	_ =	swait.ge [sflag:s0], $0x2000  }
0x1e9: {  	[sflag:s0] =	ssyncset.done $0x0  }
0x1ea: {  	[sflag:s0] =	ssyncadd.s32 $0xFFFFE000  }
0x1eb: {  	[tilespmem:s20], [sflag:$0x2] =	stream.indirect.gather [spmem:s1], $0x40, s15, s19, $0xb8;
	[tilespmem:$0x1E800] =	vst v63  }
0x1ec: {  	_ =	swait.ge [sflag:s3], $0x2000  }
0x1ed: {  	[sflag:s3] =	ssyncset.done $0x0  }
0x1ee: {  	[sflag:s3] =	ssyncadd.s32 $0xFFFFE000  }
0x1ef: {  	[tilespmem:s22], [sflag:$0x3] =	stream.indirect.gather [spmem:s1], $0x40, s24, s19, $0xb8;
	[tilespmem:$0x1E800] =	vst v63  }
0x1f0: {  	_ =	swait.ge [sflag:s5], $0x2000  }
0x1f1: {  	[sflag:s5] =	ssyncset.done $0x0  }
0x1f2: {  	[sflag:s5] =	ssyncadd.s32 $0xFFFFE000  }
0x1f3: {  	[tilespmem:s25], [sflag:$0x4] =	stream.indirect.gather [spmem:s1], $0x40, s6, s19, $0xb8;
	[tilespmem:$0x1E800] =	vst v63  }
0x1f4: {  	_ =	swait.ge [sflag:s26], $0x2000  }
0x1f5: {  	[sflag:s26] =	ssyncset.done $0x0  }
0x1f6: {  	[sflag:s26] =	ssyncadd.s32 $0xFFFFE000  }
0x1f7: {  	[spmem:s2] =	stream.indirect.scatter.add.f32 [tilespmem:s17], [sflag:$0x5], $0x40, s7, s19, $0xb8;
	[tilespmem:$0x1E800] =	vst v63  }
0x1f8: {  	_ =	swait.ge [sflag:s28], $0x2000  }
0x1f9: {  	[sflag:s28] =	ssyncset.done $0x0  }
0x1fa: {  	[sflag:s28] =	ssyncadd.s32 $0xFFFFE000  }
0x1fb: {  	[spmem:s2] =	stream.indirect.scatter.add.f32 [tilespmem:s20], [sflag:$0x6], $0x40, s18, s19, $0xb8;
	[tilespmem:$0x1E800] =	vst v63  }
0x1fc: {  	_ =	swait.ge [sflag:s29], $0x2000  }
0x1fd: {  	[sflag:s29] =	ssyncset.done $0x0  }
0x1fe: {  	[sflag:s29] =	ssyncadd.s32 $0xFFFFE000  }
0x1ff: {  	[spmem:s2] =	stream.indirect.scatter.add.f32 [tilespmem:s22], [sflag:$0x7], $0x40, s21, s19, $0xb8;
	[tilespmem:$0x1E800] =	vst v63  }
0x200: {  	_ =	swait.ge [sflag:s30], $0x2000  }
0x201: {  	[sflag:s30] =	ssyncset.done $0x0  }
0x202: {  	[sflag:s30] =	ssyncadd.s32 $0xFFFFE000  }
0x203: {  	[spmem:s2] =	stream.indirect.scatter.add.f32 [tilespmem:s25], [sflag:$0x8], $0x40, s23, s19, $0xb8;
	[tilespmem:$0x1E800] =	vst v63  }
0x204: {  	_ =	swait.ge [sflag:s31], $0x2000  }
0x205: {  	[sflag:s31] =	ssyncset.done $0x0  }
0x206: {  	[sflag:s31] =	ssyncadd.s32 $0xFFFFE000  }
0x207: {  	[tilespmem:s17], [sflag:$0x1] =	stream.indirect.gather [spmem:s1], $0x40, s6, s19, $0xb8;
	[tilespmem:$0x1E800] =	vst v63  }
0x208: {  	_ =	swait.ge [sflag:s0], $0x2000  }
0x209: {  	[sflag:s0] =	ssyncset.done $0x0  }
0x20a: {  	[sflag:s0] =	ssyncadd.s32 $0xFFFFE000  }
0x20b: {  	[tilespmem:s20], [sflag:$0x2] =	stream.indirect.gather [spmem:s1], $0x40, s6, s19, $0xb8;
	[tilespmem:$0x1E800] =	vst v63  }
0x20c: {  	_ =	swait.ge [sflag:s3], $0x2000  }
0x20d: {  	[sflag:s3] =	ssyncset.done $0x0  }
0x20e: {  	[sflag:s3] =	ssyncadd.s32 $0xFFFFE000  }
0x20f: {  	[tilespmem:s22], [sflag:$0x3] =	stream.indirect.gather [spmem:s1], $0x40, s6, s19, $0xb8;
	[tilespmem:$0x1E800] =	vst v63  }
0x210: {  	_ =	swait.ge [sflag:s5], $0x2000  }
0x211: {  	[sflag:s5] =	ssyncset.done $0x0  }
0x212: {  	[sflag:s5] =	ssyncadd.s32 $0xFFFFE000  }
0x213: {  	[tilespmem:s25], [sflag:$0x4] =	stream.indirect.gather [spmem:s1], $0x40, s6, s19, $0xb8;
	[tilespmem:$0x1E800] =	vst v63  }
0x214: {  	_ =	swait.ge [sflag:s26], $0x2000  }
0x215: {  	[sflag:s26] =	ssyncset.done $0x0  }
0x216: {  	[sflag:s26] =	ssyncadd.s32 $0xFFFFE000  }
0x217: {  	_ =	swait.ge [sflag:s28], $0x2000  }
0x218: {  	[sflag:s28] =	ssyncset.done $0x0  }
0x219: {  	[sflag:s28] =	ssyncadd.s32 $0xFFFFE000  }
0x21a: {  	_ =	swait.ge [sflag:s29], $0x2000  }
0x21b: {  	[sflag:s29] =	ssyncset.done $0x0  }
0x21c: {  	[sflag:s29] =	ssyncadd.s32 $0xFFFFE000  }
0x21d: {  	_ =	swait.ge [sflag:s30], $0x2000  }
0x21e: {  	[sflag:s30] =	ssyncset.done $0x0  }
0x21f: {  	s10 =	sadd.s32 $0x780, s12;
	s9 =	simm.s32 $0x0;
	[sflag:s30] =	ssyncadd.s32 $0xFFFFE000  }
0x220: {  	[tilespmem:s9], [sflag:$0x9] =	stream.linear.gather [hbm4b:s10+s9], $0x1400, $0x38;
	[tilespmem:$0x1E800] =	vst v63  }
0x221: {  	_ =	swait.ge [sflag:s16], $0x1400  }
0x222: {  	[sflag:s16] =	ssyncset.done $0x0  }
0x223: {  	s8 =	sadd.s32 $0x780, s13;
	s10 =	simm.s32 $0x1400;
	[sflag:s16] =	ssyncadd.s32 $0xFFFFEC00  }
0x224: {  	[tilespmem:s10], [sflag:$0x9] =	stream.linear.gather [hbm4b:s8+s9], $0x1400, $0x38;
	[tilespmem:$0x1E800] =	vst v63  }
0x225: {  	_ =	swait.ge [sflag:s16], $0x1400  }
0x226: {  	[sflag:s16] =	ssyncset.done $0x0  }
0x227: {  	[sflag:s16] =	ssyncadd.s32 $0xFFFFEC00  }
0x228: {  	[tilespmem:s17], [sflag:$0x1] =	stream.indirect.gather [spmem:s1], $0x40, s9, s19, $0xb8;
	[tilespmem:$0x1E800] =	vst v63  }
0x229: {  	_ = 	snop  }
0x22a: {  	[tilespmem:s20], [sflag:$0x2] =	stream.indirect.gather [spmem:s1], $0x40, s19, s19, $0xb8;
	[tilespmem:$0x1E800] =	vst v63  }
0x22b: {  	s10 =	simm.s32 $0x100  }
0x22c: {  	[tilespmem:s22], [sflag:$0x3] =	stream.indirect.gather [spmem:s1], $0x40, s10, s19, $0xb8;
	[tilespmem:$0x1E800] =	vst v63  }
0x22d: {  	s9 =	simm.s32 $0x180  }
0x22e: {  	[tilespmem:s25], [sflag:$0x4] =	stream.indirect.gather [spmem:s1], $0x40, s9, s19, $0xb8;
	[tilespmem:$0x1E800] =	vst v63  }
0x22f: {  	_ =	swait.ge [sflag:s26], $0x2000  }
0x230: {  	[sflag:s26] =	ssyncset.done $0x0  }
0x231: {  	s10 =	simm.s32 $0x1400;
	[sflag:s26] =	ssyncadd.s32 $0xFFFFE000  }
0x232: {  	[spmem:s2] =	stream.indirect.scatter.add.f32 [tilespmem:s17], [sflag:$0x5], $0x40, s10, s19, $0xb8;
	[tilespmem:$0x1E800] =	vst v63  }
0x233: {  	_ =	swait.ge [sflag:s28], $0x2000  }
0x234: {  	[sflag:s28] =	ssyncset.done $0x0  }
0x235: {  	s9 =	simm.s32 $0x1480;
	[sflag:s28] =	ssyncadd.s32 $0xFFFFE000  }
0x236: {  	[spmem:s2] =	stream.indirect.scatter.add.f32 [tilespmem:s20], [sflag:$0x6], $0x40, s9, s19, $0xb8;
	[tilespmem:$0x1E800] =	vst v63  }
0x237: {  	_ =	swait.ge [sflag:s29], $0x2000  }
0x238: {  	[sflag:s29] =	ssyncset.done $0x0  }
0x239: {  	s10 =	simm.s32 $0x1500;
	[sflag:s29] =	ssyncadd.s32 $0xFFFFE000  }
0x23a: {  	[spmem:s2] =	stream.indirect.scatter.add.f32 [tilespmem:s22], [sflag:$0x7], $0x40, s10, s19, $0xb8;
	[tilespmem:$0x1E800] =	vst v63  }
0x23b: {  	_ =	swait.ge [sflag:s30], $0x2000  }
0x23c: {  	[sflag:s30] =	ssyncset.done $0x0  }
0x23d: {  	s9 =	simm.s32 $0x1580;
	[sflag:s30] =	ssyncadd.s32 $0xFFFFE000  }
0x23e: {  	[spmem:s2] =	stream.indirect.scatter.add.f32 [tilespmem:s25], [sflag:$0x8], $0x40, s9, s19, $0xb8;
	[tilespmem:$0x1E800] =	vst v63  }
0x23f: {  	_ =	swait.ge [sflag:s31], $0x2000  }
0x240: {  	[sflag:s31] =	ssyncset.done $0x0  }
0x241: {  	s10 =	simm.s32 $0x200;
	[sflag:s31] =	ssyncadd.s32 $0xFFFFE000  }
0x242: {  	[tilespmem:s17], [sflag:$0x1] =	stream.indirect.gather [spmem:s1], $0x40, s10, s19, $0xb8;
	[tilespmem:$0x1E800] =	vst v63  }
0x243: {  	_ =	swait.ge [sflag:s0], $0x2000  }
0x244: {  	[sflag:s0] =	ssyncset.done $0x0  }
0x245: {  	s9 =	simm.s32 $0x280;
	[sflag:s0] =	ssyncadd.s32 $0xFFFFE000  }
0x246: {  	[tilespmem:s20], [sflag:$0x2] =	stream.indirect.gather [spmem:s1], $0x40, s9, s19, $0xb8;
	[tilespmem:$0x1E800] =	vst v63  }
0x247: {  	_ =	swait.ge [sflag:s3], $0x2000  }
0x248: {  	[sflag:s3] =	ssyncset.done $0x0  }
0x249: {  	s10 =	simm.s32 $0x300;
	[sflag:s3] =	ssyncadd.s32 $0xFFFFE000  }
0x24a: {  	[tilespmem:s22], [sflag:$0x3] =	stream.indirect.gather [spmem:s1], $0x40, s10, s19, $0xb8;
	[tilespmem:$0x1E800] =	vst v63  }
0x24b: {  	_ =	swait.ge [sflag:s5], $0x2000  }
0x24c: {  	[sflag:s5] =	ssyncset.done $0x0  }
0x24d: {  	s8 =	simm.s32 $0x800;
	s9 =	simm.s32 $0x380;
	[sflag:s5] =	ssyncadd.s32 $0xFFFFE000  }
.LBB2_16:
0x24e: {  	[tilespmem:s25], [sflag:$0x4] =	stream.indirect.gather [spmem:s1], $0x40, s9, s19, $0xb8;
	[tilespmem:$0x1E800] =	vst v63  }
0x24f: {  	s9 =	smov.u32 s8  }
0x250: {  	p0 =	sne.s32 s8, $0x3800;
	s8 =	sadd.s32 $0x800, s8;
	_ =	swait.ge [sflag:s26], $0x2000  }
0x251: {  	s9 =	sshra.s32 s9, $0x2;
	[sflag:s26] =	ssyncset.done $0x0  }
0x252: {  	s10 =	sadd.s32 $0x1400, s9;
	[sflag:s26] =	ssyncadd.s32 $0xFFFFE000  }
0x253: {  	[spmem:s2] =	stream.indirect.scatter.add.f32 [tilespmem:s17], [sflag:$0x5], $0x40, s10, s19, $0xb8;
	[tilespmem:$0x1E800] =	vst v63  }
0x254: {  	_ =	swait.ge [sflag:s28], $0x2000  }
0x255: {  	[sflag:s28] =	ssyncset.done $0x0  }
0x256: {  	s10 =	sadd.s32 $0x1480, s9;
	[sflag:s28] =	ssyncadd.s32 $0xFFFFE000  }
0x257: {  	[spmem:s2] =	stream.indirect.scatter.add.f32 [tilespmem:s20], [sflag:$0x6], $0x40, s10, s19, $0xb8;
	[tilespmem:$0x1E800] =	vst v63  }
0x258: {  	_ =	swait.ge [sflag:s29], $0x2000  }
0x259: {  	[sflag:s29] =	ssyncset.done $0x0  }
0x25a: {  	s10 =	sadd.s32 $0x1500, s9;
	[sflag:s29] =	ssyncadd.s32 $0xFFFFE000  }
0x25b: {  	[spmem:s2] =	stream.indirect.scatter.add.f32 [tilespmem:s22], [sflag:$0x7], $0x40, s10, s19, $0xb8;
	[tilespmem:$0x1E800] =	vst v63  }
0x25c: {  	_ =	swait.ge [sflag:s30], $0x2000  }
0x25d: {  	[sflag:s30] =	ssyncset.done $0x0  }
0x25e: {  	s10 =	sadd.s32 $0x1580, s9;
	[sflag:s30] =	ssyncadd.s32 $0xFFFFE000  }
0x25f: {  	[spmem:s2] =	stream.indirect.scatter.add.f32 [tilespmem:s25], [sflag:$0x8], $0x40, s10, s19, $0xb8;
	[tilespmem:$0x1E800] =	vst v63  }
0x260: {  	_ =	swait.ge [sflag:s31], $0x2000  }
0x261: {  	[sflag:s31] =	ssyncset.done $0x0  }
0x262: {  	s10 =	sadd.s32 $0x200, s9;
	[sflag:s31] =	ssyncadd.s32 $0xFFFFE000  }
0x263: {  	[tilespmem:s17], [sflag:$0x1] =	stream.indirect.gather [spmem:s1], $0x40, s10, s19, $0xb8;
	[tilespmem:$0x1E800] =	vst v63  }
0x264: {  	_ =	swait.ge [sflag:s0], $0x2000  }
0x265: {  	[sflag:s0] =	ssyncset.done $0x0  }
0x266: {  	s10 =	sadd.s32 $0x280, s9;
	[sflag:s0] =	ssyncadd.s32 $0xFFFFE000  }
0x267: {  	[tilespmem:s20], [sflag:$0x2] =	stream.indirect.gather [spmem:s1], $0x40, s10, s19, $0xb8;
	[tilespmem:$0x1E800] =	vst v63  }
0x268: {  	_ =	swait.ge [sflag:s3], $0x2000  }
0x269: {  	[sflag:s3] =	ssyncset.done $0x0  }
.Ltmp7:
0x26a: {  	s10 =	sadd.s32 $0x300, s9;
	[sflag:s3] =	ssyncadd.s32 $0xFFFFE000;
	(pc) =	sbr.rel @p0 .LBB2_16-.Ltmp7, $4  }
0x26b: {  	[tilespmem:s22], [sflag:$0x3] =	stream.indirect.gather [spmem:s1], $0x40, s10, s19, $0xb8;
	[tilespmem:$0x1E800] =	vst v63  }
0x26c: {  	_ =	swait.ge [sflag:s5], $0x2000  }
0x26d: {  	[sflag:s5] =	ssyncset.done $0x0  }
0x26e: {  	s9 =	sadd.s32 $0x380, s9;
	[sflag:s5] =	ssyncadd.s32 $0xFFFFE000  }
0x26f: {  	[tilespmem:s25], [sflag:$0x4] =	stream.indirect.gather [spmem:s1], $0x40, s9, s19, $0xb8;
	[tilespmem:$0x1E800] =	vst v63  }
0x270: {  	_ =	swait.ge [sflag:s26], $0x2000  }
0x271: {  	[sflag:s26] =	ssyncset.done $0x0  }
0x272: {  	s8 =	simm.s32 $0x2400;
	[sflag:s26] =	ssyncadd.s32 $0xFFFFE000  }
0x273: {  	[spmem:s2] =	stream.indirect.scatter.add.f32 [tilespmem:s17], [sflag:$0x5], $0x40, s8, s19, $0xb8;
	[tilespmem:$0x1E800] =	vst v63  }
0x274: {  	_ =	swait.ge [sflag:s28], $0x2000  }
0x275: {  	[sflag:s28] =	ssyncset.done $0x0  }
0x276: {  	s9 =	simm.s32 $0x2480;
	[sflag:s28] =	ssyncadd.s32 $0xFFFFE000  }
0x277: {  	[spmem:s2] =	stream.indirect.scatter.add.f32 [tilespmem:s20], [sflag:$0x6], $0x40, s9, s19, $0xb8;
	[tilespmem:$0x1E800] =	vst v63  }
0x278: {  	_ =	swait.ge [sflag:s29], $0x2000  }
0x279: {  	[sflag:s29] =	ssyncset.done $0x0  }
0x27a: {  	s10 =	simm.s32 $0x2500;
	[sflag:s29] =	ssyncadd.s32 $0xFFFFE000  }
0x27b: {  	[spmem:s2] =	stream.indirect.scatter.add.f32 [tilespmem:s22], [sflag:$0x7], $0x40, s10, s19, $0xb8;
	[tilespmem:$0x1E800] =	vst v63  }
0x27c: {  	_ =	swait.ge [sflag:s30], $0x2000  }
0x27d: {  	[sflag:s30] =	ssyncset.done $0x0  }
0x27e: {  	s9 =	simm.s32 $0x2580;
	[sflag:s30] =	ssyncadd.s32 $0xFFFFE000  }
0x27f: {  	[spmem:s2] =	stream.indirect.scatter.add.f32 [tilespmem:s25], [sflag:$0x8], $0x40, s9, s19, $0xb8;
	[tilespmem:$0x1E800] =	vst v63  }
0x280: {  	_ =	swait.ge [sflag:s31], $0x2000  }
0x281: {  	[sflag:s31] =	ssyncset.done $0x0  }
0x282: {  	[sflag:s31] =	ssyncadd.s32 $0xFFFFE000  }
0x283: {  	[tilespmem:s17], [sflag:$0x1] =	stream.indirect.gather [spmem:s1], $0x40, s14, s19, $0xb8;
	[tilespmem:$0x1E800] =	vst v63  }
0x284: {  	_ =	swait.ge [sflag:s0], $0x2000  }
0x285: {  	[sflag:s0] =	ssyncset.done $0x0  }
0x286: {  	[sflag:s0] =	ssyncadd.s32 $0xFFFFE000  }
0x287: {  	[tilespmem:s20], [sflag:$0x2] =	stream.indirect.gather [spmem:s1], $0x40, s15, s19, $0xb8;
	[tilespmem:$0x1E800] =	vst v63  }
0x288: {  	_ =	swait.ge [sflag:s3], $0x2000  }
0x289: {  	[sflag:s3] =	ssyncset.done $0x0  }
0x28a: {  	[sflag:s3] =	ssyncadd.s32 $0xFFFFE000  }
0x28b: {  	[tilespmem:s22], [sflag:$0x3] =	stream.indirect.gather [spmem:s1], $0x40, s24, s19, $0xb8;
	[tilespmem:$0x1E800] =	vst v63  }
0x28c: {  	_ =	swait.ge [sflag:s5], $0x2000  }
0x28d: {  	[sflag:s5] =	ssyncset.done $0x0  }
0x28e: {  	[sflag:s5] =	ssyncadd.s32 $0xFFFFE000  }
0x28f: {  	[tilespmem:s25], [sflag:$0x4] =	stream.indirect.gather [spmem:s1], $0x40, s6, s19, $0xb8;
	[tilespmem:$0x1E800] =	vst v63  }
0x290: {  	_ =	swait.ge [sflag:s26], $0x2000  }
0x291: {  	[sflag:s26] =	ssyncset.done $0x0  }
0x292: {  	[sflag:s26] =	ssyncadd.s32 $0xFFFFE000  }
0x293: {  	[spmem:s2] =	stream.indirect.scatter.add.f32 [tilespmem:s17], [sflag:$0x5], $0x40, s7, s19, $0xb8;
	[tilespmem:$0x1E800] =	vst v63  }
0x294: {  	_ =	swait.ge [sflag:s28], $0x2000  }
0x295: {  	[sflag:s28] =	ssyncset.done $0x0  }
0x296: {  	[sflag:s28] =	ssyncadd.s32 $0xFFFFE000  }
0x297: {  	[spmem:s2] =	stream.indirect.scatter.add.f32 [tilespmem:s20], [sflag:$0x6], $0x40, s18, s19, $0xb8;
	[tilespmem:$0x1E800] =	vst v63  }
0x298: {  	_ =	swait.ge [sflag:s29], $0x2000  }
0x299: {  	[sflag:s29] =	ssyncset.done $0x0  }
0x29a: {  	[sflag:s29] =	ssyncadd.s32 $0xFFFFE000  }
0x29b: {  	[spmem:s2] =	stream.indirect.scatter.add.f32 [tilespmem:s22], [sflag:$0x7], $0x40, s21, s19, $0xb8;
	[tilespmem:$0x1E800] =	vst v63  }
0x29c: {  	_ =	swait.ge [sflag:s30], $0x2000  }
0x29d: {  	[sflag:s30] =	ssyncset.done $0x0  }
0x29e: {  	[sflag:s30] =	ssyncadd.s32 $0xFFFFE000  }
0x29f: {  	[spmem:s2] =	stream.indirect.scatter.add.f32 [tilespmem:s25], [sflag:$0x8], $0x40, s23, s19, $0xb8;
	[tilespmem:$0x1E800] =	vst v63  }
0x2a0: {  	_ =	swait.ge [sflag:s31], $0x2000  }
0x2a1: {  	[sflag:s31] =	ssyncset.done $0x0  }
0x2a2: {  	[sflag:s31] =	ssyncadd.s32 $0xFFFFE000  }
0x2a3: {  	[tilespmem:s17], [sflag:$0x1] =	stream.indirect.gather [spmem:s1], $0x40, s6, s19, $0xb8;
	[tilespmem:$0x1E800] =	vst v63  }
0x2a4: {  	_ =	swait.ge [sflag:s0], $0x2000  }
0x2a5: {  	[sflag:s0] =	ssyncset.done $0x0  }
0x2a6: {  	[sflag:s0] =	ssyncadd.s32 $0xFFFFE000  }
0x2a7: {  	[tilespmem:s20], [sflag:$0x2] =	stream.indirect.gather [spmem:s1], $0x40, s6, s19, $0xb8;
	[tilespmem:$0x1E800] =	vst v63  }
0x2a8: {  	_ =	swait.ge [sflag:s3], $0x2000  }
0x2a9: {  	[sflag:s3] =	ssyncset.done $0x0  }
0x2aa: {  	[sflag:s3] =	ssyncadd.s32 $0xFFFFE000  }
0x2ab: {  	[tilespmem:s22], [sflag:$0x3] =	stream.indirect.gather [spmem:s1], $0x40, s6, s19, $0xb8;
	[tilespmem:$0x1E800] =	vst v63  }
0x2ac: {  	_ =	swait.ge [sflag:s5], $0x2000  }
0x2ad: {  	[sflag:s5] =	ssyncset.done $0x0  }
0x2ae: {  	[sflag:s5] =	ssyncadd.s32 $0xFFFFE000  }
0x2af: {  	[tilespmem:s25], [sflag:$0x4] =	stream.indirect.gather [spmem:s1], $0x40, s6, s19, $0xb8;
	[tilespmem:$0x1E800] =	vst v63  }
0x2b0: {  	_ =	swait.ge [sflag:s26], $0x2000  }
0x2b1: {  	[sflag:s26] =	ssyncset.done $0x0  }
0x2b2: {  	[sflag:s26] =	ssyncadd.s32 $0xFFFFE000  }
0x2b3: {  	_ =	swait.ge [sflag:s28], $0x2000  }
0x2b4: {  	[sflag:s28] =	ssyncset.done $0x0  }
0x2b5: {  	[sflag:s28] =	ssyncadd.s32 $0xFFFFE000  }
0x2b6: {  	_ =	swait.ge [sflag:s29], $0x2000  }
0x2b7: {  	[sflag:s29] =	ssyncset.done $0x0  }
0x2b8: {  	[sflag:s29] =	ssyncadd.s32 $0xFFFFE000  }
0x2b9: {  	_ =	swait.ge [sflag:s30], $0x2000  }
0x2ba: {  	[sflag:s30] =	ssyncset.done $0x0  }
0x2bb: {  	[sflag:s30] =	ssyncadd.s32 $0xFFFFE000  }
0x2bc: {  	[bflag:$0x0] =	sbarrier.arrive $0xFFFF  }
0x2bd: {  	s10 =	rddreg [dreg:$0x7]  }
0x2be: {  	s8 =	sshrl.u32 s10, $0x3;
	s10 =	rddreg [dreg:$0xe]  }
0x2bf: {  	[hbm:s10], [sflag:s11] =	dma.local [spmem:s8], $0x1400  }
0x2c0: {  	_ =	swait.ge [sflag:s16], $0x1400  }
0x2c1: {  	s4 =	sadd.s32 $0x1, s4;
	s9 =	smov.u32 s11;
	s11 =	rddreg [dreg:$0xc]  }
0x2c2: {  	p0 =	sne.s32 s4, s11  }
.Ltmp8:
0x2c3: {  	_ = 	snop;
	(pc) =	sbr.rel @p0 .LBB2_1-.Ltmp8, $3  }
0x2c4: {  	_ =	sdelay $0x1  }
0x2c5: {  	[sflag:s16] =	ssyncset.done $0x0  }
0x2c6: {  	[sflag:s16] =	ssyncadd.s32 $0xFFFFEC00  }
0x2c7: {  	_ =	sfence.sel $0x180000  }
0x2c8: {  	[bflag:$0x0] =	sbarrier.arrive $0xFFFF  }
0x2c9: {  	_ =	strace $0x9000004A  }
0x2ca: {  	s0 =	stileid.u32;
	[bflag:$0x2] =	sbarrier.arrive $0xFFFF  }
0x2cb: {  	p0 =	sne.s32 s0, $0x0;
	s0 =	rddreg [dreg:$0x5]  }
0x2cc: {  	s0 =	sadd.s32 @!p0 $0x100000, s0  }
0x2cd: {  	[sflag:s0] =	ssyncadd.tile.s32 @!p0 $0x1;
	_ =	shalt  }
.Lfunc_end2:
_tile_overlayer_lowered:
.L_overlay_start_2:
0x2ce: {  	(tag) =	ssettag $0x2  }
0x2cf: {  	s0 =	rddreg [dreg:$0x0];
	s2 =	stileid.u32  }
0x2d0: {  	s1 =	rddreg [dreg:$0x1];
	p0 =	sne.s32 s2, $0x0  }
0x2d1: {  	s3 =	rddreg [dreg:$0x2];
	[bflag:$0x3] =	sbarrier.arrive $0xFFFF;
	s2 =	simm.s32 @!p0 $0x1C09  }
0x2d2: {  	[timem:s3], [sflag:s2] =	dma.local @!p0 [hbm:s0], s1  }
0x2d3: {  	s0 =	simm.s32 @!p0 $0x9  }
0x2d4: {  	_ =	swait.ge @!p0 [sflag:s0], s1  }
0x2d5: {  	s1 =	ssub.s32 @!p0 $0x0, s1;
	[sflag:s0] =	ssyncset.done @!p0 $0x0  }
0x2d6: {  	[sflag:s0] =	ssyncadd.s32 @!p0 s1  }
0x2d7: {  	[bflag:$0x3] =	sbarrier.arrive $0xFFFF  }
0x2d8: {  	_ =	shalt  }

// kernel: kernel.15.cloned.1.call-start
scs
__scs_entry_jumppad:
0x0: {  	(pc) =	sbr.rel $0x88, $3  }
0x1: {  	(tag) =	ssettag $0x0;
	lr =	simm.s32 $0x1  }
0x2: {  	[smem:$0x3F99] =	sst lr;
	_ =	strace $0xD0000000  }
0x3: {  	_ = 	snop  }
0x4: {  	_ = 	snop  }
0x5: {  	_ = 	snop  }
0x6: {  	_ = 	snop  }
0x7: {  	_ = 	snop  }
__scs_overlays_trampoline_lowered:
0x8: {  	[smem:$0x3FA8] =	sst s0  }
0x9: {  	[smem:$0x3FA9] =	sst s1  }
0xa: {  	[smem:$0x3FAA] =	sst s2  }
0xb: {  	[smem:$0x3FAB] =	sst s3  }
0xc: {  	[smem:$0x3FAC] =	sst s4  }
0xd: {  	[smem:$0x3FAD] =	sst s5  }
0xe: {  	[smem:$0x3FAE] =	sst s6  }
0xf: {  	[smem:$0x3FAF] =	sst s7  }
0x10: {  	[smem:$0x3FB0] =	sst s8  }
0x11: {  	[smem:$0x3FB1] =	sst s9;
	s0 =	simm.s32 @!p0 $0x0  }
0x12: {  	s1 =	sld [smem:$0x3F97];
	s0 =	simm.s32 @p0 $0x1  }
0x13: {  	[smem:$0x3FB2] =	sst s0;
	s0 =	simm.s32 @!p1 $0x0  }
0x14: {  	s2 =	sld [smem:$0x3F96];
	s0 =	simm.s32 @p1 $0x1  }
0x15: {  	[smem:$0x3FB3] =	sst s0;
	s0 =	simm.s32 @!p2 $0x0  }
0x16: {  	s3 =	sld [smem:$0x3FDB];
	s0 =	simm.s32 @p2 $0x1  }
0x17: {  	s4 =	simm.s32 $0x1BF5;
	[smem:$0x3FB5] =	sst s0  }
0x18: {  	s0 =	sld [smem:$0x3F98];
	_ =	swait.ge [sflag:s4], $0x0  }
0x19: {  	s7 =	sld [smem:$0x3F99]  }
0x1a: {  	s8 =	sadd.s32 $0xFFFFE003, lr  }
0x1b: {  	s9 =	sadd.s32 $0xFFFFFEF7, lr;
	s5 =	simm.s32 $0xFFFFFFFF;
	p2 =	slt.u32 s8, $0xFFFFF086  }
0x1c: {  	p1 =	slt.u32 s9, $0xF7A;
	s5 =	simm.s32 @!p2 $0x0  }
0x1d: {  	s5 =	simm.s32 @p1 $0x1;
	p0 =	seq.s32 s7, s2  }
0x1e: {  	s7 =	smul.u32 @!p0 $0xF7A, s2;
	p2 =	seq.s32 @!p0 s5, $0x0  }
0x1f: {  	s9 =	smul.u32 $0xF7A, s1;
	s8 =	simm.s32 @!p0 $0x1BF5;
	p2 =	por !p2, p0  }
0x20: {  	[sflag:s8] =	ssyncset.s32 @!p0 $0xFFFFF086;
	s6 =	sadd.s32 @!p0 s3, s7;
	s7 =	simm.s32 @!p0 $0x108  }
0x21: {  	s3 =	sadd.s32 s3, s9;
	s6 =	sadd.s32 @!p0 $0x88, s6;
	s7 =	simm.s32 @p2 $0x1082  }
0x22: {  	[simem:s7], [sflag:s8] =	dma.local @!p0 [hbm:s6], $0xF7A  }
0x23: {  	s9 =	sor.u32 $0xD0000000, s2;
	s6 =	simm.s32 $0x108;
	_ =	swait.ge @!p0 [sflag:s8], $0x0  }
0x24: {  	s3 =	sadd.s32 $0x88, s3;
	s6 =	simm.s32 @!p1 $0x1082;
	[sflag:s4] =	ssyncset.s32 $0xFFFFF086  }
0x25: {  	[simem:s6], [sflag:s4] =	dma.local [hbm:s3], $0xF7A  }
0x26: {  	[smem:$0x3F99] =	sst s1;
	(tag) =	ssettag s2;
	_ =	strace s9  }
0x27: {  	s1 =	sld [smem:$0x3FA9]  }
0x28: {  	s2 =	sld [smem:$0x3FAA]  }
0x29: {  	s4 =	sld [smem:$0x3FAC]  }
0x2a: {  	p0 =	seq.s32 s5, $0x0;
	s5 =	sld [smem:$0x3FAD]  }
0x2b: {  	s6 =	sld [smem:$0x3FAE]  }
0x2c: {  	s7 =	sld [smem:$0x3FAF]  }
0x2d: {  	s3 =	simm.s32 $0x108;
	s8 =	sld [smem:$0x3FB0]  }
0x2e: {  	s3 =	simm.s32 @!p0 $0x1082;
	s9 =	sld [smem:$0x3FB1]  }
0x2f: {  	lr =	sadd.s32 s0, s3;
	s0 =	sld [smem:$0x3FA8]  }
0x30: {  	s3 =	sld [smem:$0x3FAB]  }
0x31: {  	[smem:$0x3FB4] =	sst s10  }
0x32: {  	s10 =	sld [smem:$0x3FB2];
	_ =	sdelay $0x3  }
0x33: {  	p0 =	seq.s32 s10, $0x1;
	s10 =	sld [smem:$0x3FB4];
	_ =	sdelay $0x3  }
0x34: {  	[smem:$0x3FB4] =	sst s10  }
0x35: {  	s10 =	sld [smem:$0x3FB3];
	_ =	sdelay $0x3  }
0x36: {  	p1 =	seq.s32 s10, $0x1;
	s10 =	sld [smem:$0x3FB4];
	_ =	sdelay $0x3  }
0x37: {  	[smem:$0x3FB4] =	sst s10  }
0x38: {  	s10 =	sld [smem:$0x3FB5]  }
0x39: {  	_ = 	snop;
	(pc) =	sbr.ind lr, $3  }
0x3a: {  	_ = 	snop  }
0x3b: {  	_ = 	snop  }
0x3c: {  	p2 =	seq.s32 s10, $0x1;
	s10 =	sld [smem:$0x3FB4]  }
0x3d: {  	_ =	shalt  }
0x3e: {  	_ =	shalt  }
0x3f: {  	_ =	shalt  }
0x40: {  	_ =	shalt  }
0x41: {  	_ =	shalt  }
0x42: {  	_ =	shalt  }
0x43: {  	_ =	shalt  }
0x44: {  	_ =	shalt  }
0x45: {  	_ =	shalt  }
0x46: {  	_ =	shalt  }
0x47: {  	_ =	shalt  }
0x48: {  	_ =	shalt  }
0x49: {  	_ =	shalt  }
0x4a: {  	_ =	shalt  }
0x4b: {  	_ =	shalt  }
0x4c: {  	_ =	shalt  }
0x4d: {  	_ =	shalt  }
0x4e: {  	_ =	shalt  }
0x4f: {  	_ =	shalt  }
0x50: {  	_ =	shalt  }
0x51: {  	_ =	shalt  }
0x52: {  	_ =	shalt  }
0x53: {  	_ =	shalt  }
0x54: {  	_ =	shalt  }
0x55: {  	_ =	shalt  }
0x56: {  	_ =	shalt  }
0x57: {  	_ =	shalt  }
0x58: {  	_ =	shalt  }
0x59: {  	_ =	shalt  }
0x5a: {  	_ =	shalt  }
0x5b: {  	_ =	shalt  }
0x5c: {  	_ =	shalt  }
0x5d: {  	_ =	shalt  }
0x5e: {  	_ =	shalt  }
0x5f: {  	_ =	shalt  }
0x60: {  	_ =	shalt  }
0x61: {  	_ =	shalt  }
0x62: {  	_ =	shalt  }
0x63: {  	_ =	shalt  }
0x64: {  	_ =	shalt  }
0x65: {  	_ =	shalt  }
0x66: {  	_ =	shalt  }
0x67: {  	_ =	shalt  }
0x68: {  	_ =	shalt  }
0x69: {  	_ =	shalt  }
0x6a: {  	_ =	shalt  }
0x6b: {  	_ =	shalt  }
0x6c: {  	_ =	shalt  }
0x6d: {  	_ =	shalt  }
0x6e: {  	_ =	shalt  }
0x6f: {  	_ =	shalt  }
0x70: {  	_ =	shalt  }
0x71: {  	_ =	shalt  }
0x72: {  	_ =	shalt  }
0x73: {  	_ =	shalt  }
0x74: {  	_ =	shalt  }
0x75: {  	_ =	shalt  }
0x76: {  	_ =	shalt  }
0x77: {  	_ =	shalt  }
0x78: {  	_ =	shalt  }
0x79: {  	_ =	shalt  }
0x7a: {  	_ =	shalt  }
0x7b: {  	_ =	shalt  }
0x7c: {  	_ =	shalt  }
0x7d: {  	_ =	shalt  }
0x7e: {  	_ =	shalt  }
0x7f: {  	_ =	shalt  }
0x80: {  	_ =	shalt  }
0x81: {  	_ =	shalt  }
0x82: {  	_ =	shalt  }
0x83: {  	_ =	shalt  }
0x84: {  	_ =	shalt  }
0x85: {  	_ =	shalt  }
0x86: {  	_ =	shalt  }
0x87: {  	_ =	shalt  }
.Lfunc_end0:
.L_simem_size_0:
called_computation.2_lowered:
.L_overlay_start_0:
0x88: {  	s2 =	sld [smem:$0x3FD9]  }
0x89: {  	s3 =	sld [smem:$0x3FFE];
	_ =	sdelay $0x1  }
0x8a: {  	s1 =	srdreg.scid  }
0x8b: {  	s0 =	sand.u32 $0x1, s1  }
0x8c: {  	s14 =	sshll.u32 s0, $0xA;
	s2 =	sadd.s32 s3, s2  }
0x8d: {  	s2 =	sadd.s32 s2, s14  }
0x8e: {  	[smem:$0x3FC0] =	sst s2  }
0x8f: {  	_ = 	snop  }
0x90: {  	s2 =	sld [smem:$0x3FD0];
	_ =	sdelay $0x2  }
0x91: {  	s15 =	simm.s32 $0xA;
	s4 =	simm.s32 $0x10  }
0x92: {  	[smem:s4], [sflag:s15] =	dma.local [hbm:s2], $0x1  }
0x93: {  	_ =	swait.eq [sflag:s15], $0x1  }
0x94: {  	[sflag:s15] =	ssyncset.done $0x0  }
0x95: {  	s16 =	sld [smem:$0x10];
	[sflag:s15] =	ssyncadd.s32 $0xFFFFFFFF  }
0x96: {  	s17 =	sld [smem:$0x12];
	(tm) =	ssettm $0x1  }
0x97: {  	s18 =	sld [smem:$0x3FFB];
	_ =	sdelay $0x3  }
0x98: {  	_ =	strace s18  }
0x99: {  	s4 =	sld [smem:$0x3FFC];
	_ =	sdelay $0x3  }
0x9a: {  	_ =	strace s4  }
0x9b: {  	s4 =	sld [smem:$0x3FFD];
	_ =	sdelay $0x3  }
0x9c: {  	_ =	strace s4  }
0x9d: {  	_ =	strace $0x8FFFFFFF  }
0x9e: {  	s19 =	sld [smem:$0x3FDB];
	_ =	sdelay $0x1  }
0x9f: {  	s5 =	simm.s32 $_scs_section_size  }
0xa0: {  	s6 =	simm.s32 $_size__tile_overlayer_lowered;
	s7 =	simm.s32 $_tile_overlayer_lowered  }
0xa1: {  	s22 =	simm.s32 $0x1BFF;
	s21 =	sshll.u32 s7, $0x1;
	s4 =	sadd.s32 s5, s19  }
0xa2: {  	s8 =	simm.s32 $0x0;
	s20 =	sshll.u32 s6, $0x1;
	s6 =	sadd.s32 s21, s4  }
0xa3: {  	[timem:s8], [sflag:s22] =	dma.local [hbm:s6], s20  }
0xa4: {  	_ =	swait.ge [sflag:s22], s20  }
0xa5: {  	s5 =	ssub.s32 $0x0, s20;
	[sflag:s22] =	ssyncset.done $0x0  }
0xa6: {  	[sflag:s22] =	ssyncadd.s32 s5;
	_ =	sdelay $0x1  }
0xa7: {  	s23 =	simm.s32 $0x1B8B  }
0xa8: {  	_ =	swait.ge [sflag:s23], $0x1  }
0xa9: {  	[sflag:s23] =	ssyncset.done $0x0  }
0xaa: {  	s25 =	simm.s32 $0x1B8E;
	s24 =	sld [smem:$0x3FFE];
	[sflag:s23] =	ssyncadd.s32 $0xFFFFFFFF  }
0xab: {  	s26 =	simm.s32 $execute0_lowered;
	[smem:$0x3FD2] =	sst s25  }
0xac: {  	s6 =	sshll.u32 s26, $0x1;
	_ =	strace $0x8000004C;
	[dreg:$0x1] =	wrdreg $0xFFFFFFFF  }
0xad: {  	s28 =	simm.s32 $_size_execute0_lowered;
	s4 =	sadd.s32 s4, s6;
	[dreg:$0x0] =	wrdreg $0x0  }
0xae: {  	s6 =	sshll.u32 s28, $0x1;
	[dreg:$0x2] =	wrdreg s4  }
0xaf: {  	[dreg:$0x3] =	wrdreg s6  }
0xb0: {  	[dreg:$0x4] =	wrdreg $0xC0  }
0xb1: {  	_ =	task [dreg:s8], $0x5FFFF  }
0xb2: {  	[dreg:$0x1] =	wrdreg $0xFFFFFFFF  }
0xb3: {  	[dreg:$0x0] =	wrdreg $0x60  }
0xb4: {  	[dreg:$0x2] =	wrdreg s24  }
0xb5: {  	[dreg:$0x3] =	wrdreg s16  }
0xb6: {  	[dreg:$0x4] =	wrdreg s17  }
0xb7: {  	[dreg:$0x5] =	wrdreg $0xA8000  }
0xb8: {  	[dreg:$0x6] =	wrdreg $0x148000  }
0xb9: {  	[dreg:$0x7] =	wrdreg $0x9  }
0xba: {  	_ =	task.clear_ibuf [dreg:s8], $0x8FFFF;
	_ =	strace $0x9000004C  }
0xbb: {  	s29 =	simm.s32 $0x9;
	_ =	strace $0x8000004E  }
0xbc: {  	_ =	swait.ge [sflag:s29], $0x1  }
0xbd: {  	[sflag:s29] =	ssyncadd.s32 $0xFFFFFFFF  }
0xbe: {  	_ =	strace $0x9000004E  }
0xbf: {  	_ =	sfence  }
0xc0: {  	s30 =	sld [smem:$0x0];
	_ =	sdelay $0x2  }
0xc1: {  	s31 =	sshll.u32 s1, $0xD;
	s1 =	sshrl.u32 s1, $0x2  }
0xc2: {  	s3 =	sand.u32 $0x4000, s31;
	s1 =	sadd.s32 s1, s30  }
0xc3: {  	s0 =	sor.u32 s3, s0;
	s1 =	sshll.u32 s1, $0x11  }
0xc4: {  	s0 =	sor.u32 s1, s0  }
0xc5: {  	s0 =	sadd.s32 $0x8F2B, s0  }
0xc6: {  	[sflag:s0] =	ssyncadd.remote.s32 $0x1  }
0xc7: {  	_ =	sfence.sel $0xFFFF  }
0xc8: {  	[dreg:$0x0] =	wrdreg $0xFFFFFFFF;
	(pc) =	sbr.abs _section_cstart, $3  }
0xc9: {  	[dreg:$0x1] =	wrdreg $0xFFFFFFFF  }
0xca: {  	_ =	task.clear_ibuf [dreg:s8], $0x2FFFF;
	_ =	strace $0x9FFFFFFF  }
0xcb: {  	(tm) =	ssettm $0x7FFFFFFF  }
tec
execute0_lowered:
.L_overlay_start_1:
0x0: {  	(tag) =	ssettag $0x1  }
0x1: {  	s0 =	rddreg [dreg:$0x0]  }
0x2: {  	s3 =	rddreg [dreg:$0x1]  }
0x3: {  	s5 =	rddreg [dreg:$0x2]  }
0x4: {  	s1 =	rddreg [dreg:$0x3]  }
0x5: {  	s2 =	rddreg [dreg:$0x4]  }
0x6: {  	s4 =	srdreg.scid;
	s13 =	stileid.u32  }
0x7: {  	s16 =	simm.s32 $0x9;
	s28 =	simm.s32 $0x2;
	s29 =	simm.s32 $0x3  }
0x8: {  	s30 =	simm.s32 $0x4;
	s31 =	simm.s32 $0x5;
	s8 =	smul.u32 $0xA000, s13  }
0x9: {  	s14 =	simm.s32 $0x1200;
	s15 =	simm.s32 $0x1280;
	s9 =	smul.u32 $0x28000, s13  }
0xa: {  	s6 =	sand.u32 $0x1, s4;
	s4 =	simm.s32 $0x0;
	s21 =	smul.u32 $0xA00, s13  }
0xb: {  	s12 =	sshll.u32 s13, $0x6;
	s7 =	smul.u32 $0x14000, s6;
	[smem:$0x7FF] =	sst s4  }
0xc: {  	s6 =	ssub.s32 $0x2, s6;
	s19 =	sor.u32 $0x1C09, s12;
	_ =	strace $0x8000004D  }
0xd: {  	s17 =	sshrl.u32 s6, $0x1;
	s18 =	sshrl.u32 s8, $0x3;
	s10 =	sadd.s32 s8, s1  }
0xe: {  	s9 =	sshrl.u32 s9, $0x2;
	s8 =	sadd.s32 s8, s2;
	s12 =	sadd.s32 s3, s21  }
0xf: {  	s13 =	sadd.s32 s5, s21;
	s3 =	simm.s32 $0x7;
	s5 =	simm.s32 $0x8  }
0x10: {  	s21 =	simm.s32 $0x2700;
	s0 =	sadd.s32 s7, s0;
	s6 =	ssub.s32 s6, s17  }
0x11: {  	[dreg:$0x7] =	wrdreg s8;
	s20 =	sadd.s32 s9, s2;
	s9 =	smov.u32 s19  }
0x12: {  	s26 =	sshrl.u32 s10, $0x3;
	s17 =	simm.s32 $0x2800;
	s19 =	simm.s32 $0x80  }
0x13: {  	s7 =	simm.s32 $0x2600;
	s22 =	sadd.s32 $0x2000, s20;
	[dreg:$0xd] =	wrdreg s26  }
0x14: {  	s11 =	sadd.s32 s18, s0;
	s23 =	sadd.s32 $0x4000, s20;
	[dreg:$0x8] =	wrdreg s22  }
0x15: {  	s24 =	sadd.s32 $0x6000, s20;
	s8 =	sadd.s32 $0x8000, s20;
	[dreg:$0x9] =	wrdreg s23  }
0x16: {  	s0 =	sadd.s32 $0xA1E00, s0;
	s25 =	smax.u32 s6, $0x1;
	[dreg:$0xa] =	wrdreg s24  }
0x17: {  	s20 =	simm.s32 $0x4800;
	s26 =	simm.s32 $0x1;
	[dreg:$0xb] =	wrdreg s8  }
0x18: {  	s6 =	simm.s32 $0x1380;
	s11 =	sadd.s32 $0x79E00, s11;
	[dreg:$0xc] =	wrdreg s25  }
0x19: {  	s22 =	simm.s32 $0x6800;
	s0 =	sadd.s32 s18, s0;
	s25 =	simm.s32 $0x8800  }
0x1a: {  	s24 =	simm.s32 $0x1300;
	s18 =	simm.s32 $0x2680;
	[dreg:$0x6] =	wrdreg s11  }
0x1b: {  	v0 =	vimm.f32 $0.0e+00;
	s23 =	simm.s32 $0x2780;
	[dreg:$0xe] =	wrdreg s0;
	s0 =	simm.s32 $0x6  }
.LBB2_1:
0x1c: {  	s8 =	rddreg [dreg:$0x6]  }
0x1d: {  	s10 =	rddreg [dreg:$0xd]  }
0x1e: {  	[spmem:s10], [sflag:s9] =	dma.local [hbm:s8], $0x1400  }
0x1f: {  	_ =	swait.ge [sflag:s16], $0x1400  }
0x20: {  	s11 =	smov.u32 s9;
	[sflag:s16] =	ssyncset.done $0x0  }
0x21: {  	s8 =	simm.s32 $0x100;
	s9 =	simm.s32 $0x0;
	[sflag:s16] =	ssyncadd.s32 $0xFFFFEC00  }
.LBB2_2:
0x22: {  	p0 =	sne.s32 s8, $0x7F00;
	[tilespmem:s9+$0x2800] =	vst v0;
	s9 =	smov.u32 s8;
	s8 =	sadd.s32 $0x100, s8  }
.Ltmp0:
0x23: {  	(pc) =	sbr.rel @p0 .LBB2_2-.Ltmp0, $2  }
0x24: {  	_ =	sdelay $0x2  }
0x25: {  	s9 =	sshra.s32 s9, $0x2  }
0x26: {  	[tilespmem:s9+$0x2800] =	vst v0;
	s8 =	simm.s32 $0x0;
	s9 =	simm.s32 $0x100;
	s10 =	simm.s32 $0x0  }
.LBB2_4:
0x27: {  	p0 =	sne.s32 s9, $0x7F00;
	[tilespmem:s10+$0x2810] =	vst v0;
	s10 =	smov.u32 s9;
	s9 =	sadd.s32 $0x100, s9  }
.Ltmp1:
0x28: {  	(pc) =	sbr.rel @p0 .LBB2_4-.Ltmp1, $2  }
0x29: {  	_ =	sdelay $0x2  }
0x2a: {  	s10 =	sshra.s32 s10, $0x2  }
0x2b: {  	[tilespmem:s10+$0x2810] =	vst v0  }
.LBB2_6:
0x2c: {  	p0 =	sne.s32 s8, $0x7F00  }
.Ltmp2:
0x2d: {  	_ = 	snop;
	(pc) =	sbr.rel @p0 .LBB2_6-.Ltmp2, $3  }
0x2e: {  	_ =	sdelay $0x1  }
0x2f: {  	s9 =	sshra.s32 s8, $0x2  }
0x30: {  	s8 =	sadd.s32 $0x100, s8;
	[tilespmem:s9+$0x2820] =	vst v0  }
0x31: {  	s8 =	simm.s32 $0x100;
	s9 =	simm.s32 $0x0  }
.LBB2_8:
0x32: {  	p0 =	sne.s32 s8, $0x7F00;
	[tilespmem:s9+$0x2830] =	vst v0;
	s9 =	smov.u32 s8;
	s8 =	sadd.s32 $0x100, s8  }
.Ltmp3:
0x33: {  	(pc) =	sbr.rel @p0 .LBB2_8-.Ltmp3, $2  }
0x34: {  	_ =	sdelay $0x2  }
0x35: {  	s9 =	sshra.s32 s9, $0x2  }
0x36: {  	[tilespmem:s9+$0x2830] =	vst v0;
	s8 =	rddreg [dreg:$0x7]  }
0x37: {  	[spmem:s8] =	stream.linear.scatter [tilespmem:s17], [sflag:$0x9], $0x2000, $0x38;
	[tilespmem:$0x1E800] =	vst v63  }
0x38: {  	_ =	swait.ge [sflag:s16], $0x2000  }
0x39: {  	[sflag:s16] =	ssyncset.done $0x0  }
0x3a: {  	s10 =	rddreg [dreg:$0x8];
	[sflag:s16] =	ssyncadd.s32 $0xFFFFE000  }
0x3b: {  	[spmem:s10] =	stream.linear.scatter [tilespmem:s17], [sflag:$0x9], $0x2000, $0x38;
	[tilespmem:$0x1E800] =	vst v63  }
0x3c: {  	_ =	swait.ge [sflag:s16], $0x2000  }
0x3d: {  	[sflag:s16] =	ssyncset.done $0x0  }
0x3e: {  	s9 =	rddreg [dreg:$0x9];
	[sflag:s16] =	ssyncadd.s32 $0xFFFFE000  }
0x3f: {  	[spmem:s9] =	stream.linear.scatter [tilespmem:s17], [sflag:$0x9], $0x2000, $0x38;
	[tilespmem:$0x1E800] =	vst v63  }
0x40: {  	_ =	swait.ge [sflag:s16], $0x2000  }
0x41: {  	[sflag:s16] =	ssyncset.done $0x0  }
0x42: {  	s10 =	rddreg [dreg:$0xa];
	[sflag:s16] =	ssyncadd.s32 $0xFFFFE000  }
0x43: {  	[spmem:s10] =	stream.linear.scatter [tilespmem:s17], [sflag:$0x9], $0x2000, $0x38;
	[tilespmem:$0x1E800] =	vst v63  }
0x44: {  	_ =	swait.ge [sflag:s16], $0x2000  }
0x45: {  	[sflag:s16] =	ssyncset.done $0x0  }
0x46: {  	s9 =	rddreg [dreg:$0xb];
	[sflag:s16] =	ssyncadd.s32 $0xFFFFE000  }
0x47: {  	[spmem:s9] =	stream.linear.scatter [tilespmem:s17], [sflag:$0x9], $0x2000, $0x38;
	[tilespmem:$0x1E800] =	vst v63  }
0x48: {  	_ =	swait.ge [sflag:s16], $0x2000  }
0x49: {  	[sflag:s16] =	ssyncset.done $0x0  }
0x4a: {  	[sflag:s16] =	ssyncadd.s32 $0xFFFFE000  }
0x4b: {  	s8 =	simm.s32 $0x0;
	[bflag:$0x0] =	sbarrier.arrive $0xFFFF  }
0x4c: {  	[tilespmem:s8], [sflag:$0x9] =	stream.linear.gather [hbm4b:s12+s8], $0x1400, $0x38;
	[tilespmem:$0x1E800] =	vst v63  }
0x4d: {  	_ =	swait.ge [sflag:s16], $0x1400  }
0x4e: {  	[sflag:s16] =	ssyncset.done $0x0  }
0x4f: {  	s10 =	simm.s32 $0x1400;
	[sflag:s16] =	ssyncadd.s32 $0xFFFFEC00  }
0x50: {  	[tilespmem:s10], [sflag:$0x9] =	stream.linear.gather [hbm4b:s13+s8], $0x1400, $0x38;
	[tilespmem:$0x1E800] =	vst v63  }
0x51: {  	_ =	swait.ge [sflag:s16], $0x1400  }
0x52: {  	[sflag:s16] =	ssyncset.done $0x0  }
0x53: {  	[sflag:s16] =	ssyncadd.s32 $0xFFFFEC00  }
0x54: {  	[tilespmem:s17], [sflag:$0x1] =	stream.indirect.gather [spmem:s1], $0x40, s8, s19, $0xb8;
	[tilespmem:$0x1E800] =	vst v63  }
0x55: {  	_ = 	snop  }
0x56: {  	[tilespmem:s20], [sflag:$0x2] =	stream.indirect.gather [spmem:s1], $0x40, s19, s19, $0xb8;
	[tilespmem:$0x1E800] =	vst v63  }
0x57: {  	s10 =	simm.s32 $0x100  }
0x58: {  	[tilespmem:s22], [sflag:$0x3] =	stream.indirect.gather [spmem:s1], $0x40, s10, s19, $0xb8;
	[tilespmem:$0x1E800] =	vst v63  }
0x59: {  	s9 =	simm.s32 $0x180  }
0x5a: {  	[tilespmem:s25], [sflag:$0x4] =	stream.indirect.gather [spmem:s1], $0x40, s9, s19, $0xb8;
	[tilespmem:$0x1E800] =	vst v63  }
0x5b: {  	_ =	swait.ge [sflag:s26], $0x2000  }
0x5c: {  	[sflag:s26] =	ssyncset.done $0x0  }
0x5d: {  	s10 =	simm.s32 $0x1400;
	[sflag:s26] =	ssyncadd.s32 $0xFFFFE000  }
0x5e: {  	[spmem:s2] =	stream.indirect.scatter.add.f32 [tilespmem:s17], [sflag:$0x5], $0x40, s10, s19, $0xb8;
	[tilespmem:$0x1E800] =	vst v63  }
0x5f: {  	_ =	swait.ge [sflag:s28], $0x2000  }
0x60: {  	[sflag:s28] =	ssyncset.done $0x0  }
0x61: {  	s9 =	simm.s32 $0x1480;
	[sflag:s28] =	ssyncadd.s32 $0xFFFFE000  }
0x62: {  	[spmem:s2] =	stream.indirect.scatter.add.f32 [tilespmem:s20], [sflag:$0x6], $0x40, s9, s19, $0xb8;
	[tilespmem:$0x1E800] =	vst v63  }
0x63: {  	_ =	swait.ge [sflag:s29], $0x2000  }
0x64: {  	[sflag:s29] =	ssyncset.done $0x0  }
0x65: {  	s10 =	simm.s32 $0x1500;
	[sflag:s29] =	ssyncadd.s32 $0xFFFFE000  }
0x66: {  	[spmem:s2] =	stream.indirect.scatter.add.f32 [tilespmem:s22], [sflag:$0x7], $0x40, s10, s19, $0xb8;
	[tilespmem:$0x1E800] =	vst v63  }
0x67: {  	_ =	swait.ge [sflag:s30], $0x2000  }
0x68: {  	[sflag:s30] =	ssyncset.done $0x0  }
0x69: {  	s9 =	simm.s32 $0x1580;
	[sflag:s30] =	ssyncadd.s32 $0xFFFFE000  }
0x6a: {  	[spmem:s2] =	stream.indirect.scatter.add.f32 [tilespmem:s25], [sflag:$0x8], $0x40, s9, s19, $0xb8;
	[tilespmem:$0x1E800] =	vst v63  }
0x6b: {  	_ =	swait.ge [sflag:s31], $0x2000  }
0x6c: {  	[sflag:s31] =	ssyncset.done $0x0  }
0x6d: {  	s10 =	simm.s32 $0x200;
	[sflag:s31] =	ssyncadd.s32 $0xFFFFE000  }
0x6e: {  	[tilespmem:s17], [sflag:$0x1] =	stream.indirect.gather [spmem:s1], $0x40, s10, s19, $0xb8;
	[tilespmem:$0x1E800] =	vst v63  }
0x6f: {  	_ =	swait.ge [sflag:s0], $0x2000  }
0x70: {  	[sflag:s0] =	ssyncset.done $0x0  }
0x71: {  	s9 =	simm.s32 $0x280;
	[sflag:s0] =	ssyncadd.s32 $0xFFFFE000  }
0x72: {  	[tilespmem:s20], [sflag:$0x2] =	stream.indirect.gather [spmem:s1], $0x40, s9, s19, $0xb8;
	[tilespmem:$0x1E800] =	vst v63  }
0x73: {  	_ =	swait.ge [sflag:s3], $0x2000  }
0x74: {  	[sflag:s3] =	ssyncset.done $0x0  }
0x75: {  	s10 =	simm.s32 $0x300;
	[sflag:s3] =	ssyncadd.s32 $0xFFFFE000  }
0x76: {  	[tilespmem:s22], [sflag:$0x3] =	stream.indirect.gather [spmem:s1], $0x40, s10, s19, $0xb8;
	[tilespmem:$0x1E800] =	vst v63  }
0x77: {  	_ =	swait.ge [sflag:s5], $0x2000  }
0x78: {  	[sflag:s5] =	ssyncset.done $0x0  }
0x79: {  	s8 =	simm.s32 $0x800;
	s9 =	simm.s32 $0x380;
	[sflag:s5] =	ssyncadd.s32 $0xFFFFE000  }
.LBB2_10:
0x7a: {  	[tilespmem:s25], [sflag:$0x4] =	stream.indirect.gather [spmem:s1], $0x40, s9, s19, $0xb8;
	[tilespmem:$0x1E800] =	vst v63  }
0x7b: {  	s9 =	smov.u32 s8  }
0x7c: {  	p0 =	sne.s32 s8, $0x3800;
	s8 =	sadd.s32 $0x800, s8;
	_ =	swait.ge [sflag:s26], $0x2000  }
0x7d: {  	s9 =	sshra.s32 s9, $0x2;
	[sflag:s26] =	ssyncset.done $0x0  }
0x7e: {  	s10 =	sadd.s32 $0x1400, s9;
	[sflag:s26] =	ssyncadd.s32 $0xFFFFE000  }
0x7f: {  	[spmem:s2] =	stream.indirect.scatter.add.f32 [tilespmem:s17], [sflag:$0x5], $0x40, s10, s19, $0xb8;
	[tilespmem:$0x1E800] =	vst v63  }
0x80: {  	_ =	swait.ge [sflag:s28], $0x2000  }
0x81: {  	[sflag:s28] =	ssyncset.done $0x0  }
0x82: {  	s10 =	sadd.s32 $0x1480, s9;
	[sflag:s28] =	ssyncadd.s32 $0xFFFFE000  }
0x83: {  	[spmem:s2] =	stream.indirect.scatter.add.f32 [tilespmem:s20], [sflag:$0x6], $0x40, s10, s19, $0xb8;
	[tilespmem:$0x1E800] =	vst v63  }
0x84: {  	_ =	swait.ge [sflag:s29], $0x2000  }
0x85: {  	[sflag:s29] =	ssyncset.done $0x0  }
0x86: {  	s10 =	sadd.s32 $0x1500, s9;
	[sflag:s29] =	ssyncadd.s32 $0xFFFFE000  }
0x87: {  	[spmem:s2] =	stream.indirect.scatter.add.f32 [tilespmem:s22], [sflag:$0x7], $0x40, s10, s19, $0xb8;
	[tilespmem:$0x1E800] =	vst v63  }
0x88: {  	_ =	swait.ge [sflag:s30], $0x2000  }
0x89: {  	[sflag:s30] =	ssyncset.done $0x0  }
0x8a: {  	s10 =	sadd.s32 $0x1580, s9;
	[sflag:s30] =	ssyncadd.s32 $0xFFFFE000  }
0x8b: {  	[spmem:s2] =	stream.indirect.scatter.add.f32 [tilespmem:s25], [sflag:$0x8], $0x40, s10, s19, $0xb8;
	[tilespmem:$0x1E800] =	vst v63  }
0x8c: {  	_ =	swait.ge [sflag:s31], $0x2000  }
0x8d: {  	[sflag:s31] =	ssyncset.done $0x0  }
0x8e: {  	s10 =	sadd.s32 $0x200, s9;
	[sflag:s31] =	ssyncadd.s32 $0xFFFFE000  }
0x8f: {  	[tilespmem:s17], [sflag:$0x1] =	stream.indirect.gather [spmem:s1], $0x40, s10, s19, $0xb8;
	[tilespmem:$0x1E800] =	vst v63  }
0x90: {  	_ =	swait.ge [sflag:s0], $0x2000  }
0x91: {  	[sflag:s0] =	ssyncset.done $0x0  }
0x92: {  	s10 =	sadd.s32 $0x280, s9;
	[sflag:s0] =	ssyncadd.s32 $0xFFFFE000  }
0x93: {  	[tilespmem:s20], [sflag:$0x2] =	stream.indirect.gather [spmem:s1], $0x40, s10, s19, $0xb8;
	[tilespmem:$0x1E800] =	vst v63  }
0x94: {  	_ =	swait.ge [sflag:s3], $0x2000  }
0x95: {  	[sflag:s3] =	ssyncset.done $0x0  }
.Ltmp4:
0x96: {  	s10 =	sadd.s32 $0x300, s9;
	[sflag:s3] =	ssyncadd.s32 $0xFFFFE000;
	(pc) =	sbr.rel @p0 .LBB2_10-.Ltmp4, $4  }
0x97: {  	[tilespmem:s22], [sflag:$0x3] =	stream.indirect.gather [spmem:s1], $0x40, s10, s19, $0xb8;
	[tilespmem:$0x1E800] =	vst v63  }
0x98: {  	_ =	swait.ge [sflag:s5], $0x2000  }
0x99: {  	[sflag:s5] =	ssyncset.done $0x0  }
0x9a: {  	s9 =	sadd.s32 $0x380, s9;
	[sflag:s5] =	ssyncadd.s32 $0xFFFFE000  }
0x9b: {  	[tilespmem:s25], [sflag:$0x4] =	stream.indirect.gather [spmem:s1], $0x40, s9, s19, $0xb8;
	[tilespmem:$0x1E800] =	vst v63  }
0x9c: {  	_ =	swait.ge [sflag:s26], $0x2000  }
0x9d: {  	[sflag:s26] =	ssyncset.done $0x0  }
0x9e: {  	s8 =	simm.s32 $0x2400;
	[sflag:s26] =	ssyncadd.s32 $0xFFFFE000  }
0x9f: {  	[spmem:s2] =	stream.indirect.scatter.add.f32 [tilespmem:s17], [sflag:$0x5], $0x40, s8, s19, $0xb8;
	[tilespmem:$0x1E800] =	vst v63  }
0xa0: {  	_ =	swait.ge [sflag:s28], $0x2000  }
0xa1: {  	[sflag:s28] =	ssyncset.done $0x0  }
0xa2: {  	s9 =	simm.s32 $0x2480;
	[sflag:s28] =	ssyncadd.s32 $0xFFFFE000  }
0xa3: {  	[spmem:s2] =	stream.indirect.scatter.add.f32 [tilespmem:s20], [sflag:$0x6], $0x40, s9, s19, $0xb8;
	[tilespmem:$0x1E800] =	vst v63  }
0xa4: {  	_ =	swait.ge [sflag:s29], $0x2000  }
0xa5: {  	[sflag:s29] =	ssyncset.done $0x0  }
0xa6: {  	s10 =	simm.s32 $0x2500;
	[sflag:s29] =	ssyncadd.s32 $0xFFFFE000  }
0xa7: {  	[spmem:s2] =	stream.indirect.scatter.add.f32 [tilespmem:s22], [sflag:$0x7], $0x40, s10, s19, $0xb8;
	[tilespmem:$0x1E800] =	vst v63  }
0xa8: {  	_ =	swait.ge [sflag:s30], $0x2000  }
0xa9: {  	[sflag:s30] =	ssyncset.done $0x0  }
0xaa: {  	s9 =	simm.s32 $0x2580;
	[sflag:s30] =	ssyncadd.s32 $0xFFFFE000  }
0xab: {  	[spmem:s2] =	stream.indirect.scatter.add.f32 [tilespmem:s25], [sflag:$0x8], $0x40, s9, s19, $0xb8;
	[tilespmem:$0x1E800] =	vst v63  }
0xac: {  	_ =	swait.ge [sflag:s31], $0x2000  }
0xad: {  	[sflag:s31] =	ssyncset.done $0x0  }
0xae: {  	[sflag:s31] =	ssyncadd.s32 $0xFFFFE000  }
0xaf: {  	[tilespmem:s17], [sflag:$0x1] =	stream.indirect.gather [spmem:s1], $0x40, s14, s19, $0xb8;
	[tilespmem:$0x1E800] =	vst v63  }
0xb0: {  	_ =	swait.ge [sflag:s0], $0x2000  }
0xb1: {  	[sflag:s0] =	ssyncset.done $0x0  }
0xb2: {  	[sflag:s0] =	ssyncadd.s32 $0xFFFFE000  }
0xb3: {  	[tilespmem:s20], [sflag:$0x2] =	stream.indirect.gather [spmem:s1], $0x40, s15, s19, $0xb8;
	[tilespmem:$0x1E800] =	vst v63  }
0xb4: {  	_ =	swait.ge [sflag:s3], $0x2000  }
0xb5: {  	[sflag:s3] =	ssyncset.done $0x0  }
0xb6: {  	[sflag:s3] =	ssyncadd.s32 $0xFFFFE000  }
0xb7: {  	[tilespmem:s22], [sflag:$0x3] =	stream.indirect.gather [spmem:s1], $0x40, s24, s19, $0xb8;
	[tilespmem:$0x1E800] =	vst v63  }
0xb8: {  	_ =	swait.ge [sflag:s5], $0x2000  }
0xb9: {  	[sflag:s5] =	ssyncset.done $0x0  }
0xba: {  	[sflag:s5] =	ssyncadd.s32 $0xFFFFE000  }
0xbb: {  	[tilespmem:s25], [sflag:$0x4] =	stream.indirect.gather [spmem:s1], $0x40, s6, s19, $0xb8;
	[tilespmem:$0x1E800] =	vst v63  }
0xbc: {  	_ =	swait.ge [sflag:s26], $0x2000  }
0xbd: {  	[sflag:s26] =	ssyncset.done $0x0  }
0xbe: {  	[sflag:s26] =	ssyncadd.s32 $0xFFFFE000  }
0xbf: {  	[spmem:s2] =	stream.indirect.scatter.add.f32 [tilespmem:s17], [sflag:$0x5], $0x40, s7, s19, $0xb8;
	[tilespmem:$0x1E800] =	vst v63  }
0xc0: {  	_ =	swait.ge [sflag:s28], $0x2000  }
0xc1: {  	[sflag:s28] =	ssyncset.done $0x0  }
0xc2: {  	[sflag:s28] =	ssyncadd.s32 $0xFFFFE000  }
0xc3: {  	[spmem:s2] =	stream.indirect.scatter.add.f32 [tilespmem:s20], [sflag:$0x6], $0x40, s18, s19, $0xb8;
	[tilespmem:$0x1E800] =	vst v63  }
0xc4: {  	_ =	swait.ge [sflag:s29], $0x2000  }
0xc5: {  	[sflag:s29] =	ssyncset.done $0x0  }
0xc6: {  	[sflag:s29] =	ssyncadd.s32 $0xFFFFE000  }
0xc7: {  	[spmem:s2] =	stream.indirect.scatter.add.f32 [tilespmem:s22], [sflag:$0x7], $0x40, s21, s19, $0xb8;
	[tilespmem:$0x1E800] =	vst v63  }
0xc8: {  	_ =	swait.ge [sflag:s30], $0x2000  }
0xc9: {  	[sflag:s30] =	ssyncset.done $0x0  }
0xca: {  	[sflag:s30] =	ssyncadd.s32 $0xFFFFE000  }
0xcb: {  	[spmem:s2] =	stream.indirect.scatter.add.f32 [tilespmem:s25], [sflag:$0x8], $0x40, s23, s19, $0xb8;
	[tilespmem:$0x1E800] =	vst v63  }
0xcc: {  	_ =	swait.ge [sflag:s31], $0x2000  }
0xcd: {  	[sflag:s31] =	ssyncset.done $0x0  }
0xce: {  	[sflag:s31] =	ssyncadd.s32 $0xFFFFE000  }
0xcf: {  	[tilespmem:s17], [sflag:$0x1] =	stream.indirect.gather [spmem:s1], $0x40, s6, s19, $0xb8;
	[tilespmem:$0x1E800] =	vst v63  }
0xd0: {  	_ =	swait.ge [sflag:s0], $0x2000  }
0xd1: {  	[sflag:s0] =	ssyncset.done $0x0  }
0xd2: {  	[sflag:s0] =	ssyncadd.s32 $0xFFFFE000  }
0xd3: {  	[tilespmem:s20], [sflag:$0x2] =	stream.indirect.gather [spmem:s1], $0x40, s6, s19, $0xb8;
	[tilespmem:$0x1E800] =	vst v63  }
0xd4: {  	_ =	swait.ge [sflag:s3], $0x2000  }
0xd5: {  	[sflag:s3] =	ssyncset.done $0x0  }
0xd6: {  	[sflag:s3] =	ssyncadd.s32 $0xFFFFE000  }
0xd7: {  	[tilespmem:s22], [sflag:$0x3] =	stream.indirect.gather [spmem:s1], $0x40, s6, s19, $0xb8;
	[tilespmem:$0x1E800] =	vst v63  }
0xd8: {  	_ =	swait.ge [sflag:s5], $0x2000  }
0xd9: {  	[sflag:s5] =	ssyncset.done $0x0  }
0xda: {  	[sflag:s5] =	ssyncadd.s32 $0xFFFFE000  }
0xdb: {  	[tilespmem:s25], [sflag:$0x4] =	stream.indirect.gather [spmem:s1], $0x40, s6, s19, $0xb8;
	[tilespmem:$0x1E800] =	vst v63  }
0xdc: {  	_ =	swait.ge [sflag:s26], $0x2000  }
0xdd: {  	[sflag:s26] =	ssyncset.done $0x0  }
0xde: {  	[sflag:s26] =	ssyncadd.s32 $0xFFFFE000  }
0xdf: {  	_ =	swait.ge [sflag:s28], $0x2000  }
0xe0: {  	[sflag:s28] =	ssyncset.done $0x0  }
0xe1: {  	[sflag:s28] =	ssyncadd.s32 $0xFFFFE000  }
0xe2: {  	_ =	swait.ge [sflag:s29], $0x2000  }
0xe3: {  	[sflag:s29] =	ssyncset.done $0x0  }
0xe4: {  	[sflag:s29] =	ssyncadd.s32 $0xFFFFE000  }
0xe5: {  	_ =	swait.ge [sflag:s30], $0x2000  }
0xe6: {  	[sflag:s30] =	ssyncset.done $0x0  }
0xe7: {  	s10 =	sadd.s32 $0x280, s12;
	s9 =	simm.s32 $0x0;
	[sflag:s30] =	ssyncadd.s32 $0xFFFFE000  }
0xe8: {  	[tilespmem:s9], [sflag:$0x9] =	stream.linear.gather [hbm4b:s10+s9], $0x1400, $0x38;
	[tilespmem:$0x1E800] =	vst v63  }
0xe9: {  	_ =	swait.ge [sflag:s16], $0x1400  }
0xea: {  	[sflag:s16] =	ssyncset.done $0x0  }
0xeb: {  	s8 =	sadd.s32 $0x280, s13;
	s10 =	simm.s32 $0x1400;
	[sflag:s16] =	ssyncadd.s32 $0xFFFFEC00  }
0xec: {  	[tilespmem:s10], [sflag:$0x9] =	stream.linear.gather [hbm4b:s8+s9], $0x1400, $0x38;
	[tilespmem:$0x1E800] =	vst v63  }
0xed: {  	_ =	swait.ge [sflag:s16], $0x1400  }
0xee: {  	[sflag:s16] =	ssyncset.done $0x0  }
0xef: {  	[sflag:s16] =	ssyncadd.s32 $0xFFFFEC00  }
0xf0: {  	[tilespmem:s17], [sflag:$0x1] =	stream.indirect.gather [spmem:s1], $0x40, s9, s19, $0xb8;
	[tilespmem:$0x1E800] =	vst v63  }
0xf1: {  	_ = 	snop  }
0xf2: {  	[tilespmem:s20], [sflag:$0x2] =	stream.indirect.gather [spmem:s1], $0x40, s19, s19, $0xb8;
	[tilespmem:$0x1E800] =	vst v63  }
0xf3: {  	s10 =	simm.s32 $0x100  }
0xf4: {  	[tilespmem:s22], [sflag:$0x3] =	stream.indirect.gather [spmem:s1], $0x40, s10, s19, $0xb8;
	[tilespmem:$0x1E800] =	vst v63  }
0xf5: {  	s9 =	simm.s32 $0x180  }
0xf6: {  	[tilespmem:s25], [sflag:$0x4] =	stream.indirect.gather [spmem:s1], $0x40, s9, s19, $0xb8;
	[tilespmem:$0x1E800] =	vst v63  }
0xf7: {  	_ =	swait.ge [sflag:s26], $0x2000  }
0xf8: {  	[sflag:s26] =	ssyncset.done $0x0  }
0xf9: {  	s10 =	simm.s32 $0x1400;
	[sflag:s26] =	ssyncadd.s32 $0xFFFFE000  }
0xfa: {  	[spmem:s2] =	stream.indirect.scatter.add.f32 [tilespmem:s17], [sflag:$0x5], $0x40, s10, s19, $0xb8;
	[tilespmem:$0x1E800] =	vst v63  }
0xfb: {  	_ =	swait.ge [sflag:s28], $0x2000  }
0xfc: {  	[sflag:s28] =	ssyncset.done $0x0  }
0xfd: {  	s9 =	simm.s32 $0x1480;
	[sflag:s28] =	ssyncadd.s32 $0xFFFFE000  }
0xfe: {  	[spmem:s2] =	stream.indirect.scatter.add.f32 [tilespmem:s20], [sflag:$0x6], $0x40, s9, s19, $0xb8;
	[tilespmem:$0x1E800] =	vst v63  }
0xff: {  	_ =	swait.ge [sflag:s29], $0x2000  }
0x100: {  	[sflag:s29] =	ssyncset.done $0x0  }
0x101: {  	s10 =	simm.s32 $0x1500;
	[sflag:s29] =	ssyncadd.s32 $0xFFFFE000  }
0x102: {  	[spmem:s2] =	stream.indirect.scatter.add.f32 [tilespmem:s22], [sflag:$0x7], $0x40, s10, s19, $0xb8;
	[tilespmem:$0x1E800] =	vst v63  }
0x103: {  	_ =	swait.ge [sflag:s30], $0x2000  }
0x104: {  	[sflag:s30] =	ssyncset.done $0x0  }
0x105: {  	s9 =	simm.s32 $0x1580;
	[sflag:s30] =	ssyncadd.s32 $0xFFFFE000  }
0x106: {  	[spmem:s2] =	stream.indirect.scatter.add.f32 [tilespmem:s25], [sflag:$0x8], $0x40, s9, s19, $0xb8;
	[tilespmem:$0x1E800] =	vst v63  }
0x107: {  	_ =	swait.ge [sflag:s31], $0x2000  }
0x108: {  	[sflag:s31] =	ssyncset.done $0x0  }
0x109: {  	s10 =	simm.s32 $0x200;
	[sflag:s31] =	ssyncadd.s32 $0xFFFFE000  }
0x10a: {  	[tilespmem:s17], [sflag:$0x1] =	stream.indirect.gather [spmem:s1], $0x40, s10, s19, $0xb8;
	[tilespmem:$0x1E800] =	vst v63  }
0x10b: {  	_ =	swait.ge [sflag:s0], $0x2000  }
0x10c: {  	[sflag:s0] =	ssyncset.done $0x0  }
0x10d: {  	s9 =	simm.s32 $0x280;
	[sflag:s0] =	ssyncadd.s32 $0xFFFFE000  }
0x10e: {  	[tilespmem:s20], [sflag:$0x2] =	stream.indirect.gather [spmem:s1], $0x40, s9, s19, $0xb8;
	[tilespmem:$0x1E800] =	vst v63  }
0x10f: {  	_ =	swait.ge [sflag:s3], $0x2000  }
0x110: {  	[sflag:s3] =	ssyncset.done $0x0  }
0x111: {  	s10 =	simm.s32 $0x300;
	[sflag:s3] =	ssyncadd.s32 $0xFFFFE000  }
0x112: {  	[tilespmem:s22], [sflag:$0x3] =	stream.indirect.gather [spmem:s1], $0x40, s10, s19, $0xb8;
	[tilespmem:$0x1E800] =	vst v63  }
0x113: {  	_ =	swait.ge [sflag:s5], $0x2000  }
0x114: {  	[sflag:s5] =	ssyncset.done $0x0  }
0x115: {  	s8 =	simm.s32 $0x800;
	s9 =	simm.s32 $0x380;
	[sflag:s5] =	ssyncadd.s32 $0xFFFFE000  }
.LBB2_12:
0x116: {  	[tilespmem:s25], [sflag:$0x4] =	stream.indirect.gather [spmem:s1], $0x40, s9, s19, $0xb8;
	[tilespmem:$0x1E800] =	vst v63  }
0x117: {  	s9 =	smov.u32 s8  }
0x118: {  	p0 =	sne.s32 s8, $0x3800;
	s8 =	sadd.s32 $0x800, s8;
	_ =	swait.ge [sflag:s26], $0x2000  }
0x119: {  	s9 =	sshra.s32 s9, $0x2;
	[sflag:s26] =	ssyncset.done $0x0  }
0x11a: {  	s10 =	sadd.s32 $0x1400, s9;
	[sflag:s26] =	ssyncadd.s32 $0xFFFFE000  }
0x11b: {  	[spmem:s2] =	stream.indirect.scatter.add.f32 [tilespmem:s17], [sflag:$0x5], $0x40, s10, s19, $0xb8;
	[tilespmem:$0x1E800] =	vst v63  }
0x11c: {  	_ =	swait.ge [sflag:s28], $0x2000  }
0x11d: {  	[sflag:s28] =	ssyncset.done $0x0  }
0x11e: {  	s10 =	sadd.s32 $0x1480, s9;
	[sflag:s28] =	ssyncadd.s32 $0xFFFFE000  }
0x11f: {  	[spmem:s2] =	stream.indirect.scatter.add.f32 [tilespmem:s20], [sflag:$0x6], $0x40, s10, s19, $0xb8;
	[tilespmem:$0x1E800] =	vst v63  }
0x120: {  	_ =	swait.ge [sflag:s29], $0x2000  }
0x121: {  	[sflag:s29] =	ssyncset.done $0x0  }
0x122: {  	s10 =	sadd.s32 $0x1500, s9;
	[sflag:s29] =	ssyncadd.s32 $0xFFFFE000  }
0x123: {  	[spmem:s2] =	stream.indirect.scatter.add.f32 [tilespmem:s22], [sflag:$0x7], $0x40, s10, s19, $0xb8;
	[tilespmem:$0x1E800] =	vst v63  }
0x124: {  	_ =	swait.ge [sflag:s30], $0x2000  }
0x125: {  	[sflag:s30] =	ssyncset.done $0x0  }
0x126: {  	s10 =	sadd.s32 $0x1580, s9;
	[sflag:s30] =	ssyncadd.s32 $0xFFFFE000  }
0x127: {  	[spmem:s2] =	stream.indirect.scatter.add.f32 [tilespmem:s25], [sflag:$0x8], $0x40, s10, s19, $0xb8;
	[tilespmem:$0x1E800] =	vst v63  }
0x128: {  	_ =	swait.ge [sflag:s31], $0x2000  }
0x129: {  	[sflag:s31] =	ssyncset.done $0x0  }
0x12a: {  	s10 =	sadd.s32 $0x200, s9;
	[sflag:s31] =	ssyncadd.s32 $0xFFFFE000  }
0x12b: {  	[tilespmem:s17], [sflag:$0x1] =	stream.indirect.gather [spmem:s1], $0x40, s10, s19, $0xb8;
	[tilespmem:$0x1E800] =	vst v63  }
0x12c: {  	_ =	swait.ge [sflag:s0], $0x2000  }
0x12d: {  	[sflag:s0] =	ssyncset.done $0x0  }
0x12e: {  	s10 =	sadd.s32 $0x280, s9;
	[sflag:s0] =	ssyncadd.s32 $0xFFFFE000  }
0x12f: {  	[tilespmem:s20], [sflag:$0x2] =	stream.indirect.gather [spmem:s1], $0x40, s10, s19, $0xb8;
	[tilespmem:$0x1E800] =	vst v63  }
0x130: {  	_ =	swait.ge [sflag:s3], $0x2000  }
0x131: {  	[sflag:s3] =	ssyncset.done $0x0  }
.Ltmp5:
0x132: {  	s10 =	sadd.s32 $0x300, s9;
	[sflag:s3] =	ssyncadd.s32 $0xFFFFE000;
	(pc) =	sbr.rel @p0 .LBB2_12-.Ltmp5, $4  }
0x133: {  	[tilespmem:s22], [sflag:$0x3] =	stream.indirect.gather [spmem:s1], $0x40, s10, s19, $0xb8;
	[tilespmem:$0x1E800] =	vst v63  }
0x134: {  	_ =	swait.ge [sflag:s5], $0x2000  }
0x135: {  	[sflag:s5] =	ssyncset.done $0x0  }
0x136: {  	s9 =	sadd.s32 $0x380, s9;
	[sflag:s5] =	ssyncadd.s32 $0xFFFFE000  }
0x137: {  	[tilespmem:s25], [sflag:$0x4] =	stream.indirect.gather [spmem:s1], $0x40, s9, s19, $0xb8;
	[tilespmem:$0x1E800] =	vst v63  }
0x138: {  	_ =	swait.ge [sflag:s26], $0x2000  }
0x139: {  	[sflag:s26] =	ssyncset.done $0x0  }
0x13a: {  	s8 =	simm.s32 $0x2400;
	[sflag:s26] =	ssyncadd.s32 $0xFFFFE000  }
0x13b: {  	[spmem:s2] =	stream.indirect.scatter.add.f32 [tilespmem:s17], [sflag:$0x5], $0x40, s8, s19, $0xb8;
	[tilespmem:$0x1E800] =	vst v63  }
0x13c: {  	_ =	swait.ge [sflag:s28], $0x2000  }
0x13d: {  	[sflag:s28] =	ssyncset.done $0x0  }
0x13e: {  	s9 =	simm.s32 $0x2480;
	[sflag:s28] =	ssyncadd.s32 $0xFFFFE000  }
0x13f: {  	[spmem:s2] =	stream.indirect.scatter.add.f32 [tilespmem:s20], [sflag:$0x6], $0x40, s9, s19, $0xb8;
	[tilespmem:$0x1E800] =	vst v63  }
0x140: {  	_ =	swait.ge [sflag:s29], $0x2000  }
0x141: {  	[sflag:s29] =	ssyncset.done $0x0  }
0x142: {  	s10 =	simm.s32 $0x2500;
	[sflag:s29] =	ssyncadd.s32 $0xFFFFE000  }
0x143: {  	[spmem:s2] =	stream.indirect.scatter.add.f32 [tilespmem:s22], [sflag:$0x7], $0x40, s10, s19, $0xb8;
	[tilespmem:$0x1E800] =	vst v63  }
0x144: {  	_ =	swait.ge [sflag:s30], $0x2000  }
0x145: {  	[sflag:s30] =	ssyncset.done $0x0  }
0x146: {  	s9 =	simm.s32 $0x2580;
	[sflag:s30] =	ssyncadd.s32 $0xFFFFE000  }
0x147: {  	[spmem:s2] =	stream.indirect.scatter.add.f32 [tilespmem:s25], [sflag:$0x8], $0x40, s9, s19, $0xb8;
	[tilespmem:$0x1E800] =	vst v63  }
0x148: {  	_ =	swait.ge [sflag:s31], $0x2000  }
0x149: {  	[sflag:s31] =	ssyncset.done $0x0  }
0x14a: {  	[sflag:s31] =	ssyncadd.s32 $0xFFFFE000  }
0x14b: {  	[tilespmem:s17], [sflag:$0x1] =	stream.indirect.gather [spmem:s1], $0x40, s14, s19, $0xb8;
	[tilespmem:$0x1E800] =	vst v63  }
0x14c: {  	_ =	swait.ge [sflag:s0], $0x2000  }
0x14d: {  	[sflag:s0] =	ssyncset.done $0x0  }
0x14e: {  	[sflag:s0] =	ssyncadd.s32 $0xFFFFE000  }
0x14f: {  	[tilespmem:s20], [sflag:$0x2] =	stream.indirect.gather [spmem:s1], $0x40, s15, s19, $0xb8;
	[tilespmem:$0x1E800] =	vst v63  }
0x150: {  	_ =	swait.ge [sflag:s3], $0x2000  }
0x151: {  	[sflag:s3] =	ssyncset.done $0x0  }
0x152: {  	[sflag:s3] =	ssyncadd.s32 $0xFFFFE000  }
0x153: {  	[tilespmem:s22], [sflag:$0x3] =	stream.indirect.gather [spmem:s1], $0x40, s24, s19, $0xb8;
	[tilespmem:$0x1E800] =	vst v63  }
0x154: {  	_ =	swait.ge [sflag:s5], $0x2000  }
0x155: {  	[sflag:s5] =	ssyncset.done $0x0  }
0x156: {  	[sflag:s5] =	ssyncadd.s32 $0xFFFFE000  }
0x157: {  	[tilespmem:s25], [sflag:$0x4] =	stream.indirect.gather [spmem:s1], $0x40, s6, s19, $0xb8;
	[tilespmem:$0x1E800] =	vst v63  }
0x158: {  	_ =	swait.ge [sflag:s26], $0x2000  }
0x159: {  	[sflag:s26] =	ssyncset.done $0x0  }
0x15a: {  	[sflag:s26] =	ssyncadd.s32 $0xFFFFE000  }
0x15b: {  	[spmem:s2] =	stream.indirect.scatter.add.f32 [tilespmem:s17], [sflag:$0x5], $0x40, s7, s19, $0xb8;
	[tilespmem:$0x1E800] =	vst v63  }
0x15c: {  	_ =	swait.ge [sflag:s28], $0x2000  }
0x15d: {  	[sflag:s28] =	ssyncset.done $0x0  }
0x15e: {  	[sflag:s28] =	ssyncadd.s32 $0xFFFFE000  }
0x15f: {  	[spmem:s2] =	stream.indirect.scatter.add.f32 [tilespmem:s20], [sflag:$0x6], $0x40, s18, s19, $0xb8;
	[tilespmem:$0x1E800] =	vst v63  }
0x160: {  	_ =	swait.ge [sflag:s29], $0x2000  }
0x161: {  	[sflag:s29] =	ssyncset.done $0x0  }
0x162: {  	[sflag:s29] =	ssyncadd.s32 $0xFFFFE000  }
0x163: {  	[spmem:s2] =	stream.indirect.scatter.add.f32 [tilespmem:s22], [sflag:$0x7], $0x40, s21, s19, $0xb8;
	[tilespmem:$0x1E800] =	vst v63  }
0x164: {  	_ =	swait.ge [sflag:s30], $0x2000  }
0x165: {  	[sflag:s30] =	ssyncset.done $0x0  }
0x166: {  	[sflag:s30] =	ssyncadd.s32 $0xFFFFE000  }
0x167: {  	[spmem:s2] =	stream.indirect.scatter.add.f32 [tilespmem:s25], [sflag:$0x8], $0x40, s23, s19, $0xb8;
	[tilespmem:$0x1E800] =	vst v63  }
0x168: {  	_ =	swait.ge [sflag:s31], $0x2000  }
0x169: {  	[sflag:s31] =	ssyncset.done $0x0  }
0x16a: {  	[sflag:s31] =	ssyncadd.s32 $0xFFFFE000  }
0x16b: {  	[tilespmem:s17], [sflag:$0x1] =	stream.indirect.gather [spmem:s1], $0x40, s6, s19, $0xb8;
	[tilespmem:$0x1E800] =	vst v63  }
0x16c: {  	_ =	swait.ge [sflag:s0], $0x2000  }
0x16d: {  	[sflag:s0] =	ssyncset.done $0x0  }
0x16e: {  	[sflag:s0] =	ssyncadd.s32 $0xFFFFE000  }
0x16f: {  	[tilespmem:s20], [sflag:$0x2] =	stream.indirect.gather [spmem:s1], $0x40, s6, s19, $0xb8;
	[tilespmem:$0x1E800] =	vst v63  }
0x170: {  	_ =	swait.ge [sflag:s3], $0x2000  }
0x171: {  	[sflag:s3] =	ssyncset.done $0x0  }
0x172: {  	[sflag:s3] =	ssyncadd.s32 $0xFFFFE000  }
0x173: {  	[tilespmem:s22], [sflag:$0x3] =	stream.indirect.gather [spmem:s1], $0x40, s6, s19, $0xb8;
	[tilespmem:$0x1E800] =	vst v63  }
0x174: {  	_ =	swait.ge [sflag:s5], $0x2000  }
0x175: {  	[sflag:s5] =	ssyncset.done $0x0  }
0x176: {  	[sflag:s5] =	ssyncadd.s32 $0xFFFFE000  }
0x177: {  	[tilespmem:s25], [sflag:$0x4] =	stream.indirect.gather [spmem:s1], $0x40, s6, s19, $0xb8;
	[tilespmem:$0x1E800] =	vst v63  }
0x178: {  	_ =	swait.ge [sflag:s26], $0x2000  }
0x179: {  	[sflag:s26] =	ssyncset.done $0x0  }
0x17a: {  	[sflag:s26] =	ssyncadd.s32 $0xFFFFE000  }
0x17b: {  	_ =	swait.ge [sflag:s28], $0x2000  }
0x17c: {  	[sflag:s28] =	ssyncset.done $0x0  }
0x17d: {  	[sflag:s28] =	ssyncadd.s32 $0xFFFFE000  }
0x17e: {  	_ =	swait.ge [sflag:s29], $0x2000  }
0x17f: {  	[sflag:s29] =	ssyncset.done $0x0  }
0x180: {  	[sflag:s29] =	ssyncadd.s32 $0xFFFFE000  }
0x181: {  	_ =	swait.ge [sflag:s30], $0x2000  }
0x182: {  	[sflag:s30] =	ssyncset.done $0x0  }
0x183: {  	s10 =	sadd.s32 $0x500, s12;
	s9 =	simm.s32 $0x0;
	[sflag:s30] =	ssyncadd.s32 $0xFFFFE000  }
0x184: {  	[tilespmem:s9], [sflag:$0x9] =	stream.linear.gather [hbm4b:s10+s9], $0x1400, $0x38;
	[tilespmem:$0x1E800] =	vst v63  }
0x185: {  	_ =	swait.ge [sflag:s16], $0x1400  }
0x186: {  	[sflag:s16] =	ssyncset.done $0x0  }
0x187: {  	s8 =	sadd.s32 $0x500, s13;
	s10 =	simm.s32 $0x1400;
	[sflag:s16] =	ssyncadd.s32 $0xFFFFEC00  }
0x188: {  	[tilespmem:s10], [sflag:$0x9] =	stream.linear.gather [hbm4b:s8+s9], $0x1400, $0x38;
	[tilespmem:$0x1E800] =	vst v63  }
0x189: {  	_ =	swait.ge [sflag:s16], $0x1400  }
0x18a: {  	[sflag:s16] =	ssyncset.done $0x0  }
0x18b: {  	[sflag:s16] =	ssyncadd.s32 $0xFFFFEC00  }
0x18c: {  	[tilespmem:s17], [sflag:$0x1] =	stream.indirect.gather [spmem:s1], $0x40, s9, s19, $0xb8;
	[tilespmem:$0x1E800] =	vst v63  }
0x18d: {  	_ = 	snop  }
0x18e: {  	[tilespmem:s20], [sflag:$0x2] =	stream.indirect.gather [spmem:s1], $0x40, s19, s19, $0xb8;
	[tilespmem:$0x1E800] =	vst v63  }
0x18f: {  	s10 =	simm.s32 $0x100  }
0x190: {  	[tilespmem:s22], [sflag:$0x3] =	stream.indirect.gather [spmem:s1], $0x40, s10, s19, $0xb8;
	[tilespmem:$0x1E800] =	vst v63  }
0x191: {  	s9 =	simm.s32 $0x180  }
0x192: {  	[tilespmem:s25], [sflag:$0x4] =	stream.indirect.gather [spmem:s1], $0x40, s9, s19, $0xb8;
	[tilespmem:$0x1E800] =	vst v63  }
0x193: {  	_ =	swait.ge [sflag:s26], $0x2000  }
0x194: {  	[sflag:s26] =	ssyncset.done $0x0  }
0x195: {  	s10 =	simm.s32 $0x1400;
	[sflag:s26] =	ssyncadd.s32 $0xFFFFE000  }
0x196: {  	[spmem:s2] =	stream.indirect.scatter.add.f32 [tilespmem:s17], [sflag:$0x5], $0x40, s10, s19, $0xb8;
	[tilespmem:$0x1E800] =	vst v63  }
0x197: {  	_ =	swait.ge [sflag:s28], $0x2000  }
0x198: {  	[sflag:s28] =	ssyncset.done $0x0  }
0x199: {  	s9 =	simm.s32 $0x1480;
	[sflag:s28] =	ssyncadd.s32 $0xFFFFE000  }
0x19a: {  	[spmem:s2] =	stream.indirect.scatter.add.f32 [tilespmem:s20], [sflag:$0x6], $0x40, s9, s19, $0xb8;
	[tilespmem:$0x1E800] =	vst v63  }
0x19b: {  	_ =	swait.ge [sflag:s29], $0x2000  }
0x19c: {  	[sflag:s29] =	ssyncset.done $0x0  }
0x19d: {  	s10 =	simm.s32 $0x1500;
	[sflag:s29] =	ssyncadd.s32 $0xFFFFE000  }
0x19e: {  	[spmem:s2] =	stream.indirect.scatter.add.f32 [tilespmem:s22], [sflag:$0x7], $0x40, s10, s19, $0xb8;
	[tilespmem:$0x1E800] =	vst v63  }
0x19f: {  	_ =	swait.ge [sflag:s30], $0x2000  }
0x1a0: {  	[sflag:s30] =	ssyncset.done $0x0  }
0x1a1: {  	s9 =	simm.s32 $0x1580;
	[sflag:s30] =	ssyncadd.s32 $0xFFFFE000  }
0x1a2: {  	[spmem:s2] =	stream.indirect.scatter.add.f32 [tilespmem:s25], [sflag:$0x8], $0x40, s9, s19, $0xb8;
	[tilespmem:$0x1E800] =	vst v63  }
0x1a3: {  	_ =	swait.ge [sflag:s31], $0x2000  }
0x1a4: {  	[sflag:s31] =	ssyncset.done $0x0  }
0x1a5: {  	s10 =	simm.s32 $0x200;
	[sflag:s31] =	ssyncadd.s32 $0xFFFFE000  }
0x1a6: {  	[tilespmem:s17], [sflag:$0x1] =	stream.indirect.gather [spmem:s1], $0x40, s10, s19, $0xb8;
	[tilespmem:$0x1E800] =	vst v63  }
0x1a7: {  	_ =	swait.ge [sflag:s0], $0x2000  }
0x1a8: {  	[sflag:s0] =	ssyncset.done $0x0  }
0x1a9: {  	s9 =	simm.s32 $0x280;
	[sflag:s0] =	ssyncadd.s32 $0xFFFFE000  }
0x1aa: {  	[tilespmem:s20], [sflag:$0x2] =	stream.indirect.gather [spmem:s1], $0x40, s9, s19, $0xb8;
	[tilespmem:$0x1E800] =	vst v63  }
0x1ab: {  	_ =	swait.ge [sflag:s3], $0x2000  }
0x1ac: {  	[sflag:s3] =	ssyncset.done $0x0  }
0x1ad: {  	s10 =	simm.s32 $0x300;
	[sflag:s3] =	ssyncadd.s32 $0xFFFFE000  }
0x1ae: {  	[tilespmem:s22], [sflag:$0x3] =	stream.indirect.gather [spmem:s1], $0x40, s10, s19, $0xb8;
	[tilespmem:$0x1E800] =	vst v63  }
0x1af: {  	_ =	swait.ge [sflag:s5], $0x2000  }
0x1b0: {  	[sflag:s5] =	ssyncset.done $0x0  }
0x1b1: {  	s8 =	simm.s32 $0x800;
	s9 =	simm.s32 $0x380;
	[sflag:s5] =	ssyncadd.s32 $0xFFFFE000  }
.LBB2_14:
0x1b2: {  	[tilespmem:s25], [sflag:$0x4] =	stream.indirect.gather [spmem:s1], $0x40, s9, s19, $0xb8;
	[tilespmem:$0x1E800] =	vst v63  }
0x1b3: {  	s9 =	smov.u32 s8  }
0x1b4: {  	p0 =	sne.s32 s8, $0x3800;
	s8 =	sadd.s32 $0x800, s8;
	_ =	swait.ge [sflag:s26], $0x2000  }
0x1b5: {  	s9 =	sshra.s32 s9, $0x2;
	[sflag:s26] =	ssyncset.done $0x0  }
0x1b6: {  	s10 =	sadd.s32 $0x1400, s9;
	[sflag:s26] =	ssyncadd.s32 $0xFFFFE000  }
0x1b7: {  	[spmem:s2] =	stream.indirect.scatter.add.f32 [tilespmem:s17], [sflag:$0x5], $0x40, s10, s19, $0xb8;
	[tilespmem:$0x1E800] =	vst v63  }
0x1b8: {  	_ =	swait.ge [sflag:s28], $0x2000  }
0x1b9: {  	[sflag:s28] =	ssyncset.done $0x0  }
0x1ba: {  	s10 =	sadd.s32 $0x1480, s9;
	[sflag:s28] =	ssyncadd.s32 $0xFFFFE000  }
0x1bb: {  	[spmem:s2] =	stream.indirect.scatter.add.f32 [tilespmem:s20], [sflag:$0x6], $0x40, s10, s19, $0xb8;
	[tilespmem:$0x1E800] =	vst v63  }
0x1bc: {  	_ =	swait.ge [sflag:s29], $0x2000  }
0x1bd: {  	[sflag:s29] =	ssyncset.done $0x0  }
0x1be: {  	s10 =	sadd.s32 $0x1500, s9;
	[sflag:s29] =	ssyncadd.s32 $0xFFFFE000  }
0x1bf: {  	[spmem:s2] =	stream.indirect.scatter.add.f32 [tilespmem:s22], [sflag:$0x7], $0x40, s10, s19, $0xb8;
	[tilespmem:$0x1E800] =	vst v63  }
0x1c0: {  	_ =	swait.ge [sflag:s30], $0x2000  }
0x1c1: {  	[sflag:s30] =	ssyncset.done $0x0  }
0x1c2: {  	s10 =	sadd.s32 $0x1580, s9;
	[sflag:s30] =	ssyncadd.s32 $0xFFFFE000  }
0x1c3: {  	[spmem:s2] =	stream.indirect.scatter.add.f32 [tilespmem:s25], [sflag:$0x8], $0x40, s10, s19, $0xb8;
	[tilespmem:$0x1E800] =	vst v63  }
0x1c4: {  	_ =	swait.ge [sflag:s31], $0x2000  }
0x1c5: {  	[sflag:s31] =	ssyncset.done $0x0  }
0x1c6: {  	s10 =	sadd.s32 $0x200, s9;
	[sflag:s31] =	ssyncadd.s32 $0xFFFFE000  }
0x1c7: {  	[tilespmem:s17], [sflag:$0x1] =	stream.indirect.gather [spmem:s1], $0x40, s10, s19, $0xb8;
	[tilespmem:$0x1E800] =	vst v63  }
0x1c8: {  	_ =	swait.ge [sflag:s0], $0x2000  }
0x1c9: {  	[sflag:s0] =	ssyncset.done $0x0  }
0x1ca: {  	s10 =	sadd.s32 $0x280, s9;
	[sflag:s0] =	ssyncadd.s32 $0xFFFFE000  }
0x1cb: {  	[tilespmem:s20], [sflag:$0x2] =	stream.indirect.gather [spmem:s1], $0x40, s10, s19, $0xb8;
	[tilespmem:$0x1E800] =	vst v63  }
0x1cc: {  	_ =	swait.ge [sflag:s3], $0x2000  }
0x1cd: {  	[sflag:s3] =	ssyncset.done $0x0  }
.Ltmp6:
0x1ce: {  	s10 =	sadd.s32 $0x300, s9;
	[sflag:s3] =	ssyncadd.s32 $0xFFFFE000;
	(pc) =	sbr.rel @p0 .LBB2_14-.Ltmp6, $4  }
0x1cf: {  	[tilespmem:s22], [sflag:$0x3] =	stream.indirect.gather [spmem:s1], $0x40, s10, s19, $0xb8;
	[tilespmem:$0x1E800] =	vst v63  }
0x1d0: {  	_ =	swait.ge [sflag:s5], $0x2000  }
0x1d1: {  	[sflag:s5] =	ssyncset.done $0x0  }
0x1d2: {  	s9 =	sadd.s32 $0x380, s9;
	[sflag:s5] =	ssyncadd.s32 $0xFFFFE000  }
0x1d3: {  	[tilespmem:s25], [sflag:$0x4] =	stream.indirect.gather [spmem:s1], $0x40, s9, s19, $0xb8;
	[tilespmem:$0x1E800] =	vst v63  }
0x1d4: {  	_ =	swait.ge [sflag:s26], $0x2000  }
0x1d5: {  	[sflag:s26] =	ssyncset.done $0x0  }
0x1d6: {  	s8 =	simm.s32 $0x2400;
	[sflag:s26] =	ssyncadd.s32 $0xFFFFE000  }
0x1d7: {  	[spmem:s2] =	stream.indirect.scatter.add.f32 [tilespmem:s17], [sflag:$0x5], $0x40, s8, s19, $0xb8;
	[tilespmem:$0x1E800] =	vst v63  }
0x1d8: {  	_ =	swait.ge [sflag:s28], $0x2000  }
0x1d9: {  	[sflag:s28] =	ssyncset.done $0x0  }
0x1da: {  	s9 =	simm.s32 $0x2480;
	[sflag:s28] =	ssyncadd.s32 $0xFFFFE000  }
0x1db: {  	[spmem:s2] =	stream.indirect.scatter.add.f32 [tilespmem:s20], [sflag:$0x6], $0x40, s9, s19, $0xb8;
	[tilespmem:$0x1E800] =	vst v63  }
0x1dc: {  	_ =	swait.ge [sflag:s29], $0x2000  }
0x1dd: {  	[sflag:s29] =	ssyncset.done $0x0  }
0x1de: {  	s10 =	simm.s32 $0x2500;
	[sflag:s29] =	ssyncadd.s32 $0xFFFFE000  }
0x1df: {  	[spmem:s2] =	stream.indirect.scatter.add.f32 [tilespmem:s22], [sflag:$0x7], $0x40, s10, s19, $0xb8;
	[tilespmem:$0x1E800] =	vst v63  }
0x1e0: {  	_ =	swait.ge [sflag:s30], $0x2000  }
0x1e1: {  	[sflag:s30] =	ssyncset.done $0x0  }
0x1e2: {  	s9 =	simm.s32 $0x2580;
	[sflag:s30] =	ssyncadd.s32 $0xFFFFE000  }
0x1e3: {  	[spmem:s2] =	stream.indirect.scatter.add.f32 [tilespmem:s25], [sflag:$0x8], $0x40, s9, s19, $0xb8;
	[tilespmem:$0x1E800] =	vst v63  }
0x1e4: {  	_ =	swait.ge [sflag:s31], $0x2000  }
0x1e5: {  	[sflag:s31] =	ssyncset.done $0x0  }
0x1e6: {  	[sflag:s31] =	ssyncadd.s32 $0xFFFFE000  }
0x1e7: {  	[tilespmem:s17], [sflag:$0x1] =	stream.indirect.gather [spmem:s1], $0x40, s14, s19, $0xb8;
	[tilespmem:$0x1E800] =	vst v63  }
0x1e8: {  	_ =	swait.ge [sflag:s0], $0x2000  }
0x1e9: {  	[sflag:s0] =	ssyncset.done $0x0  }
0x1ea: {  	[sflag:s0] =	ssyncadd.s32 $0xFFFFE000  }
0x1eb: {  	[tilespmem:s20], [sflag:$0x2] =	stream.indirect.gather [spmem:s1], $0x40, s15, s19, $0xb8;
	[tilespmem:$0x1E800] =	vst v63  }
0x1ec: {  	_ =	swait.ge [sflag:s3], $0x2000  }
0x1ed: {  	[sflag:s3] =	ssyncset.done $0x0  }
0x1ee: {  	[sflag:s3] =	ssyncadd.s32 $0xFFFFE000  }
0x1ef: {  	[tilespmem:s22], [sflag:$0x3] =	stream.indirect.gather [spmem:s1], $0x40, s24, s19, $0xb8;
	[tilespmem:$0x1E800] =	vst v63  }
0x1f0: {  	_ =	swait.ge [sflag:s5], $0x2000  }
0x1f1: {  	[sflag:s5] =	ssyncset.done $0x0  }
0x1f2: {  	[sflag:s5] =	ssyncadd.s32 $0xFFFFE000  }
0x1f3: {  	[tilespmem:s25], [sflag:$0x4] =	stream.indirect.gather [spmem:s1], $0x40, s6, s19, $0xb8;
	[tilespmem:$0x1E800] =	vst v63  }
0x1f4: {  	_ =	swait.ge [sflag:s26], $0x2000  }
0x1f5: {  	[sflag:s26] =	ssyncset.done $0x0  }
0x1f6: {  	[sflag:s26] =	ssyncadd.s32 $0xFFFFE000  }
0x1f7: {  	[spmem:s2] =	stream.indirect.scatter.add.f32 [tilespmem:s17], [sflag:$0x5], $0x40, s7, s19, $0xb8;
	[tilespmem:$0x1E800] =	vst v63  }
0x1f8: {  	_ =	swait.ge [sflag:s28], $0x2000  }
0x1f9: {  	[sflag:s28] =	ssyncset.done $0x0  }
0x1fa: {  	[sflag:s28] =	ssyncadd.s32 $0xFFFFE000  }
0x1fb: {  	[spmem:s2] =	stream.indirect.scatter.add.f32 [tilespmem:s20], [sflag:$0x6], $0x40, s18, s19, $0xb8;
	[tilespmem:$0x1E800] =	vst v63  }
0x1fc: {  	_ =	swait.ge [sflag:s29], $0x2000  }
0x1fd: {  	[sflag:s29] =	ssyncset.done $0x0  }
0x1fe: {  	[sflag:s29] =	ssyncadd.s32 $0xFFFFE000  }
0x1ff: {  	[spmem:s2] =	stream.indirect.scatter.add.f32 [tilespmem:s22], [sflag:$0x7], $0x40, s21, s19, $0xb8;
	[tilespmem:$0x1E800] =	vst v63  }
0x200: {  	_ =	swait.ge [sflag:s30], $0x2000  }
0x201: {  	[sflag:s30] =	ssyncset.done $0x0  }
0x202: {  	[sflag:s30] =	ssyncadd.s32 $0xFFFFE000  }
0x203: {  	[spmem:s2] =	stream.indirect.scatter.add.f32 [tilespmem:s25], [sflag:$0x8], $0x40, s23, s19, $0xb8;
	[tilespmem:$0x1E800] =	vst v63  }
0x204: {  	_ =	swait.ge [sflag:s31], $0x2000  }
0x205: {  	[sflag:s31] =	ssyncset.done $0x0  }
0x206: {  	[sflag:s31] =	ssyncadd.s32 $0xFFFFE000  }
0x207: {  	[tilespmem:s17], [sflag:$0x1] =	stream.indirect.gather [spmem:s1], $0x40, s6, s19, $0xb8;
	[tilespmem:$0x1E800] =	vst v63  }
0x208: {  	_ =	swait.ge [sflag:s0], $0x2000  }
0x209: {  	[sflag:s0] =	ssyncset.done $0x0  }
0x20a: {  	[sflag:s0] =	ssyncadd.s32 $0xFFFFE000  }
0x20b: {  	[tilespmem:s20], [sflag:$0x2] =	stream.indirect.gather [spmem:s1], $0x40, s6, s19, $0xb8;
	[tilespmem:$0x1E800] =	vst v63  }
0x20c: {  	_ =	swait.ge [sflag:s3], $0x2000  }
0x20d: {  	[sflag:s3] =	ssyncset.done $0x0  }
0x20e: {  	[sflag:s3] =	ssyncadd.s32 $0xFFFFE000  }
0x20f: {  	[tilespmem:s22], [sflag:$0x3] =	stream.indirect.gather [spmem:s1], $0x40, s6, s19, $0xb8;
	[tilespmem:$0x1E800] =	vst v63  }
0x210: {  	_ =	swait.ge [sflag:s5], $0x2000  }
0x211: {  	[sflag:s5] =	ssyncset.done $0x0  }
0x212: {  	[sflag:s5] =	ssyncadd.s32 $0xFFFFE000  }
0x213: {  	[tilespmem:s25], [sflag:$0x4] =	stream.indirect.gather [spmem:s1], $0x40, s6, s19, $0xb8;
	[tilespmem:$0x1E800] =	vst v63  }
0x214: {  	_ =	swait.ge [sflag:s26], $0x2000  }
0x215: {  	[sflag:s26] =	ssyncset.done $0x0  }
0x216: {  	[sflag:s26] =	ssyncadd.s32 $0xFFFFE000  }
0x217: {  	_ =	swait.ge [sflag:s28], $0x2000  }
0x218: {  	[sflag:s28] =	ssyncset.done $0x0  }
0x219: {  	[sflag:s28] =	ssyncadd.s32 $0xFFFFE000  }
0x21a: {  	_ =	swait.ge [sflag:s29], $0x2000  }
0x21b: {  	[sflag:s29] =	ssyncset.done $0x0  }
0x21c: {  	[sflag:s29] =	ssyncadd.s32 $0xFFFFE000  }
0x21d: {  	_ =	swait.ge [sflag:s30], $0x2000  }
0x21e: {  	[sflag:s30] =	ssyncset.done $0x0  }
0x21f: {  	s10 =	sadd.s32 $0x780, s12;
	s9 =	simm.s32 $0x0;
	[sflag:s30] =	ssyncadd.s32 $0xFFFFE000  }
0x220: {  	[tilespmem:s9], [sflag:$0x9] =	stream.linear.gather [hbm4b:s10+s9], $0x1400, $0x38;
	[tilespmem:$0x1E800] =	vst v63  }
0x221: {  	_ =	swait.ge [sflag:s16], $0x1400  }
0x222: {  	[sflag:s16] =	ssyncset.done $0x0  }
0x223: {  	s8 =	sadd.s32 $0x780, s13;
	s10 =	simm.s32 $0x1400;
	[sflag:s16] =	ssyncadd.s32 $0xFFFFEC00  }
0x224: {  	[tilespmem:s10], [sflag:$0x9] =	stream.linear.gather [hbm4b:s8+s9], $0x1400, $0x38;
	[tilespmem:$0x1E800] =	vst v63  }
0x225: {  	_ =	swait.ge [sflag:s16], $0x1400  }
0x226: {  	[sflag:s16] =	ssyncset.done $0x0  }
0x227: {  	[sflag:s16] =	ssyncadd.s32 $0xFFFFEC00  }
0x228: {  	[tilespmem:s17], [sflag:$0x1] =	stream.indirect.gather [spmem:s1], $0x40, s9, s19, $0xb8;
	[tilespmem:$0x1E800] =	vst v63  }
0x229: {  	_ = 	snop  }
0x22a: {  	[tilespmem:s20], [sflag:$0x2] =	stream.indirect.gather [spmem:s1], $0x40, s19, s19, $0xb8;
	[tilespmem:$0x1E800] =	vst v63  }
0x22b: {  	s10 =	simm.s32 $0x100  }
0x22c: {  	[tilespmem:s22], [sflag:$0x3] =	stream.indirect.gather [spmem:s1], $0x40, s10, s19, $0xb8;
	[tilespmem:$0x1E800] =	vst v63  }
0x22d: {  	s9 =	simm.s32 $0x180  }
0x22e: {  	[tilespmem:s25], [sflag:$0x4] =	stream.indirect.gather [spmem:s1], $0x40, s9, s19, $0xb8;
	[tilespmem:$0x1E800] =	vst v63  }
0x22f: {  	_ =	swait.ge [sflag:s26], $0x2000  }
0x230: {  	[sflag:s26] =	ssyncset.done $0x0  }
0x231: {  	s10 =	simm.s32 $0x1400;
	[sflag:s26] =	ssyncadd.s32 $0xFFFFE000  }
0x232: {  	[spmem:s2] =	stream.indirect.scatter.add.f32 [tilespmem:s17], [sflag:$0x5], $0x40, s10, s19, $0xb8;
	[tilespmem:$0x1E800] =	vst v63  }
0x233: {  	_ =	swait.ge [sflag:s28], $0x2000  }
0x234: {  	[sflag:s28] =	ssyncset.done $0x0  }
0x235: {  	s9 =	simm.s32 $0x1480;
	[sflag:s28] =	ssyncadd.s32 $0xFFFFE000  }
0x236: {  	[spmem:s2] =	stream.indirect.scatter.add.f32 [tilespmem:s20], [sflag:$0x6], $0x40, s9, s19, $0xb8;
	[tilespmem:$0x1E800] =	vst v63  }
0x237: {  	_ =	swait.ge [sflag:s29], $0x2000  }
0x238: {  	[sflag:s29] =	ssyncset.done $0x0  }
0x239: {  	s10 =	simm.s32 $0x1500;
	[sflag:s29] =	ssyncadd.s32 $0xFFFFE000  }
0x23a: {  	[spmem:s2] =	stream.indirect.scatter.add.f32 [tilespmem:s22], [sflag:$0x7], $0x40, s10, s19, $0xb8;
	[tilespmem:$0x1E800] =	vst v63  }
0x23b: {  	_ =	swait.ge [sflag:s30], $0x2000  }
0x23c: {  	[sflag:s30] =	ssyncset.done $0x0  }
0x23d: {  	s9 =	simm.s32 $0x1580;
	[sflag:s30] =	ssyncadd.s32 $0xFFFFE000  }
0x23e: {  	[spmem:s2] =	stream.indirect.scatter.add.f32 [tilespmem:s25], [sflag:$0x8], $0x40, s9, s19, $0xb8;
	[tilespmem:$0x1E800] =	vst v63  }
0x23f: {  	_ =	swait.ge [sflag:s31], $0x2000  }
0x240: {  	[sflag:s31] =	ssyncset.done $0x0  }
0x241: {  	s10 =	simm.s32 $0x200;
	[sflag:s31] =	ssyncadd.s32 $0xFFFFE000  }
0x242: {  	[tilespmem:s17], [sflag:$0x1] =	stream.indirect.gather [spmem:s1], $0x40, s10, s19, $0xb8;
	[tilespmem:$0x1E800] =	vst v63  }
0x243: {  	_ =	swait.ge [sflag:s0], $0x2000  }
0x244: {  	[sflag:s0] =	ssyncset.done $0x0  }
0x245: {  	s9 =	simm.s32 $0x280;
	[sflag:s0] =	ssyncadd.s32 $0xFFFFE000  }
0x246: {  	[tilespmem:s20], [sflag:$0x2] =	stream.indirect.gather [spmem:s1], $0x40, s9, s19, $0xb8;
	[tilespmem:$0x1E800] =	vst v63  }
0x247: {  	_ =	swait.ge [sflag:s3], $0x2000  }
0x248: {  	[sflag:s3] =	ssyncset.done $0x0  }
0x249: {  	s10 =	simm.s32 $0x300;
	[sflag:s3] =	ssyncadd.s32 $0xFFFFE000  }
0x24a: {  	[tilespmem:s22], [sflag:$0x3] =	stream.indirect.gather [spmem:s1], $0x40, s10, s19, $0xb8;
	[tilespmem:$0x1E800] =	vst v63  }
0x24b: {  	_ =	swait.ge [sflag:s5], $0x2000  }
0x24c: {  	[sflag:s5] =	ssyncset.done $0x0  }
0x24d: {  	s8 =	simm.s32 $0x800;
	s9 =	simm.s32 $0x380;
	[sflag:s5] =	ssyncadd.s32 $0xFFFFE000  }
.LBB2_16:
0x24e: {  	[tilespmem:s25], [sflag:$0x4] =	stream.indirect.gather [spmem:s1], $0x40, s9, s19, $0xb8;
	[tilespmem:$0x1E800] =	vst v63  }
0x24f: {  	s9 =	smov.u32 s8  }
0x250: {  	p0 =	sne.s32 s8, $0x3800;
	s8 =	sadd.s32 $0x800, s8;
	_ =	swait.ge [sflag:s26], $0x2000  }
0x251: {  	s9 =	sshra.s32 s9, $0x2;
	[sflag:s26] =	ssyncset.done $0x0  }
0x252: {  	s10 =	sadd.s32 $0x1400, s9;
	[sflag:s26] =	ssyncadd.s32 $0xFFFFE000  }
0x253: {  	[spmem:s2] =	stream.indirect.scatter.add.f32 [tilespmem:s17], [sflag:$0x5], $0x40, s10, s19, $0xb8;
	[tilespmem:$0x1E800] =	vst v63  }
0x254: {  	_ =	swait.ge [sflag:s28], $0x2000  }
0x255: {  	[sflag:s28] =	ssyncset.done $0x0  }
0x256: {  	s10 =	sadd.s32 $0x1480, s9;
	[sflag:s28] =	ssyncadd.s32 $0xFFFFE000  }
0x257: {  	[spmem:s2] =	stream.indirect.scatter.add.f32 [tilespmem:s20], [sflag:$0x6], $0x40, s10, s19, $0xb8;
	[tilespmem:$0x1E800] =	vst v63  }
0x258: {  	_ =	swait.ge [sflag:s29], $0x2000  }
0x259: {  	[sflag:s29] =	ssyncset.done $0x0  }
0x25a: {  	s10 =	sadd.s32 $0x1500, s9;
	[sflag:s29] =	ssyncadd.s32 $0xFFFFE000  }
0x25b: {  	[spmem:s2] =	stream.indirect.scatter.add.f32 [tilespmem:s22], [sflag:$0x7], $0x40, s10, s19, $0xb8;
	[tilespmem:$0x1E800] =	vst v63  }
0x25c: {  	_ =	swait.ge [sflag:s30], $0x2000  }
0x25d: {  	[sflag:s30] =	ssyncset.done $0x0  }
0x25e: {  	s10 =	sadd.s32 $0x1580, s9;
	[sflag:s30] =	ssyncadd.s32 $0xFFFFE000  }
0x25f: {  	[spmem:s2] =	stream.indirect.scatter.add.f32 [tilespmem:s25], [sflag:$0x8], $0x40, s10, s19, $0xb8;
	[tilespmem:$0x1E800] =	vst v63  }
0x260: {  	_ =	swait.ge [sflag:s31], $0x2000  }
0x261: {  	[sflag:s31] =	ssyncset.done $0x0  }
0x262: {  	s10 =	sadd.s32 $0x200, s9;
	[sflag:s31] =	ssyncadd.s32 $0xFFFFE000  }
0x263: {  	[tilespmem:s17], [sflag:$0x1] =	stream.indirect.gather [spmem:s1], $0x40, s10, s19, $0xb8;
	[tilespmem:$0x1E800] =	vst v63  }
0x264: {  	_ =	swait.ge [sflag:s0], $0x2000  }
0x265: {  	[sflag:s0] =	ssyncset.done $0x0  }
0x266: {  	s10 =	sadd.s32 $0x280, s9;
	[sflag:s0] =	ssyncadd.s32 $0xFFFFE000  }
0x267: {  	[tilespmem:s20], [sflag:$0x2] =	stream.indirect.gather [spmem:s1], $0x40, s10, s19, $0xb8;
	[tilespmem:$0x1E800] =	vst v63  }
0x268: {  	_ =	swait.ge [sflag:s3], $0x2000  }
0x269: {  	[sflag:s3] =	ssyncset.done $0x0  }
.Ltmp7:
0x26a: {  	s10 =	sadd.s32 $0x300, s9;
	[sflag:s3] =	ssyncadd.s32 $0xFFFFE000;
	(pc) =	sbr.rel @p0 .LBB2_16-.Ltmp7, $4  }
0x26b: {  	[tilespmem:s22], [sflag:$0x3] =	stream.indirect.gather [spmem:s1], $0x40, s10, s19, $0xb8;
	[tilespmem:$0x1E800] =	vst v63  }
0x26c: {  	_ =	swait.ge [sflag:s5], $0x2000  }
0x26d: {  	[sflag:s5] =	ssyncset.done $0x0  }
0x26e: {  	s9 =	sadd.s32 $0x380, s9;
	[sflag:s5] =	ssyncadd.s32 $0xFFFFE000  }
0x26f: {  	[tilespmem:s25], [sflag:$0x4] =	stream.indirect.gather [spmem:s1], $0x40, s9, s19, $0xb8;
	[tilespmem:$0x1E800] =	vst v63  }
0x270: {  	_ =	swait.ge [sflag:s26], $0x2000  }
0x271: {  	[sflag:s26] =	ssyncset.done $0x0  }
0x272: {  	s8 =	simm.s32 $0x2400;
	[sflag:s26] =	ssyncadd.s32 $0xFFFFE000  }
0x273: {  	[spmem:s2] =	stream.indirect.scatter.add.f32 [tilespmem:s17], [sflag:$0x5], $0x40, s8, s19, $0xb8;
	[tilespmem:$0x1E800] =	vst v63  }
0x274: {  	_ =	swait.ge [sflag:s28], $0x2000  }
0x275: {  	[sflag:s28] =	ssyncset.done $0x0  }
0x276: {  	s9 =	simm.s32 $0x2480;
	[sflag:s28] =	ssyncadd.s32 $0xFFFFE000  }
0x277: {  	[spmem:s2] =	stream.indirect.scatter.add.f32 [tilespmem:s20], [sflag:$0x6], $0x40, s9, s19, $0xb8;
	[tilespmem:$0x1E800] =	vst v63  }
0x278: {  	_ =	swait.ge [sflag:s29], $0x2000  }
0x279: {  	[sflag:s29] =	ssyncset.done $0x0  }
0x27a: {  	s10 =	simm.s32 $0x2500;
	[sflag:s29] =	ssyncadd.s32 $0xFFFFE000  }
0x27b: {  	[spmem:s2] =	stream.indirect.scatter.add.f32 [tilespmem:s22], [sflag:$0x7], $0x40, s10, s19, $0xb8;
	[tilespmem:$0x1E800] =	vst v63  }
0x27c: {  	_ =	swait.ge [sflag:s30], $0x2000  }
0x27d: {  	[sflag:s30] =	ssyncset.done $0x0  }
0x27e: {  	s9 =	simm.s32 $0x2580;
	[sflag:s30] =	ssyncadd.s32 $0xFFFFE000  }
0x27f: {  	[spmem:s2] =	stream.indirect.scatter.add.f32 [tilespmem:s25], [sflag:$0x8], $0x40, s9, s19, $0xb8;
	[tilespmem:$0x1E800] =	vst v63  }
0x280: {  	_ =	swait.ge [sflag:s31], $0x2000  }
0x281: {  	[sflag:s31] =	ssyncset.done $0x0  }
0x282: {  	[sflag:s31] =	ssyncadd.s32 $0xFFFFE000  }
0x283: {  	[tilespmem:s17], [sflag:$0x1] =	stream.indirect.gather [spmem:s1], $0x40, s14, s19, $0xb8;
	[tilespmem:$0x1E800] =	vst v63  }
0x284: {  	_ =	swait.ge [sflag:s0], $0x2000  }
0x285: {  	[sflag:s0] =	ssyncset.done $0x0  }
0x286: {  	[sflag:s0] =	ssyncadd.s32 $0xFFFFE000  }
0x287: {  	[tilespmem:s20], [sflag:$0x2] =	stream.indirect.gather [spmem:s1], $0x40, s15, s19, $0xb8;
	[tilespmem:$0x1E800] =	vst v63  }
0x288: {  	_ =	swait.ge [sflag:s3], $0x2000  }
0x289: {  	[sflag:s3] =	ssyncset.done $0x0  }
0x28a: {  	[sflag:s3] =	ssyncadd.s32 $0xFFFFE000  }
0x28b: {  	[tilespmem:s22], [sflag:$0x3] =	stream.indirect.gather [spmem:s1], $0x40, s24, s19, $0xb8;
	[tilespmem:$0x1E800] =	vst v63  }
0x28c: {  	_ =	swait.ge [sflag:s5], $0x2000  }
0x28d: {  	[sflag:s5] =	ssyncset.done $0x0  }
0x28e: {  	[sflag:s5] =	ssyncadd.s32 $0xFFFFE000  }
0x28f: {  	[tilespmem:s25], [sflag:$0x4] =	stream.indirect.gather [spmem:s1], $0x40, s6, s19, $0xb8;
	[tilespmem:$0x1E800] =	vst v63  }
0x290: {  	_ =	swait.ge [sflag:s26], $0x2000  }
0x291: {  	[sflag:s26] =	ssyncset.done $0x0  }
0x292: {  	[sflag:s26] =	ssyncadd.s32 $0xFFFFE000  }
0x293: {  	[spmem:s2] =	stream.indirect.scatter.add.f32 [tilespmem:s17], [sflag:$0x5], $0x40, s7, s19, $0xb8;
	[tilespmem:$0x1E800] =	vst v63  }
0x294: {  	_ =	swait.ge [sflag:s28], $0x2000  }
0x295: {  	[sflag:s28] =	ssyncset.done $0x0  }
0x296: {  	[sflag:s28] =	ssyncadd.s32 $0xFFFFE000  }
0x297: {  	[spmem:s2] =	stream.indirect.scatter.add.f32 [tilespmem:s20], [sflag:$0x6], $0x40, s18, s19, $0xb8;
	[tilespmem:$0x1E800] =	vst v63  }
0x298: {  	_ =	swait.ge [sflag:s29], $0x2000  }
0x299: {  	[sflag:s29] =	ssyncset.done $0x0  }
0x29a: {  	[sflag:s29] =	ssyncadd.s32 $0xFFFFE000  }
0x29b: {  	[spmem:s2] =	stream.indirect.scatter.add.f32 [tilespmem:s22], [sflag:$0x7], $0x40, s21, s19, $0xb8;
	[tilespmem:$0x1E800] =	vst v63  }
0x29c: {  	_ =	swait.ge [sflag:s30], $0x2000  }
0x29d: {  	[sflag:s30] =	ssyncset.done $0x0  }
0x29e: {  	[sflag:s30] =	ssyncadd.s32 $0xFFFFE000  }
0x29f: {  	[spmem:s2] =	stream.indirect.scatter.add.f32 [tilespmem:s25], [sflag:$0x8], $0x40, s23, s19, $0xb8;
	[tilespmem:$0x1E800] =	vst v63  }
0x2a0: {  	_ =	swait.ge [sflag:s31], $0x2000  }
0x2a1: {  	[sflag:s31] =	ssyncset.done $0x0  }
0x2a2: {  	[sflag:s31] =	ssyncadd.s32 $0xFFFFE000  }
0x2a3: {  	[tilespmem:s17], [sflag:$0x1] =	stream.indirect.gather [spmem:s1], $0x40, s6, s19, $0xb8;
	[tilespmem:$0x1E800] =	vst v63  }
0x2a4: {  	_ =	swait.ge [sflag:s0], $0x2000  }
0x2a5: {  	[sflag:s0] =	ssyncset.done $0x0  }
0x2a6: {  	[sflag:s0] =	ssyncadd.s32 $0xFFFFE000  }
0x2a7: {  	[tilespmem:s20], [sflag:$0x2] =	stream.indirect.gather [spmem:s1], $0x40, s6, s19, $0xb8;
	[tilespmem:$0x1E800] =	vst v63  }
0x2a8: {  	_ =	swait.ge [sflag:s3], $0x2000  }
0x2a9: {  	[sflag:s3] =	ssyncset.done $0x0  }
0x2aa: {  	[sflag:s3] =	ssyncadd.s32 $0xFFFFE000  }
0x2ab: {  	[tilespmem:s22], [sflag:$0x3] =	stream.indirect.gather [spmem:s1], $0x40, s6, s19, $0xb8;
	[tilespmem:$0x1E800] =	vst v63  }
0x2ac: {  	_ =	swait.ge [sflag:s5], $0x2000  }
0x2ad: {  	[sflag:s5] =	ssyncset.done $0x0  }
0x2ae: {  	[sflag:s5] =	ssyncadd.s32 $0xFFFFE000  }
0x2af: {  	[tilespmem:s25], [sflag:$0x4] =	stream.indirect.gather [spmem:s1], $0x40, s6, s19, $0xb8;
	[tilespmem:$0x1E800] =	vst v63  }
0x2b0: {  	_ =	swait.ge [sflag:s26], $0x2000  }
0x2b1: {  	[sflag:s26] =	ssyncset.done $0x0  }
0x2b2: {  	[sflag:s26] =	ssyncadd.s32 $0xFFFFE000  }
0x2b3: {  	_ =	swait.ge [sflag:s28], $0x2000  }
0x2b4: {  	[sflag:s28] =	ssyncset.done $0x0  }
0x2b5: {  	[sflag:s28] =	ssyncadd.s32 $0xFFFFE000  }
0x2b6: {  	_ =	swait.ge [sflag:s29], $0x2000  }
0x2b7: {  	[sflag:s29] =	ssyncset.done $0x0  }
0x2b8: {  	[sflag:s29] =	ssyncadd.s32 $0xFFFFE000  }
0x2b9: {  	_ =	swait.ge [sflag:s30], $0x2000  }
0x2ba: {  	[sflag:s30] =	ssyncset.done $0x0  }
0x2bb: {  	[sflag:s30] =	ssyncadd.s32 $0xFFFFE000  }
0x2bc: {  	[bflag:$0x0] =	sbarrier.arrive $0xFFFF  }
0x2bd: {  	s10 =	rddreg [dreg:$0x7]  }
0x2be: {  	s8 =	sshrl.u32 s10, $0x3;
	s10 =	rddreg [dreg:$0xe]  }
0x2bf: {  	[hbm:s10], [sflag:s11] =	dma.local [spmem:s8], $0x1400  }
0x2c0: {  	_ =	swait.ge [sflag:s16], $0x1400  }
0x2c1: {  	s4 =	sadd.s32 $0x1, s4;
	s9 =	smov.u32 s11;
	s11 =	rddreg [dreg:$0xc]  }
0x2c2: {  	p0 =	sne.s32 s4, s11  }
.Ltmp8:
0x2c3: {  	_ = 	snop;
	(pc) =	sbr.rel @p0 .LBB2_1-.Ltmp8, $3  }
0x2c4: {  	_ =	sdelay $0x1  }
0x2c5: {  	[sflag:s16] =	ssyncset.done $0x0  }
0x2c6: {  	[sflag:s16] =	ssyncadd.s32 $0xFFFFEC00  }
0x2c7: {  	_ =	sfence.sel $0x180000  }
0x2c8: {  	[bflag:$0x0] =	sbarrier.arrive $0xFFFF  }
0x2c9: {  	_ =	strace $0x9000004D  }
0x2ca: {  	s0 =	stileid.u32;
	[bflag:$0x2] =	sbarrier.arrive $0xFFFF  }
0x2cb: {  	p0 =	sne.s32 s0, $0x0;
	s0 =	rddreg [dreg:$0x5]  }
0x2cc: {  	s0 =	sadd.s32 @!p0 $0x100000, s0  }
0x2cd: {  	[sflag:s0] =	ssyncadd.tile.s32 @!p0 $0x1;
	_ =	shalt  }
.Lfunc_end2:
_tile_overlayer_lowered:
.L_overlay_start_2:
0x2ce: {  	(tag) =	ssettag $0x2  }
0x2cf: {  	s0 =	rddreg [dreg:$0x0];
	s2 =	stileid.u32  }
0x2d0: {  	s1 =	rddreg [dreg:$0x1];
	p0 =	sne.s32 s2, $0x0  }
0x2d1: {  	s3 =	rddreg [dreg:$0x2];
	[bflag:$0x3] =	sbarrier.arrive $0xFFFF;
	s2 =	simm.s32 @!p0 $0x1C09  }
0x2d2: {  	[timem:s3], [sflag:s2] =	dma.local @!p0 [hbm:s0], s1  }
0x2d3: {  	s0 =	simm.s32 @!p0 $0x9  }
0x2d4: {  	_ =	swait.ge @!p0 [sflag:s0], s1  }
0x2d5: {  	s1 =	ssub.s32 @!p0 $0x0, s1;
	[sflag:s0] =	ssyncset.done @!p0 $0x0  }
0x2d6: {  	[sflag:s0] =	ssyncadd.s32 @!p0 s1  }
0x2d7: {  	[bflag:$0x3] =	sbarrier.arrive $0xFFFF  }
0x2d8: {  	_ =	shalt  }

// kernel: kernel.9.cloned.1.call-start
scs
__scs_entry_jumppad:
0x0: {  	(pc) =	sbr.rel $0x88, $3  }
0x1: {  	(tag) =	ssettag $0x0;
	lr =	simm.s32 $0x1  }
0x2: {  	[smem:$0x3F99] =	sst lr;
	_ =	strace $0xD0000000  }
0x3: {  	_ = 	snop  }
0x4: {  	_ = 	snop  }
0x5: {  	_ = 	snop  }
0x6: {  	_ = 	snop  }
0x7: {  	_ = 	snop  }
__scs_overlays_trampoline_lowered:
0x8: {  	[smem:$0x3FA8] =	sst s0  }
0x9: {  	[smem:$0x3FA9] =	sst s1  }
0xa: {  	[smem:$0x3FAA] =	sst s2  }
0xb: {  	[smem:$0x3FAB] =	sst s3  }
0xc: {  	[smem:$0x3FAC] =	sst s4  }
0xd: {  	[smem:$0x3FAD] =	sst s5  }
0xe: {  	[smem:$0x3FAE] =	sst s6  }
0xf: {  	[smem:$0x3FAF] =	sst s7  }
0x10: {  	[smem:$0x3FB0] =	sst s8  }
0x11: {  	[smem:$0x3FB1] =	sst s9;
	s0 =	simm.s32 @!p0 $0x0  }
0x12: {  	s1 =	sld [smem:$0x3F97];
	s0 =	simm.s32 @p0 $0x1  }
0x13: {  	[smem:$0x3FB2] =	sst s0;
	s0 =	simm.s32 @!p1 $0x0  }
0x14: {  	s2 =	sld [smem:$0x3F96];
	s0 =	simm.s32 @p1 $0x1  }
0x15: {  	[smem:$0x3FB3] =	sst s0;
	s0 =	simm.s32 @!p2 $0x0  }
0x16: {  	s3 =	sld [smem:$0x3FDB];
	s0 =	simm.s32 @p2 $0x1  }
0x17: {  	s4 =	simm.s32 $0x1BF5;
	[smem:$0x3FB5] =	sst s0  }
0x18: {  	s0 =	sld [smem:$0x3F98];
	_ =	swait.ge [sflag:s4], $0x0  }
0x19: {  	s7 =	sld [smem:$0x3F99]  }
0x1a: {  	s8 =	sadd.s32 $0xFFFFE003, lr  }
0x1b: {  	s9 =	sadd.s32 $0xFFFFFEF7, lr;
	s5 =	simm.s32 $0xFFFFFFFF;
	p2 =	slt.u32 s8, $0xFFFFF086  }
0x1c: {  	p1 =	slt.u32 s9, $0xF7A;
	s5 =	simm.s32 @!p2 $0x0  }
0x1d: {  	s5 =	simm.s32 @p1 $0x1;
	p0 =	seq.s32 s7, s2  }
0x1e: {  	s7 =	smul.u32 @!p0 $0xF7A, s2;
	p2 =	seq.s32 @!p0 s5, $0x0  }
0x1f: {  	s9 =	smul.u32 $0xF7A, s1;
	s8 =	simm.s32 @!p0 $0x1BF5;
	p2 =	por !p2, p0  }
0x20: {  	[sflag:s8] =	ssyncset.s32 @!p0 $0xFFFFF086;
	s6 =	sadd.s32 @!p0 s3, s7;
	s7 =	simm.s32 @!p0 $0x108  }
0x21: {  	s3 =	sadd.s32 s3, s9;
	s6 =	sadd.s32 @!p0 $0x88, s6;
	s7 =	simm.s32 @p2 $0x1082  }
0x22: {  	[simem:s7], [sflag:s8] =	dma.local @!p0 [hbm:s6], $0xF7A  }
0x23: {  	s9 =	sor.u32 $0xD0000000, s2;
	s6 =	simm.s32 $0x108;
	_ =	swait.ge @!p0 [sflag:s8], $0x0  }
0x24: {  	s3 =	sadd.s32 $0x88, s3;
	s6 =	simm.s32 @!p1 $0x1082;
	[sflag:s4] =	ssyncset.s32 $0xFFFFF086  }
0x25: {  	[simem:s6], [sflag:s4] =	dma.local [hbm:s3], $0xF7A  }
0x26: {  	[smem:$0x3F99] =	sst s1;
	(tag) =	ssettag s2;
	_ =	strace s9  }
0x27: {  	s1 =	sld [smem:$0x3FA9]  }
0x28: {  	s2 =	sld [smem:$0x3FAA]  }
0x29: {  	s4 =	sld [smem:$0x3FAC]  }
0x2a: {  	p0 =	seq.s32 s5, $0x0;
	s5 =	sld [smem:$0x3FAD]  }
0x2b: {  	s6 =	sld [smem:$0x3FAE]  }
0x2c: {  	s7 =	sld [smem:$0x3FAF]  }
0x2d: {  	s3 =	simm.s32 $0x108;
	s8 =	sld [smem:$0x3FB0]  }
0x2e: {  	s3 =	simm.s32 @!p0 $0x1082;
	s9 =	sld [smem:$0x3FB1]  }
0x2f: {  	lr =	sadd.s32 s0, s3;
	s0 =	sld [smem:$0x3FA8]  }
0x30: {  	s3 =	sld [smem:$0x3FAB]  }
0x31: {  	[smem:$0x3FB4] =	sst s10  }
0x32: {  	s10 =	sld [smem:$0x3FB2];
	_ =	sdelay $0x3  }
0x33: {  	p0 =	seq.s32 s10, $0x1;
	s10 =	sld [smem:$0x3FB4];
	_ =	sdelay $0x3  }
0x34: {  	[smem:$0x3FB4] =	sst s10  }
0x35: {  	s10 =	sld [smem:$0x3FB3];
	_ =	sdelay $0x3  }
0x36: {  	p1 =	seq.s32 s10, $0x1;
	s10 =	sld [smem:$0x3FB4];
	_ =	sdelay $0x3  }
0x37: {  	[smem:$0x3FB4] =	sst s10  }
0x38: {  	s10 =	sld [smem:$0x3FB5]  }
0x39: {  	_ = 	snop;
	(pc) =	sbr.ind lr, $3  }
0x3a: {  	_ = 	snop  }
0x3b: {  	_ = 	snop  }
0x3c: {  	p2 =	seq.s32 s10, $0x1;
	s10 =	sld [smem:$0x3FB4]  }
0x3d: {  	_ =	shalt  }
0x3e: {  	_ =	shalt  }
0x3f: {  	_ =	shalt  }
0x40: {  	_ =	shalt  }
0x41: {  	_ =	shalt  }
0x42: {  	_ =	shalt  }
0x43: {  	_ =	shalt  }
0x44: {  	_ =	shalt  }
0x45: {  	_ =	shalt  }
0x46: {  	_ =	shalt  }
0x47: {  	_ =	shalt  }
0x48: {  	_ =	shalt  }
0x49: {  	_ =	shalt  }
0x4a: {  	_ =	shalt  }
0x4b: {  	_ =	shalt  }
0x4c: {  	_ =	shalt  }
0x4d: {  	_ =	shalt  }
0x4e: {  	_ =	shalt  }
0x4f: {  	_ =	shalt  }
0x50: {  	_ =	shalt  }
0x51: {  	_ =	shalt  }
0x52: {  	_ =	shalt  }
0x53: {  	_ =	shalt  }
0x54: {  	_ =	shalt  }
0x55: {  	_ =	shalt  }
0x56: {  	_ =	shalt  }
0x57: {  	_ =	shalt  }
0x58: {  	_ =	shalt  }
0x59: {  	_ =	shalt  }
0x5a: {  	_ =	shalt  }
0x5b: {  	_ =	shalt  }
0x5c: {  	_ =	shalt  }
0x5d: {  	_ =	shalt  }
0x5e: {  	_ =	shalt  }
0x5f: {  	_ =	shalt  }
0x60: {  	_ =	shalt  }
0x61: {  	_ =	shalt  }
0x62: {  	_ =	shalt  }
0x63: {  	_ =	shalt  }
0x64: {  	_ =	shalt  }
0x65: {  	_ =	shalt  }
0x66: {  	_ =	shalt  }
0x67: {  	_ =	shalt  }
0x68: {  	_ =	shalt  }
0x69: {  	_ =	shalt  }
0x6a: {  	_ =	shalt  }
0x6b: {  	_ =	shalt  }
0x6c: {  	_ =	shalt  }
0x6d: {  	_ =	shalt  }
0x6e: {  	_ =	shalt  }
0x6f: {  	_ =	shalt  }
0x70: {  	_ =	shalt  }
0x71: {  	_ =	shalt  }
0x72: {  	_ =	shalt  }
0x73: {  	_ =	shalt  }
0x74: {  	_ =	shalt  }
0x75: {  	_ =	shalt  }
0x76: {  	_ =	shalt  }
0x77: {  	_ =	shalt  }
0x78: {  	_ =	shalt  }
0x79: {  	_ =	shalt  }
0x7a: {  	_ =	shalt  }
0x7b: {  	_ =	shalt  }
0x7c: {  	_ =	shalt  }
0x7d: {  	_ =	shalt  }
0x7e: {  	_ =	shalt  }
0x7f: {  	_ =	shalt  }
0x80: {  	_ =	shalt  }
0x81: {  	_ =	shalt  }
0x82: {  	_ =	shalt  }
0x83: {  	_ =	shalt  }
0x84: {  	_ =	shalt  }
0x85: {  	_ =	shalt  }
0x86: {  	_ =	shalt  }
0x87: {  	_ =	shalt  }
.Lfunc_end0:
.L_simem_size_0:
called_computation_lowered:
.L_overlay_start_0:
0x88: {  	s2 =	sld [smem:$0x3FD9]  }
0x89: {  	s3 =	sld [smem:$0x3FFE];
	_ =	sdelay $0x1  }
0x8a: {  	s1 =	srdreg.scid  }
0x8b: {  	s0 =	sand.u32 $0x1, s1  }
0x8c: {  	s15 =	sshll.u32 s0, $0xA;
	s2 =	sadd.s32 s3, s2  }
0x8d: {  	s2 =	sadd.s32 s2, s15  }
0x8e: {  	[smem:$0x3FC0] =	sst s2  }
0x8f: {  	_ = 	snop  }
0x90: {  	s2 =	sld [smem:$0x3FD0];
	_ =	sdelay $0x2  }
0x91: {  	s16 =	simm.s32 $0xA;
	s4 =	simm.s32 $0x10  }
0x92: {  	[smem:s4], [sflag:s16] =	dma.local [hbm:s2], $0x1  }
0x93: {  	_ =	swait.eq [sflag:s16], $0x1  }
0x94: {  	[sflag:s16] =	ssyncset.done $0x0  }
0x95: {  	s17 =	sld [smem:$0x11];
	[sflag:s16] =	ssyncadd.s32 $0xFFFFFFFF  }
0x96: {  	s18 =	sld [smem:$0x12];
	(tm) =	ssettm $0x1  }
0x97: {  	s19 =	sld [smem:$0x3FFB];
	_ =	sdelay $0x3  }
0x98: {  	_ =	strace s19  }
0x99: {  	s4 =	sld [smem:$0x3FFC];
	_ =	sdelay $0x3  }
0x9a: {  	_ =	strace s4  }
0x9b: {  	s4 =	sld [smem:$0x3FFD];
	_ =	sdelay $0x3  }
0x9c: {  	_ =	strace s4  }
0x9d: {  	_ =	strace $0x8FFFFFFF  }
0x9e: {  	s20 =	sld [smem:$0x3FDB];
	_ =	sdelay $0x1  }
0x9f: {  	s5 =	simm.s32 $_scs_section_size  }
0xa0: {  	s6 =	simm.s32 $_size__tile_overlayer_lowered;
	s7 =	simm.s32 $_tile_overlayer_lowered  }
0xa1: {  	s23 =	simm.s32 $0x1BFF;
	s22 =	sshll.u32 s7, $0x1;
	s4 =	sadd.s32 s5, s20  }
0xa2: {  	s8 =	simm.s32 $0x0;
	s21 =	sshll.u32 s6, $0x1;
	s6 =	sadd.s32 s22, s4  }
0xa3: {  	[timem:s8], [sflag:s23] =	dma.local [hbm:s6], s21  }
0xa4: {  	_ =	swait.ge [sflag:s23], s21  }
0xa5: {  	s5 =	ssub.s32 $0x0, s21;
	[sflag:s23] =	ssyncset.done $0x0  }
0xa6: {  	[sflag:s23] =	ssyncadd.s32 s5;
	_ =	sdelay $0x1  }
0xa7: {  	s24 =	simm.s32 $0x1B8B  }
0xa8: {  	_ =	swait.ge [sflag:s24], $0x1  }
0xa9: {  	[sflag:s24] =	ssyncset.done $0x0  }
0xaa: {  	s25 =	simm.s32 $0x1B8E;
	[sflag:s24] =	ssyncadd.s32 $0xFFFFFFFF  }
0xab: {  	s26 =	simm.s32 $execute0_lowered;
	[smem:$0x3FD2] =	sst s25  }
0xac: {  	s5 =	sshll.u32 s26, $0x1;
	_ =	strace $0x80000046;
	[dreg:$0x1] =	wrdreg $0xFFFFFFFF  }
0xad: {  	s28 =	simm.s32 $_size_execute0_lowered;
	s4 =	sadd.s32 s4, s5;
	[dreg:$0x0] =	wrdreg $0x0  }
0xae: {  	s5 =	sshll.u32 s28, $0x1;
	[dreg:$0x2] =	wrdreg s4  }
0xaf: {  	[dreg:$0x3] =	wrdreg s5  }
0xb0: {  	[dreg:$0x4] =	wrdreg $0xC0  }
0xb1: {  	_ =	task [dreg:s8], $0x5FFFF  }
0xb2: {  	[dreg:$0x1] =	wrdreg $0xFFFFFFFF  }
0xb3: {  	[dreg:$0x0] =	wrdreg $0x60  }
0xb4: {  	[dreg:$0x2] =	wrdreg s18  }
0xb5: {  	[dreg:$0x3] =	wrdreg s17  }
0xb6: {  	[dreg:$0x4] =	wrdreg $0x58000  }
0xb7: {  	[dreg:$0x5] =	wrdreg $0x9  }
0xb8: {  	_ =	task.clear_ibuf [dreg:s8], $0x6FFFF;
	_ =	strace $0x90000046  }
0xb9: {  	s29 =	simm.s32 $0x9;
	_ =	strace $0x80000048  }
0xba: {  	_ =	swait.ge [sflag:s29], $0x1  }
0xbb: {  	[sflag:s29] =	ssyncadd.s32 $0xFFFFFFFF  }
0xbc: {  	_ =	strace $0x90000048  }
0xbd: {  	_ =	sfence  }
0xbe: {  	s30 =	sld [smem:$0x0];
	_ =	sdelay $0x2  }
0xbf: {  	s31 =	sshll.u32 s1, $0xD;
	s1 =	sshrl.u32 s1, $0x2  }
0xc0: {  	s3 =	sand.u32 $0x4000, s31;
	s1 =	sadd.s32 s1, s30  }
0xc1: {  	s0 =	sor.u32 s3, s0;
	s1 =	sshll.u32 s1, $0x11  }
0xc2: {  	s0 =	sor.u32 s1, s0  }
0xc3: {  	s0 =	sadd.s32 $0x8F2B, s0  }
0xc4: {  	[sflag:s0] =	ssyncadd.remote.s32 $0x1  }
0xc5: {  	_ =	sfence.sel $0xFFFF  }
0xc6: {  	[dreg:$0x0] =	wrdreg $0xFFFFFFFF;
	(pc) =	sbr.abs _section_cstart, $3  }
0xc7: {  	[dreg:$0x1] =	wrdreg $0xFFFFFFFF  }
0xc8: {  	_ =	task.clear_ibuf [dreg:s8], $0x2FFFF;
	_ =	strace $0x9FFFFFFF  }
0xc9: {  	(tm) =	ssettm $0x7FFFFFFF  }
tec
execute0_lowered:
.L_overlay_start_1:
0x0: {  	(tag) =	ssettag $0x1  }
0x1: {  	s4 =	rddreg [dreg:$0x0]  }
0x2: {  	s1 =	srdreg.scid;
	s6 =	rddreg [dreg:$0x1]  }
0x3: {  	s0 =	stileid.u32;
	s2 =	rddreg [dreg:$0x2]  }
0x4: {  	s3 =	simm.s32 $0x0;
	s5 =	sand.u32 $0x1, s1;
	s1 =	rddreg [dreg:$0x3]  }
0x5: {  	s14 =	simm.s32 $0x0;
	s30 =	sshll.u32 s0, $0x1;
	[smem:$0x7FF] =	sst s3  }
0x6: {  	s9 =	smul.u32 $0x2800, s0;
	s31 =	sshll.u32 s0, $0x6;
	s7 =	sor.u32 s5, s30  }
0x7: {  	s8 =	ssub.s32 $0x2, s5;
	_ =	strace $0x80000047;
	s11 =	smul.u32 $0x5000, s5  }
0x8: {  	s7 =	smul.u32 $0x500, s7;
	s10 =	sshrl.u32 s8, $0x1;
	s5 =	sadd.s32 s9, s2  }
0x9: {  	s12 =	sshrl.u32 s9, $0x3;
	s9 =	simm.s32 $0x80;
	s8 =	ssub.s32 s8, s10  }
0xa: {  	s11 =	sadd.s32 s6, s11;
	s10 =	simm.s32 $0x2800;
	s13 =	sshrl.u32 s5, $0x3  }
0xb: {  	s4 =	sadd.s32 s4, s7;
	s6 =	smax.u32 s8, $0x1;
	s7 =	simm.s32 $0x1  }
0xc: {  	v0 =	vimm.f32 $1.000000000e+00;
	v1 =	vimm.f32 $0.0e+00;
	s8 =	simm.s32 $0x3000;
	s11 =	sadd.s32 s12, s11;
	s12 =	sor.u32 $0x1C01, s31  }
.LBB2_1:
0xd: {  	[tilespmem:s3], [sflag:$0x1] =	stream.linear.gather [hbm4b:s4+s3], $0x2800, $0x38;
	[tilespmem:$0x8000] =	vst v63  }
0xe: {  	_ =	swait.ge [sflag:s7], $0x2800  }
0xf: {  	[sflag:s7] =	ssyncset.done $0x0  }
0x10: {  	s15 =	simm.s32 $0x0;
	[sflag:s7] =	ssyncadd.s32 $0xFFFFD800  }
.LBB2_2:
0x11: {  	p0 =	sne.s32 s15, $0x1FC0  }
.Ltmp0:
0x12: {  	_ = 	snop;
	(pc) =	sbr.rel @p0 .LBB2_2-.Ltmp0, $3  }
0x13: {  	_ =	sdelay $0x1  }
0x14: {  	s16 =	sshra.s32 s15, $0x2  }
0x15: {  	s15 =	sadd.s32 $0x40, s15;
	[tilespmem:s16+$0x2800] =	vst v0  }
0x16: {  	s15 =	simm.s32 $0x40;
	s16 =	simm.s32 $0x0  }
.LBB2_4:
0x17: {  	p0 =	sne.s32 s15, $0x9FC0;
	[tilespmem:s16+$0x3000] =	vst v1;
	s16 =	smov.u32 s15;
	s15 =	sadd.s32 $0x40, s15  }
.Ltmp1:
0x18: {  	(pc) =	sbr.rel @p0 .LBB2_4-.Ltmp1, $2  }
0x19: {  	_ =	sdelay $0x2  }
0x1a: {  	s16 =	sshra.s32 s16, $0x2  }
0x1b: {  	[tilespmem:s16+$0x3000] =	vst v1  }
0x1c: {  	[spmem:s5] =	stream.linear.scatter [tilespmem:s8], [sflag:$0x1], $0x2800, $0x38;
	[tilespmem:$0x8000] =	vst v63  }
0x1d: {  	_ =	swait.ge [sflag:s7], $0x2800  }
0x1e: {  	[sflag:s7] =	ssyncset.done $0x0  }
0x1f: {  	[sflag:s7] =	ssyncadd.s32 $0xFFFFD800  }
0x20: {  	s15 =	simm.s32 $0x0;
	[bflag:$0x0] =	sbarrier.arrive $0xFFFF  }
0x21: {  	[spmem:s2] =	stream.indirect.scatter.add.f32 [tilespmem:s10], [sflag:$0x1], $0x10, s15, s9, $0xb8;
	[tilespmem:$0x8000] =	vst v63  }
0x22: {  	_ =	swait.ge [sflag:s7], $0x800  }
0x23: {  	s15 =	simm.s32 $0x200;
	[sflag:s7] =	ssyncset.done $0x0  }
.LBB2_6:
0x24: {  	s16 =	sshra.s32 s15, $0x2;
	[sflag:s7] =	ssyncadd.s32 $0xFFFFF800;
	p0 =	sne.s32 s15, $0x9E00  }
0x25: {  	[spmem:s2] =	stream.indirect.scatter.add.f32 [tilespmem:s10], [sflag:$0x1], $0x10, s16, s9, $0xb8;
	[tilespmem:$0x8000] =	vst v63  }
.Ltmp2:
0x26: {  	_ = 	snop;
	(pc) =	sbr.rel @p0 .LBB2_6-.Ltmp2, $4  }
0x27: {  	_ = 	snop  }
0x28: {  	s15 =	sadd.s32 $0x200, s15  }
0x29: {  	_ =	swait.ge [sflag:s7], $0x800  }
0x2a: {  	[sflag:s7] =	ssyncset.done $0x0  }
0x2b: {  	s14 =	sadd.s32 $0x1, s14  }
0x2c: {  	[sflag:s7] =	ssyncadd.s32 $0xFFFFF800;
	p0 =	sne.s32 s14, s6  }
.Ltmp3:
0x2d: {  	[bflag:$0x0] =	sbarrier.arrive $0xFFFF;
	(pc) =	sbr.rel @p0 .LBB2_1-.Ltmp3, $4  }
0x2e: {  	[hbm:s11], [sflag:s12] =	dma.local [spmem:s13], $0x500  }
0x2f: {  	_ =	swait.ge [sflag:s7], $0x500  }
0x30: {  	[sflag:s7] =	ssyncset.done $0x0  }
0x31: {  	[sflag:s7] =	ssyncadd.s32 $0xFFFFFB00  }
0x32: {  	_ =	sfence.sel $0x180000  }
0x33: {  	[bflag:$0x0] =	sbarrier.arrive $0xFFFF  }
0x34: {  	p0 =	sne.s32 s0, $0x0;
	_ =	strace $0x90000047  }
0x35: {  	s0 =	sadd.s32 @!p0 $0x100000, s1;
	[bflag:$0x2] =	sbarrier.arrive $0xFFFF  }
0x36: {  	[sflag:s0] =	ssyncadd.tile.s32 @!p0 $0x1;
	_ =	shalt  }
.Lfunc_end2:
_tile_overlayer_lowered:
.L_overlay_start_2:
0x37: {  	(tag) =	ssettag $0x2  }
0x38: {  	s0 =	rddreg [dreg:$0x0];
	s2 =	stileid.u32  }
0x39: {  	s1 =	rddreg [dreg:$0x1];
	p0 =	sne.s32 s2, $0x0  }
0x3a: {  	s3 =	rddreg [dreg:$0x2];
	[bflag:$0x3] =	sbarrier.arrive $0xFFFF;
	s2 =	simm.s32 @!p0 $0x1C01  }
0x3b: {  	[timem:s3], [sflag:s2] =	dma.local @!p0 [hbm:s0], s1  }
0x3c: {  	s0 =	simm.s32 @!p0 $0x1  }
0x3d: {  	_ =	swait.ge @!p0 [sflag:s0], s1  }
0x3e: {  	s1 =	ssub.s32 @!p0 $0x0, s1;
	[sflag:s0] =	ssyncset.done @!p0 $0x0  }
0x3f: {  	[sflag:s0] =	ssyncadd.s32 @!p0 s1  }
0x40: {  	[bflag:$0x3] =	sbarrier.arrive $0xFFFF  }
0x41: {  	_ =	shalt  }

</sc_bundles>
